<compile_context>
chip_gen: v7x
topology: tpu7x:2x2x1
jax: 0.10.2.dev20260603
libtpu: 0.0.44.dev20260713+nightly
codegen_flags: <defaults>
</compile_context>

<pallas_src>
import functools

import jax
import jax.numpy as jnp
from jax import lax
from jax.experimental import pallas as pl
from jax.experimental.pallas import tpu as pltpu
from jax.experimental.pallas import tpu_sc as plsc

_N = 10000
_E = 160000
_P = 100000
_IN = 128
_H = 4

_NC = 2
_NS = 16
_NW = _NC * _NS


def _mesh():
    return plsc.VectorSubcoreMesh(core_axis_name="c", subcore_axis_name="s")


def _sc_gather_rows(table, idx, D, chunk, n_chunks):
    B = idx.shape[0]

    @functools.partial(
        pl.kernel,
        mesh=_mesh(),
        out_type=jax.ShapeDtypeStruct((B, D), jnp.float32),
        scratch_types=[
            pltpu.VMEM((chunk,), jnp.int32),
            pltpu.VMEM((chunk,), jnp.int32),
            pltpu.VMEM((chunk, D), jnp.float32),
            pltpu.VMEM((chunk, D), jnp.float32),
            pltpu.SemaphoreType.DMA,
            pltpu.SemaphoreType.DMA,
        ],
    )
    def k(table_ref, idx_ref, out_ref, idx_v0, idx_v1, rows_v0, rows_v1,
          sem0, sem1):
        wid = lax.axis_index("s") * _NC + lax.axis_index("c")
        wbase = wid * (n_chunks * chunk)
        idx_vs = [idx_v0, idx_v1]
        rows_vs = [rows_v0, rows_v1]
        sems = [sem0, sem1]

        pltpu.sync_copy(idx_ref.at[pl.ds(wbase, chunk)], idx_vs[0])
        cps = [None, None]
        cps[0] = pltpu.async_copy(table_ref.at[idx_vs[0]], rows_vs[0], sems[0])
        for c in range(n_chunks):
            cur = c % 2
            nxt = 1 - cur
            if c + 1 < n_chunks:
                b = wbase + (c + 1) * chunk
                pltpu.sync_copy(idx_ref.at[pl.ds(b, chunk)], idx_vs[nxt])
                cps[nxt] = pltpu.async_copy(
                    table_ref.at[idx_vs[nxt]], rows_vs[nxt], sems[nxt])
            cps[cur].wait()
            pltpu.sync_copy(rows_vs[cur],
                            out_ref.at[pl.ds(wbase + c * chunk, chunk)])

    return k(table, idx)


def _offset_loop(idx_v, seg, off):
    def body(j, carry):
        sl = pl.ds(j * 16, 16)
        idx_v[sl] = idx_v[sl] + off
        return carry
    lax.fori_loop(0, seg // 16, body, 0)
    rem = seg % 16
    if rem:
        sl = pl.ds(seg - 16, 16)
        lane = lax.iota(jnp.int32, 16)
        idx_v[sl] = jnp.where(lane >= 16 - rem, idx_v[sl] + off, idx_v[sl])


def _sc_scatter_add(updT_flat, dst, zeros_flat):
    SEG = _E // 8

    @functools.partial(
        pl.kernel,
        mesh=_mesh(),
        out_type=jax.ShapeDtypeStruct((_NC, _H * _N), jnp.float32),
        scratch_types=[
            pltpu.VMEM((SEG,), jnp.int32),
            pltpu.VMEM((SEG,), jnp.float32),
            pltpu.VMEM_SHARED((_H * _N,), jnp.float32),
        ],
    )
    def k(upd_ref, dst_ref, zero_ref, out_ref, idx_v, upd_v, aggr_sh):
        c = lax.axis_index("c")
        s = lax.axis_index("s")
        wid = s * _NC + c
        o = wid // 8
        p = wid % 8

        @pl.when(s == 0)
        def _():
            pltpu.sync_copy(zero_ref, aggr_sh)

        pltpu.sync_copy(dst_ref.at[pl.ds(p * SEG, SEG)], idx_v)
        _offset_loop(idx_v, SEG, o * _N)
        pltpu.sync_copy(upd_ref.at[pl.ds(o * _E + p * SEG, SEG)], upd_v)
        plsc.subcore_barrier()
        pltpu.sync_copy(upd_v, aggr_sh.at[idx_v], add=True)
        plsc.subcore_barrier()

        @pl.when(s == 0)
        def _():
            pltpu.sync_copy(aggr_sh, out_ref.at[c])

    return k(updT_flat, dst, zeros_flat)


def _sc_gather_nodeT(tableT_flat, idx):
    SEG = _E // 8

    @functools.partial(
        pl.kernel,
        mesh=_mesh(),
        out_type=jax.ShapeDtypeStruct((_H * _E,), jnp.float32),
        scratch_types=[
            pltpu.VMEM((SEG,), jnp.int32),
            pltpu.VMEM((SEG,), jnp.float32),
            pltpu.VMEM_SHARED((_H * _N,), jnp.float32),
            pltpu.SemaphoreType.DMA,
        ],
    )
    def k(table_ref, idx_ref, out_ref, idx_v, vals_v, table_sh, sem):
        wid = lax.axis_index("s") * _NC + lax.axis_index("c")
        s = lax.axis_index("s")
        o = wid // 8
        p = wid % 8

        @pl.when(s == 0)
        def _():
            pltpu.sync_copy(table_ref, table_sh)

        pltpu.sync_copy(idx_ref.at[pl.ds(p * SEG, SEG)], idx_v)
        _offset_loop(idx_v, SEG, o * _N)
        plsc.subcore_barrier()
        pltpu.async_copy(table_sh.at[idx_v], vals_v, sem).wait()
        pltpu.sync_copy(vals_v, out_ref.at[pl.ds(o * _E + p * SEG, SEG)])

    return k(tableT_flat, idx)


def _sc_gather_pairsT(tableT_flat, candT_flat):
    SEG = _P // 4

    @functools.partial(
        pl.kernel,
        mesh=_mesh(),
        out_type=jax.ShapeDtypeStruct((2 * _H * _P,), jnp.float32),
        scratch_types=[
            pltpu.VMEM((SEG,), jnp.int32),
            pltpu.VMEM((SEG,), jnp.float32),
            pltpu.VMEM_SHARED((_H * _N,), jnp.float32),
            pltpu.SemaphoreType.DMA,
        ],
    )
    def k(table_ref, cand_ref, out_ref, idx_v, vals_v, table_sh, sem):
        wid = lax.axis_index("s") * _NC + lax.axis_index("c")
        sid = lax.axis_index("s")
        f = wid // 4
        part = wid % 4
        s = f // _H
        o = f % _H

        @pl.when(sid == 0)
        def _():
            pltpu.sync_copy(table_ref, table_sh)

        pltpu.sync_copy(cand_ref.at[pl.ds(s * _P + part * SEG, SEG)], idx_v)
        _offset_loop(idx_v, SEG, o * _N)
        plsc.subcore_barrier()
        pltpu.async_copy(table_sh.at[idx_v], vals_v, sem).wait()
        pltpu.sync_copy(vals_v, out_ref.at[pl.ds(f * _P + part * SEG, SEG)])

    return k(tableT_flat, candT_flat)


def _tc_edge1(eaT, x_src, W1a, W1bp, sel):
    TE = 3200
    grid = _E // TE
    dn_t = (((0,), (0,)), ((), ()))

    def body(ea_ref, xs_ref, wa_ref, wb_ref, sel_ref, out_ref):
        h = jnp.maximum(
            lax.dot_general(ea_ref[...], wa_ref[...], dn_t,
                            preferred_element_type=jnp.float32), 0.0)
        w = jnp.dot(h, wb_ref[...], preferred_element_type=jnp.float32)
        xs = xs_ref[...]
        xs4 = jnp.concatenate([xs, xs, xs, xs], axis=1)
        prod = xs4 * w
        out_ref[...] = lax.dot_general(
            sel_ref[...], prod, (((0,), (1,)), ((), ())),
            preferred_element_type=jnp.float32)

    return pl.pallas_call(
        body,
        grid=(grid,),
        in_specs=[
            pl.BlockSpec((_H, TE), lambda i: (0, i)),
            pl.BlockSpec((TE, _IN), lambda i: (i, 0)),
            pl.BlockSpec((4, 512), lambda i: (0, 0)),
            pl.BlockSpec((512, 512), lambda i: (0, 0)),
            pl.BlockSpec((512, _H), lambda i: (0, 0)),
        ],
        out_specs=pl.BlockSpec((_H, TE), lambda i: (0, i)),
        out_shape=jax.ShapeDtypeStruct((_H, _E), jnp.float32),
    )(eaT, x_src, W1a, W1bp, sel)


def _tc_edge2(eaT, h1sT, W2aT, b2aT, W2bpT, b2bpT):
    TE = 16000
    grid = _E // TE

    def body(ea_ref, hs_ref, wa_ref, ba_ref, wb_ref, bb_ref, out_ref):
        g = jnp.maximum(
            jnp.dot(wa_ref[...], ea_ref[...],
                    preferred_element_type=jnp.float32) + ba_ref[...], 0.0)
        w = jnp.dot(wb_ref[...], g,
                    preferred_element_type=jnp.float32) + bb_ref[...]
        hs = hs_ref[...]
        rows = []
        for o in range(_H):
            acc = hs[0:1, :] * w[o * _H:o * _H + 1, :]
            for i in range(1, _H):
                acc = acc + hs[i:i + 1, :] * w[o * _H + i:o * _H + i + 1, :]
            rows.append(acc)
        out_ref[...] = jnp.concatenate(rows, axis=0)

    return pl.pallas_call(
        body,
        grid=(grid,),
        in_specs=[
            pl.BlockSpec((_H, TE), lambda i: (0, i)),
            pl.BlockSpec((_H, TE), lambda i: (0, i)),
            pl.BlockSpec((16, 4), lambda i: (0, 0)),
            pl.BlockSpec((16, 1), lambda i: (0, 0)),
            pl.BlockSpec((16, 16), lambda i: (0, 0)),
            pl.BlockSpec((16, 1), lambda i: (0, 0)),
        ],
        out_specs=pl.BlockSpec((_H, TE), lambda i: (0, i)),
        out_shape=jax.ShapeDtypeStruct((_H, _E), jnp.float32),
    )(eaT, h1sT, W2aT, b2aT, W2bpT, b2bpT)


def _tc_node(partials, xinT, rootT, biasc):
    TN = _N
    grid = 1
    K = xinT.shape[0]

    def body(p0_ref, p1_ref, x_ref, r_ref, b_ref, out_ref):
        acc = (p0_ref[0] + p1_ref[0]
               + jnp.dot(r_ref[...], x_ref[...],
                         preferred_element_type=jnp.float32)
               + b_ref[...])
        out_ref[...] = jnp.maximum(acc, 0.0)

    return pl.pallas_call(
        body,
        grid=(grid,),
        in_specs=[
            pl.BlockSpec((1, _H, TN), lambda i: (0, 0, i)),
            pl.BlockSpec((1, _H, TN), lambda i: (1, 0, i)),
            pl.BlockSpec((K, TN), lambda i: (0, i)),
            pl.BlockSpec((_H, K), lambda i: (0, 0)),
            pl.BlockSpec((_H, 1), lambda i: (0, 0)),
        ],
        out_specs=pl.BlockSpec((_H, TN), lambda i: (0, i)),
        out_shape=jax.ShapeDtypeStruct((_H, _N), jnp.float32),
    )(partials, partials, xinT, rootT, biasc)


def _tc_cand(nfT, We1T, be1c, We2T, be2c):
    TP = _P
    grid = 1

    def body(nf_ref, w1_ref, b1_ref, w2_ref, b2_ref, out_ref):
        hid = jnp.maximum(
            jnp.dot(w1_ref[...], nf_ref[...],
                    preferred_element_type=jnp.float32) + b1_ref[...], 0.0)
        out_ref[...] = jnp.dot(w2_ref[...], hid,
                               preferred_element_type=jnp.float32) + b2_ref[...]

    return pl.pallas_call(
        body,
        grid=(grid,),
        in_specs=[
            pl.BlockSpec((2 * _H, TP), lambda i: (0, i)),
            pl.BlockSpec((_H, 2 * _H), lambda i: (0, 0)),
            pl.BlockSpec((_H, 1), lambda i: (0, 0)),
            pl.BlockSpec((_H, _H), lambda i: (0, 0)),
            pl.BlockSpec((_H, 1), lambda i: (0, 0)),
        ],
        out_specs=pl.BlockSpec((_H, TP), lambda i: (0, i)),
        out_shape=jax.ShapeDtypeStruct((_H, _P), jnp.float32),
    )(nfT, We1T, be1c, We2T, be2c)


def kernel(x, edge_index, edge_attr, override_candidates,
           W1a, b1a, W1b, b1b, root1, bias1,
           W2a, b2a, W2b, b2b, root2, bias2,
           We1, be1, We2, be2):
    src = edge_index[0]
    dst = edge_index[1]

    eaT = edge_attr.T
    xT = x.T
    candT_flat = override_candidates.T.reshape(-1)

    W1bp = W1b.reshape(512, _IN, _H).transpose(0, 2, 1).reshape(512, 512)
    sel = (jnp.arange(512, dtype=jnp.int32)[:, None] // _IN
           == jnp.arange(_H, dtype=jnp.int32)[None, :]).astype(jnp.float32)
    b1bp = b1b.reshape(_IN, _H).T.reshape(1, 512)
    W2aT = W2a.T
    b2aT = b2a.reshape(16, 1)
    W2bpT = W2b.reshape(16, _H, _H).transpose(2, 1, 0).reshape(16, 16)
    b2bpT = b2b.reshape(_H, _H).T.reshape(16, 1)

    zeros_flat = jnp.zeros((_H * _N,), jnp.float32)

    x_src = _sc_gather_rows(x, src, _IN, chunk=200, n_chunks=25)
    msg1T = _tc_edge1(eaT, x_src, W1a, W1bp, sel)
    part1 = _sc_scatter_add(msg1T.reshape(-1), dst, zeros_flat)
    h1T = _tc_node(part1.reshape(_NC, _H, _N), xT, root1.T,
                   bias1.reshape(_H, 1))

    h1sT = _sc_gather_nodeT(h1T.reshape(-1), src)
    msg2T = _tc_edge2(eaT, h1sT.reshape(_H, _E), W2aT, b2aT, W2bpT, b2bpT)
    part2 = _sc_scatter_add(msg2T.reshape(-1), dst, zeros_flat)
    h2T = _tc_node(part2.reshape(_NC, _H, _N), h1T, root2.T,
                   bias2.reshape(_H, 1))

    nfT = _sc_gather_pairsT(h2T.reshape(-1), candT_flat)
    logitsT = _tc_cand(nfT.reshape(2 * _H, _P), We1.T,
                       be1.reshape(_H, 1), We2.T, be2.reshape(_H, 1))

    return (logitsT.T, override_candidates, h2T.T)

# --- scband reference (transcript-rebuilt; emitter-appended) ---
"""Pipeline reference for scband-constraint-predictor-gnn-41205916238042 (READ-ONLY COPY).

The authoritative reference and input builder live on the scoring server;
editing this copy changes nothing except your own understanding.
"""

import jax, jax.numpy as jnp
import numpy as np

N = 10000
E = 160000
P = 100000
IN = 128
H = 4
EA = 4
C = 4


def setup_inputs(seed: int = 0) -> dict:
    key = jax.random.key(seed)
    ks = jax.random.split(key, 24)
    inp = {}
    inp["x"] = jax.random.normal(ks[0], (N, IN), dtype=jnp.float32)
    inp["edge_index"] = jax.random.randint(ks[1], (2, E), 0, N, dtype=jnp.int32)
    inp["edge_attr"] = jax.random.normal(ks[2], (E, EA), dtype=jnp.float32)
    inp["override_candidates"] = jax.random.randint(ks[3], (P, 2), 0, N, dtype=jnp.int32)
    s = 0.1
    # NNConv layer 1 (in=IN, out=H): edge nn Linear(EA, H*IN) -> ReLU -> Linear(H*IN, H*IN)
    inp["W1a"] = jax.random.normal(ks[4], (EA, H * IN), dtype=jnp.float32) * s
    inp["b1a"] = jnp.zeros((H * IN,), dtype=jnp.float32)
    inp["W1b"] = jax.random.normal(ks[5], (H * IN, H * IN), dtype=jnp.float32) * (1.0 / np.sqrt(H * IN))
    inp["b1b"] = jnp.zeros((H * IN,), dtype=jnp.float32)
    inp["root1"] = jax.random.normal(ks[6], (IN, H), dtype=jnp.float32) * (1.0 / np.sqrt(IN))
    inp["bias1"] = jnp.zeros((H,), dtype=jnp.float32)
    # NNConv layer 2 (in=H, out=H): edge nn Linear(EA, H*H) -> ReLU -> Linear(H*H, H*H)
    inp["W2a"] = jax.random.normal(ks[7], (EA, H * H), dtype=jnp.float32) * s
    inp["b2a"] = jnp.zeros((H * H,), dtype=jnp.float32)
    inp["W2b"] = jax.random.normal(ks[8], (H * H, H * H), dtype=jnp.float32) * (1.0 / np.sqrt(H * H))
    inp["b2b"] = jnp.zeros((H * H,), dtype=jnp.float32)
    inp["root2"] = jax.random.normal(ks[9], (H, H), dtype=jnp.float32) * (1.0 / np.sqrt(H))
    inp["bias2"] = jnp.zeros((H,), dtype=jnp.float32)
    # edge_mlp: Linear(2H, H) -> ReLU -> Linear(H, C)
    inp["We1"] = jax.random.normal(ks[10], (2 * H, H), dtype=jnp.float32) * (1.0 / np.sqrt(2 * H))
    inp["be1"] = jnp.zeros((H,), dtype=jnp.float32)
    inp["We2"] = jax.random.normal(ks[11], (H, C), dtype=jnp.float32) * (1.0 / np.sqrt(H))
    inp["be2"] = jnp.zeros((C,), dtype=jnp.float32)
    return inp


def _nnconv(xin, ea, src, dst, Wa, ba, Wb, bb, root, bias, in_c, out_c, n):
    h = jax.nn.relu(ea @ Wa + ba)
    w = (h @ Wb + bb).reshape(-1, in_c, out_c)  # per-edge weight matrix
    msg = jnp.einsum('ei,eio->eo', xin[src], w)  # x_j @ W_e
    aggr = jax.ops.segment_sum(msg, dst, num_segments=n)
    return aggr + xin @ root + bias


def reference(x, edge_index, edge_attr, override_candidates,
              W1a, b1a, W1b, b1b, root1, bias1,
              W2a, b2a, W2b, b2b, root2, bias2,
              We1, be1, We2, be2):
    src = edge_index[0]
    dst = edge_index[1]
    n = x.shape[0]
    h1 = jax.nn.relu(_nnconv(x, edge_attr, src, dst, W1a, b1a, W1b, b1b, root1, bias1, IN, H, n))
    h2 = jax.nn.relu(_nnconv(h1, edge_attr, src, dst, W2a, b2a, W2b, b2b, root2, bias2, H, H, n))
    cand = override_candidates
    node_feats = jnp.concatenate([h2[cand[:, 0]], h2[cand[:, 1]]], axis=1)
    hidden = jax.nn.relu(node_feats @ We1 + be1)
    edge_logits = hidden @ We2 + be2
    return (edge_logits, cand, h2)

if __name__ == "__main__":
    import jax
    _d = setup_inputs()
    print(jax.jit(kernel)(*tuple(_d.values())))

</pallas_src>

<mosaic_0001>
#map = affine_map<(d0, d1) -> (0)>
module attributes {stable_mosaic.version = 14 : i64} {
  func.func @k(%arg0: i32, %arg1: i32, %arg2: memref<40000xf32, #tpu.memory_space<hbm>>, %arg3: memref<160000xi32, #tpu.memory_space<hbm>>, %arg4: memref<640000xf32, #tpu.memory_space<hbm>>, %arg5: memref<20000xi32, #tpu.memory_space<vmem>>, %arg6: memref<20000xf32, #tpu.memory_space<vmem>>, %arg7: memref<40000xf32, #tpu.memory_space<vmem_shared>>, %arg8: memref<!tpu.dma_semaphore, #tpu.memory_space<semaphore_mem>>) attributes {dimension_semantics = [#tpu.dimension_semantics<core_parallel>, #tpu.dimension_semantics<subcore_parallel>], iteration_bounds = array<i64: 2, 16>, scalar_prefetch = 0 : i64, scratch_operands = 4 : i64, tpu.core_type = #tpu.core_type<sc_vector_subcore>, window_params = [{transform_indices = #map}, {transform_indices = #map}, {transform_indices = #map}]} {
    %mul3A = arith.constant 2 : i32
    %mul3A_0 = arith.muli %arg1, %mul3A : i32
    %add3A = arith.addi %mul3A_0, %arg0 : i32
    %jit3A = arith.constant 8 : i32
    %div3A = arith.divsi %add3A, %jit3A : i32
    %sign3A = arith.constant 0 : i32
    %sign3A_1 = arith.cmpi sgt, %add3A, %sign3A : i32
    %sign3A_2 = arith.extui %sign3A_1 : i1 to i32
    %sign3A_3 = arith.constant 0 : i32
    %sign3A_4 = arith.cmpi slt, %add3A, %sign3A_3 : i32
    %sign3A_5 = arith.extui %sign3A_4 : i1 to i32
    %sign3A_6 = arith.subi %sign3A_2, %sign3A_5 : i32
    %sign3A_7 = arith.constant 0 : i32
    %sign3A_8 = arith.cmpi sgt, %jit3A, %sign3A_7 : i32
    %sign3A_9 = arith.extui %sign3A_8 : i1 to i32
    %sign3A_10 = arith.constant 0 : i32
    %sign3A_11 = arith.cmpi slt, %jit3A, %sign3A_10 : i32
    %sign3A_12 = arith.extui %sign3A_11 : i1 to i32
    %sign3A_13 = arith.subi %sign3A_9, %sign3A_12 : i32
    %ne3A = arith.cmpi ne, %sign3A_6, %sign3A_13 : i32
    %rem3A = arith.remsi %add3A, %jit3A : i32
    %ne3A_14 = arith.constant 0 : i32
    %ne3A_15 = arith.cmpi ne, %rem3A, %ne3A_14 : i32
    %and3A = arith.andi %ne3A, %ne3A_15 : i1
    %sub3A = arith.constant 1 : i32
    %sub3A_16 = arith.subi %div3A, %sub3A : i32
    %select_n3A = arith.select %and3A, %sub3A_16, %div3A : i32
    %jit3A_17 = arith.constant 8 : i32
    %eq3A = arith.constant 0 : i32
    %eq3A_18 = arith.cmpi eq, %jit3A_17, %eq3A : i32
    %jit3A_19 = arith.constant 1 : i32
    %select_n3A_20 = arith.select %eq3A_18, %jit3A_19, %jit3A_17 : i32
    %rem3A_21 = arith.remsi %add3A, %select_n3A_20 : i32
    %ne3A_22 = arith.constant 0 : i32
    %ne3A_23 = arith.cmpi ne, %rem3A_21, %ne3A_22 : i32
    %lt3A = arith.constant 0 : i32
    %lt3A_24 = arith.cmpi slt, %rem3A_21, %lt3A : i32
    %lt3A_25 = arith.constant 0 : i32
    %lt3A_26 = arith.cmpi slt, %select_n3A_20, %lt3A_25 : i32
    %ne3A_27 = arith.xori %lt3A_24, %lt3A_26 : i1
    %and3A_28 = arith.andi %ne3A_27, %ne3A_23 : i1
    %add3A_29 = arith.addi %rem3A_21, %select_n3A_20 : i32
    %select_n3A_30 = arith.select %and3A_28, %add3A_29, %rem3A_21 : i32
    %eq3A_31 = arith.constant 0 : i32
    %eq3A_32 = arith.cmpi eq, %arg1, %eq3A_31 : i32
    %convert_element_type3A = arith.extui %eq3A_32 : i1 to i32
    %cond3A = arith.constant 0 : i32
    %cond3A_33 = arith.cmpi ne, %convert_element_type3A, %cond3A : i32
    scf.if %cond3A_33 {
      "tpu.region"() ({
        %run_scoped3A = tpu.sem_alloc : memref<!tpu.dma_semaphore, #tpu.memory_space<semaphore_mem>>
        tpu.enqueue_dma source(%arg2 : memref<40000xf32, #tpu.memory_space<hbm>>) target(%arg7 : memref<40000xf32, #tpu.memory_space<vmem_shared>>) target_semaphore(%run_scoped3A : memref<!tpu.dma_semaphore, #tpu.memory_space<semaphore_mem>>)
        tpu.wait_dma2 semaphore(%run_scoped3A : memref<!tpu.dma_semaphore, #tpu.memory_space<semaphore_mem>>) src(%arg2 : memref<40000xf32, #tpu.memory_space<hbm>>) dst(%arg7 : memref<40000xf32, #tpu.memory_space<vmem_shared>>)
        tpu.yield
      }) : () -> ()
    } else {
    }
    %mul3A_34 = arith.constant 20000 : i32
    %mul3A_35 = arith.muli %select_n3A_30, %mul3A_34 : i32
    "tpu.region"() ({
      %run_scoped3A = tpu.sem_alloc : memref<!tpu.dma_semaphore, #tpu.memory_space<semaphore_mem>>
      %dma_start3A_50 = tpu.memref_slice %arg3[%mul3A_35] : memref<160000xi32, #tpu.memory_space<hbm>> -> memref<20000xi32, #tpu.memory_space<hbm>>
      %dma_start3A_51 = tpu.memref_slice %arg3[%mul3A_35] : memref<160000xi32, #tpu.memory_space<hbm>> -> memref<20000xi32, #tpu.memory_space<hbm>>
      tpu.enqueue_dma source(%dma_start3A_51 : memref<20000xi32, #tpu.memory_space<hbm>>) target(%arg5 : memref<20000xi32, #tpu.memory_space<vmem>>) target_semaphore(%run_scoped3A : memref<!tpu.dma_semaphore, #tpu.memory_space<semaphore_mem>>)
      %dma_wait3A_52 = tpu.memref_slice %arg3[%mul3A_35] : memref<160000xi32, #tpu.memory_space<hbm>> -> memref<20000xi32, #tpu.memory_space<hbm>>
      %dma_wait3A_53 = tpu.memref_slice %arg3[%mul3A_35] : memref<160000xi32, #tpu.memory_space<hbm>> -> memref<20000xi32, #tpu.memory_space<hbm>>
      tpu.wait_dma2 semaphore(%run_scoped3A : memref<!tpu.dma_semaphore, #tpu.memory_space<semaphore_mem>>) src(%dma_wait3A_53 : memref<20000xi32, #tpu.memory_space<hbm>>) dst(%arg5 : memref<20000xi32, #tpu.memory_space<vmem>>)
      tpu.yield
    }) : () -> ()
    %mul3A_36 = arith.constant 10000 : i32
    %mul3A_37 = arith.muli %select_n3A, %mul3A_36 : i32
    %scan3A = arith.constant 0 : i32
    %scan3A_38 = arith.constant 0 : i32
    %scan3A_39 = arith.constant 1250 : i32
    %scan3A_40 = arith.addi %scan3A_38, %scan3A_39 : i32
    %scan3A_41 = arith.constant 1 : i32
    scf.for %scan3A_50 = %scan3A_38 to %scan3A_40 step %scan3A_41  : i32 {
      %mul3A_51 = arith.constant 16 : i32
      %mul3A_52 = arith.muli %scan3A_50, %mul3A_51 : i32
      %get3A = arith.index_cast %mul3A_52 : i32 to index
      %get3A_53 = tpu.vector_load %arg5[%get3A] {strides = array<i32>} : memref<20000xi32, #tpu.memory_space<vmem>>, vector<16xi32>,
      %get3A_54 = vector.shape_cast %get3A_53 : vector<16xi32> to vector<16xi32>
      %add3A_55 = vector.broadcast %mul3A_37 : i32 to vector<16xi32>
      %add3A_56 = arith.addi %get3A_54, %add3A_55 : vector<16xi32>
      %swap3A = arith.index_cast %mul3A_52 : i32 to index
      %swap3A_57 = tpu.vector_load %arg5[%swap3A] {strides = array<i32>} : memref<20000xi32, #tpu.memory_space<vmem>>, vector<16xi32>,
      %swap3A_58 = vector.shape_cast %swap3A_57 : vector<16xi32> to vector<16xi32>
      %swap3A_59 = vector.shape_cast %add3A_56 : vector<16xi32> to vector<16xi32>
      tpu.vector_store %arg5[%swap3A], %swap3A_59 {strides = array<i32>} : memref<20000xi32, #tpu.memory_space<vmem>>, vector<16xi32>,
    }
    %scan3A_42 = arith.constant 1250 : i32
    %barrier3A = arith.constant 0 : index
    tpu.barrier barrier_id(%barrier3A)
    %dma_start3A = arith.constant 0 : i32
    %dma_start3A_43 = tpu.memref_slice %arg7[%dma_start3A] : memref<40000xf32, #tpu.memory_space<vmem_shared>> -> memref<40000xf32, #tpu.memory_space<vmem_shared>>
    tpu.enqueue_indirect_dma source(%dma_start3A_43 : memref<40000xf32, #tpu.memory_space<vmem_shared>>) target(%arg6 : memref<20000xf32, #tpu.memory_space<vmem>>) offsets(%arg5 : memref<20000xi32, #tpu.memory_space<vmem>>) semaphore(%arg8 : memref<!tpu.dma_semaphore, #tpu.memory_space<semaphore_mem>>)
    %dma_wait3A = arith.constant 0 : i32
    %dma_wait3A_44 = tpu.memref_slice %arg7[%dma_wait3A] : memref<40000xf32, #tpu.memory_space<vmem_shared>> -> memref<40000xf32, #tpu.memory_space<vmem_shared>>
    tpu.wait_indirect_dma semaphore(%arg8 : memref<!tpu.dma_semaphore, #tpu.memory_space<semaphore_mem>>) src(%dma_wait3A_44 : memref<40000xf32, #tpu.memory_space<vmem_shared>>) dst(%arg6 : memref<20000xf32, #tpu.memory_space<vmem>>)
    %mul3A_45 = arith.constant 160000 : i32
    %mul3A_46 = arith.muli %select_n3A, %mul3A_45 : i32
    %mul3A_47 = arith.constant 20000 : i32
    %mul3A_48 = arith.muli %select_n3A_30, %mul3A_47 : i32
    %add3A_49 = arith.addi %mul3A_46, %mul3A_48 : i32
    "tpu.region"() ({
      %run_scoped3A = tpu.sem_alloc : memref<!tpu.dma_semaphore, #tpu.memory_space<semaphore_mem>>
      %dma_start3A_50 = tpu.memref_slice %arg4[%add3A_49] : memref<640000xf32, #tpu.memory_space<hbm>> -> memref<20000xf32, #tpu.memory_space<hbm>>
      %dma_start3A_51 = tpu.memref_slice %arg4[%add3A_49] : memref<640000xf32, #tpu.memory_space<hbm>> -> memref<20000xf32, #tpu.memory_space<hbm>>
      tpu.enqueue_dma source(%arg6 : memref<20000xf32, #tpu.memory_space<vmem>>) target(%dma_start3A_51 : memref<20000xf32, #tpu.memory_space<hbm>>) target_semaphore(%run_scoped3A : memref<!tpu.dma_semaphore, #tpu.memory_space<semaphore_mem>>)
      %dma_wait3A_52 = tpu.memref_slice %arg4[%add3A_49] : memref<640000xf32, #tpu.memory_space<hbm>> -> memref<20000xf32, #tpu.memory_space<hbm>>
      %dma_wait3A_53 = tpu.memref_slice %arg4[%add3A_49] : memref<640000xf32, #tpu.memory_space<hbm>> -> memref<20000xf32, #tpu.memory_space<hbm>>
      tpu.wait_dma2 semaphore(%run_scoped3A : memref<!tpu.dma_semaphore, #tpu.memory_space<semaphore_mem>>) src(%arg6 : memref<20000xf32, #tpu.memory_space<vmem>>) dst(%dma_wait3A_53 : memref<20000xf32, #tpu.memory_space<hbm>>)
      tpu.yield
    }) : () -> ()
    return
  }
}

#map = affine_map<(d0, d1) -> (0)>
#map1 = affine_map<(d0, d1) -> (0, 0)>
module attributes {stable_mosaic.version = 14 : i64} {
  func.func @k(%arg0: i32, %arg1: i32, %arg2: memref<640000xf32, #tpu.memory_space<hbm>>, %arg3: memref<160000xi32, #tpu.memory_space<hbm>>, %arg4: memref<40000xf32, #tpu.memory_space<hbm>>, %arg5: memref<2x40000xf32, #tpu.memory_space<hbm>>, %arg6: memref<20000xi32, #tpu.memory_space<vmem>>, %arg7: memref<20000xf32, #tpu.memory_space<vmem>>, %arg8: memref<40000xf32, #tpu.memory_space<vmem_shared>>) attributes {dimension_semantics = [#tpu.dimension_semantics<core_parallel>, #tpu.dimension_semantics<subcore_parallel>], iteration_bounds = array<i64: 2, 16>, scalar_prefetch = 0 : i64, scratch_operands = 3 : i64, tpu.core_type = #tpu.core_type<sc_vector_subcore>, window_params = [{transform_indices = #map}, {transform_indices = #map}, {transform_indices = #map}, {transform_indices = #map1}]} {
    %mul3A = arith.constant 2 : i32
    %mul3A_0 = arith.muli %arg1, %mul3A : i32
    %add3A = arith.addi %mul3A_0, %arg0 : i32
    %jit3A = arith.constant 8 : i32
    %div3A = arith.divsi %add3A, %jit3A : i32
    %sign3A = arith.constant 0 : i32
    %sign3A_1 = arith.cmpi sgt, %add3A, %sign3A : i32
    %sign3A_2 = arith.extui %sign3A_1 : i1 to i32
    %sign3A_3 = arith.constant 0 : i32
    %sign3A_4 = arith.cmpi slt, %add3A, %sign3A_3 : i32
    %sign3A_5 = arith.extui %sign3A_4 : i1 to i32
    %sign3A_6 = arith.subi %sign3A_2, %sign3A_5 : i32
    %sign3A_7 = arith.constant 0 : i32
    %sign3A_8 = arith.cmpi sgt, %jit3A, %sign3A_7 : i32
    %sign3A_9 = arith.extui %sign3A_8 : i1 to i32
    %sign3A_10 = arith.constant 0 : i32
    %sign3A_11 = arith.cmpi slt, %jit3A, %sign3A_10 : i32
    %sign3A_12 = arith.extui %sign3A_11 : i1 to i32
    %sign3A_13 = arith.subi %sign3A_9, %sign3A_12 : i32
    %ne3A = arith.cmpi ne, %sign3A_6, %sign3A_13 : i32
    %rem3A = arith.remsi %add3A, %jit3A : i32
    %ne3A_14 = arith.constant 0 : i32
    %ne3A_15 = arith.cmpi ne, %rem3A, %ne3A_14 : i32
    %and3A = arith.andi %ne3A, %ne3A_15 : i1
    %sub3A = arith.constant 1 : i32
    %sub3A_16 = arith.subi %div3A, %sub3A : i32
    %select_n3A = arith.select %and3A, %sub3A_16, %div3A : i32
    %jit3A_17 = arith.constant 8 : i32
    %eq3A = arith.constant 0 : i32
    %eq3A_18 = arith.cmpi eq, %jit3A_17, %eq3A : i32
    %jit3A_19 = arith.constant 1 : i32
    %select_n3A_20 = arith.select %eq3A_18, %jit3A_19, %jit3A_17 : i32
    %rem3A_21 = arith.remsi %add3A, %select_n3A_20 : i32
    %ne3A_22 = arith.constant 0 : i32
    %ne3A_23 = arith.cmpi ne, %rem3A_21, %ne3A_22 : i32
    %lt3A = arith.constant 0 : i32
    %lt3A_24 = arith.cmpi slt, %rem3A_21, %lt3A : i32
    %lt3A_25 = arith.constant 0 : i32
    %lt3A_26 = arith.cmpi slt, %select_n3A_20, %lt3A_25 : i32
    %ne3A_27 = arith.xori %lt3A_24, %lt3A_26 : i1
    %and3A_28 = arith.andi %ne3A_27, %ne3A_23 : i1
    %add3A_29 = arith.addi %rem3A_21, %select_n3A_20 : i32
    %select_n3A_30 = arith.select %and3A_28, %add3A_29, %rem3A_21 : i32
    %eq3A_31 = arith.constant 0 : i32
    %eq3A_32 = arith.cmpi eq, %arg1, %eq3A_31 : i32
    %convert_element_type3A = arith.extui %eq3A_32 : i1 to i32
    %cond3A = arith.constant 0 : i32
    %cond3A_33 = arith.cmpi ne, %convert_element_type3A, %cond3A : i32
    scf.if %cond3A_33 {
      "tpu.region"() ({
        %run_scoped3A = tpu.sem_alloc : memref<!tpu.dma_semaphore, #tpu.memory_space<semaphore_mem>>
        tpu.enqueue_dma source(%arg4 : memref<40000xf32, #tpu.memory_space<hbm>>) target(%arg8 : memref<40000xf32, #tpu.memory_space<vmem_shared>>) target_semaphore(%run_scoped3A : memref<!tpu.dma_semaphore, #tpu.memory_space<semaphore_mem>>)
        tpu.wait_dma2 semaphore(%run_scoped3A : memref<!tpu.dma_semaphore, #tpu.memory_space<semaphore_mem>>) src(%arg4 : memref<40000xf32, #tpu.memory_space<hbm>>) dst(%arg8 : memref<40000xf32, #tpu.memory_space<vmem_shared>>)
        tpu.yield
      }) : () -> ()
    } else {
    }
    %mul3A_34 = arith.constant 20000 : i32
    %mul3A_35 = arith.muli %select_n3A_30, %mul3A_34 : i32
    "tpu.region"() ({
      %run_scoped3A = tpu.sem_alloc : memref<!tpu.dma_semaphore, #tpu.memory_space<semaphore_mem>>
      %dma_start3A = tpu.memref_slice %arg3[%mul3A_35] : memref<160000xi32, #tpu.memory_space<hbm>> -> memref<20000xi32, #tpu.memory_space<hbm>>
      %dma_start3A_54 = tpu.memref_slice %arg3[%mul3A_35] : memref<160000xi32, #tpu.memory_space<hbm>> -> memref<20000xi32, #tpu.memory_space<hbm>>
      tpu.enqueue_dma source(%dma_start3A_54 : memref<20000xi32, #tpu.memory_space<hbm>>) target(%arg6 : memref<20000xi32, #tpu.memory_space<vmem>>) target_semaphore(%run_scoped3A : memref<!tpu.dma_semaphore, #tpu.memory_space<semaphore_mem>>)
      %dma_wait3A = tpu.memref_slice %arg3[%mul3A_35] : memref<160000xi32, #tpu.memory_space<hbm>> -> memref<20000xi32, #tpu.memory_space<hbm>>
      %dma_wait3A_55 = tpu.memref_slice %arg3[%mul3A_35] : memref<160000xi32, #tpu.memory_space<hbm>> -> memref<20000xi32, #tpu.memory_space<hbm>>
      tpu.wait_dma2 semaphore(%run_scoped3A : memref<!tpu.dma_semaphore, #tpu.memory_space<semaphore_mem>>) src(%dma_wait3A_55 : memref<20000xi32, #tpu.memory_space<hbm>>) dst(%arg6 : memref<20000xi32, #tpu.memory_space<vmem>>)
      tpu.yield
    }) : () -> ()
    %mul3A_36 = arith.constant 10000 : i32
    %mul3A_37 = arith.muli %select_n3A, %mul3A_36 : i32
    %scan3A = arith.constant 0 : i32
    %scan3A_38 = arith.constant 0 : i32
    %scan3A_39 = arith.constant 1250 : i32
    %scan3A_40 = arith.addi %scan3A_38, %scan3A_39 : i32
    %scan3A_41 = arith.constant 1 : i32
    scf.for %scan3A_54 = %scan3A_38 to %scan3A_40 step %scan3A_41  : i32 {
      %mul3A_55 = arith.constant 16 : i32
      %mul3A_56 = arith.muli %scan3A_54, %mul3A_55 : i32
      %get3A = arith.index_cast %mul3A_56 : i32 to index
      %get3A_57 = tpu.vector_load %arg6[%get3A] {strides = array<i32>} : memref<20000xi32, #tpu.memory_space<vmem>>, vector<16xi32>,
      %get3A_58 = vector.shape_cast %get3A_57 : vector<16xi32> to vector<16xi32>
      %add3A_59 = vector.broadcast %mul3A_37 : i32 to vector<16xi32>
      %add3A_60 = arith.addi %get3A_58, %add3A_59 : vector<16xi32>
      %swap3A = arith.index_cast %mul3A_56 : i32 to index
      %swap3A_61 = tpu.vector_load %arg6[%swap3A] {strides = array<i32>} : memref<20000xi32, #tpu.memory_space<vmem>>, vector<16xi32>,
      %swap3A_62 = vector.shape_cast %swap3A_61 : vector<16xi32> to vector<16xi32>
      %swap3A_63 = vector.shape_cast %add3A_60 : vector<16xi32> to vector<16xi32>
      tpu.vector_store %arg6[%swap3A], %swap3A_63 {strides = array<i32>} : memref<20000xi32, #tpu.memory_space<vmem>>, vector<16xi32>,
    }
    %scan3A_42 = arith.constant 1250 : i32
    %mul3A_43 = arith.constant 160000 : i32
    %mul3A_44 = arith.muli %select_n3A, %mul3A_43 : i32
    %mul3A_45 = arith.constant 20000 : i32
    %mul3A_46 = arith.muli %select_n3A_30, %mul3A_45 : i32
    %add3A_47 = arith.addi %mul3A_44, %mul3A_46 : i32
    "tpu.region"() ({
      %run_scoped3A = tpu.sem_alloc : memref<!tpu.dma_semaphore, #tpu.memory_space<semaphore_mem>>
      %dma_start3A = tpu.memref_slice %arg2[%add3A_47] : memref<640000xf32, #tpu.memory_space<hbm>> -> memref<20000xf32, #tpu.memory_space<hbm>>
      %dma_start3A_54 = tpu.memref_slice %arg2[%add3A_47] : memref<640000xf32, #tpu.memory_space<hbm>> -> memref<20000xf32, #tpu.memory_space<hbm>>
      tpu.enqueue_dma source(%dma_start3A_54 : memref<20000xf32, #tpu.memory_space<hbm>>) target(%arg7 : memref<20000xf32, #tpu.memory_space<vmem>>) target_semaphore(%run_scoped3A : memref<!tpu.dma_semaphore, #tpu.memory_space<semaphore_mem>>)
      %dma_wait3A = tpu.memref_slice %arg2[%add3A_47] : memref<640000xf32, #tpu.memory_space<hbm>> -> memref<20000xf32, #tpu.memory_space<hbm>>
      %dma_wait3A_55 = tpu.memref_slice %arg2[%add3A_47] : memref<640000xf32, #tpu.memory_space<hbm>> -> memref<20000xf32, #tpu.memory_space<hbm>>
      tpu.wait_dma2 semaphore(%run_scoped3A : memref<!tpu.dma_semaphore, #tpu.memory_space<semaphore_mem>>) src(%dma_wait3A_55 : memref<20000xf32, #tpu.memory_space<hbm>>) dst(%arg7 : memref<20000xf32, #tpu.memory_space<vmem>>)
      tpu.yield
    }) : () -> ()
    %barrier3A = arith.constant 0 : index
    tpu.barrier barrier_id(%barrier3A)
    "tpu.region"() ({
      %run_scoped3A = tpu.sem_alloc : memref<!tpu.dma_semaphore, #tpu.memory_space<semaphore_mem>>
      %dma_start3A = arith.constant 0 : i32
      %dma_start3A_54 = tpu.memref_slice %arg8[%dma_start3A] : memref<40000xf32, #tpu.memory_space<vmem_shared>> -> memref<40000xf32, #tpu.memory_space<vmem_shared>>
      tpu.enqueue_indirect_dma source(%arg7 : memref<20000xf32, #tpu.memory_space<vmem>>) target(%dma_start3A_54 : memref<40000xf32, #tpu.memory_space<vmem_shared>>) offsets(%arg6 : memref<20000xi32, #tpu.memory_space<vmem>>) semaphore(%run_scoped3A : memref<!tpu.dma_semaphore, #tpu.memory_space<semaphore_mem>>) {add = true}
      %dma_wait3A = arith.constant 0 : i32
      %dma_wait3A_55 = tpu.memref_slice %arg8[%dma_wait3A] : memref<40000xf32, #tpu.memory_space<vmem_shared>> -> memref<40000xf32, #tpu.memory_space<vmem_shared>>
      tpu.wait_indirect_dma semaphore(%run_scoped3A : memref<!tpu.dma_semaphore, #tpu.memory_space<semaphore_mem>>) src(%arg7 : memref<20000xf32, #tpu.memory_space<vmem>>) dst(%dma_wait3A_55 : memref<40000xf32, #tpu.memory_space<vmem_shared>>)
      tpu.yield
    }) : () -> ()
    %barrier3A_48 = arith.constant 0 : index
    tpu.barrier barrier_id(%barrier3A_48)
    %eq3A_49 = arith.constant 0 : i32
    %eq3A_50 = arith.cmpi eq, %arg1, %eq3A_49 : i32
    %convert_element_type3A_51 = arith.extui %eq3A_50 : i1 to i32
    %cond3A_52 = arith.constant 0 : i32
    %cond3A_53 = arith.cmpi ne, %convert_element_type3A_51, %cond3A_52 : i32
    scf.if %cond3A_53 {
      "tpu.region"() ({
        %run_scoped3A = tpu.sem_alloc : memref<!tpu.dma_semaphore, #tpu.memory_space<semaphore_mem>>
        %dma_start3A = arith.constant 0 : i32
        %dma_start3A_54 = tpu.memref_slice %arg5[%arg0, %dma_start3A] : memref<2x40000xf32, #tpu.memory_space<hbm>> -> memref<1x40000xf32, #tpu.memory_space<hbm>>
        %dma_start3A_55 = tpu.memref_squeeze %dma_start3A_54 : memref<1x40000xf32, #tpu.memory_space<hbm>> -> memref<40000xf32, #tpu.memory_space<hbm>>
        tpu.enqueue_dma source(%arg8 : memref<40000xf32, #tpu.memory_space<vmem_shared>>) target(%dma_start3A_55 : memref<40000xf32, #tpu.memory_space<hbm>>) target_semaphore(%run_scoped3A : memref<!tpu.dma_semaphore, #tpu.memory_space<semaphore_mem>>)
        %dma_wait3A = arith.constant 0 : i32
        %dma_wait3A_56 = tpu.memref_slice %arg5[%arg0, %dma_wait3A] : memref<2x40000xf32, #tpu.memory_space<hbm>> -> memref<1x40000xf32, #tpu.memory_space<hbm>>
        %dma_wait3A_57 = tpu.memref_squeeze %dma_wait3A_56 : memref<1x40000xf32, #tpu.memory_space<hbm>> -> memref<40000xf32, #tpu.memory_space<hbm>>
        tpu.wait_dma2 semaphore(%run_scoped3A : memref<!tpu.dma_semaphore, #tpu.memory_space<semaphore_mem>>) src(%arg8 : memref<40000xf32, #tpu.memory_space<vmem_shared>>) dst(%dma_wait3A_57 : memref<40000xf32, #tpu.memory_space<hbm>>)
        tpu.yield
      }) : () -> ()
    } else {
    }
    return
  }
}

#map = affine_map<(d0, d1) -> (0, 0)>
#map1 = affine_map<(d0, d1) -> (0)>
module attributes {stable_mosaic.version = 14 : i64} {
  func.func @k(%arg0: i32, %arg1: i32, %arg2: memref<10000x128xf32, #tpu.memory_space<hbm>>, %arg3: memref<160000xi32, #tpu.memory_space<hbm>>, %arg4: memref<160000x128xf32, #tpu.memory_space<hbm>>, %arg5: memref<200xi32, #tpu.memory_space<vmem>>, %arg6: memref<200xi32, #tpu.memory_space<vmem>>, %arg7: memref<200x128xf32, #tpu.memory_space<vmem>>, %arg8: memref<200x128xf32, #tpu.memory_space<vmem>>, %arg9: memref<!tpu.dma_semaphore, #tpu.memory_space<semaphore_mem>>, %arg10: memref<!tpu.dma_semaphore, #tpu.memory_space<semaphore_mem>>) attributes {dimension_semantics = [#tpu.dimension_semantics<core_parallel>, #tpu.dimension_semantics<subcore_parallel>], iteration_bounds = array<i64: 2, 16>, scalar_prefetch = 0 : i64, scratch_operands = 6 : i64, tpu.core_type = #tpu.core_type<sc_vector_subcore>, window_params = [{transform_indices = #map}, {transform_indices = #map1}, {transform_indices = #map}]} {
    %mul3A = arith.constant 2 : i32
    %mul3A_0 = arith.muli %arg1, %mul3A : i32
    %add3A = arith.addi %mul3A_0, %arg0 : i32
    %mul3A_1 = arith.constant 5000 : i32
    %mul3A_2 = arith.muli %add3A, %mul3A_1 : i32
    "tpu.region"() ({
      %run_scoped3A = tpu.sem_alloc : memref<!tpu.dma_semaphore, #tpu.memory_space<semaphore_mem>>
      %dma_start3A_249 = tpu.memref_slice %arg3[%mul3A_2] : memref<160000xi32, #tpu.memory_space<hbm>> -> memref<200xi32, #tpu.memory_space<hbm>>
      %dma_start3A_250 = tpu.memref_slice %arg3[%mul3A_2] : memref<160000xi32, #tpu.memory_space<hbm>> -> memref<200xi32, #tpu.memory_space<hbm>>
      tpu.enqueue_dma source(%dma_start3A_250 : memref<200xi32, #tpu.memory_space<hbm>>) target(%arg5 : memref<200xi32, #tpu.memory_space<vmem>>) target_semaphore(%run_scoped3A : memref<!tpu.dma_semaphore, #tpu.memory_space<semaphore_mem>>)
      %dma_wait3A_251 = tpu.memref_slice %arg3[%mul3A_2] : memref<160000xi32, #tpu.memory_space<hbm>> -> memref<200xi32, #tpu.memory_space<hbm>>
      %dma_wait3A_252 = tpu.memref_slice %arg3[%mul3A_2] : memref<160000xi32, #tpu.memory_space<hbm>> -> memref<200xi32, #tpu.memory_space<hbm>>
      tpu.wait_dma2 semaphore(%run_scoped3A : memref<!tpu.dma_semaphore, #tpu.memory_space<semaphore_mem>>) src(%dma_wait3A_252 : memref<200xi32, #tpu.memory_space<hbm>>) dst(%arg5 : memref<200xi32, #tpu.memory_space<vmem>>)
      tpu.yield
    }) : () -> ()
    %dma_start3A = arith.constant 0 : i32
    %dma_start3A_3 = arith.constant 0 : i32
    %dma_start3A_4 = tpu.memref_slice %arg2[%dma_start3A, %dma_start3A_3] : memref<10000x128xf32, #tpu.memory_space<hbm>> -> memref<10000x128xf32, #tpu.memory_space<hbm>>
    tpu.enqueue_indirect_dma source(%dma_start3A_4 : memref<10000x128xf32, #tpu.memory_space<hbm>>) target(%arg7 : memref<200x128xf32, #tpu.memory_space<vmem>>) offsets(%arg5 : memref<200xi32, #tpu.memory_space<vmem>>) semaphore(%arg9 : memref<!tpu.dma_semaphore, #tpu.memory_space<semaphore_mem>>)
    %add3A_5 = arith.constant 200 : i32
    %add3A_6 = arith.addi %mul3A_2, %add3A_5 : i32
    "tpu.region"() ({
      %run_scoped3A = tpu.sem_alloc : memref<!tpu.dma_semaphore, #tpu.memory_space<semaphore_mem>>
      %dma_start3A_249 = tpu.memref_slice %arg3[%add3A_6] : memref<160000xi32, #tpu.memory_space<hbm>> -> memref<200xi32, #tpu.memory_space<hbm>>
      %dma_start3A_250 = tpu.memref_slice %arg3[%add3A_6] : memref<160000xi32, #tpu.memory_space<hbm>> -> memref<200xi32, #tpu.memory_space<hbm>>
      tpu.enqueue_dma source(%dma_start3A_250 : memref<200xi32, #tpu.memory_space<hbm>>) target(%arg6 : memref<200xi32, #tpu.memory_space<vmem>>) target_semaphore(%run_scoped3A : memref<!tpu.dma_semaphore, #tpu.memory_space<semaphore_mem>>)
      %dma_wait3A_251 = tpu.memref_slice %arg3[%add3A_6] : memref<160000xi32, #tpu.memory_space<hbm>> -> memref<200xi32, #tpu.memory_space<hbm>>
      %dma_wait3A_252 = tpu.memref_slice %arg3[%add3A_6] : memref<160000xi32, #tpu.memory_space<hbm>> -> memref<200xi32, #tpu.memory_space<hbm>>
      tpu.wait_dma2 semaphore(%run_scoped3A : memref<!tpu.dma_semaphore, #tpu.memory_space<semaphore_mem>>) src(%dma_wait3A_252 : memref<200xi32, #tpu.memory_space<hbm>>) dst(%arg6 : memref<200xi32, #tpu.memory_space<vmem>>)
      tpu.yield
    }) : () -> ()
    %dma_start3A_7 = arith.constant 0 : i32
    %dma_start3A_8 = arith.constant 0 : i32
    %dma_start3A_9 = tpu.memref_slice %arg2[%dma_start3A_7, %dma_start3A_8] : memref<10000x128xf32, #tpu.memory_space<hbm>> -> memref<10000x128xf32, #tpu.memory_space<hbm>>
    tpu.enqueue_indirect_dma source(%dma_start3A_9 : memref<10000x128xf32, #tpu.memory_space<hbm>>) target(%arg8 : memref<200x128xf32, #tpu.memory_space<vmem>>) offsets(%arg6 : memref<200xi32, #tpu.memory_space<vmem>>) semaphore(%arg10 : memref<!tpu.dma_semaphore, #tpu.memory_space<semaphore_mem>>)
    %dma_wait3A = arith.constant 0 : i32
    %dma_wait3A_10 = arith.constant 0 : i32
    %dma_wait3A_11 = tpu.memref_slice %arg2[%dma_wait3A, %dma_wait3A_10] : memref<10000x128xf32, #tpu.memory_space<hbm>> -> memref<10000x128xf32, #tpu.memory_space<hbm>>
    tpu.wait_indirect_dma semaphore(%arg9 : memref<!tpu.dma_semaphore, #tpu.memory_space<semaphore_mem>>) src(%dma_wait3A_11 : memref<10000x128xf32, #tpu.memory_space<hbm>>) dst(%arg7 : memref<200x128xf32, #tpu.memory_space<vmem>>)
    %add3A_12 = arith.constant 0 : i32
    %add3A_13 = arith.addi %mul3A_2, %add3A_12 : i32
    "tpu.region"() ({
      %run_scoped3A = tpu.sem_alloc : memref<!tpu.dma_semaphore, #tpu.memory_space<semaphore_mem>>
      %dma_start3A_249 = arith.constant 0 : i32
      %dma_start3A_250 = tpu.memref_slice %arg4[%add3A_13, %dma_start3A_249] : memref<160000x128xf32, #tpu.memory_space<hbm>> -> memref<200x128xf32, #tpu.memory_space<hbm>>
      %dma_start3A_251 = arith.constant 0 : i32
      %dma_start3A_252 = tpu.memref_slice %arg4[%add3A_13, %dma_start3A_251] : memref<160000x128xf32, #tpu.memory_space<hbm>> -> memref<200x128xf32, #tpu.memory_space<hbm>>
      tpu.enqueue_dma source(%arg7 : memref<200x128xf32, #tpu.memory_space<vmem>>) target(%dma_start3A_252 : memref<200x128xf32, #tpu.memory_space<hbm>>) target_semaphore(%run_scoped3A : memref<!tpu.dma_semaphore, #tpu.memory_space<semaphore_mem>>)
      %dma_wait3A_253 = arith.constant 0 : i32
      %dma_wait3A_254 = tpu.memref_slice %arg4[%add3A_13, %dma_wait3A_253] : memref<160000x128xf32, #tpu.memory_space<hbm>> -> memref<200x128xf32, #tpu.memory_space<hbm>>
      %dma_wait3A_255 = arith.constant 0 : i32
      %dma_wait3A_256 = tpu.memref_slice %arg4[%add3A_13, %dma_wait3A_255] : memref<160000x128xf32, #tpu.memory_space<hbm>> -> memref<200x128xf32, #tpu.memory_space<hbm>>
      tpu.wait_dma2 semaphore(%run_scoped3A : memref<!tpu.dma_semaphore, #tpu.memory_space<semaphore_mem>>) src(%arg7 : memref<200x128xf32, #tpu.memory_space<vmem>>) dst(%dma_wait3A_256 : memref<200x128xf32, #tpu.memory_space<hbm>>)
      tpu.yield
    }) : () -> ()
    %add3A_14 = arith.constant 400 : i32
    %add3A_15 = arith.addi %mul3A_2, %add3A_14 : i32
    "tpu.region"() ({
      %run_scoped3A = tpu.sem_alloc : memref<!tpu.dma_semaphore, #tpu.memory_space<semaphore_mem>>
      %dma_start3A_249 = tpu.memref_slice %arg3[%add3A_15] : memref<160000xi32, #tpu.memory_space<hbm>> -> memref<200xi32, #tpu.memory_space<hbm>>
      %dma_start3A_250 = tpu.memref_slice %arg3[%add3A_15] : memref<160000xi32, #tpu.memory_space<hbm>> -> memref<200xi32, #tpu.memory_space<hbm>>
      tpu.enqueue_dma source(%dma_start3A_250 : memref<200xi32, #tpu.memory_space<hbm>>) target(%arg5 : memref<200xi32, #tpu.memory_space<vmem>>) target_semaphore(%run_scoped3A : memref<!tpu.dma_semaphore, #tpu.memory_space<semaphore_mem>>)
      %dma_wait3A_251 = tpu.memref_slice %arg3[%add3A_15] : memref<160000xi32, #tpu.memory_space<hbm>> -> memref<200xi32, #tpu.memory_space<hbm>>
      %dma_wait3A_252 = tpu.memref_slice %arg3[%add3A_15] : memref<160000xi32, #tpu.memory_space<hbm>> -> memref<200xi32, #tpu.memory_space<hbm>>
      tpu.wait_dma2 semaphore(%run_scoped3A : memref<!tpu.dma_semaphore, #tpu.memory_space<semaphore_mem>>) src(%dma_wait3A_252 : memref<200xi32, #tpu.memory_space<hbm>>) dst(%arg5 : memref<200xi32, #tpu.memory_space<vmem>>)
      tpu.yield
    }) : () -> ()
    %dma_start3A_16 = arith.constant 0 : i32
    %dma_start3A_17 = arith.constant 0 : i32
    %dma_start3A_18 = tpu.memref_slice %arg2[%dma_start3A_16, %dma_start3A_17] : memref<10000x128xf32, #tpu.memory_space<hbm>> -> memref<10000x128xf32, #tpu.memory_space<hbm>>
    tpu.enqueue_indirect_dma source(%dma_start3A_18 : memref<10000x128xf32, #tpu.memory_space<hbm>>) target(%arg7 : memref<200x128xf32, #tpu.memory_space<vmem>>) offsets(%arg5 : memref<200xi32, #tpu.memory_space<vmem>>) semaphore(%arg9 : memref<!tpu.dma_semaphore, #tpu.memory_space<semaphore_mem>>)
    %dma_wait3A_19 = arith.constant 0 : i32
    %dma_wait3A_20 = arith.constant 0 : i32
    %dma_wait3A_21 = tpu.memref_slice %arg2[%dma_wait3A_19, %dma_wait3A_20] : memref<10000x128xf32, #tpu.memory_space<hbm>> -> memref<10000x128xf32, #tpu.memory_space<hbm>>
    tpu.wait_indirect_dma semaphore(%arg10 : memref<!tpu.dma_semaphore, #tpu.memory_space<semaphore_mem>>) src(%dma_wait3A_21 : memref<10000x128xf32, #tpu.memory_space<hbm>>) dst(%arg8 : memref<200x128xf32, #tpu.memory_space<vmem>>)
    %add3A_22 = arith.constant 200 : i32
    %add3A_23 = arith.addi %mul3A_2, %add3A_22 : i32
    "tpu.region"() ({
      %run_scoped3A = tpu.sem_alloc : memref<!tpu.dma_semaphore, #tpu.memory_space<semaphore_mem>>
      %dma_start3A_249 = arith.constant 0 : i32
      %dma_start3A_250 = tpu.memref_slice %arg4[%add3A_23, %dma_start3A_249] : memref<160000x128xf32, #tpu.memory_space<hbm>> -> memref<200x128xf32, #tpu.memory_space<hbm>>
      %dma_start3A_251 = arith.constant 0 : i32
      %dma_start3A_252 = tpu.memref_slice %arg4[%add3A_23, %dma_start3A_251] : memref<160000x128xf32, #tpu.memory_space<hbm>> -> memref<200x128xf32, #tpu.memory_space<hbm>>
      tpu.enqueue_dma source(%arg8 : memref<200x128xf32, #tpu.memory_space<vmem>>) target(%dma_start3A_252 : memref<200x128xf32, #tpu.memory_space<hbm>>) target_semaphore(%run_scoped3A : memref<!tpu.dma_semaphore, #tpu.memory_space<semaphore_mem>>)
      %dma_wait3A_253 = arith.constant 0 : i32
      %dma_wait3A_254 = tpu.memref_slice %arg4[%add3A_23, %dma_wait3A_253] : memref<160000x128xf32, #tpu.memory_space<hbm>> -> memref<200x128xf32, #tpu.memory_space<hbm>>
      %dma_wait3A_255 = arith.constant 0 : i32
      %dma_wait3A_256 = tpu.memref_slice %arg4[%add3A_23, %dma_wait3A_255] : memref<160000x128xf32, #tpu.memory_space<hbm>> -> memref<200x128xf32, #tpu.memory_space<hbm>>
      tpu.wait_dma2 semaphore(%run_scoped3A : memref<!tpu.dma_semaphore, #tpu.memory_space<semaphore_mem>>) src(%arg8 : memref<200x128xf32, #tpu.memory_space<vmem>>) dst(%dma_wait3A_256 : memref<200x128xf32, #tpu.memory_space<hbm>>)
      tpu.yield
    }) : () -> ()
    %add3A_24 = arith.constant 600 : i32
    %add3A_25 = arith.addi %mul3A_2, %add3A_24 : i32
    "tpu.region"() ({
      %run_scoped3A = tpu.sem_alloc : memref<!tpu.dma_semaphore, #tpu.memory_space<semaphore_mem>>
      %dma_start3A_249 = tpu.memref_slice %arg3[%add3A_25] : memref<160000xi32, #tpu.memory_space<hbm>> -> memref<200xi32, #tpu.memory_space<hbm>>
      %dma_start3A_250 = tpu.memref_slice %arg3[%add3A_25] : memref<160000xi32, #tpu.memory_space<hbm>> -> memref<200xi32, #tpu.memory_space<hbm>>
      tpu.enqueue_dma source(%dma_start3A_250 : memref<200xi32, #tpu.memory_space<hbm>>) target(%arg6 : memref<200xi32, #tpu.memory_space<vmem>>) target_semaphore(%run_scoped3A : memref<!tpu.dma_semaphore, #tpu.memory_space<semaphore_mem>>)
      %dma_wait3A_251 = tpu.memref_slice %arg3[%add3A_25] : memref<160000xi32, #tpu.memory_space<hbm>> -> memref<200xi32, #tpu.memory_space<hbm>>
      %dma_wait3A_252 = tpu.memref_slice %arg3[%add3A_25] : memref<160000xi32, #tpu.memory_space<hbm>> -> memref<200xi32, #tpu.memory_space<hbm>>
      tpu.wait_dma2 semaphore(%run_scoped3A : memref<!tpu.dma_semaphore, #tpu.memory_space<semaphore_mem>>) src(%dma_wait3A_252 : memref<200xi32, #tpu.memory_space<hbm>>) dst(%arg6 : memref<200xi32, #tpu.memory_space<vmem>>)
      tpu.yield
    }) : () -> ()
    %dma_start3A_26 = arith.constant 0 : i32
    %dma_start3A_27 = arith.constant 0 : i32
    %dma_start3A_28 = tpu.memref_slice %arg2[%dma_start3A_26, %dma_start3A_27] : memref<10000x128xf32, #tpu.memory_space<hbm>> -> memref<10000x128xf32, #tpu.memory_space<hbm>>
    tpu.enqueue_indirect_dma source(%dma_start3A_28 : memref<10000x128xf32, #tpu.memory_space<hbm>>) target(%arg8 : memref<200x128xf32, #tpu.memory_space<vmem>>) offsets(%arg6 : memref<200xi32, #tpu.memory_space<vmem>>) semaphore(%arg10 : memref<!tpu.dma_semaphore, #tpu.memory_space<semaphore_mem>>)
    %dma_wait3A_29 = arith.constant 0 : i32
    %dma_wait3A_30 = arith.constant 0 : i32
    %dma_wait3A_31 = tpu.memref_slice %arg2[%dma_wait3A_29, %dma_wait3A_30] : memref<10000x128xf32, #tpu.memory_space<hbm>> -> memref<10000x128xf32, #tpu.memory_space<hbm>>
    tpu.wait_indirect_dma semaphore(%arg9 : memref<!tpu.dma_semaphore, #tpu.memory_space<semaphore_mem>>) src(%dma_wait3A_31 : memref<10000x128xf32, #tpu.memory_space<hbm>>) dst(%arg7 : memref<200x128xf32, #tpu.memory_space<vmem>>)
    %add3A_32 = arith.constant 400 : i32
    %add3A_33 = arith.addi %mul3A_2, %add3A_32 : i32
    "tpu.region"() ({
      %run_scoped3A = tpu.sem_alloc : memref<!tpu.dma_semaphore, #tpu.memory_space<semaphore_mem>>
      %dma_start3A_249 = arith.constant 0 : i32
      %dma_start3A_250 = tpu.memref_slice %arg4[%add3A_33, %dma_start3A_249] : memref<160000x128xf32, #tpu.memory_space<hbm>> -> memref<200x128xf32, #tpu.memory_space<hbm>>
      %dma_start3A_251 = arith.constant 0 : i32
      %dma_start3A_252 = tpu.memref_slice %arg4[%add3A_33, %dma_start3A_251] : memref<160000x128xf32, #tpu.memory_space<hbm>> -> memref<200x128xf32, #tpu.memory_space<hbm>>
      tpu.enqueue_dma source(%arg7 : memref<200x128xf32, #tpu.memory_space<vmem>>) target(%dma_start3A_252 : memref<200x128xf32, #tpu.memory_space<hbm>>) target_semaphore(%run_scoped3A : memref<!tpu.dma_semaphore, #tpu.memory_space<semaphore_mem>>)
      %dma_wait3A_253 = arith.constant 0 : i32
      %dma_wait3A_254 = tpu.memref_slice %arg4[%add3A_33, %dma_wait3A_253] : memref<160000x128xf32, #tpu.memory_space<hbm>> -> memref<200x128xf32, #tpu.memory_space<hbm>>
      %dma_wait3A_255 = arith.constant 0 : i32
      %dma_wait3A_256 = tpu.memref_slice %arg4[%add3A_33, %dma_wait3A_255] : memref<160000x128xf32, #tpu.memory_space<hbm>> -> memref<200x128xf32, #tpu.memory_space<hbm>>
      tpu.wait_dma2 semaphore(%run_scoped3A : memref<!tpu.dma_semaphore, #tpu.memory_space<semaphore_mem>>) src(%arg7 : memref<200x128xf32, #tpu.memory_space<vmem>>) dst(%dma_wait3A_256 : memref<200x128xf32, #tpu.memory_space<hbm>>)
      tpu.yield
    }) : () -> ()
    %add3A_34 = arith.constant 800 : i32
    %add3A_35 = arith.addi %mul3A_2, %add3A_34 : i32
    "tpu.region"() ({
      %run_scoped3A = tpu.sem_alloc : memref<!tpu.dma_semaphore, #tpu.memory_space<semaphore_mem>>
      %dma_start3A_249 = tpu.memref_slice %arg3[%add3A_35] : memref<160000xi32, #tpu.memory_space<hbm>> -> memref<200xi32, #tpu.memory_space<hbm>>
      %dma_start3A_250 = tpu.memref_slice %arg3[%add3A_35] : memref<160000xi32, #tpu.memory_space<hbm>> -> memref<200xi32, #tpu.memory_space<hbm>>
      tpu.enqueue_dma source(%dma_start3A_250 : memref<200xi32, #tpu.memory_space<hbm>>) target(%arg5 : memref<200xi32, #tpu.memory_space<vmem>>) target_semaphore(%run_scoped3A : memref<!tpu.dma_semaphore, #tpu.memory_space<semaphore_mem>>)
      %dma_wait3A_251 = tpu.memref_slice %arg3[%add3A_35] : memref<160000xi32, #tpu.memory_space<hbm>> -> memref<200xi32, #tpu.memory_space<hbm>>
      %dma_wait3A_252 = tpu.memref_slice %arg3[%add3A_35] : memref<160000xi32, #tpu.memory_space<hbm>> -> memref<200xi32, #tpu.memory_space<hbm>>
      tpu.wait_dma2 semaphore(%run_scoped3A : memref<!tpu.dma_semaphore, #tpu.memory_space<semaphore_mem>>) src(%dma_wait3A_252 : memref<200xi32, #tpu.memory_space<hbm>>) dst(%arg5 : memref<200xi32, #tpu.memory_space<vmem>>)
      tpu.yield
    }) : () -> ()
    %dma_start3A_36 = arith.constant 0 : i32
    %dma_start3A_37 = arith.constant 0 : i32
    %dma_start3A_38 = tpu.memref_slice %arg2[%dma_start3A_36, %dma_start3A_37] : memref<10000x128xf32, #tpu.memory_space<hbm>> -> memref<10000x128xf32, #tpu.memory_space<hbm>>
    tpu.enqueue_indirect_dma source(%dma_start3A_38 : memref<10000x128xf32, #tpu.memory_space<hbm>>) target(%arg7 : memref<200x128xf32, #tpu.memory_space<vmem>>) offsets(%arg5 : memref<200xi32, #tpu.memory_space<vmem>>) semaphore(%arg9 : memref<!tpu.dma_semaphore, #tpu.memory_space<semaphore_mem>>)
    %dma_wait3A_39 = arith.constant 0 : i32
    %dma_wait3A_40 = arith.constant 0 : i32
    %dma_wait3A_41 = tpu.memref_slice %arg2[%dma_wait3A_39, %dma_wait3A_40] : memref<10000x128xf32, #tpu.memory_space<hbm>> -> memref<10000x128xf32, #tpu.memory_space<hbm>>
    tpu.wait_indirect_dma semaphore(%arg10 : memref<!tpu.dma_semaphore, #tpu.memory_space<semaphore_mem>>) src(%dma_wait3A_41 : memref<10000x128xf32, #tpu.memory_space<hbm>>) dst(%arg8 : memref<200x128xf32, #tpu.memory_space<vmem>>)
    %add3A_42 = arith.constant 600 : i32
    %add3A_43 = arith.addi %mul3A_2, %add3A_42 : i32
    "tpu.region"() ({
      %run_scoped3A = tpu.sem_alloc : memref<!tpu.dma_semaphore, #tpu.memory_space<semaphore_mem>>
      %dma_start3A_249 = arith.constant 0 : i32
      %dma_start3A_250 = tpu.memref_slice %arg4[%add3A_43, %dma_start3A_249] : memref<160000x128xf32, #tpu.memory_space<hbm>> -> memref<200x128xf32, #tpu.memory_space<hbm>>
      %dma_start3A_251 = arith.constant 0 : i32
      %dma_start3A_252 = tpu.memref_slice %arg4[%add3A_43, %dma_start3A_251] : memref<160000x128xf32, #tpu.memory_space<hbm>> -> memref<200x128xf32, #tpu.memory_space<hbm>>
      tpu.enqueue_dma source(%arg8 : memref<200x128xf32, #tpu.memory_space<vmem>>) target(%dma_start3A_252 : memref<200x128xf32, #tpu.memory_space<hbm>>) target_semaphore(%run_scoped3A : memref<!tpu.dma_semaphore, #tpu.memory_space<semaphore_mem>>)
      %dma_wait3A_253 = arith.constant 0 : i32
      %dma_wait3A_254 = tpu.memref_slice %arg4[%add3A_43, %dma_wait3A_253] : memref<160000x128xf32, #tpu.memory_space<hbm>> -> memref<200x128xf32, #tpu.memory_space<hbm>>
      %dma_wait3A_255 = arith.constant 0 : i32
      %dma_wait3A_256 = tpu.memref_slice %arg4[%add3A_43, %dma_wait3A_255] : memref<160000x128xf32, #tpu.memory_space<hbm>> -> memref<200x128xf32, #tpu.memory_space<hbm>>
      tpu.wait_dma2 semaphore(%run_scoped3A : memref<!tpu.dma_semaphore, #tpu.memory_space<semaphore_mem>>) src(%arg8 : memref<200x128xf32, #tpu.memory_space<vmem>>) dst(%dma_wait3A_256 : memref<200x128xf32, #tpu.memory_space<hbm>>)
      tpu.yield
    }) : () -> ()
    %add3A_44 = arith.constant 1000 : i32
    %add3A_45 = arith.addi %mul3A_2, %add3A_44 : i32
    "tpu.region"() ({
      %run_scoped3A = tpu.sem_alloc : memref<!tpu.dma_semaphore, #tpu.memory_space<semaphore_mem>>
      %dma_start3A_249 = tpu.memref_slice %arg3[%add3A_45] : memref<160000xi32, #tpu.memory_space<hbm>> -> memref<200xi32, #tpu.memory_space<hbm>>
      %dma_start3A_250 = tpu.memref_slice %arg3[%add3A_45] : memref<160000xi32, #tpu.memory_space<hbm>> -> memref<200xi32, #tpu.memory_space<hbm>>
      tpu.enqueue_dma source(%dma_start3A_250 : memref<200xi32, #tpu.memory_space<hbm>>) target(%arg6 : memref<200xi32, #tpu.memory_space<vmem>>) target_semaphore(%run_scoped3A : memref<!tpu.dma_semaphore, #tpu.memory_space<semaphore_mem>>)
      %dma_wait3A_251 = tpu.memref_slice %arg3[%add3A_45] : memref<160000xi32, #tpu.memory_space<hbm>> -> memref<200xi32, #tpu.memory_space<hbm>>
      %dma_wait3A_252 = tpu.memref_slice %arg3[%add3A_45] : memref<160000xi32, #tpu.memory_space<hbm>> -> memref<200xi32, #tpu.memory_space<hbm>>
      tpu.wait_dma2 semaphore(%run_scoped3A : memref<!tpu.dma_semaphore, #tpu.memory_space<semaphore_mem>>) src(%dma_wait3A_252 : memref<200xi32, #tpu.memory_space<hbm>>) dst(%arg6 : memref<200xi32, #tpu.memory_space<vmem>>)
      tpu.yield
    }) : () -> ()
    %dma_start3A_46 = arith.constant 0 : i32
    %dma_start3A_47 = arith.constant 0 : i32
    %dma_start3A_48 = tpu.memref_slice %arg2[%dma_start3A_46, %dma_start3A_47] : memref<10000x128xf32, #tpu.memory_space<hbm>> -> memref<10000x128xf32, #tpu.memory_space<hbm>>
    tpu.enqueue_indirect_dma source(%dma_start3A_48 : memref<10000x128xf32, #tpu.memory_space<hbm>>) target(%arg8 : memref<200x128xf32, #tpu.memory_space<vmem>>) offsets(%arg6 : memref<200xi32, #tpu.memory_space<vmem>>) semaphore(%arg10 : memref<!tpu.dma_semaphore, #tpu.memory_space<semaphore_mem>>)
    %dma_wait3A_49 = arith.constant 0 : i32
    %dma_wait3A_50 = arith.constant 0 : i32
    %dma_wait3A_51 = tpu.memref_slice %arg2[%dma_wait3A_49, %dma_wait3A_50] : memref<10000x128xf32, #tpu.memory_space<hbm>> -> memref<10000x128xf32, #tpu.memory_space<hbm>>
    tpu.wait_indirect_dma semaphore(%arg9 : memref<!tpu.dma_semaphore, #tpu.memory_space<semaphore_mem>>) src(%dma_wait3A_51 : memref<10000x128xf32, #tpu.memory_space<hbm>>) dst(%arg7 : memref<200x128xf32, #tpu.memory_space<vmem>>)
    %add3A_52 = arith.constant 800 : i32
    %add3A_53 = arith.addi %mul3A_2, %add3A_52 : i32
    "tpu.region"() ({
      %run_scoped3A = tpu.sem_alloc : memref<!tpu.dma_semaphore, #tpu.memory_space<semaphore_mem>>
      %dma_start3A_249 = arith.constant 0 : i32
      %dma_start3A_250 = tpu.memref_slice %arg4[%add3A_53, %dma_start3A_249] : memref<160000x128xf32, #tpu.memory_space<hbm>> -> memref<200x128xf32, #tpu.memory_space<hbm>>
      %dma_start3A_251 = arith.constant 0 : i32
      %dma_start3A_252 = tpu.memref_slice %arg4[%add3A_53, %dma_start3A_251] : memref<160000x128xf32, #tpu.memory_space<hbm>> -> memref<200x128xf32, #tpu.memory_space<hbm>>
      tpu.enqueue_dma source(%arg7 : memref<200x128xf32, #tpu.memory_space<vmem>>) target(%dma_start3A_252 : memref<200x128xf32, #tpu.memory_space<hbm>>) target_semaphore(%run_scoped3A : memref<!tpu.dma_semaphore, #tpu.memory_space<semaphore_mem>>)
      %dma_wait3A_253 = arith.constant 0 : i32
      %dma_wait3A_254 = tpu.memref_slice %arg4[%add3A_53, %dma_wait3A_253] : memref<160000x128xf32, #tpu.memory_space<hbm>> -> memref<200x128xf32, #tpu.memory_space<hbm>>
      %dma_wait3A_255 = arith.constant 0 : i32
      %dma_wait3A_256 = tpu.memref_slice %arg4[%add3A_53, %dma_wait3A_255] : memref<160000x128xf32, #tpu.memory_space<hbm>> -> memref<200x128xf32, #tpu.memory_space<hbm>>
      tpu.wait_dma2 semaphore(%run_scoped3A : memref<!tpu.dma_semaphore, #tpu.memory_space<semaphore_mem>>) src(%arg7 : memref<200x128xf32, #tpu.memory_space<vmem>>) dst(%dma_wait3A_256 : memref<200x128xf32, #tpu.memory_space<hbm>>)
      tpu.yield
    }) : () -> ()
    %add3A_54 = arith.constant 1200 : i32
    %add3A_55 = arith.addi %mul3A_2, %add3A_54 : i32
    "tpu.region"() ({
      %run_scoped3A = tpu.sem_alloc : memref<!tpu.dma_semaphore, #tpu.memory_space<semaphore_mem>>
      %dma_start3A_249 = tpu.memref_slice %arg3[%add3A_55] : memref<160000xi32, #tpu.memory_space<hbm>> -> memref<200xi32, #tpu.memory_space<hbm>>
      %dma_start3A_250 = tpu.memref_slice %arg3[%add3A_55] : memref<160000xi32, #tpu.memory_space<hbm>> -> memref<200xi32, #tpu.memory_space<hbm>>
      tpu.enqueue_dma source(%dma_start3A_250 : memref<200xi32, #tpu.memory_space<hbm>>) target(%arg5 : memref<200xi32, #tpu.memory_space<vmem>>) target_semaphore(%run_scoped3A : memref<!tpu.dma_semaphore, #tpu.memory_space<semaphore_mem>>)
      %dma_wait3A_251 = tpu.memref_slice %arg3[%add3A_55] : memref<160000xi32, #tpu.memory_space<hbm>> -> memref<200xi32, #tpu.memory_space<hbm>>
      %dma_wait3A_252 = tpu.memref_slice %arg3[%add3A_55] : memref<160000xi32, #tpu.memory_space<hbm>> -> memref<200xi32, #tpu.memory_space<hbm>>
      tpu.wait_dma2 semaphore(%run_scoped3A : memref<!tpu.dma_semaphore, #tpu.memory_space<semaphore_mem>>) src(%dma_wait3A_252 : memref<200xi32, #tpu.memory_space<hbm>>) dst(%arg5 : memref<200xi32, #tpu.memory_space<vmem>>)
      tpu.yield
    }) : () -> ()
    %dma_start3A_56 = arith.constant 0 : i32
    %dma_start3A_57 = arith.constant 0 : i32
    %dma_start3A_58 = tpu.memref_slice %arg2[%dma_start3A_56, %dma_start3A_57] : memref<10000x128xf32, #tpu.memory_space<hbm>> -> memref<10000x128xf32, #tpu.memory_space<hbm>>
    tpu.enqueue_indirect_dma source(%dma_start3A_58 : memref<10000x128xf32, #tpu.memory_space<hbm>>) target(%arg7 : memref<200x128xf32, #tpu.memory_space<vmem>>) offsets(%arg5 : memref<200xi32, #tpu.memory_space<vmem>>) semaphore(%arg9 : memref<!tpu.dma_semaphore, #tpu.memory_space<semaphore_mem>>)
    %dma_wait3A_59 = arith.constant 0 : i32
    %dma_wait3A_60 = arith.constant 0 : i32
    %dma_wait3A_61 = tpu.memref_slice %arg2[%dma_wait3A_59, %dma_wait3A_60] : memref<10000x128xf32, #tpu.memory_space<hbm>> -> memref<10000x128xf32, #tpu.memory_space<hbm>>
    tpu.wait_indirect_dma semaphore(%arg10 : memref<!tpu.dma_semaphore, #tpu.memory_space<semaphore_mem>>) src(%dma_wait3A_61 : memref<10000x128xf32, #tpu.memory_space<hbm>>) dst(%arg8 : memref<200x128xf32, #tpu.memory_space<vmem>>)
    %add3A_62 = arith.constant 1000 : i32
    %add3A_63 = arith.addi %mul3A_2, %add3A_62 : i32
    "tpu.region"() ({
      %run_scoped3A = tpu.sem_alloc : memref<!tpu.dma_semaphore, #tpu.memory_space<semaphore_mem>>
      %dma_start3A_249 = arith.constant 0 : i32
      %dma_start3A_250 = tpu.memref_slice %arg4[%add3A_63, %dma_start3A_249] : memref<160000x128xf32, #tpu.memory_space<hbm>> -> memref<200x128xf32, #tpu.memory_space<hbm>>
      %dma_start3A_251 = arith.constant 0 : i32
      %dma_start3A_252 = tpu.memref_slice %arg4[%add3A_63, %dma_start3A_251] : memref<160000x128xf32, #tpu.memory_space<hbm>> -> memref<200x128xf32, #tpu.memory_space<hbm>>
      tpu.enqueue_dma source(%arg8 : memref<200x128xf32, #tpu.memory_space<vmem>>) target(%dma_start3A_252 : memref<200x128xf32, #tpu.memory_space<hbm>>) target_semaphore(%run_scoped3A : memref<!tpu.dma_semaphore, #tpu.memory_space<semaphore_mem>>)
      %dma_wait3A_253 = arith.constant 0 : i32
      %dma_wait3A_254 = tpu.memref_slice %arg4[%add3A_63, %dma_wait3A_253] : memref<160000x128xf32, #tpu.memory_space<hbm>> -> memref<200x128xf32, #tpu.memory_space<hbm>>
      %dma_wait3A_255 = arith.constant 0 : i32
      %dma_wait3A_256 = tpu.memref_slice %arg4[%add3A_63, %dma_wait3A_255] : memref<160000x128xf32, #tpu.memory_space<hbm>> -> memref<200x128xf32, #tpu.memory_space<hbm>>
      tpu.wait_dma2 semaphore(%run_scoped3A : memref<!tpu.dma_semaphore, #tpu.memory_space<semaphore_mem>>) src(%arg8 : memref<200x128xf32, #tpu.memory_space<vmem>>) dst(%dma_wait3A_256 : memref<200x128xf32, #tpu.memory_space<hbm>>)
      tpu.yield
    }) : () -> ()
    %add3A_64 = arith.constant 1400 : i32
    %add3A_65 = arith.addi %mul3A_2, %add3A_64 : i32
    "tpu.region"() ({
      %run_scoped3A = tpu.sem_alloc : memref<!tpu.dma_semaphore, #tpu.memory_space<semaphore_mem>>
      %dma_start3A_249 = tpu.memref_slice %arg3[%add3A_65] : memref<160000xi32, #tpu.memory_space<hbm>> -> memref<200xi32, #tpu.memory_space<hbm>>
      %dma_start3A_250 = tpu.memref_slice %arg3[%add3A_65] : memref<160000xi32, #tpu.memory_space<hbm>> -> memref<200xi32, #tpu.memory_space<hbm>>
      tpu.enqueue_dma source(%dma_start3A_250 : memref<200xi32, #tpu.memory_space<hbm>>) target(%arg6 : memref<200xi32, #tpu.memory_space<vmem>>) target_semaphore(%run_scoped3A : memref<!tpu.dma_semaphore, #tpu.memory_space<semaphore_mem>>)
      %dma_wait3A_251 = tpu.memref_slice %arg3[%add3A_65] : memref<160000xi32, #tpu.memory_space<hbm>> -> memref<200xi32, #tpu.memory_space<hbm>>
      %dma_wait3A_252 = tpu.memref_slice %arg3[%add3A_65] : memref<160000xi32, #tpu.memory_space<hbm>> -> memref<200xi32, #tpu.memory_space<hbm>>
      tpu.wait_dma2 semaphore(%run_scoped3A : memref<!tpu.dma_semaphore, #tpu.memory_space<semaphore_mem>>) src(%dma_wait3A_252 : memref<200xi32, #tpu.memory_space<hbm>>) dst(%arg6 : memref<200xi32, #tpu.memory_space<vmem>>)
      tpu.yield
    }) : () -> ()
    %dma_start3A_66 = arith.constant 0 : i32
    %dma_start3A_67 = arith.constant 0 : i32
    %dma_start3A_68 = tpu.memref_slice %arg2[%dma_start3A_66, %dma_start3A_67] : memref<10000x128xf32, #tpu.memory_space<hbm>> -> memref<10000x128xf32, #tpu.memory_space<hbm>>
    tpu.enqueue_indirect_dma source(%dma_start3A_68 : memref<10000x128xf32, #tpu.memory_space<hbm>>) target(%arg8 : memref<200x128xf32, #tpu.memory_space<vmem>>) offsets(%arg6 : memref<200xi32, #tpu.memory_space<vmem>>) semaphore(%arg10 : memref<!tpu.dma_semaphore, #tpu.memory_space<semaphore_mem>>)
    %dma_wait3A_69 = arith.constant 0 : i32
    %dma_wait3A_70 = arith.constant 0 : i32
    %dma_wait3A_71 = tpu.memref_slice %arg2[%dma_wait3A_69, %dma_wait3A_70] : memref<10000x128xf32, #tpu.memory_space<hbm>> -> memref<10000x128xf32, #tpu.memory_space<hbm>>
    tpu.wait_indirect_dma semaphore(%arg9 : memref<!tpu.dma_semaphore, #tpu.memory_space<semaphore_mem>>) src(%dma_wait3A_71 : memref<10000x128xf32, #tpu.memory_space<hbm>>) dst(%arg7 : memref<200x128xf32, #tpu.memory_space<vmem>>)
    %add3A_72 = arith.constant 1200 : i32
    %add3A_73 = arith.addi %mul3A_2, %add3A_72 : i32
    "tpu.region"() ({
      %run_scoped3A = tpu.sem_alloc : memref<!tpu.dma_semaphore, #tpu.memory_space<semaphore_mem>>
      %dma_start3A_249 = arith.constant 0 : i32
      %dma_start3A_250 = tpu.memref_slice %arg4[%add3A_73, %dma_start3A_249] : memref<160000x128xf32, #tpu.memory_space<hbm>> -> memref<200x128xf32, #tpu.memory_space<hbm>>
      %dma_start3A_251 = arith.constant 0 : i32
      %dma_start3A_252 = tpu.memref_slice %arg4[%add3A_73, %dma_start3A_251] : memref<160000x128xf32, #tpu.memory_space<hbm>> -> memref<200x128xf32, #tpu.memory_space<hbm>>
      tpu.enqueue_dma source(%arg7 : memref<200x128xf32, #tpu.memory_space<vmem>>) target(%dma_start3A_252 : memref<200x128xf32, #tpu.memory_space<hbm>>) target_semaphore(%run_scoped3A : memref<!tpu.dma_semaphore, #tpu.memory_space<semaphore_mem>>)
      %dma_wait3A_253 = arith.constant 0 : i32
      %dma_wait3A_254 = tpu.memref_slice %arg4[%add3A_73, %dma_wait3A_253] : memref<160000x128xf32, #tpu.memory_space<hbm>> -> memref<200x128xf32, #tpu.memory_space<hbm>>
      %dma_wait3A_255 = arith.constant 0 : i32
      %dma_wait3A_256 = tpu.memref_slice %arg4[%add3A_73, %dma_wait3A_255] : memref<160000x128xf32, #tpu.memory_space<hbm>> -> memref<200x128xf32, #tpu.memory_space<hbm>>
      tpu.wait_dma2 semaphore(%run_scoped3A : memref<!tpu.dma_semaphore, #tpu.memory_space<semaphore_mem>>) src(%arg7 : memref<200x128xf32, #tpu.memory_space<vmem>>) dst(%dma_wait3A_256 : memref<200x128xf32, #tpu.memory_space<hbm>>)
      tpu.yield
    }) : () -> ()
    %add3A_74 = arith.constant 1600 : i32
    %add3A_75 = arith.addi %mul3A_2, %add3A_74 : i32
    "tpu.region"() ({
      %run_scoped3A = tpu.sem_alloc : memref<!tpu.dma_semaphore, #tpu.memory_space<semaphore_mem>>
      %dma_start3A_249 = tpu.memref_slice %arg3[%add3A_75] : memref<160000xi32, #tpu.memory_space<hbm>> -> memref<200xi32, #tpu.memory_space<hbm>>
      %dma_start3A_250 = tpu.memref_slice %arg3[%add3A_75] : memref<160000xi32, #tpu.memory_space<hbm>> -> memref<200xi32, #tpu.memory_space<hbm>>
      tpu.enqueue_dma source(%dma_start3A_250 : memref<200xi32, #tpu.memory_space<hbm>>) target(%arg5 : memref<200xi32, #tpu.memory_space<vmem>>) target_semaphore(%run_scoped3A : memref<!tpu.dma_semaphore, #tpu.memory_space<semaphore_mem>>)
      %dma_wait3A_251 = tpu.memref_slice %arg3[%add3A_75] : memref<160000xi32, #tpu.memory_space<hbm>> -> memref<200xi32, #tpu.memory_space<hbm>>
      %dma_wait3A_252 = tpu.memref_slice %arg3[%add3A_75] : memref<160000xi32, #tpu.memory_space<hbm>> -> memref<200xi32, #tpu.memory_space<hbm>>
      tpu.wait_dma2 semaphore(%run_scoped3A : memref<!tpu.dma_semaphore, #tpu.memory_space<semaphore_mem>>) src(%dma_wait3A_252 : memref<200xi32, #tpu.memory_space<hbm>>) dst(%arg5 : memref<200xi32, #tpu.memory_space<vmem>>)
      tpu.yield
    }) : () -> ()
    %dma_start3A_76 = arith.constant 0 : i32
    %dma_start3A_77 = arith.constant 0 : i32
    %dma_start3A_78 = tpu.memref_slice %arg2[%dma_start3A_76, %dma_start3A_77] : memref<10000x128xf32, #tpu.memory_space<hbm>> -> memref<10000x128xf32, #tpu.memory_space<hbm>>
    tpu.enqueue_indirect_dma source(%dma_start3A_78 : memref<10000x128xf32, #tpu.memory_space<hbm>>) target(%arg7 : memref<200x128xf32, #tpu.memory_space<vmem>>) offsets(%arg5 : memref<200xi32, #tpu.memory_space<vmem>>) semaphore(%arg9 : memref<!tpu.dma_semaphore, #tpu.memory_space<semaphore_mem>>)
    %dma_wait3A_79 = arith.constant 0 : i32
    %dma_wait3A_80 = arith.constant 0 : i32
    %dma_wait3A_81 = tpu.memref_slice %arg2[%dma_wait3A_79, %dma_wait3A_80] : memref<10000x128xf32, #tpu.memory_space<hbm>> -> memref<10000x128xf32, #tpu.memory_space<hbm>>
    tpu.wait_indirect_dma semaphore(%arg10 : memref<!tpu.dma_semaphore, #tpu.memory_space<semaphore_mem>>) src(%dma_wait3A_81 : memref<10000x128xf32, #tpu.memory_space<hbm>>) dst(%arg8 : memref<200x128xf32, #tpu.memory_space<vmem>>)
    %add3A_82 = arith.constant 1400 : i32
    %add3A_83 = arith.addi %mul3A_2, %add3A_82 : i32
    "tpu.region"() ({
      %run_scoped3A = tpu.sem_alloc : memref<!tpu.dma_semaphore, #tpu.memory_space<semaphore_mem>>
      %dma_start3A_249 = arith.constant 0 : i32
      %dma_start3A_250 = tpu.memref_slice %arg4[%add3A_83, %dma_start3A_249] : memref<160000x128xf32, #tpu.memory_space<hbm>> -> memref<200x128xf32, #tpu.memory_space<hbm>>
      %dma_start3A_251 = arith.constant 0 : i32
      %dma_start3A_252 = tpu.memref_slice %arg4[%add3A_83, %dma_start3A_251] : memref<160000x128xf32, #tpu.memory_space<hbm>> -> memref<200x128xf32, #tpu.memory_space<hbm>>
      tpu.enqueue_dma source(%arg8 : memref<200x128xf32, #tpu.memory_space<vmem>>) target(%dma_start3A_252 : memref<200x128xf32, #tpu.memory_space<hbm>>) target_semaphore(%run_scoped3A : memref<!tpu.dma_semaphore, #tpu.memory_space<semaphore_mem>>)
      %dma_wait3A_253 = arith.constant 0 : i32
      %dma_wait3A_254 = tpu.memref_slice %arg4[%add3A_83, %dma_wait3A_253] : memref<160000x128xf32, #tpu.memory_space<hbm>> -> memref<200x128xf32, #tpu.memory_space<hbm>>
      %dma_wait3A_255 = arith.constant 0 : i32
      %dma_wait3A_256 = tpu.memref_slice %arg4[%add3A_83, %dma_wait3A_255] : memref<160000x128xf32, #tpu.memory_space<hbm>> -> memref<200x128xf32, #tpu.memory_space<hbm>>
      tpu.wait_dma2 semaphore(%run_scoped3A : memref<!tpu.dma_semaphore, #tpu.memory_space<semaphore_mem>>) src(%arg8 : memref<200x128xf32, #tpu.memory_space<vmem>>) dst(%dma_wait3A_256 : memref<200x128xf32, #tpu.memory_space<hbm>>)
      tpu.yield
    }) : () -> ()
    %add3A_84 = arith.constant 1800 : i32
    %add3A_85 = arith.addi %mul3A_2, %add3A_84 : i32
    "tpu.region"() ({
      %run_scoped3A = tpu.sem_alloc : memref<!tpu.dma_semaphore, #tpu.memory_space<semaphore_mem>>
      %dma_start3A_249 = tpu.memref_slice %arg3[%add3A_85] : memref<160000xi32, #tpu.memory_space<hbm>> -> memref<200xi32, #tpu.memory_space<hbm>>
      %dma_start3A_250 = tpu.memref_slice %arg3[%add3A_85] : memref<160000xi32, #tpu.memory_space<hbm>> -> memref<200xi32, #tpu.memory_space<hbm>>
      tpu.enqueue_dma source(%dma_start3A_250 : memref<200xi32, #tpu.memory_space<hbm>>) target(%arg6 : memref<200xi32, #tpu.memory_space<vmem>>) target_semaphore(%run_scoped3A : memref<!tpu.dma_semaphore, #tpu.memory_space<semaphore_mem>>)
      %dma_wait3A_251 = tpu.memref_slice %arg3[%add3A_85] : memref<160000xi32, #tpu.memory_space<hbm>> -> memref<200xi32, #tpu.memory_space<hbm>>
      %dma_wait3A_252 = tpu.memref_slice %arg3[%add3A_85] : memref<160000xi32, #tpu.memory_space<hbm>> -> memref<200xi32, #tpu.memory_space<hbm>>
      tpu.wait_dma2 semaphore(%run_scoped3A : memref<!tpu.dma_semaphore, #tpu.memory_space<semaphore_mem>>) src(%dma_wait3A_252 : memref<200xi32, #tpu.memory_space<hbm>>) dst(%arg6 : memref<200xi32, #tpu.memory_space<vmem>>)
      tpu.yield
    }) : () -> ()
    %dma_start3A_86 = arith.constant 0 : i32
    %dma_start3A_87 = arith.constant 0 : i32
    %dma_start3A_88 = tpu.memref_slice %arg2[%dma_start3A_86, %dma_start3A_87] : memref<10000x128xf32, #tpu.memory_space<hbm>> -> memref<10000x128xf32, #tpu.memory_space<hbm>>
    tpu.enqueue_indirect_dma source(%dma_start3A_88 : memref<10000x128xf32, #tpu.memory_space<hbm>>) target(%arg8 : memref<200x128xf32, #tpu.memory_space<vmem>>) offsets(%arg6 : memref<200xi32, #tpu.memory_space<vmem>>) semaphore(%arg10 : memref<!tpu.dma_semaphore, #tpu.memory_space<semaphore_mem>>)
    %dma_wait3A_89 = arith.constant 0 : i32
    %dma_wait3A_90 = arith.constant 0 : i32
    %dma_wait3A_91 = tpu.memref_slice %arg2[%dma_wait3A_89, %dma_wait3A_90] : memref<10000x128xf32, #tpu.memory_space<hbm>> -> memref<10000x128xf32, #tpu.memory_space<hbm>>
    tpu.wait_indirect_dma semaphore(%arg9 : memref<!tpu.dma_semaphore, #tpu.memory_space<semaphore_mem>>) src(%dma_wait3A_91 : memref<10000x128xf32, #tpu.memory_space<hbm>>) dst(%arg7 : memref<200x128xf32, #tpu.memory_space<vmem>>)
    %add3A_92 = arith.constant 1600 : i32
    %add3A_93 = arith.addi %mul3A_2, %add3A_92 : i32
    "tpu.region"() ({
      %run_scoped3A = tpu.sem_alloc : memref<!tpu.dma_semaphore, #tpu.memory_space<semaphore_mem>>
      %dma_start3A_249 = arith.constant 0 : i32
      %dma_start3A_250 = tpu.memref_slice %arg4[%add3A_93, %dma_start3A_249] : memref<160000x128xf32, #tpu.memory_space<hbm>> -> memref<200x128xf32, #tpu.memory_space<hbm>>
      %dma_start3A_251 = arith.constant 0 : i32
      %dma_start3A_252 = tpu.memref_slice %arg4[%add3A_93, %dma_start3A_251] : memref<160000x128xf32, #tpu.memory_space<hbm>> -> memref<200x128xf32, #tpu.memory_space<hbm>>
      tpu.enqueue_dma source(%arg7 : memref<200x128xf32, #tpu.memory_space<vmem>>) target(%dma_start3A_252 : memref<200x128xf32, #tpu.memory_space<hbm>>) target_semaphore(%run_scoped3A : memref<!tpu.dma_semaphore, #tpu.memory_space<semaphore_mem>>)
      %dma_wait3A_253 = arith.constant 0 : i32
      %dma_wait3A_254 = tpu.memref_slice %arg4[%add3A_93, %dma_wait3A_253] : memref<160000x128xf32, #tpu.memory_space<hbm>> -> memref<200x128xf32, #tpu.memory_space<hbm>>
      %dma_wait3A_255 = arith.constant 0 : i32
      %dma_wait3A_256 = tpu.memref_slice %arg4[%add3A_93, %dma_wait3A_255] : memref<160000x128xf32, #tpu.memory_space<hbm>> -> memref<200x128xf32, #tpu.memory_space<hbm>>
      tpu.wait_dma2 semaphore(%run_scoped3A : memref<!tpu.dma_semaphore, #tpu.memory_space<semaphore_mem>>) src(%arg7 : memref<200x128xf32, #tpu.memory_space<vmem>>) dst(%dma_wait3A_256 : memref<200x128xf32, #tpu.memory_space<hbm>>)
      tpu.yield
    }) : () -> ()
    %add3A_94 = arith.constant 2000 : i32
    %add3A_95 = arith.addi %mul3A_2, %add3A_94 : i32
    "tpu.region"() ({
      %run_scoped3A = tpu.sem_alloc : memref<!tpu.dma_semaphore, #tpu.memory_space<semaphore_mem>>
      %dma_start3A_249 = tpu.memref_slice %arg3[%add3A_95] : memref<160000xi32, #tpu.memory_space<hbm>> -> memref<200xi32, #tpu.memory_space<hbm>>
      %dma_start3A_250 = tpu.memref_slice %arg3[%add3A_95] : memref<160000xi32, #tpu.memory_space<hbm>> -> memref<200xi32, #tpu.memory_space<hbm>>
      tpu.enqueue_dma source(%dma_start3A_250 : memref<200xi32, #tpu.memory_space<hbm>>) target(%arg5 : memref<200xi32, #tpu.memory_space<vmem>>) target_semaphore(%run_scoped3A : memref<!tpu.dma_semaphore, #tpu.memory_space<semaphore_mem>>)
      %dma_wait3A_251 = tpu.memref_slice %arg3[%add3A_95] : memref<160000xi32, #tpu.memory_space<hbm>> -> memref<200xi32, #tpu.memory_space<hbm>>
      %dma_wait3A_252 = tpu.memref_slice %arg3[%add3A_95] : memref<160000xi32, #tpu.memory_space<hbm>> -> memref<200xi32, #tpu.memory_space<hbm>>
      tpu.wait_dma2 semaphore(%run_scoped3A : memref<!tpu.dma_semaphore, #tpu.memory_space<semaphore_mem>>) src(%dma_wait3A_252 : memref<200xi32, #tpu.memory_space<hbm>>) dst(%arg5 : memref<200xi32, #tpu.memory_space<vmem>>)
      tpu.yield
    }) : () -> ()
    %dma_start3A_96 = arith.constant 0 : i32
    %dma_start3A_97 = arith.constant 0 : i32
    %dma_start3A_98 = tpu.memref_slice %arg2[%dma_start3A_96, %dma_start3A_97] : memref<10000x128xf32, #tpu.memory_space<hbm>> -> memref<10000x128xf32, #tpu.memory_space<hbm>>
    tpu.enqueue_indirect_dma source(%dma_start3A_98 : memref<10000x128xf32, #tpu.memory_space<hbm>>) target(%arg7 : memref<200x128xf32, #tpu.memory_space<vmem>>) offsets(%arg5 : memref<200xi32, #tpu.memory_space<vmem>>) semaphore(%arg9 : memref<!tpu.dma_semaphore, #tpu.memory_space<semaphore_mem>>)
    %dma_wait3A_99 = arith.constant 0 : i32
    %dma_wait3A_100 = arith.constant 0 : i32
    %dma_wait3A_101 = tpu.memref_slice %arg2[%dma_wait3A_99, %dma_wait3A_100] : memref<10000x128xf32, #tpu.memory_space<hbm>> -> memref<10000x128xf32, #tpu.memory_space<hbm>>
    tpu.wait_indirect_dma semaphore(%arg10 : memref<!tpu.dma_semaphore, #tpu.memory_space<semaphore_mem>>) src(%dma_wait3A_101 : memref<10000x128xf32, #tpu.memory_space<hbm>>) dst(%arg8 : memref<200x128xf32, #tpu.memory_space<vmem>>)
    %add3A_102 = arith.constant 1800 : i32
    %add3A_103 = arith.addi %mul3A_2, %add3A_102 : i32
    "tpu.region"() ({
      %run_scoped3A = tpu.sem_alloc : memref<!tpu.dma_semaphore, #tpu.memory_space<semaphore_mem>>
      %dma_start3A_249 = arith.constant 0 : i32
      %dma_start3A_250 = tpu.memref_slice %arg4[%add3A_103, %dma_start3A_249] : memref<160000x128xf32, #tpu.memory_space<hbm>> -> memref<200x128xf32, #tpu.memory_space<hbm>>
      %dma_start3A_251 = arith.constant 0 : i32
      %dma_start3A_252 = tpu.memref_slice %arg4[%add3A_103, %dma_start3A_251] : memref<160000x128xf32, #tpu.memory_space<hbm>> -> memref<200x128xf32, #tpu.memory_space<hbm>>
      tpu.enqueue_dma source(%arg8 : memref<200x128xf32, #tpu.memory_space<vmem>>) target(%dma_start3A_252 : memref<200x128xf32, #tpu.memory_space<hbm>>) target_semaphore(%run_scoped3A : memref<!tpu.dma_semaphore, #tpu.memory_space<semaphore_mem>>)
      %dma_wait3A_253 = arith.constant 0 : i32
      %dma_wait3A_254 = tpu.memref_slice %arg4[%add3A_103, %dma_wait3A_253] : memref<160000x128xf32, #tpu.memory_space<hbm>> -> memref<200x128xf32, #tpu.memory_space<hbm>>
      %dma_wait3A_255 = arith.constant 0 : i32
      %dma_wait3A_256 = tpu.memref_slice %arg4[%add3A_103, %dma_wait3A_255] : memref<160000x128xf32, #tpu.memory_space<hbm>> -> memref<200x128xf32, #tpu.memory_space<hbm>>
      tpu.wait_dma2 semaphore(%run_scoped3A : memref<!tpu.dma_semaphore, #tpu.memory_space<semaphore_mem>>) src(%arg8 : memref<200x128xf32, #tpu.memory_space<vmem>>) dst(%dma_wait3A_256 : memref<200x128xf32, #tpu.memory_space<hbm>>)
      tpu.yield
    }) : () -> ()
    %add3A_104 = arith.constant 2200 : i32
    %add3A_105 = arith.addi %mul3A_2, %add3A_104 : i32
    "tpu.region"() ({
      %run_scoped3A = tpu.sem_alloc : memref<!tpu.dma_semaphore, #tpu.memory_space<semaphore_mem>>
      %dma_start3A_249 = tpu.memref_slice %arg3[%add3A_105] : memref<160000xi32, #tpu.memory_space<hbm>> -> memref<200xi32, #tpu.memory_space<hbm>>
      %dma_start3A_250 = tpu.memref_slice %arg3[%add3A_105] : memref<160000xi32, #tpu.memory_space<hbm>> -> memref<200xi32, #tpu.memory_space<hbm>>
      tpu.enqueue_dma source(%dma_start3A_250 : memref<200xi32, #tpu.memory_space<hbm>>) target(%arg6 : memref<200xi32, #tpu.memory_space<vmem>>) target_semaphore(%run_scoped3A : memref<!tpu.dma_semaphore, #tpu.memory_space<semaphore_mem>>)
      %dma_wait3A_251 = tpu.memref_slice %arg3[%add3A_105] : memref<160000xi32, #tpu.memory_space<hbm>> -> memref<200xi32, #tpu.memory_space<hbm>>
      %dma_wait3A_252 = tpu.memref_slice %arg3[%add3A_105] : memref<160000xi32, #tpu.memory_space<hbm>> -> memref<200xi32, #tpu.memory_space<hbm>>
      tpu.wait_dma2 semaphore(%run_scoped3A : memref<!tpu.dma_semaphore, #tpu.memory_space<semaphore_mem>>) src(%dma_wait3A_252 : memref<200xi32, #tpu.memory_space<hbm>>) dst(%arg6 : memref<200xi32, #tpu.memory_space<vmem>>)
      tpu.yield
    }) : () -> ()
    %dma_start3A_106 = arith.constant 0 : i32
    %dma_start3A_107 = arith.constant 0 : i32
    %dma_start3A_108 = tpu.memref_slice %arg2[%dma_start3A_106, %dma_start3A_107] : memref<10000x128xf32, #tpu.memory_space<hbm>> -> memref<10000x128xf32, #tpu.memory_space<hbm>>
    tpu.enqueue_indirect_dma source(%dma_start3A_108 : memref<10000x128xf32, #tpu.memory_space<hbm>>) target(%arg8 : memref<200x128xf32, #tpu.memory_space<vmem>>) offsets(%arg6 : memref<200xi32, #tpu.memory_space<vmem>>) semaphore(%arg10 : memref<!tpu.dma_semaphore, #tpu.memory_space<semaphore_mem>>)
    %dma_wait3A_109 = arith.constant 0 : i32
    %dma_wait3A_110 = arith.constant 0 : i32
    %dma_wait3A_111 = tpu.memref_slice %arg2[%dma_wait3A_109, %dma_wait3A_110] : memref<10000x128xf32, #tpu.memory_space<hbm>> -> memref<10000x128xf32, #tpu.memory_space<hbm>>
    tpu.wait_indirect_dma semaphore(%arg9 : memref<!tpu.dma_semaphore, #tpu.memory_space<semaphore_mem>>) src(%dma_wait3A_111 : memref<10000x128xf32, #tpu.memory_space<hbm>>) dst(%arg7 : memref<200x128xf32, #tpu.memory_space<vmem>>)
    %add3A_112 = arith.constant 2000 : i32
    %add3A_113 = arith.addi %mul3A_2, %add3A_112 : i32
    "tpu.region"() ({
      %run_scoped3A = tpu.sem_alloc : memref<!tpu.dma_semaphore, #tpu.memory_space<semaphore_mem>>
      %dma_start3A_249 = arith.constant 0 : i32
      %dma_start3A_250 = tpu.memref_slice %arg4[%add3A_113, %dma_start3A_249] : memref<160000x128xf32, #tpu.memory_space<hbm>> -> memref<200x128xf32, #tpu.memory_space<hbm>>
      %dma_start3A_251 = arith.constant 0 : i32
      %dma_start3A_252 = tpu.memref_slice %arg4[%add3A_113, %dma_start3A_251] : memref<160000x128xf32, #tpu.memory_space<hbm>> -> memref<200x128xf32, #tpu.memory_space<hbm>>
      tpu.enqueue_dma source(%arg7 : memref<200x128xf32, #tpu.memory_space<vmem>>) target(%dma_start3A_252 : memref<200x128xf32, #tpu.memory_space<hbm>>) target_semaphore(%run_scoped3A : memref<!tpu.dma_semaphore, #tpu.memory_space<semaphore_mem>>)
      %dma_wait3A_253 = arith.constant 0 : i32
      %dma_wait3A_254 = tpu.memref_slice %arg4[%add3A_113, %dma_wait3A_253] : memref<160000x128xf32, #tpu.memory_space<hbm>> -> memref<200x128xf32, #tpu.memory_space<hbm>>
      %dma_wait3A_255 = arith.constant 0 : i32
      %dma_wait3A_256 = tpu.memref_slice %arg4[%add3A_113, %dma_wait3A_255] : memref<160000x128xf32, #tpu.memory_space<hbm>> -> memref<200x128xf32, #tpu.memory_space<hbm>>
      tpu.wait_dma2 semaphore(%run_scoped3A : memref<!tpu.dma_semaphore, #tpu.memory_space<semaphore_mem>>) src(%arg7 : memref<200x128xf32, #tpu.memory_space<vmem>>) dst(%dma_wait3A_256 : memref<200x128xf32, #tpu.memory_space<hbm>>)
      tpu.yield
    }) : () -> ()
    %add3A_114 = arith.constant 2400 : i32
    %add3A_115 = arith.addi %mul3A_2, %add3A_114 : i32
    "tpu.region"() ({
      %run_scoped3A = tpu.sem_alloc : memref<!tpu.dma_semaphore, #tpu.memory_space<semaphore_mem>>
      %dma_start3A_249 = tpu.memref_slice %arg3[%add3A_115] : memref<160000xi32, #tpu.memory_space<hbm>> -> memref<200xi32, #tpu.memory_space<hbm>>
      %dma_start3A_250 = tpu.memref_slice %arg3[%add3A_115] : memref<160000xi32, #tpu.memory_space<hbm>> -> memref<200xi32, #tpu.memory_space<hbm>>
      tpu.enqueue_dma source(%dma_start3A_250 : memref<200xi32, #tpu.memory_space<hbm>>) target(%arg5 : memref<200xi32, #tpu.memory_space<vmem>>) target_semaphore(%run_scoped3A : memref<!tpu.dma_semaphore, #tpu.memory_space<semaphore_mem>>)
      %dma_wait3A_251 = tpu.memref_slice %arg3[%add3A_115] : memref<160000xi32, #tpu.memory_space<hbm>> -> memref<200xi32, #tpu.memory_space<hbm>>
      %dma_wait3A_252 = tpu.memref_slice %arg3[%add3A_115] : memref<160000xi32, #tpu.memory_space<hbm>> -> memref<200xi32, #tpu.memory_space<hbm>>
      tpu.wait_dma2 semaphore(%run_scoped3A : memref<!tpu.dma_semaphore, #tpu.memory_space<semaphore_mem>>) src(%dma_wait3A_252 : memref<200xi32, #tpu.memory_space<hbm>>) dst(%arg5 : memref<200xi32, #tpu.memory_space<vmem>>)
      tpu.yield
    }) : () -> ()
    %dma_start3A_116 = arith.constant 0 : i32
    %dma_start3A_117 = arith.constant 0 : i32
    %dma_start3A_118 = tpu.memref_slice %arg2[%dma_start3A_116, %dma_start3A_117] : memref<10000x128xf32, #tpu.memory_space<hbm>> -> memref<10000x128xf32, #tpu.memory_space<hbm>>
    tpu.enqueue_indirect_dma source(%dma_start3A_118 : memref<10000x128xf32, #tpu.memory_space<hbm>>) target(%arg7 : memref<200x128xf32, #tpu.memory_space<vmem>>) offsets(%arg5 : memref<200xi32, #tpu.memory_space<vmem>>) semaphore(%arg9 : memref<!tpu.dma_semaphore, #tpu.memory_space<semaphore_mem>>)
    %dma_wait3A_119 = arith.constant 0 : i32
    %dma_wait3A_120 = arith.constant 0 : i32
    %dma_wait3A_121 = tpu.memref_slice %arg2[%dma_wait3A_119, %dma_wait3A_120] : memref<10000x128xf32, #tpu.memory_space<hbm>> -> memref<10000x128xf32, #tpu.memory_space<hbm>>
    tpu.wait_indirect_dma semaphore(%arg10 : memref<!tpu.dma_semaphore, #tpu.memory_space<semaphore_mem>>) src(%dma_wait3A_121 : memref<10000x128xf32, #tpu.memory_space<hbm>>) dst(%arg8 : memref<200x128xf32, #tpu.memory_space<vmem>>)
    %add3A_122 = arith.constant 2200 : i32
    %add3A_123 = arith.addi %mul3A_2, %add3A_122 : i32
    "tpu.region"() ({
      %run_scoped3A = tpu.sem_alloc : memref<!tpu.dma_semaphore, #tpu.memory_space<semaphore_mem>>
      %dma_start3A_249 = arith.constant 0 : i32
      %dma_start3A_250 = tpu.memref_slice %arg4[%add3A_123, %dma_start3A_249] : memref<160000x128xf32, #tpu.memory_space<hbm>> -> memref<200x128xf32, #tpu.memory_space<hbm>>
      %dma_start3A_251 = arith.constant 0 : i32
      %dma_start3A_252 = tpu.memref_slice %arg4[%add3A_123, %dma_start3A_251] : memref<160000x128xf32, #tpu.memory_space<hbm>> -> memref<200x128xf32, #tpu.memory_space<hbm>>
      tpu.enqueue_dma source(%arg8 : memref<200x128xf32, #tpu.memory_space<vmem>>) target(%dma_start3A_252 : memref<200x128xf32, #tpu.memory_space<hbm>>) target_semaphore(%run_scoped3A : memref<!tpu.dma_semaphore, #tpu.memory_space<semaphore_mem>>)
      %dma_wait3A_253 = arith.constant 0 : i32
      %dma_wait3A_254 = tpu.memref_slice %arg4[%add3A_123, %dma_wait3A_253] : memref<160000x128xf32, #tpu.memory_space<hbm>> -> memref<200x128xf32, #tpu.memory_space<hbm>>
      %dma_wait3A_255 = arith.constant 0 : i32
      %dma_wait3A_256 = tpu.memref_slice %arg4[%add3A_123, %dma_wait3A_255] : memref<160000x128xf32, #tpu.memory_space<hbm>> -> memref<200x128xf32, #tpu.memory_space<hbm>>
      tpu.wait_dma2 semaphore(%run_scoped3A : memref<!tpu.dma_semaphore, #tpu.memory_space<semaphore_mem>>) src(%arg8 : memref<200x128xf32, #tpu.memory_space<vmem>>) dst(%dma_wait3A_256 : memref<200x128xf32, #tpu.memory_space<hbm>>)
      tpu.yield
    }) : () -> ()
    %add3A_124 = arith.constant 2600 : i32
    %add3A_125 = arith.addi %mul3A_2, %add3A_124 : i32
    "tpu.region"() ({
      %run_scoped3A = tpu.sem_alloc : memref<!tpu.dma_semaphore, #tpu.memory_space<semaphore_mem>>
      %dma_start3A_249 = tpu.memref_slice %arg3[%add3A_125] : memref<160000xi32, #tpu.memory_space<hbm>> -> memref<200xi32, #tpu.memory_space<hbm>>
      %dma_start3A_250 = tpu.memref_slice %arg3[%add3A_125] : memref<160000xi32, #tpu.memory_space<hbm>> -> memref<200xi32, #tpu.memory_space<hbm>>
      tpu.enqueue_dma source(%dma_start3A_250 : memref<200xi32, #tpu.memory_space<hbm>>) target(%arg6 : memref<200xi32, #tpu.memory_space<vmem>>) target_semaphore(%run_scoped3A : memref<!tpu.dma_semaphore, #tpu.memory_space<semaphore_mem>>)
      %dma_wait3A_251 = tpu.memref_slice %arg3[%add3A_125] : memref<160000xi32, #tpu.memory_space<hbm>> -> memref<200xi32, #tpu.memory_space<hbm>>
      %dma_wait3A_252 = tpu.memref_slice %arg3[%add3A_125] : memref<160000xi32, #tpu.memory_space<hbm>> -> memref<200xi32, #tpu.memory_space<hbm>>
      tpu.wait_dma2 semaphore(%run_scoped3A : memref<!tpu.dma_semaphore, #tpu.memory_space<semaphore_mem>>) src(%dma_wait3A_252 : memref<200xi32, #tpu.memory_space<hbm>>) dst(%arg6 : memref<200xi32, #tpu.memory_space<vmem>>)
      tpu.yield
    }) : () -> ()
    %dma_start3A_126 = arith.constant 0 : i32
    %dma_start3A_127 = arith.constant 0 : i32
    %dma_start3A_128 = tpu.memref_slice %arg2[%dma_start3A_126, %dma_start3A_127] : memref<10000x128xf32, #tpu.memory_space<hbm>> -> memref<10000x128xf32, #tpu.memory_space<hbm>>
    tpu.enqueue_indirect_dma source(%dma_start3A_128 : memref<10000x128xf32, #tpu.memory_space<hbm>>) target(%arg8 : memref<200x128xf32, #tpu.memory_space<vmem>>) offsets(%arg6 : memref<200xi32, #tpu.memory_space<vmem>>) semaphore(%arg10 : memref<!tpu.dma_semaphore, #tpu.memory_space<semaphore_mem>>)
    %dma_wait3A_129 = arith.constant 0 : i32
    %dma_wait3A_130 = arith.constant 0 : i32
    %dma_wait3A_131 = tpu.memref_slice %arg2[%dma_wait3A_129, %dma_wait3A_130] : memref<10000x128xf32, #tpu.memory_space<hbm>> -> memref<10000x128xf32, #tpu.memory_space<hbm>>
    tpu.wait_indirect_dma semaphore(%arg9 : memref<!tpu.dma_semaphore, #tpu.memory_space<semaphore_mem>>) src(%dma_wait3A_131 : memref<10000x128xf32, #tpu.memory_space<hbm>>) dst(%arg7 : memref<200x128xf32, #tpu.memory_space<vmem>>)
    %add3A_132 = arith.constant 2400 : i32
    %add3A_133 = arith.addi %mul3A_2, %add3A_132 : i32
    "tpu.region"() ({
      %run_scoped3A = tpu.sem_alloc : memref<!tpu.dma_semaphore, #tpu.memory_space<semaphore_mem>>
      %dma_start3A_249 = arith.constant 0 : i32
      %dma_start3A_250 = tpu.memref_slice %arg4[%add3A_133, %dma_start3A_249] : memref<160000x128xf32, #tpu.memory_space<hbm>> -> memref<200x128xf32, #tpu.memory_space<hbm>>
      %dma_start3A_251 = arith.constant 0 : i32
      %dma_start3A_252 = tpu.memref_slice %arg4[%add3A_133, %dma_start3A_251] : memref<160000x128xf32, #tpu.memory_space<hbm>> -> memref<200x128xf32, #tpu.memory_space<hbm>>
      tpu.enqueue_dma source(%arg7 : memref<200x128xf32, #tpu.memory_space<vmem>>) target(%dma_start3A_252 : memref<200x128xf32, #tpu.memory_space<hbm>>) target_semaphore(%run_scoped3A : memref<!tpu.dma_semaphore, #tpu.memory_space<semaphore_mem>>)
      %dma_wait3A_253 = arith.constant 0 : i32
      %dma_wait3A_254 = tpu.memref_slice %arg4[%add3A_133, %dma_wait3A_253] : memref<160000x128xf32, #tpu.memory_space<hbm>> -> memref<200x128xf32, #tpu.memory_space<hbm>>
      %dma_wait3A_255 = arith.constant 0 : i32
      %dma_wait3A_256 = tpu.memref_slice %arg4[%add3A_133, %dma_wait3A_255] : memref<160000x128xf32, #tpu.memory_space<hbm>> -> memref<200x128xf32, #tpu.memory_space<hbm>>
      tpu.wait_dma2 semaphore(%run_scoped3A : memref<!tpu.dma_semaphore, #tpu.memory_space<semaphore_mem>>) src(%arg7 : memref<200x128xf32, #tpu.memory_space<vmem>>) dst(%dma_wait3A_256 : memref<200x128xf32, #tpu.memory_space<hbm>>)
      tpu.yield
    }) : () -> ()
    %add3A_134 = arith.constant 2800 : i32
    %add3A_135 = arith.addi %mul3A_2, %add3A_134 : i32
    "tpu.region"() ({
      %run_scoped3A = tpu.sem_alloc : memref<!tpu.dma_semaphore, #tpu.memory_space<semaphore_mem>>
      %dma_start3A_249 = tpu.memref_slice %arg3[%add3A_135] : memref<160000xi32, #tpu.memory_space<hbm>> -> memref<200xi32, #tpu.memory_space<hbm>>
      %dma_start3A_250 = tpu.memref_slice %arg3[%add3A_135] : memref<160000xi32, #tpu.memory_space<hbm>> -> memref<200xi32, #tpu.memory_space<hbm>>
      tpu.enqueue_dma source(%dma_start3A_250 : memref<200xi32, #tpu.memory_space<hbm>>) target(%arg5 : memref<200xi32, #tpu.memory_space<vmem>>) target_semaphore(%run_scoped3A : memref<!tpu.dma_semaphore, #tpu.memory_space<semaphore_mem>>)
      %dma_wait3A_251 = tpu.memref_slice %arg3[%add3A_135] : memref<160000xi32, #tpu.memory_space<hbm>> -> memref<200xi32, #tpu.memory_space<hbm>>
      %dma_wait3A_252 = tpu.memref_slice %arg3[%add3A_135] : memref<160000xi32, #tpu.memory_space<hbm>> -> memref<200xi32, #tpu.memory_space<hbm>>
      tpu.wait_dma2 semaphore(%run_scoped3A : memref<!tpu.dma_semaphore, #tpu.memory_space<semaphore_mem>>) src(%dma_wait3A_252 : memref<200xi32, #tpu.memory_space<hbm>>) dst(%arg5 : memref<200xi32, #tpu.memory_space<vmem>>)
      tpu.yield
    }) : () -> ()
    %dma_start3A_136 = arith.constant 0 : i32
    %dma_start3A_137 = arith.constant 0 : i32
    %dma_start3A_138 = tpu.memref_slice %arg2[%dma_start3A_136, %dma_start3A_137] : memref<10000x128xf32, #tpu.memory_space<hbm>> -> memref<10000x128xf32, #tpu.memory_space<hbm>>
    tpu.enqueue_indirect_dma source(%dma_start3A_138 : memref<10000x128xf32, #tpu.memory_space<hbm>>) target(%arg7 : memref<200x128xf32, #tpu.memory_space<vmem>>) offsets(%arg5 : memref<200xi32, #tpu.memory_space<vmem>>) semaphore(%arg9 : memref<!tpu.dma_semaphore, #tpu.memory_space<semaphore_mem>>)
    %dma_wait3A_139 = arith.constant 0 : i32
    %dma_wait3A_140 = arith.constant 0 : i32
    %dma_wait3A_141 = tpu.memref_slice %arg2[%dma_wait3A_139, %dma_wait3A_140] : memref<10000x128xf32, #tpu.memory_space<hbm>> -> memref<10000x128xf32, #tpu.memory_space<hbm>>
    tpu.wait_indirect_dma semaphore(%arg10 : memref<!tpu.dma_semaphore, #tpu.memory_space<semaphore_mem>>) src(%dma_wait3A_141 : memref<10000x128xf32, #tpu.memory_space<hbm>>) dst(%arg8 : memref<200x128xf32, #tpu.memory_space<vmem>>)
    %add3A_142 = arith.constant 2600 : i32
    %add3A_143 = arith.addi %mul3A_2, %add3A_142 : i32
    "tpu.region"() ({
      %run_scoped3A = tpu.sem_alloc : memref<!tpu.dma_semaphore, #tpu.memory_space<semaphore_mem>>
      %dma_start3A_249 = arith.constant 0 : i32
      %dma_start3A_250 = tpu.memref_slice %arg4[%add3A_143, %dma_start3A_249] : memref<160000x128xf32, #tpu.memory_space<hbm>> -> memref<200x128xf32, #tpu.memory_space<hbm>>
      %dma_start3A_251 = arith.constant 0 : i32
      %dma_start3A_252 = tpu.memref_slice %arg4[%add3A_143, %dma_start3A_251] : memref<160000x128xf32, #tpu.memory_space<hbm>> -> memref<200x128xf32, #tpu.memory_space<hbm>>
      tpu.enqueue_dma source(%arg8 : memref<200x128xf32, #tpu.memory_space<vmem>>) target(%dma_start3A_252 : memref<200x128xf32, #tpu.memory_space<hbm>>) target_semaphore(%run_scoped3A : memref<!tpu.dma_semaphore, #tpu.memory_space<semaphore_mem>>)
      %dma_wait3A_253 = arith.constant 0 : i32
      %dma_wait3A_254 = tpu.memref_slice %arg4[%add3A_143, %dma_wait3A_253] : memref<160000x128xf32, #tpu.memory_space<hbm>> -> memref<200x128xf32, #tpu.memory_space<hbm>>
      %dma_wait3A_255 = arith.constant 0 : i32
      %dma_wait3A_256 = tpu.memref_slice %arg4[%add3A_143, %dma_wait3A_255] : memref<160000x128xf32, #tpu.memory_space<hbm>> -> memref<200x128xf32, #tpu.memory_space<hbm>>
      tpu.wait_dma2 semaphore(%run_scoped3A : memref<!tpu.dma_semaphore, #tpu.memory_space<semaphore_mem>>) src(%arg8 : memref<200x128xf32, #tpu.memory_space<vmem>>) dst(%dma_wait3A_256 : memref<200x128xf32, #tpu.memory_space<hbm>>)
      tpu.yield
    }) : () -> ()
    %add3A_144 = arith.constant 3000 : i32
    %add3A_145 = arith.addi %mul3A_2, %add3A_144 : i32
    "tpu.region"() ({
      %run_scoped3A = tpu.sem_alloc : memref<!tpu.dma_semaphore, #tpu.memory_space<semaphore_mem>>
      %dma_start3A_249 = tpu.memref_slice %arg3[%add3A_145] : memref<160000xi32, #tpu.memory_space<hbm>> -> memref<200xi32, #tpu.memory_space<hbm>>
      %dma_start3A_250 = tpu.memref_slice %arg3[%add3A_145] : memref<160000xi32, #tpu.memory_space<hbm>> -> memref<200xi32, #tpu.memory_space<hbm>>
      tpu.enqueue_dma source(%dma_start3A_250 : memref<200xi32, #tpu.memory_space<hbm>>) target(%arg6 : memref<200xi32, #tpu.memory_space<vmem>>) target_semaphore(%run_scoped3A : memref<!tpu.dma_semaphore, #tpu.memory_space<semaphore_mem>>)
      %dma_wait3A_251 = tpu.memref_slice %arg3[%add3A_145] : memref<160000xi32, #tpu.memory_space<hbm>> -> memref<200xi32, #tpu.memory_space<hbm>>
      %dma_wait3A_252 = tpu.memref_slice %arg3[%add3A_145] : memref<160000xi32, #tpu.memory_space<hbm>> -> memref<200xi32, #tpu.memory_space<hbm>>
      tpu.wait_dma2 semaphore(%run_scoped3A : memref<!tpu.dma_semaphore, #tpu.memory_space<semaphore_mem>>) src(%dma_wait3A_252 : memref<200xi32, #tpu.memory_space<hbm>>) dst(%arg6 : memref<200xi32, #tpu.memory_space<vmem>>)
      tpu.yield
    }) : () -> ()
    %dma_start3A_146 = arith.constant 0 : i32
    %dma_start3A_147 = arith.constant 0 : i32
    %dma_start3A_148 = tpu.memref_slice %arg2[%dma_start3A_146, %dma_start3A_147] : memref<10000x128xf32, #tpu.memory_space<hbm>> -> memref<10000x128xf32, #tpu.memory_space<hbm>>
    tpu.enqueue_indirect_dma source(%dma_start3A_148 : memref<10000x128xf32, #tpu.memory_space<hbm>>) target(%arg8 : memref<200x128xf32, #tpu.memory_space<vmem>>) offsets(%arg6 : memref<200xi32, #tpu.memory_space<vmem>>) semaphore(%arg10 : memref<!tpu.dma_semaphore, #tpu.memory_space<semaphore_mem>>)
    %dma_wait3A_149 = arith.constant 0 : i32
    %dma_wait3A_150 = arith.constant 0 : i32
    %dma_wait3A_151 = tpu.memref_slice %arg2[%dma_wait3A_149, %dma_wait3A_150] : memref<10000x128xf32, #tpu.memory_space<hbm>> -> memref<10000x128xf32, #tpu.memory_space<hbm>>
    tpu.wait_indirect_dma semaphore(%arg9 : memref<!tpu.dma_semaphore, #tpu.memory_space<semaphore_mem>>) src(%dma_wait3A_151 : memref<10000x128xf32, #tpu.memory_space<hbm>>) dst(%arg7 : memref<200x128xf32, #tpu.memory_space<vmem>>)
    %add3A_152 = arith.constant 2800 : i32
    %add3A_153 = arith.addi %mul3A_2, %add3A_152 : i32
    "tpu.region"() ({
      %run_scoped3A = tpu.sem_alloc : memref<!tpu.dma_semaphore, #tpu.memory_space<semaphore_mem>>
      %dma_start3A_249 = arith.constant 0 : i32
      %dma_start3A_250 = tpu.memref_slice %arg4[%add3A_153, %dma_start3A_249] : memref<160000x128xf32, #tpu.memory_space<hbm>> -> memref<200x128xf32, #tpu.memory_space<hbm>>
      %dma_start3A_251 = arith.constant 0 : i32
      %dma_start3A_252 = tpu.memref_slice %arg4[%add3A_153, %dma_start3A_251] : memref<160000x128xf32, #tpu.memory_space<hbm>> -> memref<200x128xf32, #tpu.memory_space<hbm>>
      tpu.enqueue_dma source(%arg7 : memref<200x128xf32, #tpu.memory_space<vmem>>) target(%dma_start3A_252 : memref<200x128xf32, #tpu.memory_space<hbm>>) target_semaphore(%run_scoped3A : memref<!tpu.dma_semaphore, #tpu.memory_space<semaphore_mem>>)
      %dma_wait3A_253 = arith.constant 0 : i32
      %dma_wait3A_254 = tpu.memref_slice %arg4[%add3A_153, %dma_wait3A_253] : memref<160000x128xf32, #tpu.memory_space<hbm>> -> memref<200x128xf32, #tpu.memory_space<hbm>>
      %dma_wait3A_255 = arith.constant 0 : i32
      %dma_wait3A_256 = tpu.memref_slice %arg4[%add3A_153, %dma_wait3A_255] : memref<160000x128xf32, #tpu.memory_space<hbm>> -> memref<200x128xf32, #tpu.memory_space<hbm>>
      tpu.wait_dma2 semaphore(%run_scoped3A : memref<!tpu.dma_semaphore, #tpu.memory_space<semaphore_mem>>) src(%arg7 : memref<200x128xf32, #tpu.memory_space<vmem>>) dst(%dma_wait3A_256 : memref<200x128xf32, #tpu.memory_space<hbm>>)
      tpu.yield
    }) : () -> ()
    %add3A_154 = arith.constant 3200 : i32
    %add3A_155 = arith.addi %mul3A_2, %add3A_154 : i32
    "tpu.region"() ({
      %run_scoped3A = tpu.sem_alloc : memref<!tpu.dma_semaphore, #tpu.memory_space<semaphore_mem>>
      %dma_start3A_249 = tpu.memref_slice %arg3[%add3A_155] : memref<160000xi32, #tpu.memory_space<hbm>> -> memref<200xi32, #tpu.memory_space<hbm>>
      %dma_start3A_250 = tpu.memref_slice %arg3[%add3A_155] : memref<160000xi32, #tpu.memory_space<hbm>> -> memref<200xi32, #tpu.memory_space<hbm>>
      tpu.enqueue_dma source(%dma_start3A_250 : memref<200xi32, #tpu.memory_space<hbm>>) target(%arg5 : memref<200xi32, #tpu.memory_space<vmem>>) target_semaphore(%run_scoped3A : memref<!tpu.dma_semaphore, #tpu.memory_space<semaphore_mem>>)
      %dma_wait3A_251 = tpu.memref_slice %arg3[%add3A_155] : memref<160000xi32, #tpu.memory_space<hbm>> -> memref<200xi32, #tpu.memory_space<hbm>>
      %dma_wait3A_252 = tpu.memref_slice %arg3[%add3A_155] : memref<160000xi32, #tpu.memory_space<hbm>> -> memref<200xi32, #tpu.memory_space<hbm>>
      tpu.wait_dma2 semaphore(%run_scoped3A : memref<!tpu.dma_semaphore, #tpu.memory_space<semaphore_mem>>) src(%dma_wait3A_252 : memref<200xi32, #tpu.memory_space<hbm>>) dst(%arg5 : memref<200xi32, #tpu.memory_space<vmem>>)
      tpu.yield
    }) : () -> ()
    %dma_start3A_156 = arith.constant 0 : i32
    %dma_start3A_157 = arith.constant 0 : i32
    %dma_start3A_158 = tpu.memref_slice %arg2[%dma_start3A_156, %dma_start3A_157] : memref<10000x128xf32, #tpu.memory_space<hbm>> -> memref<10000x128xf32, #tpu.memory_space<hbm>>
    tpu.enqueue_indirect_dma source(%dma_start3A_158 : memref<10000x128xf32, #tpu.memory_space<hbm>>) target(%arg7 : memref<200x128xf32, #tpu.memory_space<vmem>>) offsets(%arg5 : memref<200xi32, #tpu.memory_space<vmem>>) semaphore(%arg9 : memref<!tpu.dma_semaphore, #tpu.memory_space<semaphore_mem>>)
    %dma_wait3A_159 = arith.constant 0 : i32
    %dma_wait3A_160 = arith.constant 0 : i32
    %dma_wait3A_161 = tpu.memref_slice %arg2[%dma_wait3A_159, %dma_wait3A_160] : memref<10000x128xf32, #tpu.memory_space<hbm>> -> memref<10000x128xf32, #tpu.memory_space<hbm>>
    tpu.wait_indirect_dma semaphore(%arg10 : memref<!tpu.dma_semaphore, #tpu.memory_space<semaphore_mem>>) src(%dma_wait3A_161 : memref<10000x128xf32, #tpu.memory_space<hbm>>) dst(%arg8 : memref<200x128xf32, #tpu.memory_space<vmem>>)
    %add3A_162 = arith.constant 3000 : i32
    %add3A_163 = arith.addi %mul3A_2, %add3A_162 : i32
    "tpu.region"() ({
      %run_scoped3A = tpu.sem_alloc : memref<!tpu.dma_semaphore, #tpu.memory_space<semaphore_mem>>
      %dma_start3A_249 = arith.constant 0 : i32
      %dma_start3A_250 = tpu.memref_slice %arg4[%add3A_163, %dma_start3A_249] : memref<160000x128xf32, #tpu.memory_space<hbm>> -> memref<200x128xf32, #tpu.memory_space<hbm>>
      %dma_start3A_251 = arith.constant 0 : i32
      %dma_start3A_252 = tpu.memref_slice %arg4[%add3A_163, %dma_start3A_251] : memref<160000x128xf32, #tpu.memory_space<hbm>> -> memref<200x128xf32, #tpu.memory_space<hbm>>
      tpu.enqueue_dma source(%arg8 : memref<200x128xf32, #tpu.memory_space<vmem>>) target(%dma_start3A_252 : memref<200x128xf32, #tpu.memory_space<hbm>>) target_semaphore(%run_scoped3A : memref<!tpu.dma_semaphore, #tpu.memory_space<semaphore_mem>>)
      %dma_wait3A_253 = arith.constant 0 : i32
      %dma_wait3A_254 = tpu.memref_slice %arg4[%add3A_163, %dma_wait3A_253] : memref<160000x128xf32, #tpu.memory_space<hbm>> -> memref<200x128xf32, #tpu.memory_space<hbm>>
      %dma_wait3A_255 = arith.constant 0 : i32
      %dma_wait3A_256 = tpu.memref_slice %arg4[%add3A_163, %dma_wait3A_255] : memref<160000x128xf32, #tpu.memory_space<hbm>> -> memref<200x128xf32, #tpu.memory_space<hbm>>
      tpu.wait_dma2 semaphore(%run_scoped3A : memref<!tpu.dma_semaphore, #tpu.memory_space<semaphore_mem>>) src(%arg8 : memref<200x128xf32, #tpu.memory_space<vmem>>) dst(%dma_wait3A_256 : memref<200x128xf32, #tpu.memory_space<hbm>>)
      tpu.yield
    }) : () -> ()
    %add3A_164 = arith.constant 3400 : i32
    %add3A_165 = arith.addi %mul3A_2, %add3A_164 : i32
    "tpu.region"() ({
      %run_scoped3A = tpu.sem_alloc : memref<!tpu.dma_semaphore, #tpu.memory_space<semaphore_mem>>
      %dma_start3A_249 = tpu.memref_slice %arg3[%add3A_165] : memref<160000xi32, #tpu.memory_space<hbm>> -> memref<200xi32, #tpu.memory_space<hbm>>
      %dma_start3A_250 = tpu.memref_slice %arg3[%add3A_165] : memref<160000xi32, #tpu.memory_space<hbm>> -> memref<200xi32, #tpu.memory_space<hbm>>
      tpu.enqueue_dma source(%dma_start3A_250 : memref<200xi32, #tpu.memory_space<hbm>>) target(%arg6 : memref<200xi32, #tpu.memory_space<vmem>>) target_semaphore(%run_scoped3A : memref<!tpu.dma_semaphore, #tpu.memory_space<semaphore_mem>>)
      %dma_wait3A_251 = tpu.memref_slice %arg3[%add3A_165] : memref<160000xi32, #tpu.memory_space<hbm>> -> memref<200xi32, #tpu.memory_space<hbm>>
      %dma_wait3A_252 = tpu.memref_slice %arg3[%add3A_165] : memref<160000xi32, #tpu.memory_space<hbm>> -> memref<200xi32, #tpu.memory_space<hbm>>
      tpu.wait_dma2 semaphore(%run_scoped3A : memref<!tpu.dma_semaphore, #tpu.memory_space<semaphore_mem>>) src(%dma_wait3A_252 : memref<200xi32, #tpu.memory_space<hbm>>) dst(%arg6 : memref<200xi32, #tpu.memory_space<vmem>>)
      tpu.yield
    }) : () -> ()
    %dma_start3A_166 = arith.constant 0 : i32
    %dma_start3A_167 = arith.constant 0 : i32
    %dma_start3A_168 = tpu.memref_slice %arg2[%dma_start3A_166, %dma_start3A_167] : memref<10000x128xf32, #tpu.memory_space<hbm>> -> memref<10000x128xf32, #tpu.memory_space<hbm>>
    tpu.enqueue_indirect_dma source(%dma_start3A_168 : memref<10000x128xf32, #tpu.memory_space<hbm>>) target(%arg8 : memref<200x128xf32, #tpu.memory_space<vmem>>) offsets(%arg6 : memref<200xi32, #tpu.memory_space<vmem>>) semaphore(%arg10 : memref<!tpu.dma_semaphore, #tpu.memory_space<semaphore_mem>>)
    %dma_wait3A_169 = arith.constant 0 : i32
    %dma_wait3A_170 = arith.constant 0 : i32
    %dma_wait3A_171 = tpu.memref_slice %arg2[%dma_wait3A_169, %dma_wait3A_170] : memref<10000x128xf32, #tpu.memory_space<hbm>> -> memref<10000x128xf32, #tpu.memory_space<hbm>>
    tpu.wait_indirect_dma semaphore(%arg9 : memref<!tpu.dma_semaphore, #tpu.memory_space<semaphore_mem>>) src(%dma_wait3A_171 : memref<10000x128xf32, #tpu.memory_space<hbm>>) dst(%arg7 : memref<200x128xf32, #tpu.memory_space<vmem>>)
    %add3A_172 = arith.constant 3200 : i32
    %add3A_173 = arith.addi %mul3A_2, %add3A_172 : i32
    "tpu.region"() ({
      %run_scoped3A = tpu.sem_alloc : memref<!tpu.dma_semaphore, #tpu.memory_space<semaphore_mem>>
      %dma_start3A_249 = arith.constant 0 : i32
      %dma_start3A_250 = tpu.memref_slice %arg4[%add3A_173, %dma_start3A_249] : memref<160000x128xf32, #tpu.memory_space<hbm>> -> memref<200x128xf32, #tpu.memory_space<hbm>>
      %dma_start3A_251 = arith.constant 0 : i32
      %dma_start3A_252 = tpu.memref_slice %arg4[%add3A_173, %dma_start3A_251] : memref<160000x128xf32, #tpu.memory_space<hbm>> -> memref<200x128xf32, #tpu.memory_space<hbm>>
      tpu.enqueue_dma source(%arg7 : memref<200x128xf32, #tpu.memory_space<vmem>>) target(%dma_start3A_252 : memref<200x128xf32, #tpu.memory_space<hbm>>) target_semaphore(%run_scoped3A : memref<!tpu.dma_semaphore, #tpu.memory_space<semaphore_mem>>)
      %dma_wait3A_253 = arith.constant 0 : i32
      %dma_wait3A_254 = tpu.memref_slice %arg4[%add3A_173, %dma_wait3A_253] : memref<160000x128xf32, #tpu.memory_space<hbm>> -> memref<200x128xf32, #tpu.memory_space<hbm>>
      %dma_wait3A_255 = arith.constant 0 : i32
      %dma_wait3A_256 = tpu.memref_slice %arg4[%add3A_173, %dma_wait3A_255] : memref<160000x128xf32, #tpu.memory_space<hbm>> -> memref<200x128xf32, #tpu.memory_space<hbm>>
      tpu.wait_dma2 semaphore(%run_scoped3A : memref<!tpu.dma_semaphore, #tpu.memory_space<semaphore_mem>>) src(%arg7 : memref<200x128xf32, #tpu.memory_space<vmem>>) dst(%dma_wait3A_256 : memref<200x128xf32, #tpu.memory_space<hbm>>)
      tpu.yield
    }) : () -> ()
    %add3A_174 = arith.constant 3600 : i32
    %add3A_175 = arith.addi %mul3A_2, %add3A_174 : i32
    "tpu.region"() ({
      %run_scoped3A = tpu.sem_alloc : memref<!tpu.dma_semaphore, #tpu.memory_space<semaphore_mem>>
      %dma_start3A_249 = tpu.memref_slice %arg3[%add3A_175] : memref<160000xi32, #tpu.memory_space<hbm>> -> memref<200xi32, #tpu.memory_space<hbm>>
      %dma_start3A_250 = tpu.memref_slice %arg3[%add3A_175] : memref<160000xi32, #tpu.memory_space<hbm>> -> memref<200xi32, #tpu.memory_space<hbm>>
      tpu.enqueue_dma source(%dma_start3A_250 : memref<200xi32, #tpu.memory_space<hbm>>) target(%arg5 : memref<200xi32, #tpu.memory_space<vmem>>) target_semaphore(%run_scoped3A : memref<!tpu.dma_semaphore, #tpu.memory_space<semaphore_mem>>)
      %dma_wait3A_251 = tpu.memref_slice %arg3[%add3A_175] : memref<160000xi32, #tpu.memory_space<hbm>> -> memref<200xi32, #tpu.memory_space<hbm>>
      %dma_wait3A_252 = tpu.memref_slice %arg3[%add3A_175] : memref<160000xi32, #tpu.memory_space<hbm>> -> memref<200xi32, #tpu.memory_space<hbm>>
      tpu.wait_dma2 semaphore(%run_scoped3A : memref<!tpu.dma_semaphore, #tpu.memory_space<semaphore_mem>>) src(%dma_wait3A_252 : memref<200xi32, #tpu.memory_space<hbm>>) dst(%arg5 : memref<200xi32, #tpu.memory_space<vmem>>)
      tpu.yield
    }) : () -> ()
    %dma_start3A_176 = arith.constant 0 : i32
    %dma_start3A_177 = arith.constant 0 : i32
    %dma_start3A_178 = tpu.memref_slice %arg2[%dma_start3A_176, %dma_start3A_177] : memref<10000x128xf32, #tpu.memory_space<hbm>> -> memref<10000x128xf32, #tpu.memory_space<hbm>>
    tpu.enqueue_indirect_dma source(%dma_start3A_178 : memref<10000x128xf32, #tpu.memory_space<hbm>>) target(%arg7 : memref<200x128xf32, #tpu.memory_space<vmem>>) offsets(%arg5 : memref<200xi32, #tpu.memory_space<vmem>>) semaphore(%arg9 : memref<!tpu.dma_semaphore, #tpu.memory_space<semaphore_mem>>)
    %dma_wait3A_179 = arith.constant 0 : i32
    %dma_wait3A_180 = arith.constant 0 : i32
    %dma_wait3A_181 = tpu.memref_slice %arg2[%dma_wait3A_179, %dma_wait3A_180] : memref<10000x128xf32, #tpu.memory_space<hbm>> -> memref<10000x128xf32, #tpu.memory_space<hbm>>
    tpu.wait_indirect_dma semaphore(%arg10 : memref<!tpu.dma_semaphore, #tpu.memory_space<semaphore_mem>>) src(%dma_wait3A_181 : memref<10000x128xf32, #tpu.memory_space<hbm>>) dst(%arg8 : memref<200x128xf32, #tpu.memory_space<vmem>>)
    %add3A_182 = arith.constant 3400 : i32
    %add3A_183 = arith.addi %mul3A_2, %add3A_182 : i32
    "tpu.region"() ({
      %run_scoped3A = tpu.sem_alloc : memref<!tpu.dma_semaphore, #tpu.memory_space<semaphore_mem>>
      %dma_start3A_249 = arith.constant 0 : i32
      %dma_start3A_250 = tpu.memref_slice %arg4[%add3A_183, %dma_start3A_249] : memref<160000x128xf32, #tpu.memory_space<hbm>> -> memref<200x128xf32, #tpu.memory_space<hbm>>
      %dma_start3A_251 = arith.constant 0 : i32
      %dma_start3A_252 = tpu.memref_slice %arg4[%add3A_183, %dma_start3A_251] : memref<160000x128xf32, #tpu.memory_space<hbm>> -> memref<200x128xf32, #tpu.memory_space<hbm>>
      tpu.enqueue_dma source(%arg8 : memref<200x128xf32, #tpu.memory_space<vmem>>) target(%dma_start3A_252 : memref<200x128xf32, #tpu.memory_space<hbm>>) target_semaphore(%run_scoped3A : memref<!tpu.dma_semaphore, #tpu.memory_space<semaphore_mem>>)
      %dma_wait3A_253 = arith.constant 0 : i32
      %dma_wait3A_254 = tpu.memref_slice %arg4[%add3A_183, %dma_wait3A_253] : memref<160000x128xf32, #tpu.memory_space<hbm>> -> memref<200x128xf32, #tpu.memory_space<hbm>>
      %dma_wait3A_255 = arith.constant 0 : i32
      %dma_wait3A_256 = tpu.memref_slice %arg4[%add3A_183, %dma_wait3A_255] : memref<160000x128xf32, #tpu.memory_space<hbm>> -> memref<200x128xf32, #tpu.memory_space<hbm>>
      tpu.wait_dma2 semaphore(%run_scoped3A : memref<!tpu.dma_semaphore, #tpu.memory_space<semaphore_mem>>) src(%arg8 : memref<200x128xf32, #tpu.memory_space<vmem>>) dst(%dma_wait3A_256 : memref<200x128xf32, #tpu.memory_space<hbm>>)
      tpu.yield
    }) : () -> ()
    %add3A_184 = arith.constant 3800 : i32
    %add3A_185 = arith.addi %mul3A_2, %add3A_184 : i32
    "tpu.region"() ({
      %run_scoped3A = tpu.sem_alloc : memref<!tpu.dma_semaphore, #tpu.memory_space<semaphore_mem>>
      %dma_start3A_249 = tpu.memref_slice %arg3[%add3A_185] : memref<160000xi32, #tpu.memory_space<hbm>> -> memref<200xi32, #tpu.memory_space<hbm>>
      %dma_start3A_250 = tpu.memref_slice %arg3[%add3A_185] : memref<160000xi32, #tpu.memory_space<hbm>> -> memref<200xi32, #tpu.memory_space<hbm>>
      tpu.enqueue_dma source(%dma_start3A_250 : memref<200xi32, #tpu.memory_space<hbm>>) target(%arg6 : memref<200xi32, #tpu.memory_space<vmem>>) target_semaphore(%run_scoped3A : memref<!tpu.dma_semaphore, #tpu.memory_space<semaphore_mem>>)
      %dma_wait3A_251 = tpu.memref_slice %arg3[%add3A_185] : memref<160000xi32, #tpu.memory_space<hbm>> -> memref<200xi32, #tpu.memory_space<hbm>>
      %dma_wait3A_252 = tpu.memref_slice %arg3[%add3A_185] : memref<160000xi32, #tpu.memory_space<hbm>> -> memref<200xi32, #tpu.memory_space<hbm>>
      tpu.wait_dma2 semaphore(%run_scoped3A : memref<!tpu.dma_semaphore, #tpu.memory_space<semaphore_mem>>) src(%dma_wait3A_252 : memref<200xi32, #tpu.memory_space<hbm>>) dst(%arg6 : memref<200xi32, #tpu.memory_space<vmem>>)
      tpu.yield
    }) : () -> ()
    %dma_start3A_186 = arith.constant 0 : i32
    %dma_start3A_187 = arith.constant 0 : i32
    %dma_start3A_188 = tpu.memref_slice %arg2[%dma_start3A_186, %dma_start3A_187] : memref<10000x128xf32, #tpu.memory_space<hbm>> -> memref<10000x128xf32, #tpu.memory_space<hbm>>
    tpu.enqueue_indirect_dma source(%dma_start3A_188 : memref<10000x128xf32, #tpu.memory_space<hbm>>) target(%arg8 : memref<200x128xf32, #tpu.memory_space<vmem>>) offsets(%arg6 : memref<200xi32, #tpu.memory_space<vmem>>) semaphore(%arg10 : memref<!tpu.dma_semaphore, #tpu.memory_space<semaphore_mem>>)
    %dma_wait3A_189 = arith.constant 0 : i32
    %dma_wait3A_190 = arith.constant 0 : i32
    %dma_wait3A_191 = tpu.memref_slice %arg2[%dma_wait3A_189, %dma_wait3A_190] : memref<10000x128xf32, #tpu.memory_space<hbm>> -> memref<10000x128xf32, #tpu.memory_space<hbm>>
    tpu.wait_indirect_dma semaphore(%arg9 : memref<!tpu.dma_semaphore, #tpu.memory_space<semaphore_mem>>) src(%dma_wait3A_191 : memref<10000x128xf32, #tpu.memory_space<hbm>>) dst(%arg7 : memref<200x128xf32, #tpu.memory_space<vmem>>)
    %add3A_192 = arith.constant 3600 : i32
    %add3A_193 = arith.addi %mul3A_2, %add3A_192 : i32
    "tpu.region"() ({
      %run_scoped3A = tpu.sem_alloc : memref<!tpu.dma_semaphore, #tpu.memory_space<semaphore_mem>>
      %dma_start3A_249 = arith.constant 0 : i32
      %dma_start3A_250 = tpu.memref_slice %arg4[%add3A_193, %dma_start3A_249] : memref<160000x128xf32, #tpu.memory_space<hbm>> -> memref<200x128xf32, #tpu.memory_space<hbm>>
      %dma_start3A_251 = arith.constant 0 : i32
      %dma_start3A_252 = tpu.memref_slice %arg4[%add3A_193, %dma_start3A_251] : memref<160000x128xf32, #tpu.memory_space<hbm>> -> memref<200x128xf32, #tpu.memory_space<hbm>>
      tpu.enqueue_dma source(%arg7 : memref<200x128xf32, #tpu.memory_space<vmem>>) target(%dma_start3A_252 : memref<200x128xf32, #tpu.memory_space<hbm>>) target_semaphore(%run_scoped3A : memref<!tpu.dma_semaphore, #tpu.memory_space<semaphore_mem>>)
      %dma_wait3A_253 = arith.constant 0 : i32
      %dma_wait3A_254 = tpu.memref_slice %arg4[%add3A_193, %dma_wait3A_253] : memref<160000x128xf32, #tpu.memory_space<hbm>> -> memref<200x128xf32, #tpu.memory_space<hbm>>
      %dma_wait3A_255 = arith.constant 0 : i32
      %dma_wait3A_256 = tpu.memref_slice %arg4[%add3A_193, %dma_wait3A_255] : memref<160000x128xf32, #tpu.memory_space<hbm>> -> memref<200x128xf32, #tpu.memory_space<hbm>>
      tpu.wait_dma2 semaphore(%run_scoped3A : memref<!tpu.dma_semaphore, #tpu.memory_space<semaphore_mem>>) src(%arg7 : memref<200x128xf32, #tpu.memory_space<vmem>>) dst(%dma_wait3A_256 : memref<200x128xf32, #tpu.memory_space<hbm>>)
      tpu.yield
    }) : () -> ()
    %add3A_194 = arith.constant 4000 : i32
    %add3A_195 = arith.addi %mul3A_2, %add3A_194 : i32
    "tpu.region"() ({
      %run_scoped3A = tpu.sem_alloc : memref<!tpu.dma_semaphore, #tpu.memory_space<semaphore_mem>>
      %dma_start3A_249 = tpu.memref_slice %arg3[%add3A_195] : memref<160000xi32, #tpu.memory_space<hbm>> -> memref<200xi32, #tpu.memory_space<hbm>>
      %dma_start3A_250 = tpu.memref_slice %arg3[%add3A_195] : memref<160000xi32, #tpu.memory_space<hbm>> -> memref<200xi32, #tpu.memory_space<hbm>>
      tpu.enqueue_dma source(%dma_start3A_250 : memref<200xi32, #tpu.memory_space<hbm>>) target(%arg5 : memref<200xi32, #tpu.memory_space<vmem>>) target_semaphore(%run_scoped3A : memref<!tpu.dma_semaphore, #tpu.memory_space<semaphore_mem>>)
      %dma_wait3A_251 = tpu.memref_slice %arg3[%add3A_195] : memref<160000xi32, #tpu.memory_space<hbm>> -> memref<200xi32, #tpu.memory_space<hbm>>
      %dma_wait3A_252 = tpu.memref_slice %arg3[%add3A_195] : memref<160000xi32, #tpu.memory_space<hbm>> -> memref<200xi32, #tpu.memory_space<hbm>>
      tpu.wait_dma2 semaphore(%run_scoped3A : memref<!tpu.dma_semaphore, #tpu.memory_space<semaphore_mem>>) src(%dma_wait3A_252 : memref<200xi32, #tpu.memory_space<hbm>>) dst(%arg5 : memref<200xi32, #tpu.memory_space<vmem>>)
      tpu.yield
    }) : () -> ()
    %dma_start3A_196 = arith.constant 0 : i32
    %dma_start3A_197 = arith.constant 0 : i32
    %dma_start3A_198 = tpu.memref_slice %arg2[%dma_start3A_196, %dma_start3A_197] : memref<10000x128xf32, #tpu.memory_space<hbm>> -> memref<10000x128xf32, #tpu.memory_space<hbm>>
    tpu.enqueue_indirect_dma source(%dma_start3A_198 : memref<10000x128xf32, #tpu.memory_space<hbm>>) target(%arg7 : memref<200x128xf32, #tpu.memory_space<vmem>>) offsets(%arg5 : memref<200xi32, #tpu.memory_space<vmem>>) semaphore(%arg9 : memref<!tpu.dma_semaphore, #tpu.memory_space<semaphore_mem>>)
    %dma_wait3A_199 = arith.constant 0 : i32
    %dma_wait3A_200 = arith.constant 0 : i32
    %dma_wait3A_201 = tpu.memref_slice %arg2[%dma_wait3A_199, %dma_wait3A_200] : memref<10000x128xf32, #tpu.memory_space<hbm>> -> memref<10000x128xf32, #tpu.memory_space<hbm>>
    tpu.wait_indirect_dma semaphore(%arg10 : memref<!tpu.dma_semaphore, #tpu.memory_space<semaphore_mem>>) src(%dma_wait3A_201 : memref<10000x128xf32, #tpu.memory_space<hbm>>) dst(%arg8 : memref<200x128xf32, #tpu.memory_space<vmem>>)
    %add3A_202 = arith.constant 3800 : i32
    %add3A_203 = arith.addi %mul3A_2, %add3A_202 : i32
    "tpu.region"() ({
      %run_scoped3A = tpu.sem_alloc : memref<!tpu.dma_semaphore, #tpu.memory_space<semaphore_mem>>
      %dma_start3A_249 = arith.constant 0 : i32
      %dma_start3A_250 = tpu.memref_slice %arg4[%add3A_203, %dma_start3A_249] : memref<160000x128xf32, #tpu.memory_space<hbm>> -> memref<200x128xf32, #tpu.memory_space<hbm>>
      %dma_start3A_251 = arith.constant 0 : i32
      %dma_start3A_252 = tpu.memref_slice %arg4[%add3A_203, %dma_start3A_251] : memref<160000x128xf32, #tpu.memory_space<hbm>> -> memref<200x128xf32, #tpu.memory_space<hbm>>
      tpu.enqueue_dma source(%arg8 : memref<200x128xf32, #tpu.memory_space<vmem>>) target(%dma_start3A_252 : memref<200x128xf32, #tpu.memory_space<hbm>>) target_semaphore(%run_scoped3A : memref<!tpu.dma_semaphore, #tpu.memory_space<semaphore_mem>>)
      %dma_wait3A_253 = arith.constant 0 : i32
      %dma_wait3A_254 = tpu.memref_slice %arg4[%add3A_203, %dma_wait3A_253] : memref<160000x128xf32, #tpu.memory_space<hbm>> -> memref<200x128xf32, #tpu.memory_space<hbm>>
      %dma_wait3A_255 = arith.constant 0 : i32
      %dma_wait3A_256 = tpu.memref_slice %arg4[%add3A_203, %dma_wait3A_255] : memref<160000x128xf32, #tpu.memory_space<hbm>> -> memref<200x128xf32, #tpu.memory_space<hbm>>
      tpu.wait_dma2 semaphore(%run_scoped3A : memref<!tpu.dma_semaphore, #tpu.memory_space<semaphore_mem>>) src(%arg8 : memref<200x128xf32, #tpu.memory_space<vmem>>) dst(%dma_wait3A_256 : memref<200x128xf32, #tpu.memory_space<hbm>>)
      tpu.yield
    }) : () -> ()
    %add3A_204 = arith.constant 4200 : i32
    %add3A_205 = arith.addi %mul3A_2, %add3A_204 : i32
    "tpu.region"() ({
      %run_scoped3A = tpu.sem_alloc : memref<!tpu.dma_semaphore, #tpu.memory_space<semaphore_mem>>
      %dma_start3A_249 = tpu.memref_slice %arg3[%add3A_205] : memref<160000xi32, #tpu.memory_space<hbm>> -> memref<200xi32, #tpu.memory_space<hbm>>
      %dma_start3A_250 = tpu.memref_slice %arg3[%add3A_205] : memref<160000xi32, #tpu.memory_space<hbm>> -> memref<200xi32, #tpu.memory_space<hbm>>
      tpu.enqueue_dma source(%dma_start3A_250 : memref<200xi32, #tpu.memory_space<hbm>>) target(%arg6 : memref<200xi32, #tpu.memory_space<vmem>>) target_semaphore(%run_scoped3A : memref<!tpu.dma_semaphore, #tpu.memory_space<semaphore_mem>>)
      %dma_wait3A_251 = tpu.memref_slice %arg3[%add3A_205] : memref<160000xi32, #tpu.memory_space<hbm>> -> memref<200xi32, #tpu.memory_space<hbm>>
      %dma_wait3A_252 = tpu.memref_slice %arg3[%add3A_205] : memref<160000xi32, #tpu.memory_space<hbm>> -> memref<200xi32, #tpu.memory_space<hbm>>
      tpu.wait_dma2 semaphore(%run_scoped3A : memref<!tpu.dma_semaphore, #tpu.memory_space<semaphore_mem>>) src(%dma_wait3A_252 : memref<200xi32, #tpu.memory_space<hbm>>) dst(%arg6 : memref<200xi32, #tpu.memory_space<vmem>>)
      tpu.yield
    }) : () -> ()
    %dma_start3A_206 = arith.constant 0 : i32
    %dma_start3A_207 = arith.constant 0 : i32
    %dma_start3A_208 = tpu.memref_slice %arg2[%dma_start3A_206, %dma_start3A_207] : memref<10000x128xf32, #tpu.memory_space<hbm>> -> memref<10000x128xf32, #tpu.memory_space<hbm>>
    tpu.enqueue_indirect_dma source(%dma_start3A_208 : memref<10000x128xf32, #tpu.memory_space<hbm>>) target(%arg8 : memref<200x128xf32, #tpu.memory_space<vmem>>) offsets(%arg6 : memref<200xi32, #tpu.memory_space<vmem>>) semaphore(%arg10 : memref<!tpu.dma_semaphore, #tpu.memory_space<semaphore_mem>>)
    %dma_wait3A_209 = arith.constant 0 : i32
    %dma_wait3A_210 = arith.constant 0 : i32
    %dma_wait3A_211 = tpu.memref_slice %arg2[%dma_wait3A_209, %dma_wait3A_210] : memref<10000x128xf32, #tpu.memory_space<hbm>> -> memref<10000x128xf32, #tpu.memory_space<hbm>>
    tpu.wait_indirect_dma semaphore(%arg9 : memref<!tpu.dma_semaphore, #tpu.memory_space<semaphore_mem>>) src(%dma_wait3A_211 : memref<10000x128xf32, #tpu.memory_space<hbm>>) dst(%arg7 : memref<200x128xf32, #tpu.memory_space<vmem>>)
    %add3A_212 = arith.constant 4000 : i32
    %add3A_213 = arith.addi %mul3A_2, %add3A_212 : i32
    "tpu.region"() ({
      %run_scoped3A = tpu.sem_alloc : memref<!tpu.dma_semaphore, #tpu.memory_space<semaphore_mem>>
      %dma_start3A_249 = arith.constant 0 : i32
      %dma_start3A_250 = tpu.memref_slice %arg4[%add3A_213, %dma_start3A_249] : memref<160000x128xf32, #tpu.memory_space<hbm>> -> memref<200x128xf32, #tpu.memory_space<hbm>>
      %dma_start3A_251 = arith.constant 0 : i32
      %dma_start3A_252 = tpu.memref_slice %arg4[%add3A_213, %dma_start3A_251] : memref<160000x128xf32, #tpu.memory_space<hbm>> -> memref<200x128xf32, #tpu.memory_space<hbm>>
      tpu.enqueue_dma source(%arg7 : memref<200x128xf32, #tpu.memory_space<vmem>>) target(%dma_start3A_252 : memref<200x128xf32, #tpu.memory_space<hbm>>) target_semaphore(%run_scoped3A : memref<!tpu.dma_semaphore, #tpu.memory_space<semaphore_mem>>)
      %dma_wait3A_253 = arith.constant 0 : i32
      %dma_wait3A_254 = tpu.memref_slice %arg4[%add3A_213, %dma_wait3A_253] : memref<160000x128xf32, #tpu.memory_space<hbm>> -> memref<200x128xf32, #tpu.memory_space<hbm>>
      %dma_wait3A_255 = arith.constant 0 : i32
      %dma_wait3A_256 = tpu.memref_slice %arg4[%add3A_213, %dma_wait3A_255] : memref<160000x128xf32, #tpu.memory_space<hbm>> -> memref<200x128xf32, #tpu.memory_space<hbm>>
      tpu.wait_dma2 semaphore(%run_scoped3A : memref<!tpu.dma_semaphore, #tpu.memory_space<semaphore_mem>>) src(%arg7 : memref<200x128xf32, #tpu.memory_space<vmem>>) dst(%dma_wait3A_256 : memref<200x128xf32, #tpu.memory_space<hbm>>)
      tpu.yield
    }) : () -> ()
    %add3A_214 = arith.constant 4400 : i32
    %add3A_215 = arith.addi %mul3A_2, %add3A_214 : i32
    "tpu.region"() ({
      %run_scoped3A = tpu.sem_alloc : memref<!tpu.dma_semaphore, #tpu.memory_space<semaphore_mem>>
      %dma_start3A_249 = tpu.memref_slice %arg3[%add3A_215] : memref<160000xi32, #tpu.memory_space<hbm>> -> memref<200xi32, #tpu.memory_space<hbm>>
      %dma_start3A_250 = tpu.memref_slice %arg3[%add3A_215] : memref<160000xi32, #tpu.memory_space<hbm>> -> memref<200xi32, #tpu.memory_space<hbm>>
      tpu.enqueue_dma source(%dma_start3A_250 : memref<200xi32, #tpu.memory_space<hbm>>) target(%arg5 : memref<200xi32, #tpu.memory_space<vmem>>) target_semaphore(%run_scoped3A : memref<!tpu.dma_semaphore, #tpu.memory_space<semaphore_mem>>)
      %dma_wait3A_251 = tpu.memref_slice %arg3[%add3A_215] : memref<160000xi32, #tpu.memory_space<hbm>> -> memref<200xi32, #tpu.memory_space<hbm>>
      %dma_wait3A_252 = tpu.memref_slice %arg3[%add3A_215] : memref<160000xi32, #tpu.memory_space<hbm>> -> memref<200xi32, #tpu.memory_space<hbm>>
      tpu.wait_dma2 semaphore(%run_scoped3A : memref<!tpu.dma_semaphore, #tpu.memory_space<semaphore_mem>>) src(%dma_wait3A_252 : memref<200xi32, #tpu.memory_space<hbm>>) dst(%arg5 : memref<200xi32, #tpu.memory_space<vmem>>)
      tpu.yield
    }) : () -> ()
    %dma_start3A_216 = arith.constant 0 : i32
    %dma_start3A_217 = arith.constant 0 : i32
    %dma_start3A_218 = tpu.memref_slice %arg2[%dma_start3A_216, %dma_start3A_217] : memref<10000x128xf32, #tpu.memory_space<hbm>> -> memref<10000x128xf32, #tpu.memory_space<hbm>>
    tpu.enqueue_indirect_dma source(%dma_start3A_218 : memref<10000x128xf32, #tpu.memory_space<hbm>>) target(%arg7 : memref<200x128xf32, #tpu.memory_space<vmem>>) offsets(%arg5 : memref<200xi32, #tpu.memory_space<vmem>>) semaphore(%arg9 : memref<!tpu.dma_semaphore, #tpu.memory_space<semaphore_mem>>)
    %dma_wait3A_219 = arith.constant 0 : i32
    %dma_wait3A_220 = arith.constant 0 : i32
    %dma_wait3A_221 = tpu.memref_slice %arg2[%dma_wait3A_219, %dma_wait3A_220] : memref<10000x128xf32, #tpu.memory_space<hbm>> -> memref<10000x128xf32, #tpu.memory_space<hbm>>
    tpu.wait_indirect_dma semaphore(%arg10 : memref<!tpu.dma_semaphore, #tpu.memory_space<semaphore_mem>>) src(%dma_wait3A_221 : memref<10000x128xf32, #tpu.memory_space<hbm>>) dst(%arg8 : memref<200x128xf32, #tpu.memory_space<vmem>>)
    %add3A_222 = arith.constant 4200 : i32
    %add3A_223 = arith.addi %mul3A_2, %add3A_222 : i32
    "tpu.region"() ({
      %run_scoped3A = tpu.sem_alloc : memref<!tpu.dma_semaphore, #tpu.memory_space<semaphore_mem>>
      %dma_start3A_249 = arith.constant 0 : i32
      %dma_start3A_250 = tpu.memref_slice %arg4[%add3A_223, %dma_start3A_249] : memref<160000x128xf32, #tpu.memory_space<hbm>> -> memref<200x128xf32, #tpu.memory_space<hbm>>
      %dma_start3A_251 = arith.constant 0 : i32
      %dma_start3A_252 = tpu.memref_slice %arg4[%add3A_223, %dma_start3A_251] : memref<160000x128xf32, #tpu.memory_space<hbm>> -> memref<200x128xf32, #tpu.memory_space<hbm>>
      tpu.enqueue_dma source(%arg8 : memref<200x128xf32, #tpu.memory_space<vmem>>) target(%dma_start3A_252 : memref<200x128xf32, #tpu.memory_space<hbm>>) target_semaphore(%run_scoped3A : memref<!tpu.dma_semaphore, #tpu.memory_space<semaphore_mem>>)
      %dma_wait3A_253 = arith.constant 0 : i32
      %dma_wait3A_254 = tpu.memref_slice %arg4[%add3A_223, %dma_wait3A_253] : memref<160000x128xf32, #tpu.memory_space<hbm>> -> memref<200x128xf32, #tpu.memory_space<hbm>>
      %dma_wait3A_255 = arith.constant 0 : i32
      %dma_wait3A_256 = tpu.memref_slice %arg4[%add3A_223, %dma_wait3A_255] : memref<160000x128xf32, #tpu.memory_space<hbm>> -> memref<200x128xf32, #tpu.memory_space<hbm>>
      tpu.wait_dma2 semaphore(%run_scoped3A : memref<!tpu.dma_semaphore, #tpu.memory_space<semaphore_mem>>) src(%arg8 : memref<200x128xf32, #tpu.memory_space<vmem>>) dst(%dma_wait3A_256 : memref<200x128xf32, #tpu.memory_space<hbm>>)
      tpu.yield
    }) : () -> ()
    %add3A_224 = arith.constant 4600 : i32
    %add3A_225 = arith.addi %mul3A_2, %add3A_224 : i32
    "tpu.region"() ({
      %run_scoped3A = tpu.sem_alloc : memref<!tpu.dma_semaphore, #tpu.memory_space<semaphore_mem>>
      %dma_start3A_249 = tpu.memref_slice %arg3[%add3A_225] : memref<160000xi32, #tpu.memory_space<hbm>> -> memref<200xi32, #tpu.memory_space<hbm>>
      %dma_start3A_250 = tpu.memref_slice %arg3[%add3A_225] : memref<160000xi32, #tpu.memory_space<hbm>> -> memref<200xi32, #tpu.memory_space<hbm>>
      tpu.enqueue_dma source(%dma_start3A_250 : memref<200xi32, #tpu.memory_space<hbm>>) target(%arg6 : memref<200xi32, #tpu.memory_space<vmem>>) target_semaphore(%run_scoped3A : memref<!tpu.dma_semaphore, #tpu.memory_space<semaphore_mem>>)
      %dma_wait3A_251 = tpu.memref_slice %arg3[%add3A_225] : memref<160000xi32, #tpu.memory_space<hbm>> -> memref<200xi32, #tpu.memory_space<hbm>>
      %dma_wait3A_252 = tpu.memref_slice %arg3[%add3A_225] : memref<160000xi32, #tpu.memory_space<hbm>> -> memref<200xi32, #tpu.memory_space<hbm>>
      tpu.wait_dma2 semaphore(%run_scoped3A : memref<!tpu.dma_semaphore, #tpu.memory_space<semaphore_mem>>) src(%dma_wait3A_252 : memref<200xi32, #tpu.memory_space<hbm>>) dst(%arg6 : memref<200xi32, #tpu.memory_space<vmem>>)
      tpu.yield
    }) : () -> ()
    %dma_start3A_226 = arith.constant 0 : i32
    %dma_start3A_227 = arith.constant 0 : i32
    %dma_start3A_228 = tpu.memref_slice %arg2[%dma_start3A_226, %dma_start3A_227] : memref<10000x128xf32, #tpu.memory_space<hbm>> -> memref<10000x128xf32, #tpu.memory_space<hbm>>
    tpu.enqueue_indirect_dma source(%dma_start3A_228 : memref<10000x128xf32, #tpu.memory_space<hbm>>) target(%arg8 : memref<200x128xf32, #tpu.memory_space<vmem>>) offsets(%arg6 : memref<200xi32, #tpu.memory_space<vmem>>) semaphore(%arg10 : memref<!tpu.dma_semaphore, #tpu.memory_space<semaphore_mem>>)
    %dma_wait3A_229 = arith.constant 0 : i32
    %dma_wait3A_230 = arith.constant 0 : i32
    %dma_wait3A_231 = tpu.memref_slice %arg2[%dma_wait3A_229, %dma_wait3A_230] : memref<10000x128xf32, #tpu.memory_space<hbm>> -> memref<10000x128xf32, #tpu.memory_space<hbm>>
    tpu.wait_indirect_dma semaphore(%arg9 : memref<!tpu.dma_semaphore, #tpu.memory_space<semaphore_mem>>) src(%dma_wait3A_231 : memref<10000x128xf32, #tpu.memory_space<hbm>>) dst(%arg7 : memref<200x128xf32, #tpu.memory_space<vmem>>)
    %add3A_232 = arith.constant 4400 : i32
    %add3A_233 = arith.addi %mul3A_2, %add3A_232 : i32
    "tpu.region"() ({
      %run_scoped3A = tpu.sem_alloc : memref<!tpu.dma_semaphore, #tpu.memory_space<semaphore_mem>>
      %dma_start3A_249 = arith.constant 0 : i32
      %dma_start3A_250 = tpu.memref_slice %arg4[%add3A_233, %dma_start3A_249] : memref<160000x128xf32, #tpu.memory_space<hbm>> -> memref<200x128xf32, #tpu.memory_space<hbm>>
      %dma_start3A_251 = arith.constant 0 : i32
      %dma_start3A_252 = tpu.memref_slice %arg4[%add3A_233, %dma_start3A_251] : memref<160000x128xf32, #tpu.memory_space<hbm>> -> memref<200x128xf32, #tpu.memory_space<hbm>>
      tpu.enqueue_dma source(%arg7 : memref<200x128xf32, #tpu.memory_space<vmem>>) target(%dma_start3A_252 : memref<200x128xf32, #tpu.memory_space<hbm>>) target_semaphore(%run_scoped3A : memref<!tpu.dma_semaphore, #tpu.memory_space<semaphore_mem>>)
      %dma_wait3A_253 = arith.constant 0 : i32
      %dma_wait3A_254 = tpu.memref_slice %arg4[%add3A_233, %dma_wait3A_253] : memref<160000x128xf32, #tpu.memory_space<hbm>> -> memref<200x128xf32, #tpu.memory_space<hbm>>
      %dma_wait3A_255 = arith.constant 0 : i32
      %dma_wait3A_256 = tpu.memref_slice %arg4[%add3A_233, %dma_wait3A_255] : memref<160000x128xf32, #tpu.memory_space<hbm>> -> memref<200x128xf32, #tpu.memory_space<hbm>>
      tpu.wait_dma2 semaphore(%run_scoped3A : memref<!tpu.dma_semaphore, #tpu.memory_space<semaphore_mem>>) src(%arg7 : memref<200x128xf32, #tpu.memory_space<vmem>>) dst(%dma_wait3A_256 : memref<200x128xf32, #tpu.memory_space<hbm>>)
      tpu.yield
    }) : () -> ()
    %add3A_234 = arith.constant 4800 : i32
    %add3A_235 = arith.addi %mul3A_2, %add3A_234 : i32
    "tpu.region"() ({
      %run_scoped3A = tpu.sem_alloc : memref<!tpu.dma_semaphore, #tpu.memory_space<semaphore_mem>>
      %dma_start3A_249 = tpu.memref_slice %arg3[%add3A_235] : memref<160000xi32, #tpu.memory_space<hbm>> -> memref<200xi32, #tpu.memory_space<hbm>>
      %dma_start3A_250 = tpu.memref_slice %arg3[%add3A_235] : memref<160000xi32, #tpu.memory_space<hbm>> -> memref<200xi32, #tpu.memory_space<hbm>>
      tpu.enqueue_dma source(%dma_start3A_250 : memref<200xi32, #tpu.memory_space<hbm>>) target(%arg5 : memref<200xi32, #tpu.memory_space<vmem>>) target_semaphore(%run_scoped3A : memref<!tpu.dma_semaphore, #tpu.memory_space<semaphore_mem>>)
      %dma_wait3A_251 = tpu.memref_slice %arg3[%add3A_235] : memref<160000xi32, #tpu.memory_space<hbm>> -> memref<200xi32, #tpu.memory_space<hbm>>
      %dma_wait3A_252 = tpu.memref_slice %arg3[%add3A_235] : memref<160000xi32, #tpu.memory_space<hbm>> -> memref<200xi32, #tpu.memory_space<hbm>>
      tpu.wait_dma2 semaphore(%run_scoped3A : memref<!tpu.dma_semaphore, #tpu.memory_space<semaphore_mem>>) src(%dma_wait3A_252 : memref<200xi32, #tpu.memory_space<hbm>>) dst(%arg5 : memref<200xi32, #tpu.memory_space<vmem>>)
      tpu.yield
    }) : () -> ()
    %dma_start3A_236 = arith.constant 0 : i32
    %dma_start3A_237 = arith.constant 0 : i32
    %dma_start3A_238 = tpu.memref_slice %arg2[%dma_start3A_236, %dma_start3A_237] : memref<10000x128xf32, #tpu.memory_space<hbm>> -> memref<10000x128xf32, #tpu.memory_space<hbm>>
    tpu.enqueue_indirect_dma source(%dma_start3A_238 : memref<10000x128xf32, #tpu.memory_space<hbm>>) target(%arg7 : memref<200x128xf32, #tpu.memory_space<vmem>>) offsets(%arg5 : memref<200xi32, #tpu.memory_space<vmem>>) semaphore(%arg9 : memref<!tpu.dma_semaphore, #tpu.memory_space<semaphore_mem>>)
    %dma_wait3A_239 = arith.constant 0 : i32
    %dma_wait3A_240 = arith.constant 0 : i32
    %dma_wait3A_241 = tpu.memref_slice %arg2[%dma_wait3A_239, %dma_wait3A_240] : memref<10000x128xf32, #tpu.memory_space<hbm>> -> memref<10000x128xf32, #tpu.memory_space<hbm>>
    tpu.wait_indirect_dma semaphore(%arg10 : memref<!tpu.dma_semaphore, #tpu.memory_space<semaphore_mem>>) src(%dma_wait3A_241 : memref<10000x128xf32, #tpu.memory_space<hbm>>) dst(%arg8 : memref<200x128xf32, #tpu.memory_space<vmem>>)
    %add3A_242 = arith.constant 4600 : i32
    %add3A_243 = arith.addi %mul3A_2, %add3A_242 : i32
    "tpu.region"() ({
      %run_scoped3A = tpu.sem_alloc : memref<!tpu.dma_semaphore, #tpu.memory_space<semaphore_mem>>
      %dma_start3A_249 = arith.constant 0 : i32
      %dma_start3A_250 = tpu.memref_slice %arg4[%add3A_243, %dma_start3A_249] : memref<160000x128xf32, #tpu.memory_space<hbm>> -> memref<200x128xf32, #tpu.memory_space<hbm>>
      %dma_start3A_251 = arith.constant 0 : i32
      %dma_start3A_252 = tpu.memref_slice %arg4[%add3A_243, %dma_start3A_251] : memref<160000x128xf32, #tpu.memory_space<hbm>> -> memref<200x128xf32, #tpu.memory_space<hbm>>
      tpu.enqueue_dma source(%arg8 : memref<200x128xf32, #tpu.memory_space<vmem>>) target(%dma_start3A_252 : memref<200x128xf32, #tpu.memory_space<hbm>>) target_semaphore(%run_scoped3A : memref<!tpu.dma_semaphore, #tpu.memory_space<semaphore_mem>>)
      %dma_wait3A_253 = arith.constant 0 : i32
      %dma_wait3A_254 = tpu.memref_slice %arg4[%add3A_243, %dma_wait3A_253] : memref<160000x128xf32, #tpu.memory_space<hbm>> -> memref<200x128xf32, #tpu.memory_space<hbm>>
      %dma_wait3A_255 = arith.constant 0 : i32
      %dma_wait3A_256 = tpu.memref_slice %arg4[%add3A_243, %dma_wait3A_255] : memref<160000x128xf32, #tpu.memory_space<hbm>> -> memref<200x128xf32, #tpu.memory_space<hbm>>
      tpu.wait_dma2 semaphore(%run_scoped3A : memref<!tpu.dma_semaphore, #tpu.memory_space<semaphore_mem>>) src(%arg8 : memref<200x128xf32, #tpu.memory_space<vmem>>) dst(%dma_wait3A_256 : memref<200x128xf32, #tpu.memory_space<hbm>>)
      tpu.yield
    }) : () -> ()
    %dma_wait3A_244 = arith.constant 0 : i32
    %dma_wait3A_245 = arith.constant 0 : i32
    %dma_wait3A_246 = tpu.memref_slice %arg2[%dma_wait3A_244, %dma_wait3A_245] : memref<10000x128xf32, #tpu.memory_space<hbm>> -> memref<10000x128xf32, #tpu.memory_space<hbm>>
    tpu.wait_indirect_dma semaphore(%arg9 : memref<!tpu.dma_semaphore, #tpu.memory_space<semaphore_mem>>) src(%dma_wait3A_246 : memref<10000x128xf32, #tpu.memory_space<hbm>>) dst(%arg7 : memref<200x128xf32, #tpu.memory_space<vmem>>)
    %add3A_247 = arith.constant 4800 : i32
    %add3A_248 = arith.addi %mul3A_2, %add3A_247 : i32
    "tpu.region"() ({
      %run_scoped3A = tpu.sem_alloc : memref<!tpu.dma_semaphore, #tpu.memory_space<semaphore_mem>>
      %dma_start3A_249 = arith.constant 0 : i32
      %dma_start3A_250 = tpu.memref_slice %arg4[%add3A_248, %dma_start3A_249] : memref<160000x128xf32, #tpu.memory_space<hbm>> -> memref<200x128xf32, #tpu.memory_space<hbm>>
      %dma_start3A_251 = arith.constant 0 : i32
      %dma_start3A_252 = tpu.memref_slice %arg4[%add3A_248, %dma_start3A_251] : memref<160000x128xf32, #tpu.memory_space<hbm>> -> memref<200x128xf32, #tpu.memory_space<hbm>>
      tpu.enqueue_dma source(%arg7 : memref<200x128xf32, #tpu.memory_space<vmem>>) target(%dma_start3A_252 : memref<200x128xf32, #tpu.memory_space<hbm>>) target_semaphore(%run_scoped3A : memref<!tpu.dma_semaphore, #tpu.memory_space<semaphore_mem>>)
      %dma_wait3A_253 = arith.constant 0 : i32
      %dma_wait3A_254 = tpu.memref_slice %arg4[%add3A_248, %dma_wait3A_253] : memref<160000x128xf32, #tpu.memory_space<hbm>> -> memref<200x128xf32, #tpu.memory_space<hbm>>
      %dma_wait3A_255 = arith.constant 0 : i32
      %dma_wait3A_256 = tpu.memref_slice %arg4[%add3A_248, %dma_wait3A_255] : memref<160000x128xf32, #tpu.memory_space<hbm>> -> memref<200x128xf32, #tpu.memory_space<hbm>>
      tpu.wait_dma2 semaphore(%run_scoped3A : memref<!tpu.dma_semaphore, #tpu.memory_space<semaphore_mem>>) src(%arg7 : memref<200x128xf32, #tpu.memory_space<vmem>>) dst(%dma_wait3A_256 : memref<200x128xf32, #tpu.memory_space<hbm>>)
      tpu.yield
    }) : () -> ()
    return
  }
}

#map = affine_map<(d0, d1) -> (0)>
#map1 = affine_map<(d0, d1) -> (0, 0)>
module attributes {stable_mosaic.version = 14 : i64} {
  func.func @k(%arg0: i32, %arg1: i32, %arg2: memref<640000xf32, #tpu.memory_space<hbm>>, %arg3: memref<160000xi32, #tpu.memory_space<hbm>>, %arg4: memref<40000xf32, #tpu.memory_space<hbm>>, %arg5: memref<2x40000xf32, #tpu.memory_space<hbm>>, %arg6: memref<20000xi32, #tpu.memory_space<vmem>>, %arg7: memref<20000xf32, #tpu.memory_space<vmem>>, %arg8: memref<40000xf32, #tpu.memory_space<vmem_shared>>) attributes {dimension_semantics = [#tpu.dimension_semantics<core_parallel>, #tpu.dimension_semantics<subcore_parallel>], iteration_bounds = array<i64: 2, 16>, scalar_prefetch = 0 : i64, scratch_operands = 3 : i64, tpu.core_type = #tpu.core_type<sc_vector_subcore>, window_params = [{transform_indices = #map}, {transform_indices = #map}, {transform_indices = #map}, {transform_indices = #map1}]} {
    %mul3A = arith.constant 2 : i32
    %mul3A_0 = arith.muli %arg1, %mul3A : i32
    %add3A = arith.addi %mul3A_0, %arg0 : i32
    %jit3A = arith.constant 8 : i32
    %div3A = arith.divsi %add3A, %jit3A : i32
    %sign3A = arith.constant 0 : i32
    %sign3A_1 = arith.cmpi sgt, %add3A, %sign3A : i32
    %sign3A_2 = arith.extui %sign3A_1 : i1 to i32
    %sign3A_3 = arith.constant 0 : i32
    %sign3A_4 = arith.cmpi slt, %add3A, %sign3A_3 : i32
    %sign3A_5 = arith.extui %sign3A_4 : i1 to i32
    %sign3A_6 = arith.subi %sign3A_2, %sign3A_5 : i32
    %sign3A_7 = arith.constant 0 : i32
    %sign3A_8 = arith.cmpi sgt, %jit3A, %sign3A_7 : i32
    %sign3A_9 = arith.extui %sign3A_8 : i1 to i32
    %sign3A_10 = arith.constant 0 : i32
    %sign3A_11 = arith.cmpi slt, %jit3A, %sign3A_10 : i32
    %sign3A_12 = arith.extui %sign3A_11 : i1 to i32
    %sign3A_13 = arith.subi %sign3A_9, %sign3A_12 : i32
    %ne3A = arith.cmpi ne, %sign3A_6, %sign3A_13 : i32
    %rem3A = arith.remsi %add3A, %jit3A : i32
    %ne3A_14 = arith.constant 0 : i32
    %ne3A_15 = arith.cmpi ne, %rem3A, %ne3A_14 : i32
    %and3A = arith.andi %ne3A, %ne3A_15 : i1
    %sub3A = arith.constant 1 : i32
    %sub3A_16 = arith.subi %div3A, %sub3A : i32
    %select_n3A = arith.select %and3A, %sub3A_16, %div3A : i32
    %jit3A_17 = arith.constant 8 : i32
    %eq3A = arith.constant 0 : i32
    %eq3A_18 = arith.cmpi eq, %jit3A_17, %eq3A : i32
    %jit3A_19 = arith.constant 1 : i32
    %select_n3A_20 = arith.select %eq3A_18, %jit3A_19, %jit3A_17 : i32
    %rem3A_21 = arith.remsi %add3A, %select_n3A_20 : i32
    %ne3A_22 = arith.constant 0 : i32
    %ne3A_23 = arith.cmpi ne, %rem3A_21, %ne3A_22 : i32
    %lt3A = arith.constant 0 : i32
    %lt3A_24 = arith.cmpi slt, %rem3A_21, %lt3A : i32
    %lt3A_25 = arith.constant 0 : i32
    %lt3A_26 = arith.cmpi slt, %select_n3A_20, %lt3A_25 : i32
    %ne3A_27 = arith.xori %lt3A_24, %lt3A_26 : i1
    %and3A_28 = arith.andi %ne3A_27, %ne3A_23 : i1
    %add3A_29 = arith.addi %rem3A_21, %select_n3A_20 : i32
    %select_n3A_30 = arith.select %and3A_28, %add3A_29, %rem3A_21 : i32
    %eq3A_31 = arith.constant 0 : i32
    %eq3A_32 = arith.cmpi eq, %arg1, %eq3A_31 : i32
    %convert_element_type3A = arith.extui %eq3A_32 : i1 to i32
    %cond3A = arith.constant 0 : i32
    %cond3A_33 = arith.cmpi ne, %convert_element_type3A, %cond3A : i32
    scf.if %cond3A_33 {
      "tpu.region"() ({
        %run_scoped3A = tpu.sem_alloc : memref<!tpu.dma_semaphore, #tpu.memory_space<semaphore_mem>>
        tpu.enqueue_dma source(%arg4 : memref<40000xf32, #tpu.memory_space<hbm>>) target(%arg8 : memref<40000xf32, #tpu.memory_space<vmem_shared>>) target_semaphore(%run_scoped3A : memref<!tpu.dma_semaphore, #tpu.memory_space<semaphore_mem>>)
        tpu.wait_dma2 semaphore(%run_scoped3A : memref<!tpu.dma_semaphore, #tpu.memory_space<semaphore_mem>>) src(%arg4 : memref<40000xf32, #tpu.memory_space<hbm>>) dst(%arg8 : memref<40000xf32, #tpu.memory_space<vmem_shared>>)
        tpu.yield
      }) : () -> ()
    } else {
    }
    %mul3A_34 = arith.constant 20000 : i32
    %mul3A_35 = arith.muli %select_n3A_30, %mul3A_34 : i32
    "tpu.region"() ({
      %run_scoped3A = tpu.sem_alloc : memref<!tpu.dma_semaphore, #tpu.memory_space<semaphore_mem>>
      %dma_start3A = tpu.memref_slice %arg3[%mul3A_35] : memref<160000xi32, #tpu.memory_space<hbm>> -> memref<20000xi32, #tpu.memory_space<hbm>>
      %dma_start3A_54 = tpu.memref_slice %arg3[%mul3A_35] : memref<160000xi32, #tpu.memory_space<hbm>> -> memref<20000xi32, #tpu.memory_space<hbm>>
      tpu.enqueue_dma source(%dma_start3A_54 : memref<20000xi32, #tpu.memory_space<hbm>>) target(%arg6 : memref<20000xi32, #tpu.memory_space<vmem>>) target_semaphore(%run_scoped3A : memref<!tpu.dma_semaphore, #tpu.memory_space<semaphore_mem>>)
      %dma_wait3A = tpu.memref_slice %arg3[%mul3A_35] : memref<160000xi32, #tpu.memory_space<hbm>> -> memref<20000xi32, #tpu.memory_space<hbm>>
      %dma_wait3A_55 = tpu.memref_slice %arg3[%mul3A_35] : memref<160000xi32, #tpu.memory_space<hbm>> -> memref<20000xi32, #tpu.memory_space<hbm>>
      tpu.wait_dma2 semaphore(%run_scoped3A : memref<!tpu.dma_semaphore, #tpu.memory_space<semaphore_mem>>) src(%dma_wait3A_55 : memref<20000xi32, #tpu.memory_space<hbm>>) dst(%arg6 : memref<20000xi32, #tpu.memory_space<vmem>>)
      tpu.yield
    }) : () -> ()
    %mul3A_36 = arith.constant 10000 : i32
    %mul3A_37 = arith.muli %select_n3A, %mul3A_36 : i32
    %scan3A = arith.constant 0 : i32
    %scan3A_38 = arith.constant 0 : i32
    %scan3A_39 = arith.constant 1250 : i32
    %scan3A_40 = arith.addi %scan3A_38, %scan3A_39 : i32
    %scan3A_41 = arith.constant 1 : i32
    scf.for %scan3A_54 = %scan3A_38 to %scan3A_40 step %scan3A_41  : i32 {
      %mul3A_55 = arith.constant 16 : i32
      %mul3A_56 = arith.muli %scan3A_54, %mul3A_55 : i32
      %get3A = arith.index_cast %mul3A_56 : i32 to index
      %get3A_57 = tpu.vector_load %arg6[%get3A] {strides = array<i32>} : memref<20000xi32, #tpu.memory_space<vmem>>, vector<16xi32>,
      %get3A_58 = vector.shape_cast %get3A_57 : vector<16xi32> to vector<16xi32>
      %add3A_59 = vector.broadcast %mul3A_37 : i32 to vector<16xi32>
      %add3A_60 = arith.addi %get3A_58, %add3A_59 : vector<16xi32>
      %swap3A = arith.index_cast %mul3A_56 : i32 to index
      %swap3A_61 = tpu.vector_load %arg6[%swap3A] {strides = array<i32>} : memref<20000xi32, #tpu.memory_space<vmem>>, vector<16xi32>,
      %swap3A_62 = vector.shape_cast %swap3A_61 : vector<16xi32> to vector<16xi32>
      %swap3A_63 = vector.shape_cast %add3A_60 : vector<16xi32> to vector<16xi32>
      tpu.vector_store %arg6[%swap3A], %swap3A_63 {strides = array<i32>} : memref<20000xi32, #tpu.memory_space<vmem>>, vector<16xi32>,
    }
    %scan3A_42 = arith.constant 1250 : i32
    %mul3A_43 = arith.constant 160000 : i32
    %mul3A_44 = arith.muli %select_n3A, %mul3A_43 : i32
    %mul3A_45 = arith.constant 20000 : i32
    %mul3A_46 = arith.muli %select_n3A_30, %mul3A_45 : i32
    %add3A_47 = arith.addi %mul3A_44, %mul3A_46 : i32
    "tpu.region"() ({
      %run_scoped3A = tpu.sem_alloc : memref<!tpu.dma_semaphore, #tpu.memory_space<semaphore_mem>>
      %dma_start3A = tpu.memref_slice %arg2[%add3A_47] : memref<640000xf32, #tpu.memory_space<hbm>> -> memref<20000xf32, #tpu.memory_space<hbm>>
      %dma_start3A_54 = tpu.memref_slice %arg2[%add3A_47] : memref<640000xf32, #tpu.memory_space<hbm>> -> memref<20000xf32, #tpu.memory_space<hbm>>
      tpu.enqueue_dma source(%dma_start3A_54 : memref<20000xf32, #tpu.memory_space<hbm>>) target(%arg7 : memref<20000xf32, #tpu.memory_space<vmem>>) target_semaphore(%run_scoped3A : memref<!tpu.dma_semaphore, #tpu.memory_space<semaphore_mem>>)
      %dma_wait3A = tpu.memref_slice %arg2[%add3A_47] : memref<640000xf32, #tpu.memory_space<hbm>> -> memref<20000xf32, #tpu.memory_space<hbm>>
      %dma_wait3A_55 = tpu.memref_slice %arg2[%add3A_47] : memref<640000xf32, #tpu.memory_space<hbm>> -> memref<20000xf32, #tpu.memory_space<hbm>>
      tpu.wait_dma2 semaphore(%run_scoped3A : memref<!tpu.dma_semaphore, #tpu.memory_space<semaphore_mem>>) src(%dma_wait3A_55 : memref<20000xf32, #tpu.memory_space<hbm>>) dst(%arg7 : memref<20000xf32, #tpu.memory_space<vmem>>)
      tpu.yield
    }) : () -> ()
    %barrier3A = arith.constant 0 : index
    tpu.barrier barrier_id(%barrier3A)
    "tpu.region"() ({
      %run_scoped3A = tpu.sem_alloc : memref<!tpu.dma_semaphore, #tpu.memory_space<semaphore_mem>>
      %dma_start3A = arith.constant 0 : i32
      %dma_start3A_54 = tpu.memref_slice %arg8[%dma_start3A] : memref<40000xf32, #tpu.memory_space<vmem_shared>> -> memref<40000xf32, #tpu.memory_space<vmem_shared>>
      tpu.enqueue_indirect_dma source(%arg7 : memref<20000xf32, #tpu.memory_space<vmem>>) target(%dma_start3A_54 : memref<40000xf32, #tpu.memory_space<vmem_shared>>) offsets(%arg6 : memref<20000xi32, #tpu.memory_space<vmem>>) semaphore(%run_scoped3A : memref<!tpu.dma_semaphore, #tpu.memory_space<semaphore_mem>>) {add = true}
      %dma_wait3A = arith.constant 0 : i32
      %dma_wait3A_55 = tpu.memref_slice %arg8[%dma_wait3A] : memref<40000xf32, #tpu.memory_space<vmem_shared>> -> memref<40000xf32, #tpu.memory_space<vmem_shared>>
      tpu.wait_indirect_dma semaphore(%run_scoped3A : memref<!tpu.dma_semaphore, #tpu.memory_space<semaphore_mem>>) src(%arg7 : memref<20000xf32, #tpu.memory_space<vmem>>) dst(%dma_wait3A_55 : memref<40000xf32, #tpu.memory_space<vmem_shared>>)
      tpu.yield
    }) : () -> ()
    %barrier3A_48 = arith.constant 0 : index
    tpu.barrier barrier_id(%barrier3A_48)
    %eq3A_49 = arith.constant 0 : i32
    %eq3A_50 = arith.cmpi eq, %arg1, %eq3A_49 : i32
    %convert_element_type3A_51 = arith.extui %eq3A_50 : i1 to i32
    %cond3A_52 = arith.constant 0 : i32
    %cond3A_53 = arith.cmpi ne, %convert_element_type3A_51, %cond3A_52 : i32
    scf.if %cond3A_53 {
      "tpu.region"() ({
        %run_scoped3A = tpu.sem_alloc : memref<!tpu.dma_semaphore, #tpu.memory_space<semaphore_mem>>
        %dma_start3A = arith.constant 0 : i32
        %dma_start3A_54 = tpu.memref_slice %arg5[%arg0, %dma_start3A] : memref<2x40000xf32, #tpu.memory_space<hbm>> -> memref<1x40000xf32, #tpu.memory_space<hbm>>
        %dma_start3A_55 = tpu.memref_squeeze %dma_start3A_54 : memref<1x40000xf32, #tpu.memory_space<hbm>> -> memref<40000xf32, #tpu.memory_space<hbm>>
        tpu.enqueue_dma source(%arg8 : memref<40000xf32, #tpu.memory_space<vmem_shared>>) target(%dma_start3A_55 : memref<40000xf32, #tpu.memory_space<hbm>>) target_semaphore(%run_scoped3A : memref<!tpu.dma_semaphore, #tpu.memory_space<semaphore_mem>>)
        %dma_wait3A = arith.constant 0 : i32
        %dma_wait3A_56 = tpu.memref_slice %arg5[%arg0, %dma_wait3A] : memref<2x40000xf32, #tpu.memory_space<hbm>> -> memref<1x40000xf32, #tpu.memory_space<hbm>>
        %dma_wait3A_57 = tpu.memref_squeeze %dma_wait3A_56 : memref<1x40000xf32, #tpu.memory_space<hbm>> -> memref<40000xf32, #tpu.memory_space<hbm>>
        tpu.wait_dma2 semaphore(%run_scoped3A : memref<!tpu.dma_semaphore, #tpu.memory_space<semaphore_mem>>) src(%arg8 : memref<40000xf32, #tpu.memory_space<vmem_shared>>) dst(%dma_wait3A_57 : memref<40000xf32, #tpu.memory_space<hbm>>)
        tpu.yield
      }) : () -> ()
    } else {
    }
    return
  }
}

#map = affine_map<(d0, d1) -> (0)>
module attributes {stable_mosaic.version = 14 : i64} {
  func.func @k(%arg0: i32, %arg1: i32, %arg2: memref<40000xf32, #tpu.memory_space<hbm>>, %arg3: memref<200000xi32, #tpu.memory_space<hbm>>, %arg4: memref<800000xf32, #tpu.memory_space<hbm>>, %arg5: memref<25000xi32, #tpu.memory_space<vmem>>, %arg6: memref<25000xf32, #tpu.memory_space<vmem>>, %arg7: memref<40000xf32, #tpu.memory_space<vmem_shared>>, %arg8: memref<!tpu.dma_semaphore, #tpu.memory_space<semaphore_mem>>) attributes {dimension_semantics = [#tpu.dimension_semantics<core_parallel>, #tpu.dimension_semantics<subcore_parallel>], iteration_bounds = array<i64: 2, 16>, scalar_prefetch = 0 : i64, scratch_operands = 4 : i64, tpu.core_type = #tpu.core_type<sc_vector_subcore>, window_params = [{transform_indices = #map}, {transform_indices = #map}, {transform_indices = #map}]} {
    %mul3A = arith.constant 2 : i32
    %mul3A_0 = arith.muli %arg1, %mul3A : i32
    %add3A = arith.addi %mul3A_0, %arg0 : i32
    %jit3A = arith.constant 4 : i32
    %div3A = arith.divsi %add3A, %jit3A : i32
    %sign3A = arith.constant 0 : i32
    %sign3A_1 = arith.cmpi sgt, %add3A, %sign3A : i32
    %sign3A_2 = arith.extui %sign3A_1 : i1 to i32
    %sign3A_3 = arith.constant 0 : i32
    %sign3A_4 = arith.cmpi slt, %add3A, %sign3A_3 : i32
    %sign3A_5 = arith.extui %sign3A_4 : i1 to i32
    %sign3A_6 = arith.subi %sign3A_2, %sign3A_5 : i32
    %sign3A_7 = arith.constant 0 : i32
    %sign3A_8 = arith.cmpi sgt, %jit3A, %sign3A_7 : i32
    %sign3A_9 = arith.extui %sign3A_8 : i1 to i32
    %sign3A_10 = arith.constant 0 : i32
    %sign3A_11 = arith.cmpi slt, %jit3A, %sign3A_10 : i32
    %sign3A_12 = arith.extui %sign3A_11 : i1 to i32
    %sign3A_13 = arith.subi %sign3A_9, %sign3A_12 : i32
    %ne3A = arith.cmpi ne, %sign3A_6, %sign3A_13 : i32
    %rem3A = arith.remsi %add3A, %jit3A : i32
    %ne3A_14 = arith.constant 0 : i32
    %ne3A_15 = arith.cmpi ne, %rem3A, %ne3A_14 : i32
    %and3A = arith.andi %ne3A, %ne3A_15 : i1
    %sub3A = arith.constant 1 : i32
    %sub3A_16 = arith.subi %div3A, %sub3A : i32
    %select_n3A = arith.select %and3A, %sub3A_16, %div3A : i32
    %jit3A_17 = arith.constant 4 : i32
    %eq3A = arith.constant 0 : i32
    %eq3A_18 = arith.cmpi eq, %jit3A_17, %eq3A : i32
    %jit3A_19 = arith.constant 1 : i32
    %select_n3A_20 = arith.select %eq3A_18, %jit3A_19, %jit3A_17 : i32
    %rem3A_21 = arith.remsi %add3A, %select_n3A_20 : i32
    %ne3A_22 = arith.constant 0 : i32
    %ne3A_23 = arith.cmpi ne, %rem3A_21, %ne3A_22 : i32
    %lt3A = arith.constant 0 : i32
    %lt3A_24 = arith.cmpi slt, %rem3A_21, %lt3A : i32
    %lt3A_25 = arith.constant 0 : i32
    %lt3A_26 = arith.cmpi slt, %select_n3A_20, %lt3A_25 : i32
    %ne3A_27 = arith.xori %lt3A_24, %lt3A_26 : i1
    %and3A_28 = arith.andi %ne3A_27, %ne3A_23 : i1
    %add3A_29 = arith.addi %rem3A_21, %select_n3A_20 : i32
    %select_n3A_30 = arith.select %and3A_28, %add3A_29, %rem3A_21 : i32
    %jit3A_31 = arith.constant 4 : i32
    %div3A_32 = arith.divsi %select_n3A, %jit3A_31 : i32
    %sign3A_33 = arith.constant 0 : i32
    %sign3A_34 = arith.cmpi sgt, %select_n3A, %sign3A_33 : i32
    %sign3A_35 = arith.extui %sign3A_34 : i1 to i32
    %sign3A_36 = arith.constant 0 : i32
    %sign3A_37 = arith.cmpi slt, %select_n3A, %sign3A_36 : i32
    %sign3A_38 = arith.extui %sign3A_37 : i1 to i32
    %sign3A_39 = arith.subi %sign3A_35, %sign3A_38 : i32
    %sign3A_40 = arith.constant 0 : i32
    %sign3A_41 = arith.cmpi sgt, %jit3A_31, %sign3A_40 : i32
    %sign3A_42 = arith.extui %sign3A_41 : i1 to i32
    %sign3A_43 = arith.constant 0 : i32
    %sign3A_44 = arith.cmpi slt, %jit3A_31, %sign3A_43 : i32
    %sign3A_45 = arith.extui %sign3A_44 : i1 to i32
    %sign3A_46 = arith.subi %sign3A_42, %sign3A_45 : i32
    %ne3A_47 = arith.cmpi ne, %sign3A_39, %sign3A_46 : i32
    %rem3A_48 = arith.remsi %select_n3A, %jit3A_31 : i32
    %ne3A_49 = arith.constant 0 : i32
    %ne3A_50 = arith.cmpi ne, %rem3A_48, %ne3A_49 : i32
    %and3A_51 = arith.andi %ne3A_47, %ne3A_50 : i1
    %sub3A_52 = arith.constant 1 : i32
    %sub3A_53 = arith.subi %div3A_32, %sub3A_52 : i32
    %select_n3A_54 = arith.select %and3A_51, %sub3A_53, %div3A_32 : i32
    %jit3A_55 = arith.constant 4 : i32
    %eq3A_56 = arith.constant 0 : i32
    %eq3A_57 = arith.cmpi eq, %jit3A_55, %eq3A_56 : i32
    %jit3A_58 = arith.constant 1 : i32
    %select_n3A_59 = arith.select %eq3A_57, %jit3A_58, %jit3A_55 : i32
    %rem3A_60 = arith.remsi %select_n3A, %select_n3A_59 : i32
    %ne3A_61 = arith.constant 0 : i32
    %ne3A_62 = arith.cmpi ne, %rem3A_60, %ne3A_61 : i32
    %lt3A_63 = arith.constant 0 : i32
    %lt3A_64 = arith.cmpi slt, %rem3A_60, %lt3A_63 : i32
    %lt3A_65 = arith.constant 0 : i32
    %lt3A_66 = arith.cmpi slt, %select_n3A_59, %lt3A_65 : i32
    %ne3A_67 = arith.xori %lt3A_64, %lt3A_66 : i1
    %and3A_68 = arith.andi %ne3A_67, %ne3A_62 : i1
    %add3A_69 = arith.addi %rem3A_60, %select_n3A_59 : i32
    %select_n3A_70 = arith.select %and3A_68, %add3A_69, %rem3A_60 : i32
    %eq3A_71 = arith.constant 0 : i32
    %eq3A_72 = arith.cmpi eq, %arg1, %eq3A_71 : i32
    %convert_element_type3A = arith.extui %eq3A_72 : i1 to i32
    %cond3A = arith.constant 0 : i32
    %cond3A_73 = arith.cmpi ne, %convert_element_type3A, %cond3A : i32
    scf.if %cond3A_73 {
      "tpu.region"() ({
        %run_scoped3A = tpu.sem_alloc : memref<!tpu.dma_semaphore, #tpu.memory_space<semaphore_mem>>
        tpu.enqueue_dma source(%arg2 : memref<40000xf32, #tpu.memory_space<hbm>>) target(%arg7 : memref<40000xf32, #tpu.memory_space<vmem_shared>>) target_semaphore(%run_scoped3A : memref<!tpu.dma_semaphore, #tpu.memory_space<semaphore_mem>>)
        tpu.wait_dma2 semaphore(%run_scoped3A : memref<!tpu.dma_semaphore, #tpu.memory_space<semaphore_mem>>) src(%arg2 : memref<40000xf32, #tpu.memory_space<hbm>>) dst(%arg7 : memref<40000xf32, #tpu.memory_space<vmem_shared>>)
        tpu.yield
      }) : () -> ()
    } else {
    }
    %mul3A_74 = arith.constant 100000 : i32
    %mul3A_75 = arith.muli %select_n3A_54, %mul3A_74 : i32
    %mul3A_76 = arith.constant 25000 : i32
    %mul3A_77 = arith.muli %select_n3A_30, %mul3A_76 : i32
    %add3A_78 = arith.addi %mul3A_75, %mul3A_77 : i32
    "tpu.region"() ({
      %run_scoped3A = tpu.sem_alloc : memref<!tpu.dma_semaphore, #tpu.memory_space<semaphore_mem>>
      %dma_start3A_106 = tpu.memref_slice %arg3[%add3A_78] : memref<200000xi32, #tpu.memory_space<hbm>> -> memref<25000xi32, #tpu.memory_space<hbm>>
      %dma_start3A_107 = tpu.memref_slice %arg3[%add3A_78] : memref<200000xi32, #tpu.memory_space<hbm>> -> memref<25000xi32, #tpu.memory_space<hbm>>
      tpu.enqueue_dma source(%dma_start3A_107 : memref<25000xi32, #tpu.memory_space<hbm>>) target(%arg5 : memref<25000xi32, #tpu.memory_space<vmem>>) target_semaphore(%run_scoped3A : memref<!tpu.dma_semaphore, #tpu.memory_space<semaphore_mem>>)
      %dma_wait3A_108 = tpu.memref_slice %arg3[%add3A_78] : memref<200000xi32, #tpu.memory_space<hbm>> -> memref<25000xi32, #tpu.memory_space<hbm>>
      %dma_wait3A_109 = tpu.memref_slice %arg3[%add3A_78] : memref<200000xi32, #tpu.memory_space<hbm>> -> memref<25000xi32, #tpu.memory_space<hbm>>
      tpu.wait_dma2 semaphore(%run_scoped3A : memref<!tpu.dma_semaphore, #tpu.memory_space<semaphore_mem>>) src(%dma_wait3A_109 : memref<25000xi32, #tpu.memory_space<hbm>>) dst(%arg5 : memref<25000xi32, #tpu.memory_space<vmem>>)
      tpu.yield
    }) : () -> ()
    %mul3A_79 = arith.constant 10000 : i32
    %mul3A_80 = arith.muli %select_n3A_70, %mul3A_79 : i32
    %scan3A = arith.constant 0 : i32
    %scan3A_81 = arith.constant 0 : i32
    %scan3A_82 = arith.constant 1562 : i32
    %scan3A_83 = arith.addi %scan3A_81, %scan3A_82 : i32
    %scan3A_84 = arith.constant 1 : i32
    scf.for %scan3A_106 = %scan3A_81 to %scan3A_83 step %scan3A_84  : i32 {
      %mul3A_107 = arith.constant 16 : i32
      %mul3A_108 = arith.muli %scan3A_106, %mul3A_107 : i32
      %get3A_109 = arith.index_cast %mul3A_108 : i32 to index
      %get3A_110 = tpu.vector_load %arg5[%get3A_109] {strides = array<i32>} : memref<25000xi32, #tpu.memory_space<vmem>>, vector<16xi32>,
      %get3A_111 = vector.shape_cast %get3A_110 : vector<16xi32> to vector<16xi32>
      %add3A_112 = vector.broadcast %mul3A_80 : i32 to vector<16xi32>
      %add3A_113 = arith.addi %get3A_111, %add3A_112 : vector<16xi32>
      %swap3A_114 = arith.index_cast %mul3A_108 : i32 to index
      %swap3A_115 = tpu.vector_load %arg5[%swap3A_114] {strides = array<i32>} : memref<25000xi32, #tpu.memory_space<vmem>>, vector<16xi32>,
      %swap3A_116 = vector.shape_cast %swap3A_115 : vector<16xi32> to vector<16xi32>
      %swap3A_117 = vector.shape_cast %add3A_113 : vector<16xi32> to vector<16xi32>
      tpu.vector_store %arg5[%swap3A_114], %swap3A_117 {strides = array<i32>} : memref<25000xi32, #tpu.memory_space<vmem>>, vector<16xi32>,
    }
    %scan3A_85 = arith.constant 1562 : i32
    %iota3A = tpu.iota {dimensions = array<i32: 0>} : vector<16xi32>
    %ge3A = arith.constant 8 : i32
    %ge3A_86 = vector.broadcast %ge3A : i32 to vector<16xi32>
    %ge3A_87 = arith.cmpi sge, %iota3A, %ge3A_86 : vector<16xi32>
    %get3A = arith.constant 24984 : index
    %get3A_88 = tpu.vector_load %arg5[%get3A] {strides = array<i32>} : memref<25000xi32, #tpu.memory_space<vmem>>, vector<16xi32>,
    %get3A_89 = vector.shape_cast %get3A_88 : vector<16xi32> to vector<16xi32>
    %add3A_90 = vector.broadcast %mul3A_80 : i32 to vector<16xi32>
    %add3A_91 = arith.addi %get3A_89, %add3A_90 : vector<16xi32>
    %get3A_92 = arith.constant 24984 : index
    %get3A_93 = tpu.vector_load %arg5[%get3A_92] {strides = array<i32>} : memref<25000xi32, #tpu.memory_space<vmem>>, vector<16xi32>,
    %get3A_94 = vector.shape_cast %get3A_93 : vector<16xi32> to vector<16xi32>
    %select_n3A_95 = arith.select %ge3A_87, %add3A_91, %get3A_94 : vector<16xi1>, vector<16xi32>
    %swap3A = arith.constant 24984 : index
    %swap3A_96 = tpu.vector_load %arg5[%swap3A] {strides = array<i32>} : memref<25000xi32, #tpu.memory_space<vmem>>, vector<16xi32>,
    %swap3A_97 = vector.shape_cast %swap3A_96 : vector<16xi32> to vector<16xi32>
    %swap3A_98 = vector.shape_cast %select_n3A_95 : vector<16xi32> to vector<16xi32>
    tpu.vector_store %arg5[%swap3A], %swap3A_98 {strides = array<i32>} : memref<25000xi32, #tpu.memory_space<vmem>>, vector<16xi32>,
    %barrier3A = arith.constant 0 : index
    tpu.barrier barrier_id(%barrier3A)
    %dma_start3A = arith.constant 0 : i32
    %dma_start3A_99 = tpu.memref_slice %arg7[%dma_start3A] : memref<40000xf32, #tpu.memory_space<vmem_shared>> -> memref<40000xf32, #tpu.memory_space<vmem_shared>>
    tpu.enqueue_indirect_dma source(%dma_start3A_99 : memref<40000xf32, #tpu.memory_space<vmem_shared>>) target(%arg6 : memref<25000xf32, #tpu.memory_space<vmem>>) offsets(%arg5 : memref<25000xi32, #tpu.memory_space<vmem>>) semaphore(%arg8 : memref<!tpu.dma_semaphore, #tpu.memory_space<semaphore_mem>>)
    %dma_wait3A = arith.constant 0 : i32
    %dma_wait3A_100 = tpu.memref_slice %arg7[%dma_wait3A] : memref<40000xf32, #tpu.memory_space<vmem_shared>> -> memref<40000xf32, #tpu.memory_space<vmem_shared>>
    tpu.wait_indirect_dma semaphore(%arg8 : memref<!tpu.dma_semaphore, #tpu.memory_space<semaphore_mem>>) src(%dma_wait3A_100 : memref<40000xf32, #tpu.memory_space<vmem_shared>>) dst(%arg6 : memref<25000xf32, #tpu.memory_space<vmem>>)
    %mul3A_101 = arith.constant 100000 : i32
    %mul3A_102 = arith.muli %select_n3A, %mul3A_101 : i32
    %mul3A_103 = arith.constant 25000 : i32
    %mul3A_104 = arith.muli %select_n3A_30, %mul3A_103 : i32
    %add3A_105 = arith.addi %mul3A_102, %mul3A_104 : i32
    "tpu.region"() ({
      %run_scoped3A = tpu.sem_alloc : memref<!tpu.dma_semaphore, #tpu.memory_space<semaphore_mem>>
      %dma_start3A_106 = tpu.memref_slice %arg4[%add3A_105] : memref<800000xf32, #tpu.memory_space<hbm>> -> memref<25000xf32, #tpu.memory_space<hbm>>
      %dma_start3A_107 = tpu.memref_slice %arg4[%add3A_105] : memref<800000xf32, #tpu.memory_space<hbm>> -> memref<25000xf32, #tpu.memory_space<hbm>>
      tpu.enqueue_dma source(%arg6 : memref<25000xf32, #tpu.memory_space<vmem>>) target(%dma_start3A_107 : memref<25000xf32, #tpu.memory_space<hbm>>) target_semaphore(%run_scoped3A : memref<!tpu.dma_semaphore, #tpu.memory_space<semaphore_mem>>)
      %dma_wait3A_108 = tpu.memref_slice %arg4[%add3A_105] : memref<800000xf32, #tpu.memory_space<hbm>> -> memref<25000xf32, #tpu.memory_space<hbm>>
      %dma_wait3A_109 = tpu.memref_slice %arg4[%add3A_105] : memref<800000xf32, #tpu.memory_space<hbm>> -> memref<25000xf32, #tpu.memory_space<hbm>>
      tpu.wait_dma2 semaphore(%run_scoped3A : memref<!tpu.dma_semaphore, #tpu.memory_space<semaphore_mem>>) src(%arg6 : memref<25000xf32, #tpu.memory_space<vmem>>) dst(%dma_wait3A_109 : memref<25000xf32, #tpu.memory_space<hbm>>)
      tpu.yield
    }) : () -> ()
    return
  }
}

module attributes {stable_mosaic.version = 14 : i64} {
  func.func @body(%arg0: i32, %arg1: memref<4x3200xf32, #tpu.memory_space<vmem>>, %arg2: memref<3200x128xf32, #tpu.memory_space<vmem>>, %arg3: memref<4x512xf32, #tpu.memory_space<vmem>>, %arg4: memref<512x512xf32, #tpu.memory_space<vmem>>, %arg5: memref<512x4xf32, #tpu.memory_space<vmem>>, %arg6: memref<4x3200xf32, #tpu.memory_space<vmem>>) attributes {dimension_semantics = [#tpu.dimension_semantics<arbitrary>], iteration_bounds = array<i64: 50>, scalar_prefetch = 0 : i64, scratch_operands = 0 : i64, tpu.core_type = #tpu.core_type<tc>, window_params = [{transform_indices = @transform_0, window_bounds = array<i64: 4, 3200>}, {transform_indices = @transform_1, window_bounds = array<i64: 3200, 128>}, {pipeline_mode = #tpu.pipeline_mode<synchronous>, transform_indices = @transform_2, window_bounds = array<i64: 4, 512>}, {pipeline_mode = #tpu.pipeline_mode<synchronous>, transform_indices = @transform_3, window_bounds = array<i64: 512, 512>}, {pipeline_mode = #tpu.pipeline_mode<synchronous>, transform_indices = @transform_4, window_bounds = array<i64: 512, 4>}, {transform_indices = @transform_5, window_bounds = array<i64: 4, 3200>}]} {
    %get3A = arith.constant 0 : index
    %get3A_0 = arith.constant 0 : index
    %get3A_1 = vector.load %arg1[%get3A, %get3A_0] : memref<4x3200xf32, #tpu.memory_space<vmem>>, vector<4x3200xf32>
    %get3A_2 = arith.constant 0 : index
    %get3A_3 = arith.constant 0 : index
    %get3A_4 = vector.load %arg3[%get3A_2, %get3A_3] : memref<4x512xf32, #tpu.memory_space<vmem>>, vector<4x512xf32>
    %dot_general3A = arith.constant dense<0.000000e+00> : vector<3200x512xf32>
    %dot_general3A_5 = tpu.matmul %get3A_1, %get3A_4, %dot_general3A {dimension_numbers = #tpu.dot_dimension_numbers<[0], [0], [1], [1], [0, 1, 1, 1], [], []>, transpose_lhs_hint = false} : vector<4x3200xf32>, vector<4x512xf32>, vector<3200x512xf32> -> vector<3200x512xf32>
    %max3A = arith.constant 0.000000e+00 : f32
    %max3A_6 = vector.broadcast %max3A : f32 to vector<3200x512xf32>
    %max3A_7 = arith.maximumf %dot_general3A_5, %max3A_6 : vector<3200x512xf32>
    %get3A_8 = arith.constant 0 : index
    %get3A_9 = arith.constant 0 : index
    %get3A_10 = vector.load %arg4[%get3A_8, %get3A_9] : memref<512x512xf32, #tpu.memory_space<vmem>>, vector<512x512xf32>
    %dot_general3A_11 = arith.constant dense<0.000000e+00> : vector<3200x512xf32>
    %dot_general3A_12 = tpu.matmul %max3A_7, %get3A_10, %dot_general3A_11 {dimension_numbers = #tpu.dot_dimension_numbers<[1], [0], [0], [1], [0, 0, 1, 1], [], []>, transpose_lhs_hint = false} : vector<3200x512xf32>, vector<512x512xf32>, vector<3200x512xf32> -> vector<3200x512xf32>
    %get3A_13 = arith.constant 0 : index
    %get3A_14 = arith.constant 0 : index
    %get3A_15 = vector.load %arg2[%get3A_13, %get3A_14] : memref<3200x128xf32, #tpu.memory_space<vmem>>, vector<3200x128xf32>
    %concatenate3A = tpu.concatenate %get3A_15, %get3A_15, %get3A_15, %get3A_15 in 1 : vector<3200x128xf32>, vector<3200x128xf32>, vector<3200x128xf32>, vector<3200x128xf32> -> vector<3200x512xf32>
    %mul3A = arith.mulf %concatenate3A, %dot_general3A_12 : vector<3200x512xf32>
    %get3A_16 = arith.constant 0 : index
    %get3A_17 = arith.constant 0 : index
    %get3A_18 = vector.load %arg5[%get3A_16, %get3A_17] : memref<512x4xf32, #tpu.memory_space<vmem>>, vector<512x4xf32>
    %dot_general3A_19 = arith.constant dense<0.000000e+00> : vector<4x3200xf32>
    %dot_general3A_20 = tpu.matmul %get3A_18, %mul3A, %dot_general3A_19 {dimension_numbers = #tpu.dot_dimension_numbers<[0], [1], [1], [0], [0, 1, 1, 0], [], []>, transpose_lhs_hint = false} : vector<512x4xf32>, vector<3200x512xf32>, vector<4x3200xf32> -> vector<4x3200xf32>
    %swap3A = arith.constant 0 : index
    %swap3A_21 = arith.constant 0 : index
    %swap3A_22 = vector.load %arg6[%swap3A, %swap3A_21] : memref<4x3200xf32, #tpu.memory_space<vmem>>, vector<4x3200xf32>
    tpu.vector_store %arg6[%swap3A, %swap3A_21], %dot_general3A_20 {strides = array<i32>} : memref<4x3200xf32, #tpu.memory_space<vmem>>, vector<4x3200xf32>,
    return
  }
  func.func @transform_0(%arg0: i32) -> (i32, i32) {
    %c0_i32 = arith.constant 0 : i32
    %c0_i32_0 = arith.constant 0 : i32
    return %c0_i32, %arg0 : i32, i32
  }
  func.func @transform_1(%arg0: i32) -> (i32, i32) {
    %c0_i32 = arith.constant 0 : i32
    %c0_i32_0 = arith.constant 0 : i32
    return %arg0, %c0_i32 : i32, i32
  }
  func.func @transform_2(%arg0: i32) -> (i32, i32) {
    %c0_i32 = arith.constant 0 : i32
    %c0_i32_0 = arith.constant 0 : i32
    %c0_i32_1 = arith.constant 0 : i32
    return %c0_i32, %c0_i32_0 : i32, i32
  }
  func.func @transform_3(%arg0: i32) -> (i32, i32) {
    %c0_i32 = arith.constant 0 : i32
    %c0_i32_0 = arith.constant 0 : i32
    %c0_i32_1 = arith.constant 0 : i32
    return %c0_i32, %c0_i32_0 : i32, i32
  }
  func.func @transform_4(%arg0: i32) -> (i32, i32) {
    %c0_i32 = arith.constant 0 : i32
    %c0_i32_0 = arith.constant 0 : i32
    %c0_i32_1 = arith.constant 0 : i32
    return %c0_i32, %c0_i32_0 : i32, i32
  }
  func.func @transform_5(%arg0: i32) -> (i32, i32) {
    %c0_i32 = arith.constant 0 : i32
    %c0_i32_0 = arith.constant 0 : i32
    return %c0_i32, %arg0 : i32, i32
  }
}

module attributes {stable_mosaic.version = 14 : i64} {
  func.func @body(%arg0: i32, %arg1: memref<1x4x10000xf32, #tpu.memory_space<vmem>>, %arg2: memref<1x4x10000xf32, #tpu.memory_space<vmem>>, %arg3: memref<128x10000xf32, #tpu.memory_space<vmem>>, %arg4: memref<4x128xf32, #tpu.memory_space<vmem>>, %arg5: memref<4x1xf32, #tpu.memory_space<vmem>>, %arg6: memref<4x10000xf32, #tpu.memory_space<vmem>>) attributes {dimension_semantics = [#tpu.dimension_semantics<arbitrary>], iteration_bounds = array<i64: 1>, scalar_prefetch = 0 : i64, scratch_operands = 0 : i64, tpu.core_type = #tpu.core_type<tc>, window_params = [{transform_indices = @transform_0, window_bounds = array<i64: 1, 4, 10000>}, {transform_indices = @transform_1, window_bounds = array<i64: 1, 4, 10000>}, {transform_indices = @transform_2, window_bounds = array<i64: 128, 10000>}, {pipeline_mode = #tpu.pipeline_mode<synchronous>, transform_indices = @transform_3, window_bounds = array<i64: 4, 128>}, {pipeline_mode = #tpu.pipeline_mode<synchronous>, transform_indices = @transform_4, window_bounds = array<i64: 4, 1>}, {transform_indices = @transform_5, window_bounds = array<i64: 4, 10000>}]} {
    %get3A = arith.constant 0 : index
    %get3A_0 = arith.constant 0 : index
    %get3A_1 = arith.constant 0 : index
    %get3A_2 = vector.load %arg1[%get3A, %get3A_0, %get3A_1] : memref<1x4x10000xf32, #tpu.memory_space<vmem>>, vector<1x4x10000xf32>
    %get3A_3 = vector.shape_cast %get3A_2 : vector<1x4x10000xf32> to vector<4x10000xf32>
    %get3A_4 = arith.constant 0 : index
    %get3A_5 = arith.constant 0 : index
    %get3A_6 = arith.constant 0 : index
    %get3A_7 = vector.load %arg2[%get3A_4, %get3A_5, %get3A_6] : memref<1x4x10000xf32, #tpu.memory_space<vmem>>, vector<1x4x10000xf32>
    %get3A_8 = vector.shape_cast %get3A_7 : vector<1x4x10000xf32> to vector<4x10000xf32>
    %add3A = arith.addf %get3A_3, %get3A_8 : vector<4x10000xf32>
    %get3A_9 = arith.constant 0 : index
    %get3A_10 = arith.constant 0 : index
    %get3A_11 = vector.load %arg4[%get3A_9, %get3A_10] : memref<4x128xf32, #tpu.memory_space<vmem>>, vector<4x128xf32>
    %get3A_12 = arith.constant 0 : index
    %get3A_13 = arith.constant 0 : index
    %get3A_14 = vector.load %arg3[%get3A_12, %get3A_13] : memref<128x10000xf32, #tpu.memory_space<vmem>>, vector<128x10000xf32>
    %dot_general3A = arith.constant dense<0.000000e+00> : vector<4x10000xf32>
    %dot_general3A_15 = tpu.matmul %get3A_11, %get3A_14, %dot_general3A {dimension_numbers = #tpu.dot_dimension_numbers<[1], [0], [0], [1], [0, 0, 1, 1], [], []>, transpose_lhs_hint = false} : vector<4x128xf32>, vector<128x10000xf32>, vector<4x10000xf32> -> vector<4x10000xf32>
    %add3A_16 = arith.addf %add3A, %dot_general3A_15 : vector<4x10000xf32>
    %get3A_17 = arith.constant 0 : index
    %get3A_18 = arith.constant 0 : index
    %get3A_19 = vector.load %arg5[%get3A_17, %get3A_18] : memref<4x1xf32, #tpu.memory_space<vmem>>, vector<4x1xf32>
    %add3A_20 = vector.broadcast %get3A_19 : vector<4x1xf32> to vector<4x10000xf32>
    %add3A_21 = arith.addf %add3A_16, %add3A_20 : vector<4x10000xf32>
    %max3A = arith.constant 0.000000e+00 : f32
    %max3A_22 = vector.broadcast %max3A : f32 to vector<4x10000xf32>
    %max3A_23 = arith.maximumf %add3A_21, %max3A_22 : vector<4x10000xf32>
    %swap3A = arith.constant 0 : index
    %swap3A_24 = arith.constant 0 : index
    %swap3A_25 = vector.load %arg6[%swap3A, %swap3A_24] : memref<4x10000xf32, #tpu.memory_space<vmem>>, vector<4x10000xf32>
    tpu.vector_store %arg6[%swap3A, %swap3A_24], %max3A_23 {strides = array<i32>} : memref<4x10000xf32, #tpu.memory_space<vmem>>, vector<4x10000xf32>,
    return
  }
  func.func @transform_0(%arg0: i32) -> (i32, i32, i32) {
    %c0_i32 = arith.constant 0 : i32
    %c0_i32_0 = arith.constant 0 : i32
    %c0_i32_1 = arith.constant 0 : i32
    return %c0_i32, %c0_i32_0, %arg0 : i32, i32, i32
  }
  func.func @transform_1(%arg0: i32) -> (i32, i32, i32) {
    %c1_i32 = arith.constant 1 : i32
    %c0_i32 = arith.constant 0 : i32
    %c0_i32_0 = arith.constant 0 : i32
    return %c1_i32, %c0_i32, %arg0 : i32, i32, i32
  }
  func.func @transform_2(%arg0: i32) -> (i32, i32) {
    %c0_i32 = arith.constant 0 : i32
    %c0_i32_0 = arith.constant 0 : i32
    return %c0_i32, %arg0 : i32, i32
  }
  func.func @transform_3(%arg0: i32) -> (i32, i32) {
    %c0_i32 = arith.constant 0 : i32
    %c0_i32_0 = arith.constant 0 : i32
    %c0_i32_1 = arith.constant 0 : i32
    return %c0_i32, %c0_i32_0 : i32, i32
  }
  func.func @transform_4(%arg0: i32) -> (i32, i32) {
    %c0_i32 = arith.constant 0 : i32
    %c0_i32_0 = arith.constant 0 : i32
    %c0_i32_1 = arith.constant 0 : i32
    return %c0_i32, %c0_i32_0 : i32, i32
  }
  func.func @transform_5(%arg0: i32) -> (i32, i32) {
    %c0_i32 = arith.constant 0 : i32
    %c0_i32_0 = arith.constant 0 : i32
    return %c0_i32, %arg0 : i32, i32
  }
}

module attributes {stable_mosaic.version = 14 : i64} {
  func.func @body(%arg0: i32, %arg1: memref<4x16000xf32, #tpu.memory_space<vmem>>, %arg2: memref<4x16000xf32, #tpu.memory_space<vmem>>, %arg3: memref<16x4xf32, #tpu.memory_space<vmem>>, %arg4: memref<16x1xf32, #tpu.memory_space<vmem>>, %arg5: memref<16x16xf32, #tpu.memory_space<vmem>>, %arg6: memref<16x1xf32, #tpu.memory_space<vmem>>, %arg7: memref<4x16000xf32, #tpu.memory_space<vmem>>) attributes {dimension_semantics = [#tpu.dimension_semantics<arbitrary>], iteration_bounds = array<i64: 10>, scalar_prefetch = 0 : i64, scratch_operands = 0 : i64, tpu.core_type = #tpu.core_type<tc>, window_params = [{transform_indices = @transform_0, window_bounds = array<i64: 4, 16000>}, {transform_indices = @transform_1, window_bounds = array<i64: 4, 16000>}, {pipeline_mode = #tpu.pipeline_mode<synchronous>, transform_indices = @transform_2, window_bounds = array<i64: 16, 4>}, {pipeline_mode = #tpu.pipeline_mode<synchronous>, transform_indices = @transform_3, window_bounds = array<i64: 16, 1>}, {pipeline_mode = #tpu.pipeline_mode<synchronous>, transform_indices = @transform_4, window_bounds = array<i64: 16, 16>}, {pipeline_mode = #tpu.pipeline_mode<synchronous>, transform_indices = @transform_5, window_bounds = array<i64: 16, 1>}, {transform_indices = @transform_6, window_bounds = array<i64: 4, 16000>}]} {
    %get3A = arith.constant 0 : index
    %get3A_0 = arith.constant 0 : index
    %get3A_1 = vector.load %arg3[%get3A, %get3A_0] : memref<16x4xf32, #tpu.memory_space<vmem>>, vector<16x4xf32>
    %get3A_2 = arith.constant 0 : index
    %get3A_3 = arith.constant 0 : index
    %get3A_4 = vector.load %arg1[%get3A_2, %get3A_3] : memref<4x16000xf32, #tpu.memory_space<vmem>>, vector<4x16000xf32>
    %dot_general3A = arith.constant dense<0.000000e+00> : vector<16x16000xf32>
    %dot_general3A_5 = tpu.matmul %get3A_1, %get3A_4, %dot_general3A {dimension_numbers = #tpu.dot_dimension_numbers<[1], [0], [0], [1], [0, 0, 1, 1], [], []>, transpose_lhs_hint = false} : vector<16x4xf32>, vector<4x16000xf32>, vector<16x16000xf32> -> vector<16x16000xf32>
    %get3A_6 = arith.constant 0 : index
    %get3A_7 = arith.constant 0 : index
    %get3A_8 = vector.load %arg4[%get3A_6, %get3A_7] : memref<16x1xf32, #tpu.memory_space<vmem>>, vector<16x1xf32>
    %add3A = vector.broadcast %get3A_8 : vector<16x1xf32> to vector<16x16000xf32>
    %add3A_9 = arith.addf %dot_general3A_5, %add3A : vector<16x16000xf32>
    %max3A = arith.constant 0.000000e+00 : f32
    %max3A_10 = vector.broadcast %max3A : f32 to vector<16x16000xf32>
    %max3A_11 = arith.maximumf %add3A_9, %max3A_10 : vector<16x16000xf32>
    %get3A_12 = arith.constant 0 : index
    %get3A_13 = arith.constant 0 : index
    %get3A_14 = vector.load %arg5[%get3A_12, %get3A_13] : memref<16x16xf32, #tpu.memory_space<vmem>>, vector<16x16xf32>
    %dot_general3A_15 = arith.constant dense<0.000000e+00> : vector<16x16000xf32>
    %dot_general3A_16 = tpu.matmul %get3A_14, %max3A_11, %dot_general3A_15 {dimension_numbers = #tpu.dot_dimension_numbers<[1], [0], [0], [1], [0, 0, 1, 1], [], []>, transpose_lhs_hint = false} : vector<16x16xf32>, vector<16x16000xf32>, vector<16x16000xf32> -> vector<16x16000xf32>
    %get3A_17 = arith.constant 0 : index
    %get3A_18 = arith.constant 0 : index
    %get3A_19 = vector.load %arg6[%get3A_17, %get3A_18] : memref<16x1xf32, #tpu.memory_space<vmem>>, vector<16x1xf32>
    %add3A_20 = vector.broadcast %get3A_19 : vector<16x1xf32> to vector<16x16000xf32>
    %add3A_21 = arith.addf %dot_general3A_16, %add3A_20 : vector<16x16000xf32>
    %get3A_22 = arith.constant 0 : index
    %get3A_23 = arith.constant 0 : index
    %get3A_24 = vector.load %arg2[%get3A_22, %get3A_23] : memref<4x16000xf32, #tpu.memory_space<vmem>>, vector<4x16000xf32>
    %slice3A = vector.extract_strided_slice %get3A_24 {offsets = [0, 0], sizes = [1, 16000], strides = [1, 1]} : vector<4x16000xf32> to vector<1x16000xf32>
    %slice3A_25 = vector.extract_strided_slice %add3A_21 {offsets = [0, 0], sizes = [1, 16000], strides = [1, 1]} : vector<16x16000xf32> to vector<1x16000xf32>
    %mul3A = arith.mulf %slice3A, %slice3A_25 : vector<1x16000xf32>
    %slice3A_26 = vector.extract_strided_slice %get3A_24 {offsets = [1, 0], sizes = [1, 16000], strides = [1, 1]} : vector<4x16000xf32> to vector<1x16000xf32>
    %slice3A_27 = vector.extract_strided_slice %add3A_21 {offsets = [1, 0], sizes = [1, 16000], strides = [1, 1]} : vector<16x16000xf32> to vector<1x16000xf32>
    %mul3A_28 = arith.mulf %slice3A_26, %slice3A_27 : vector<1x16000xf32>
    %add3A_29 = arith.addf %mul3A, %mul3A_28 : vector<1x16000xf32>
    %slice3A_30 = vector.extract_strided_slice %get3A_24 {offsets = [2, 0], sizes = [1, 16000], strides = [1, 1]} : vector<4x16000xf32> to vector<1x16000xf32>
    %slice3A_31 = vector.extract_strided_slice %add3A_21 {offsets = [2, 0], sizes = [1, 16000], strides = [1, 1]} : vector<16x16000xf32> to vector<1x16000xf32>
    %mul3A_32 = arith.mulf %slice3A_30, %slice3A_31 : vector<1x16000xf32>
    %add3A_33 = arith.addf %add3A_29, %mul3A_32 : vector<1x16000xf32>
    %slice3A_34 = vector.extract_strided_slice %get3A_24 {offsets = [3, 0], sizes = [1, 16000], strides = [1, 1]} : vector<4x16000xf32> to vector<1x16000xf32>
    %slice3A_35 = vector.extract_strided_slice %add3A_21 {offsets = [3, 0], sizes = [1, 16000], strides = [1, 1]} : vector<16x16000xf32> to vector<1x16000xf32>
    %mul3A_36 = arith.mulf %slice3A_34, %slice3A_35 : vector<1x16000xf32>
    %add3A_37 = arith.addf %add3A_33, %mul3A_36 : vector<1x16000xf32>
    %slice3A_38 = vector.extract_strided_slice %get3A_24 {offsets = [0, 0], sizes = [1, 16000], strides = [1, 1]} : vector<4x16000xf32> to vector<1x16000xf32>
    %slice3A_39 = vector.extract_strided_slice %add3A_21 {offsets = [4, 0], sizes = [1, 16000], strides = [1, 1]} : vector<16x16000xf32> to vector<1x16000xf32>
    %mul3A_40 = arith.mulf %slice3A_38, %slice3A_39 : vector<1x16000xf32>
    %slice3A_41 = vector.extract_strided_slice %get3A_24 {offsets = [1, 0], sizes = [1, 16000], strides = [1, 1]} : vector<4x16000xf32> to vector<1x16000xf32>
    %slice3A_42 = vector.extract_strided_slice %add3A_21 {offsets = [5, 0], sizes = [1, 16000], strides = [1, 1]} : vector<16x16000xf32> to vector<1x16000xf32>
    %mul3A_43 = arith.mulf %slice3A_41, %slice3A_42 : vector<1x16000xf32>
    %add3A_44 = arith.addf %mul3A_40, %mul3A_43 : vector<1x16000xf32>
    %slice3A_45 = vector.extract_strided_slice %get3A_24 {offsets = [2, 0], sizes = [1, 16000], strides = [1, 1]} : vector<4x16000xf32> to vector<1x16000xf32>
    %slice3A_46 = vector.extract_strided_slice %add3A_21 {offsets = [6, 0], sizes = [1, 16000], strides = [1, 1]} : vector<16x16000xf32> to vector<1x16000xf32>
    %mul3A_47 = arith.mulf %slice3A_45, %slice3A_46 : vector<1x16000xf32>
    %add3A_48 = arith.addf %add3A_44, %mul3A_47 : vector<1x16000xf32>
    %slice3A_49 = vector.extract_strided_slice %get3A_24 {offsets = [3, 0], sizes = [1, 16000], strides = [1, 1]} : vector<4x16000xf32> to vector<1x16000xf32>
    %slice3A_50 = vector.extract_strided_slice %add3A_21 {offsets = [7, 0], sizes = [1, 16000], strides = [1, 1]} : vector<16x16000xf32> to vector<1x16000xf32>
    %mul3A_51 = arith.mulf %slice3A_49, %slice3A_50 : vector<1x16000xf32>
    %add3A_52 = arith.addf %add3A_48, %mul3A_51 : vector<1x16000xf32>
    %slice3A_53 = vector.extract_strided_slice %get3A_24 {offsets = [0, 0], sizes = [1, 16000], strides = [1, 1]} : vector<4x16000xf32> to vector<1x16000xf32>
    %slice3A_54 = vector.extract_strided_slice %add3A_21 {offsets = [8, 0], sizes = [1, 16000], strides = [1, 1]} : vector<16x16000xf32> to vector<1x16000xf32>
    %mul3A_55 = arith.mulf %slice3A_53, %slice3A_54 : vector<1x16000xf32>
    %slice3A_56 = vector.extract_strided_slice %get3A_24 {offsets = [1, 0], sizes = [1, 16000], strides = [1, 1]} : vector<4x16000xf32> to vector<1x16000xf32>
    %slice3A_57 = vector.extract_strided_slice %add3A_21 {offsets = [9, 0], sizes = [1, 16000], strides = [1, 1]} : vector<16x16000xf32> to vector<1x16000xf32>
    %mul3A_58 = arith.mulf %slice3A_56, %slice3A_57 : vector<1x16000xf32>
    %add3A_59 = arith.addf %mul3A_55, %mul3A_58 : vector<1x16000xf32>
    %slice3A_60 = vector.extract_strided_slice %get3A_24 {offsets = [2, 0], sizes = [1, 16000], strides = [1, 1]} : vector<4x16000xf32> to vector<1x16000xf32>
    %slice3A_61 = vector.extract_strided_slice %add3A_21 {offsets = [10, 0], sizes = [1, 16000], strides = [1, 1]} : vector<16x16000xf32> to vector<1x16000xf32>
    %mul3A_62 = arith.mulf %slice3A_60, %slice3A_61 : vector<1x16000xf32>
    %add3A_63 = arith.addf %add3A_59, %mul3A_62 : vector<1x16000xf32>
    %slice3A_64 = vector.extract_strided_slice %get3A_24 {offsets = [3, 0], sizes = [1, 16000], strides = [1, 1]} : vector<4x16000xf32> to vector<1x16000xf32>
    %slice3A_65 = vector.extract_strided_slice %add3A_21 {offsets = [11, 0], sizes = [1, 16000], strides = [1, 1]} : vector<16x16000xf32> to vector<1x16000xf32>
    %mul3A_66 = arith.mulf %slice3A_64, %slice3A_65 : vector<1x16000xf32>
    %add3A_67 = arith.addf %add3A_63, %mul3A_66 : vector<1x16000xf32>
    %slice3A_68 = vector.extract_strided_slice %get3A_24 {offsets = [0, 0], sizes = [1, 16000], strides = [1, 1]} : vector<4x16000xf32> to vector<1x16000xf32>
    %slice3A_69 = vector.extract_strided_slice %add3A_21 {offsets = [12, 0], sizes = [1, 16000], strides = [1, 1]} : vector<16x16000xf32> to vector<1x16000xf32>
    %mul3A_70 = arith.mulf %slice3A_68, %slice3A_69 : vector<1x16000xf32>
    %slice3A_71 = vector.extract_strided_slice %get3A_24 {offsets = [1, 0], sizes = [1, 16000], strides = [1, 1]} : vector<4x16000xf32> to vector<1x16000xf32>
    %slice3A_72 = vector.extract_strided_slice %add3A_21 {offsets = [13, 0], sizes = [1, 16000], strides = [1, 1]} : vector<16x16000xf32> to vector<1x16000xf32>
    %mul3A_73 = arith.mulf %slice3A_71, %slice3A_72 : vector<1x16000xf32>
    %add3A_74 = arith.addf %mul3A_70, %mul3A_73 : vector<1x16000xf32>
    %slice3A_75 = vector.extract_strided_slice %get3A_24 {offsets = [2, 0], sizes = [1, 16000], strides = [1, 1]} : vector<4x16000xf32> to vector<1x16000xf32>
    %slice3A_76 = vector.extract_strided_slice %add3A_21 {offsets = [14, 0], sizes = [1, 16000], strides = [1, 1]} : vector<16x16000xf32> to vector<1x16000xf32>
    %mul3A_77 = arith.mulf %slice3A_75, %slice3A_76 : vector<1x16000xf32>
    %add3A_78 = arith.addf %add3A_74, %mul3A_77 : vector<1x16000xf32>
    %slice3A_79 = vector.extract_strided_slice %get3A_24 {offsets = [3, 0], sizes = [1, 16000], strides = [1, 1]} : vector<4x16000xf32> to vector<1x16000xf32>
    %slice3A_80 = vector.extract_strided_slice %add3A_21 {offsets = [15, 0], sizes = [1, 16000], strides = [1, 1]} : vector<16x16000xf32> to vector<1x16000xf32>
    %mul3A_81 = arith.mulf %slice3A_79, %slice3A_80 : vector<1x16000xf32>
    %add3A_82 = arith.addf %add3A_78, %mul3A_81 : vector<1x16000xf32>
    %concatenate3A = tpu.concatenate %add3A_37, %add3A_52, %add3A_67, %add3A_82 in 0 : vector<1x16000xf32>, vector<1x16000xf32>, vector<1x16000xf32>, vector<1x16000xf32> -> vector<4x16000xf32>
    %swap3A = arith.constant 0 : index
    %swap3A_83 = arith.constant 0 : index
    %swap3A_84 = vector.load %arg7[%swap3A, %swap3A_83] : memref<4x16000xf32, #tpu.memory_space<vmem>>, vector<4x16000xf32>
    tpu.vector_store %arg7[%swap3A, %swap3A_83], %concatenate3A {strides = array<i32>} : memref<4x16000xf32, #tpu.memory_space<vmem>>, vector<4x16000xf32>,
    return
  }
  func.func @transform_0(%arg0: i32) -> (i32, i32) {
    %c0_i32 = arith.constant 0 : i32
    %c0_i32_0 = arith.constant 0 : i32
    return %c0_i32, %arg0 : i32, i32
  }
  func.func @transform_1(%arg0: i32) -> (i32, i32) {
    %c0_i32 = arith.constant 0 : i32
    %c0_i32_0 = arith.constant 0 : i32
    return %c0_i32, %arg0 : i32, i32
  }
  func.func @transform_2(%arg0: i32) -> (i32, i32) {
    %c0_i32 = arith.constant 0 : i32
    %c0_i32_0 = arith.constant 0 : i32
    %c0_i32_1 = arith.constant 0 : i32
    return %c0_i32, %c0_i32_0 : i32, i32
  }
  func.func @transform_3(%arg0: i32) -> (i32, i32) {
    %c0_i32 = arith.constant 0 : i32
    %c0_i32_0 = arith.constant 0 : i32
    %c0_i32_1 = arith.constant 0 : i32
    return %c0_i32, %c0_i32_0 : i32, i32
  }
  func.func @transform_4(%arg0: i32) -> (i32, i32) {
    %c0_i32 = arith.constant 0 : i32
    %c0_i32_0 = arith.constant 0 : i32
    %c0_i32_1 = arith.constant 0 : i32
    return %c0_i32, %c0_i32_0 : i32, i32
  }
  func.func @transform_5(%arg0: i32) -> (i32, i32) {
    %c0_i32 = arith.constant 0 : i32
    %c0_i32_0 = arith.constant 0 : i32
    %c0_i32_1 = arith.constant 0 : i32
    return %c0_i32, %c0_i32_0 : i32, i32
  }
  func.func @transform_6(%arg0: i32) -> (i32, i32) {
    %c0_i32 = arith.constant 0 : i32
    %c0_i32_0 = arith.constant 0 : i32
    return %c0_i32, %arg0 : i32, i32
  }
}

module attributes {stable_mosaic.version = 14 : i64} {
  func.func @body(%arg0: i32, %arg1: memref<1x4x10000xf32, #tpu.memory_space<vmem>>, %arg2: memref<1x4x10000xf32, #tpu.memory_space<vmem>>, %arg3: memref<4x10000xf32, #tpu.memory_space<vmem>>, %arg4: memref<4x4xf32, #tpu.memory_space<vmem>>, %arg5: memref<4x1xf32, #tpu.memory_space<vmem>>, %arg6: memref<4x10000xf32, #tpu.memory_space<vmem>>) attributes {dimension_semantics = [#tpu.dimension_semantics<arbitrary>], iteration_bounds = array<i64: 1>, scalar_prefetch = 0 : i64, scratch_operands = 0 : i64, tpu.core_type = #tpu.core_type<tc>, window_params = [{transform_indices = @transform_0, window_bounds = array<i64: 1, 4, 10000>}, {transform_indices = @transform_1, window_bounds = array<i64: 1, 4, 10000>}, {transform_indices = @transform_2, window_bounds = array<i64: 4, 10000>}, {pipeline_mode = #tpu.pipeline_mode<synchronous>, transform_indices = @transform_3, window_bounds = array<i64: 4, 4>}, {pipeline_mode = #tpu.pipeline_mode<synchronous>, transform_indices = @transform_4, window_bounds = array<i64: 4, 1>}, {transform_indices = @transform_5, window_bounds = array<i64: 4, 10000>}]} {
    %get3A = arith.constant 0 : index
    %get3A_0 = arith.constant 0 : index
    %get3A_1 = arith.constant 0 : index
    %get3A_2 = vector.load %arg1[%get3A, %get3A_0, %get3A_1] : memref<1x4x10000xf32, #tpu.memory_space<vmem>>, vector<1x4x10000xf32>
    %get3A_3 = vector.shape_cast %get3A_2 : vector<1x4x10000xf32> to vector<4x10000xf32>
    %get3A_4 = arith.constant 0 : index
    %get3A_5 = arith.constant 0 : index
    %get3A_6 = arith.constant 0 : index
    %get3A_7 = vector.load %arg2[%get3A_4, %get3A_5, %get3A_6] : memref<1x4x10000xf32, #tpu.memory_space<vmem>>, vector<1x4x10000xf32>
    %get3A_8 = vector.shape_cast %get3A_7 : vector<1x4x10000xf32> to vector<4x10000xf32>
    %add3A = arith.addf %get3A_3, %get3A_8 : vector<4x10000xf32>
    %get3A_9 = arith.constant 0 : index
    %get3A_10 = arith.constant 0 : index
    %get3A_11 = vector.load %arg4[%get3A_9, %get3A_10] : memref<4x4xf32, #tpu.memory_space<vmem>>, vector<4x4xf32>
    %get3A_12 = arith.constant 0 : index
    %get3A_13 = arith.constant 0 : index
    %get3A_14 = vector.load %arg3[%get3A_12, %get3A_13] : memref<4x10000xf32, #tpu.memory_space<vmem>>, vector<4x10000xf32>
    %dot_general3A = arith.constant dense<0.000000e+00> : vector<4x10000xf32>
    %dot_general3A_15 = tpu.matmul %get3A_11, %get3A_14, %dot_general3A {dimension_numbers = #tpu.dot_dimension_numbers<[1], [0], [0], [1], [0, 0, 1, 1], [], []>, transpose_lhs_hint = false} : vector<4x4xf32>, vector<4x10000xf32>, vector<4x10000xf32> -> vector<4x10000xf32>
    %add3A_16 = arith.addf %add3A, %dot_general3A_15 : vector<4x10000xf32>
    %get3A_17 = arith.constant 0 : index
    %get3A_18 = arith.constant 0 : index
    %get3A_19 = vector.load %arg5[%get3A_17, %get3A_18] : memref<4x1xf32, #tpu.memory_space<vmem>>, vector<4x1xf32>
    %add3A_20 = vector.broadcast %get3A_19 : vector<4x1xf32> to vector<4x10000xf32>
    %add3A_21 = arith.addf %add3A_16, %add3A_20 : vector<4x10000xf32>
    %max3A = arith.constant 0.000000e+00 : f32
    %max3A_22 = vector.broadcast %max3A : f32 to vector<4x10000xf32>
    %max3A_23 = arith.maximumf %add3A_21, %max3A_22 : vector<4x10000xf32>
    %swap3A = arith.constant 0 : index
    %swap3A_24 = arith.constant 0 : index
    %swap3A_25 = vector.load %arg6[%swap3A, %swap3A_24] : memref<4x10000xf32, #tpu.memory_space<vmem>>, vector<4x10000xf32>
    tpu.vector_store %arg6[%swap3A, %swap3A_24], %max3A_23 {strides = array<i32>} : memref<4x10000xf32, #tpu.memory_space<vmem>>, vector<4x10000xf32>,
    return
  }
  func.func @transform_0(%arg0: i32) -> (i32, i32, i32) {
    %c0_i32 = arith.constant 0 : i32
    %c0_i32_0 = arith.constant 0 : i32
    %c0_i32_1 = arith.constant 0 : i32
    return %c0_i32, %c0_i32_0, %arg0 : i32, i32, i32
  }
  func.func @transform_1(%arg0: i32) -> (i32, i32, i32) {
    %c1_i32 = arith.constant 1 : i32
    %c0_i32 = arith.constant 0 : i32
    %c0_i32_0 = arith.constant 0 : i32
    return %c1_i32, %c0_i32, %arg0 : i32, i32, i32
  }
  func.func @transform_2(%arg0: i32) -> (i32, i32) {
    %c0_i32 = arith.constant 0 : i32
    %c0_i32_0 = arith.constant 0 : i32
    return %c0_i32, %arg0 : i32, i32
  }
  func.func @transform_3(%arg0: i32) -> (i32, i32) {
    %c0_i32 = arith.constant 0 : i32
    %c0_i32_0 = arith.constant 0 : i32
    %c0_i32_1 = arith.constant 0 : i32
    return %c0_i32, %c0_i32_0 : i32, i32
  }
  func.func @transform_4(%arg0: i32) -> (i32, i32) {
    %c0_i32 = arith.constant 0 : i32
    %c0_i32_0 = arith.constant 0 : i32
    %c0_i32_1 = arith.constant 0 : i32
    return %c0_i32, %c0_i32_0 : i32, i32
  }
  func.func @transform_5(%arg0: i32) -> (i32, i32) {
    %c0_i32 = arith.constant 0 : i32
    %c0_i32_0 = arith.constant 0 : i32
    return %c0_i32, %arg0 : i32, i32
  }
}

module attributes {stable_mosaic.version = 14 : i64} {
  func.func @body(%arg0: i32, %arg1: memref<8x100000xf32, #tpu.memory_space<vmem>>, %arg2: memref<4x8xf32, #tpu.memory_space<vmem>>, %arg3: memref<4x1xf32, #tpu.memory_space<vmem>>, %arg4: memref<4x4xf32, #tpu.memory_space<vmem>>, %arg5: memref<4x1xf32, #tpu.memory_space<vmem>>, %arg6: memref<4x100000xf32, #tpu.memory_space<vmem>>) attributes {dimension_semantics = [#tpu.dimension_semantics<arbitrary>], iteration_bounds = array<i64: 1>, scalar_prefetch = 0 : i64, scratch_operands = 0 : i64, tpu.core_type = #tpu.core_type<tc>, window_params = [{transform_indices = @transform_0, window_bounds = array<i64: 8, 100000>}, {pipeline_mode = #tpu.pipeline_mode<synchronous>, transform_indices = @transform_1, window_bounds = array<i64: 4, 8>}, {pipeline_mode = #tpu.pipeline_mode<synchronous>, transform_indices = @transform_2, window_bounds = array<i64: 4, 1>}, {pipeline_mode = #tpu.pipeline_mode<synchronous>, transform_indices = @transform_3, window_bounds = array<i64: 4, 4>}, {pipeline_mode = #tpu.pipeline_mode<synchronous>, transform_indices = @transform_4, window_bounds = array<i64: 4, 1>}, {transform_indices = @transform_5, window_bounds = array<i64: 4, 100000>}]} {
    %get3A = arith.constant 0 : index
    %get3A_0 = arith.constant 0 : index
    %get3A_1 = vector.load %arg2[%get3A, %get3A_0] : memref<4x8xf32, #tpu.memory_space<vmem>>, vector<4x8xf32>
    %get3A_2 = arith.constant 0 : index
    %get3A_3 = arith.constant 0 : index
    %get3A_4 = vector.load %arg1[%get3A_2, %get3A_3] : memref<8x100000xf32, #tpu.memory_space<vmem>>, vector<8x100000xf32>
    %dot_general3A = arith.constant dense<0.000000e+00> : vector<4x100000xf32>
    %dot_general3A_5 = tpu.matmul %get3A_1, %get3A_4, %dot_general3A {dimension_numbers = #tpu.dot_dimension_numbers<[1], [0], [0], [1], [0, 0, 1, 1], [], []>, transpose_lhs_hint = false} : vector<4x8xf32>, vector<8x100000xf32>, vector<4x100000xf32> -> vector<4x100000xf32>
    %get3A_6 = arith.constant 0 : index
    %get3A_7 = arith.constant 0 : index
    %get3A_8 = vector.load %arg3[%get3A_6, %get3A_7] : memref<4x1xf32, #tpu.memory_space<vmem>>, vector<4x1xf32>
    %add3A = vector.broadcast %get3A_8 : vector<4x1xf32> to vector<4x100000xf32>
    %add3A_9 = arith.addf %dot_general3A_5, %add3A : vector<4x100000xf32>
    %max3A = arith.constant 0.000000e+00 : f32
    %max3A_10 = vector.broadcast %max3A : f32 to vector<4x100000xf32>
    %max3A_11 = arith.maximumf %add3A_9, %max3A_10 : vector<4x100000xf32>
    %get3A_12 = arith.constant 0 : index
    %get3A_13 = arith.constant 0 : index
    %get3A_14 = vector.load %arg4[%get3A_12, %get3A_13] : memref<4x4xf32, #tpu.memory_space<vmem>>, vector<4x4xf32>
    %dot_general3A_15 = arith.constant dense<0.000000e+00> : vector<4x100000xf32>
    %dot_general3A_16 = tpu.matmul %get3A_14, %max3A_11, %dot_general3A_15 {dimension_numbers = #tpu.dot_dimension_numbers<[1], [0], [0], [1], [0, 0, 1, 1], [], []>, transpose_lhs_hint = false} : vector<4x4xf32>, vector<4x100000xf32>, vector<4x100000xf32> -> vector<4x100000xf32>
    %get3A_17 = arith.constant 0 : index
    %get3A_18 = arith.constant 0 : index
    %get3A_19 = vector.load %arg5[%get3A_17, %get3A_18] : memref<4x1xf32, #tpu.memory_space<vmem>>, vector<4x1xf32>
    %add3A_20 = vector.broadcast %get3A_19 : vector<4x1xf32> to vector<4x100000xf32>
    %add3A_21 = arith.addf %dot_general3A_16, %add3A_20 : vector<4x100000xf32>
    %swap3A = arith.constant 0 : index
    %swap3A_22 = arith.constant 0 : index
    %swap3A_23 = vector.load %arg6[%swap3A, %swap3A_22] : memref<4x100000xf32, #tpu.memory_space<vmem>>, vector<4x100000xf32>
    tpu.vector_store %arg6[%swap3A, %swap3A_22], %add3A_21 {strides = array<i32>} : memref<4x100000xf32, #tpu.memory_space<vmem>>, vector<4x100000xf32>,
    return
  }
  func.func @transform_0(%arg0: i32) -> (i32, i32) {
    %c0_i32 = arith.constant 0 : i32
    %c0_i32_0 = arith.constant 0 : i32
    return %c0_i32, %arg0 : i32, i32
  }
  func.func @transform_1(%arg0: i32) -> (i32, i32) {
    %c0_i32 = arith.constant 0 : i32
    %c0_i32_0 = arith.constant 0 : i32
    %c0_i32_1 = arith.constant 0 : i32
    return %c0_i32, %c0_i32_0 : i32, i32
  }
  func.func @transform_2(%arg0: i32) -> (i32, i32) {
    %c0_i32 = arith.constant 0 : i32
    %c0_i32_0 = arith.constant 0 : i32
    %c0_i32_1 = arith.constant 0 : i32
    return %c0_i32, %c0_i32_0 : i32, i32
  }
  func.func @transform_3(%arg0: i32) -> (i32, i32) {
    %c0_i32 = arith.constant 0 : i32
    %c0_i32_0 = arith.constant 0 : i32
    %c0_i32_1 = arith.constant 0 : i32
    return %c0_i32, %c0_i32_0 : i32, i32
  }
  func.func @transform_4(%arg0: i32) -> (i32, i32) {
    %c0_i32 = arith.constant 0 : i32
    %c0_i32_0 = arith.constant 0 : i32
    %c0_i32_1 = arith.constant 0 : i32
    return %c0_i32, %c0_i32_0 : i32, i32
  }
  func.func @transform_5(%arg0: i32) -> (i32, i32) {
    %c0_i32 = arith.constant 0 : i32
    %c0_i32_0 = arith.constant 0 : i32
    return %c0_i32, %arg0 : i32, i32
  }
}

</mosaic_0001>

<sc_bundles>
// kernel: kernel.12.cloned.1.call-start
scs
__scs_entry_jumppad:
0x0: {  	(pc) =	sbr.rel $0x88, $3  }
0x1: {  	(tag) =	ssettag $0x0;
	lr =	simm.s32 $0x1  }
0x2: {  	[smem:$0x3F8F] =	sst lr;
	_ =	strace $0xD0000000  }
0x3: {  	_ = 	snop  }
0x4: {  	_ = 	snop  }
0x5: {  	_ = 	snop  }
0x6: {  	_ = 	snop  }
0x7: {  	_ = 	snop  }
__scs_overlays_trampoline_lowered:
0x8: {  	[smem:$0x3F9E] =	sst s0  }
0x9: {  	[smem:$0x3F9F] =	sst s1  }
0xa: {  	[smem:$0x3FA0] =	sst s2  }
0xb: {  	[smem:$0x3FA1] =	sst s3  }
0xc: {  	[smem:$0x3FA2] =	sst s4  }
0xd: {  	[smem:$0x3FA3] =	sst s5  }
0xe: {  	[smem:$0x3FA4] =	sst s6  }
0xf: {  	[smem:$0x3FA5] =	sst s7  }
0x10: {  	[smem:$0x3FA6] =	sst s8  }
0x11: {  	[smem:$0x3FA7] =	sst s9;
	s0 =	simm.s32 @!p0 $0x0  }
0x12: {  	s1 =	sld [smem:$0x3F8D];
	s0 =	simm.s32 @p0 $0x1  }
0x13: {  	[smem:$0x3FA8] =	sst s0;
	s0 =	simm.s32 @!p1 $0x0  }
0x14: {  	s2 =	sld [smem:$0x3F8C];
	s0 =	simm.s32 @p1 $0x1  }
0x15: {  	[smem:$0x3FA9] =	sst s0;
	s0 =	simm.s32 @!p2 $0x0  }
0x16: {  	s3 =	sld [smem:$0x3FDB];
	s0 =	simm.s32 @p2 $0x1  }
0x17: {  	s4 =	simm.s32 $0x1BF5;
	[smem:$0x3FAB] =	sst s0  }
0x18: {  	s0 =	sld [smem:$0x3F8E];
	_ =	swait.ge [sflag:s4], $0x0  }
0x19: {  	s7 =	sld [smem:$0x3F8F]  }
0x1a: {  	s8 =	sadd.s32 $0xFFFFE003, lr  }
0x1b: {  	s9 =	sadd.s32 $0xFFFFFEF7, lr;
	s5 =	simm.s32 $0xFFFFFFFF;
	p2 =	slt.u32 s8, $0xFFFFF086  }
0x1c: {  	p1 =	slt.u32 s9, $0xF7A;
	s5 =	simm.s32 @!p2 $0x0  }
0x1d: {  	s5 =	simm.s32 @p1 $0x1;
	p0 =	seq.s32 s7, s2  }
0x1e: {  	s7 =	smul.u32 @!p0 $0xF7A, s2;
	p2 =	seq.s32 @!p0 s5, $0x0  }
0x1f: {  	s9 =	smul.u32 $0xF7A, s1;
	s8 =	simm.s32 @!p0 $0x1BF5;
	p2 =	por !p2, p0  }
0x20: {  	[sflag:s8] =	ssyncset.s32 @!p0 $0xFFFFF086;
	s6 =	sadd.s32 @!p0 s3, s7;
	s7 =	simm.s32 @!p0 $0x108  }
0x21: {  	s3 =	sadd.s32 s3, s9;
	s6 =	sadd.s32 @!p0 $0x88, s6;
	s7 =	simm.s32 @p2 $0x1082  }
0x22: {  	[simem:s7], [sflag:s8] =	dma.local @!p0 [hbm:s6], $0xF7A  }
0x23: {  	s9 =	sor.u32 $0xD0000000, s2;
	s6 =	simm.s32 $0x108;
	_ =	swait.ge @!p0 [sflag:s8], $0x0  }
0x24: {  	s3 =	sadd.s32 $0x88, s3;
	s6 =	simm.s32 @!p1 $0x1082;
	[sflag:s4] =	ssyncset.s32 $0xFFFFF086  }
0x25: {  	[simem:s6], [sflag:s4] =	dma.local [hbm:s3], $0xF7A  }
0x26: {  	[smem:$0x3F8F] =	sst s1;
	(tag) =	ssettag s2;
	_ =	strace s9  }
0x27: {  	s1 =	sld [smem:$0x3F9F]  }
0x28: {  	s2 =	sld [smem:$0x3FA0]  }
0x29: {  	s4 =	sld [smem:$0x3FA2]  }
0x2a: {  	p0 =	seq.s32 s5, $0x0;
	s5 =	sld [smem:$0x3FA3]  }
0x2b: {  	s6 =	sld [smem:$0x3FA4]  }
0x2c: {  	s7 =	sld [smem:$0x3FA5]  }
0x2d: {  	s3 =	simm.s32 $0x108;
	s8 =	sld [smem:$0x3FA6]  }
0x2e: {  	s3 =	simm.s32 @!p0 $0x1082;
	s9 =	sld [smem:$0x3FA7]  }
0x2f: {  	lr =	sadd.s32 s0, s3;
	s0 =	sld [smem:$0x3F9E]  }
0x30: {  	s3 =	sld [smem:$0x3FA1]  }
0x31: {  	[smem:$0x3FAA] =	sst s10  }
0x32: {  	s10 =	sld [smem:$0x3FA8];
	_ =	sdelay $0x3  }
0x33: {  	p0 =	seq.s32 s10, $0x1;
	s10 =	sld [smem:$0x3FAA];
	_ =	sdelay $0x3  }
0x34: {  	[smem:$0x3FAA] =	sst s10  }
0x35: {  	s10 =	sld [smem:$0x3FA9];
	_ =	sdelay $0x3  }
0x36: {  	p1 =	seq.s32 s10, $0x1;
	s10 =	sld [smem:$0x3FAA];
	_ =	sdelay $0x3  }
0x37: {  	[smem:$0x3FAA] =	sst s10  }
0x38: {  	s10 =	sld [smem:$0x3FAB]  }
0x39: {  	_ = 	snop;
	(pc) =	sbr.ind lr, $3  }
0x3a: {  	_ = 	snop  }
0x3b: {  	_ = 	snop  }
0x3c: {  	p2 =	seq.s32 s10, $0x1;
	s10 =	sld [smem:$0x3FAA]  }
0x3d: {  	_ =	shalt  }
0x3e: {  	_ =	shalt  }
0x3f: {  	_ =	shalt  }
0x40: {  	_ =	shalt  }
0x41: {  	_ =	shalt  }
0x42: {  	_ =	shalt  }
0x43: {  	_ =	shalt  }
0x44: {  	_ =	shalt  }
0x45: {  	_ =	shalt  }
0x46: {  	_ =	shalt  }
0x47: {  	_ =	shalt  }
0x48: {  	_ =	shalt  }
0x49: {  	_ =	shalt  }
0x4a: {  	_ =	shalt  }
0x4b: {  	_ =	shalt  }
0x4c: {  	_ =	shalt  }
0x4d: {  	_ =	shalt  }
0x4e: {  	_ =	shalt  }
0x4f: {  	_ =	shalt  }
0x50: {  	_ =	shalt  }
0x51: {  	_ =	shalt  }
0x52: {  	_ =	shalt  }
0x53: {  	_ =	shalt  }
0x54: {  	_ =	shalt  }
0x55: {  	_ =	shalt  }
0x56: {  	_ =	shalt  }
0x57: {  	_ =	shalt  }
0x58: {  	_ =	shalt  }
0x59: {  	_ =	shalt  }
0x5a: {  	_ =	shalt  }
0x5b: {  	_ =	shalt  }
0x5c: {  	_ =	shalt  }
0x5d: {  	_ =	shalt  }
0x5e: {  	_ =	shalt  }
0x5f: {  	_ =	shalt  }
0x60: {  	_ =	shalt  }
0x61: {  	_ =	shalt  }
0x62: {  	_ =	shalt  }
0x63: {  	_ =	shalt  }
0x64: {  	_ =	shalt  }
0x65: {  	_ =	shalt  }
0x66: {  	_ =	shalt  }
0x67: {  	_ =	shalt  }
0x68: {  	_ =	shalt  }
0x69: {  	_ =	shalt  }
0x6a: {  	_ =	shalt  }
0x6b: {  	_ =	shalt  }
0x6c: {  	_ =	shalt  }
0x6d: {  	_ =	shalt  }
0x6e: {  	_ =	shalt  }
0x6f: {  	_ =	shalt  }
0x70: {  	_ =	shalt  }
0x71: {  	_ =	shalt  }
0x72: {  	_ =	shalt  }
0x73: {  	_ =	shalt  }
0x74: {  	_ =	shalt  }
0x75: {  	_ =	shalt  }
0x76: {  	_ =	shalt  }
0x77: {  	_ =	shalt  }
0x78: {  	_ =	shalt  }
0x79: {  	_ =	shalt  }
0x7a: {  	_ =	shalt  }
0x7b: {  	_ =	shalt  }
0x7c: {  	_ =	shalt  }
0x7d: {  	_ =	shalt  }
0x7e: {  	_ =	shalt  }
0x7f: {  	_ =	shalt  }
0x80: {  	_ =	shalt  }
0x81: {  	_ =	shalt  }
0x82: {  	_ =	shalt  }
0x83: {  	_ =	shalt  }
0x84: {  	_ =	shalt  }
0x85: {  	_ =	shalt  }
0x86: {  	_ =	shalt  }
0x87: {  	_ =	shalt  }
.Lfunc_end0:
.L_simem_size_0:
called_computation_lowered:
.L_overlay_start_0:
0x88: {  	s2 =	sld [smem:$0x3FD9]  }
0x89: {  	s3 =	sld [smem:$0x3FFE];
	_ =	sdelay $0x1  }
0x8a: {  	s1 =	srdreg.scid  }
0x8b: {  	s0 =	sand.u32 $0x1, s1  }
0x8c: {  	s14 =	sshll.u32 s0, $0xA;
	s2 =	sadd.s32 s3, s2  }
0x8d: {  	s2 =	sadd.s32 s2, s14  }
0x8e: {  	[smem:$0x3FB6] =	sst s2  }
0x8f: {  	_ = 	snop  }
0x90: {  	s2 =	sld [smem:$0x3FD0];
	_ =	sdelay $0x2  }
0x91: {  	s4 =	simm.s32 $0xA;
	s5 =	simm.s32 $0x10;
	s15 =	sld [smem:$0x3FC9]  }
0x92: {  	[smem:s5], [sflag:s4] =	dma.local [hbm:s2], $0x1  }
0x93: {  	_ =	swait.eq [sflag:s4], $0x1  }
0x94: {  	[sflag:s4] =	ssyncset.done $0x0  }
0x95: {  	[sflag:s4] =	ssyncadd.s32 $0xFFFFFFFF  }
0x96: {  	s16 =	sld [smem:$0x10];
	(tm) =	ssettm $0x1  }
0x97: {  	s17 =	sld [smem:$0x3FFB];
	_ =	sdelay $0x3  }
0x98: {  	_ =	strace s17  }
0x99: {  	s4 =	sld [smem:$0x3FFC];
	_ =	sdelay $0x3  }
0x9a: {  	_ =	strace s4  }
0x9b: {  	s4 =	sld [smem:$0x3FFD];
	_ =	sdelay $0x3  }
0x9c: {  	_ =	strace s4  }
0x9d: {  	_ =	strace $0x8FFFFFFF  }
0x9e: {  	s18 =	sld [smem:$0x3FDB];
	_ =	sdelay $0x1  }
0x9f: {  	s19 =	simm.s32 $_scs_section_size  }
0xa0: {  	s6 =	simm.s32 $_size__tile_overlayer_lowered;
	s7 =	simm.s32 $_tile_overlayer_lowered  }
0xa1: {  	s22 =	simm.s32 $0x1BFF;
	s21 =	sshll.u32 s7, $0x1;
	s4 =	sadd.s32 s19, s18  }
0xa2: {  	s8 =	simm.s32 $0x0;
	s20 =	sshll.u32 s6, $0x1;
	s6 =	sadd.s32 s21, s4  }
0xa3: {  	[timem:s8], [sflag:s22] =	dma.local [hbm:s6], s20  }
0xa4: {  	_ =	swait.ge [sflag:s22], s20  }
0xa5: {  	s5 =	ssub.s32 $0x0, s20;
	[sflag:s22] =	ssyncset.done $0x0  }
0xa6: {  	[sflag:s22] =	ssyncadd.s32 s5;
	_ =	sdelay $0x1  }
0xa7: {  	s23 =	simm.s32 $0x1B8B  }
0xa8: {  	_ =	swait.ge [sflag:s23], $0x1  }
0xa9: {  	[sflag:s23] =	ssyncset.done $0x0  }
0xaa: {  	s25 =	simm.s32 $0x1B8E;
	s24 =	sld [smem:$0x3FFE];
	[sflag:s23] =	ssyncadd.s32 $0xFFFFFFFF  }
0xab: {  	s26 =	simm.s32 $execute0_lowered;
	[smem:$0x3FD2] =	sst s25  }
0xac: {  	s6 =	sshll.u32 s26, $0x1;
	_ =	strace $0x80000046;
	[dreg:$0x1] =	wrdreg $0xFFFFFFFF  }
0xad: {  	s28 =	simm.s32 $_size_execute0_lowered;
	s4 =	sadd.s32 s4, s6;
	[dreg:$0x0] =	wrdreg $0x0  }
0xae: {  	s6 =	sshll.u32 s28, $0x1;
	[dreg:$0x2] =	wrdreg s4  }
0xaf: {  	[dreg:$0x3] =	wrdreg s6  }
0xb0: {  	[dreg:$0x4] =	wrdreg $0xC0  }
0xb1: {  	_ =	task [dreg:s8], $0x5FFFF  }
0xb2: {  	[dreg:$0x1] =	wrdreg $0xFFFFFFFF  }
0xb3: {  	[dreg:$0x0] =	wrdreg $0x60  }
0xb4: {  	[dreg:$0x2] =	wrdreg s15  }
0xb5: {  	[dreg:$0x3] =	wrdreg s16  }
0xb6: {  	[dreg:$0x4] =	wrdreg s24  }
0xb7: {  	[dreg:$0x5] =	wrdreg $0x9  }
0xb8: {  	_ =	task.clear_ibuf [dreg:s8], $0x6FFFF;
	_ =	strace $0x90000046  }
0xb9: {  	s29 =	simm.s32 $0x9;
	_ =	strace $0x80000048  }
0xba: {  	_ =	swait.ge [sflag:s29], $0x1  }
0xbb: {  	[sflag:s29] =	ssyncadd.s32 $0xFFFFFFFF  }
0xbc: {  	_ =	strace $0x90000048  }
0xbd: {  	_ =	sfence  }
0xbe: {  	s30 =	sld [smem:$0x0];
	_ =	sdelay $0x2  }
0xbf: {  	s31 =	sshll.u32 s1, $0xD;
	s1 =	sshrl.u32 s1, $0x2  }
0xc0: {  	s3 =	sand.u32 $0x4000, s31;
	s1 =	sadd.s32 s1, s30  }
0xc1: {  	s0 =	sor.u32 s3, s0;
	s1 =	sshll.u32 s1, $0x11  }
0xc2: {  	s0 =	sor.u32 s1, s0  }
0xc3: {  	s0 =	sadd.s32 $0x8F2B, s0  }
0xc4: {  	[sflag:s0] =	ssyncadd.remote.s32 $0x1  }
0xc5: {  	_ =	sfence.sel $0xFFFF  }
0xc6: {  	[dreg:$0x0] =	wrdreg $0xFFFFFFFF;
	(pc) =	sbr.abs _section_cstart, $3  }
0xc7: {  	[dreg:$0x1] =	wrdreg $0xFFFFFFFF  }
0xc8: {  	_ =	task.clear_ibuf [dreg:s8], $0x2FFFF;
	_ =	strace $0x9FFFFFFF  }
0xc9: {  	(tm) =	ssettm $0x7FFFFFFF  }
tec
execute0_lowered:
.L_overlay_start_1:
0x0: {  	(tag) =	ssettag $0x1  }
0x1: {  	s2 =	rddreg [dreg:$0x0]  }
0x2: {  	s29 =	rddreg [dreg:$0x1];
	s1 =	srdreg.scid  }
0x3: {  	s0 =	stileid.u32;
	s4 =	rddreg [dreg:$0x2]  }
0x4: {  	s3 =	simm.s32 $0x0;
	s1 =	sand.u32 $0x1, s1;
	s5 =	sshll.u32 s0, $0x1  }
0x5: {  	[smem:$0x7FF] =	sst s3;
	s5 =	sor.u32 s1, s5  }
0x6: {  	[smem:$0x7FC] =	sst s1;
	s30 =	smul.u32 $0x1388, s5  }
0x7: {  	s31 =	sadd.s32 $0x3400, s4;
	_ =	strace $0x80000047;
	s5 =	smul.u32 $0x13880, s5  }
0x8: {  	s20 =	sshrl.u32 s30, $0x3;
	s6 =	sadd.s32 $0xC8, s30;
	s22 =	sadd.s32 $0x190, s30  }
0x9: {  	s23 =	sadd.s32 s31, s5;
	s1 =	sadd.s32 $0x258, s30;
	s10 =	sadd.s32 $0x320, s30  }
0xa: {  	s15 =	sadd.s32 $0x3E8, s30;
	s18 =	sadd.s32 $0x4B0, s30;
	s4 =	sadd.s32 s29, s20  }
0xb: {  	s7 =	sshrl.u32 s6, $0x3;
	s24 =	sshrl.u32 s22, $0x3;
	[dreg:$0x6] =	wrdreg s23  }
0xc: {  	s26 =	sshll.u32 s6, $0x4;
	s8 =	sshrl.u32 s1, $0x3;
	s9 =	sshll.u32 s22, $0x4  }
0xd: {  	s12 =	sshrl.u32 s10, $0x3;
	s5 =	sshll.u32 s1, $0x4;
	s16 =	sshrl.u32 s15, $0x3  }
0xe: {  	s17 =	sshll.u32 s10, $0x4;
	[dreg:$0x4] =	wrdreg s4;
	s21 =	sadd.s32 s29, s7  }
0xf: {  	s20 =	sshrl.u32 s18, $0x3;
	s25 =	sadd.s32 s29, s24;
	[dreg:$0x5] =	wrdreg s21  }
0x10: {  	s23 =	sadd.s32 $0x578, s30;
	s0 =	sadd.s32 s31, s26;
	[dreg:$0x7] =	wrdreg s25  }
0x11: {  	s10 =	sadd.s32 $0x708, s30;
	s4 =	sadd.s32 s29, s8;
	[dreg:$0x8] =	wrdreg s0  }
0x12: {  	s11 =	sadd.s32 s31, s9;
	s13 =	sadd.s32 s29, s12;
	[dreg:$0x9] =	wrdreg s4  }
0x13: {  	s14 =	sadd.s32 s31, s5;
	s19 =	sadd.s32 s31, s17;
	[dreg:$0xa] =	wrdreg s11  }
0x14: {  	s5 =	sshll.u32 s15, $0x4;
	s24 =	sshrl.u32 s23, $0x3;
	[dreg:$0xb] =	wrdreg s13  }
0x15: {  	s26 =	sadd.s32 $0x640, s30;
	[dreg:$0xc] =	wrdreg s14;
	s4 =	sadd.s32 s29, s16  }
0x16: {  	[dreg:$0xe] =	wrdreg s19;
	s21 =	sadd.s32 s29, s20;
	s22 =	sadd.s32 s31, s5  }
0x17: {  	s25 =	sshll.u32 s18, $0x4;
	s1 =	sshrl.u32 s26, $0x3;
	[dreg:$0xd] =	wrdreg s4  }
0x18: {  	s5 =	sshll.u32 s23, $0x4;
	s11 =	sshrl.u32 s10, $0x3;
	[dreg:$0xf] =	wrdreg s21  }
0x19: {  	s12 =	sshll.u32 s26, $0x4;
	[dreg:$0x10] =	wrdreg s22;
	s4 =	sadd.s32 s29, s24  }
0x1a: {  	s13 =	sadd.s32 $0x7D0, s30;
	s0 =	sadd.s32 s31, s25;
	[dreg:$0x11] =	wrdreg s4  }
0x1b: {  	s18 =	sadd.s32 $0x898, s30;
	s8 =	sadd.s32 s29, s1;
	[dreg:$0x12] =	wrdreg s0  }
0x1c: {  	s26 =	sadd.s32 $0xA28, s30;
	s9 =	sadd.s32 s31, s5;
	[dreg:$0x13] =	wrdreg s8  }
0x1d: {  	s14 =	sadd.s32 s31, s12;
	s15 =	sshrl.u32 s13, $0x3;
	[dreg:$0x14] =	wrdreg s9  }
0x1e: {  	s5 =	sshll.u32 s10, $0x4;
	s19 =	sshrl.u32 s18, $0x3;
	[dreg:$0x16] =	wrdreg s14  }
0x1f: {  	s20 =	sshll.u32 s13, $0x4;
	s4 =	sadd.s32 s29, s11;
	s14 =	rddreg [dreg:$0x4]  }
0x20: {  	s21 =	sadd.s32 $0x960, s30;
	s16 =	sadd.s32 s29, s15;
	[dreg:$0x15] =	wrdreg s4  }
0x21: {  	s13 =	sadd.s32 $0xBB8, s30;
	s17 =	sadd.s32 s31, s5;
	[dreg:$0x17] =	wrdreg s16  }
0x22: {  	s22 =	sadd.s32 s31, s20;
	s23 =	sshrl.u32 s21, $0x3;
	[dreg:$0x18] =	wrdreg s17  }
0x23: {  	s5 =	sshll.u32 s18, $0x4;
	s4 =	sadd.s32 s29, s19;
	[dreg:$0x1a] =	wrdreg s22  }
0x24: {  	[tilespmem:s3], [sflag:$0x3] =	stream.linear.gather [hbm4b:s14+s3], $0xC8, $0x38;
	[tilespmem:$0xCA00] =	vst v63  }
0x25: {  	s0 =	sshrl.u32 s26, $0x3;
	s24 =	sadd.s32 s29, s23;
	[dreg:$0x19] =	wrdreg s4  }
0x26: {  	s1 =	sshll.u32 s21, $0x4;
	s25 =	sadd.s32 s31, s5;
	[dreg:$0x1b] =	wrdreg s24  }
0x27: {  	s12 =	sshrl.u32 s13, $0x3;
	s7 =	sadd.s32 s31, s1;
	[dreg:$0x1c] =	wrdreg s25  }
0x28: {  	s11 =	sadd.s32 $0xAF0, s30;
	s15 =	sadd.s32 s29, s12;
	[dreg:$0x1e] =	wrdreg s7  }
0x29: {  	s8 =	sshrl.u32 s11, $0x3;
	s4 =	sadd.s32 s29, s0;
	[smem:$0x7FB] =	sst s15  }
0x2a: {  	s10 =	sshll.u32 s26, $0x4;
	s9 =	sadd.s32 s29, s8;
	[dreg:$0x1d] =	wrdreg s4  }
0x2b: {  	[dreg:$0x1f] =	wrdreg s9;
	s4 =	sadd.s32 s31, s10  }
0x2c: {  	[smem:$0x7FA] =	sst s4;
	s4 =	simm.s32 $0x3  }
0x2d: {  	_ =	swait.ge [sflag:s4], $0xC8  }
0x2e: {  	[sflag:s4] =	ssyncset.done $0x0  }
0x2f: {  	s6 =	simm.s32 $0x200;
	s5 =	simm.s32 $0xC8;
	[sflag:s4] =	ssyncadd.s32 $0xFFFFFF38  }
0x30: {  	[tilespmem:s6], [sflag:$0x1] =	stream.indirect.gather [hbm4b:s2+s5], $0x80, s3, s5, $0xb8;
	[tilespmem:$0xCA00] =	vst v63  }
0x31: {  	s7 =	simm.s32 $0x100;
	s8 =	rddreg [dreg:$0x5]  }
0x32: {  	[tilespmem:s7], [sflag:$0x3] =	stream.linear.gather [hbm4b:s8+s3], $0xC8, $0x38;
	[tilespmem:$0xCA00] =	vst v63  }
0x33: {  	_ =	swait.ge [sflag:s4], $0xC8  }
0x34: {  	[sflag:s4] =	ssyncset.done $0x0  }
0x35: {  	s9 =	simm.s32 $0x1;
	s8 =	simm.s32 $0x6600;
	[sflag:s4] =	ssyncadd.s32 $0xFFFFFF38  }
0x36: {  	[tilespmem:s8], [sflag:$0x2] =	stream.indirect.gather [hbm4b:s2+s5], $0x80, s7, s5, $0xb8;
	[tilespmem:$0xCA00] =	vst v63  }
0x37: {  	_ =	swait.ge [sflag:s9], $0x6400  }
0x38: {  	[sflag:s9] =	ssyncset.done $0x0  }
0x39: {  	s10 =	rddreg [dreg:$0x6];
	[sflag:s9] =	ssyncadd.s32 $0xFFFF9C00  }
0x3a: {  	[hbm4b:s10+s3] =	stream.linear.scatter [tilespmem:s6], [sflag:$0x3], $0x6400, $0x38;
	[tilespmem:$0xCA00] =	vst v63  }
0x3b: {  	_ =	swait.ge [sflag:s4], $0x6400  }
0x3c: {  	[sflag:s4] =	ssyncset.done $0x0  }
0x3d: {  	s16 =	rddreg [dreg:$0x7];
	[sflag:s4] =	ssyncadd.s32 $0xFFFF9C00  }
0x3e: {  	[tilespmem:s3], [sflag:$0x3] =	stream.linear.gather [hbm4b:s16+s3], $0xC8, $0x38;
	[tilespmem:$0xCA00] =	vst v63  }
0x3f: {  	_ =	swait.ge [sflag:s4], $0xC8  }
0x40: {  	[sflag:s4] =	ssyncset.done $0x0  }
0x41: {  	s10 =	simm.s32 $0x2;
	[sflag:s4] =	ssyncadd.s32 $0xFFFFFF38  }
0x42: {  	[tilespmem:s6], [sflag:$0x1] =	stream.indirect.gather [hbm4b:s2+s5], $0x80, s3, s5, $0xb8;
	[tilespmem:$0xCA00] =	vst v63  }
0x43: {  	_ =	swait.ge [sflag:s10], $0x6400  }
0x44: {  	[sflag:s10] =	ssyncset.done $0x0  }
0x45: {  	s12 =	rddreg [dreg:$0x8];
	[sflag:s10] =	ssyncadd.s32 $0xFFFF9C00  }
0x46: {  	[hbm4b:s12+s3] =	stream.linear.scatter [tilespmem:s8], [sflag:$0x3], $0x6400, $0x38;
	[tilespmem:$0xCA00] =	vst v63  }
0x47: {  	_ =	swait.ge [sflag:s4], $0x6400  }
0x48: {  	[sflag:s4] =	ssyncset.done $0x0  }
0x49: {  	s17 =	rddreg [dreg:$0x9];
	[sflag:s4] =	ssyncadd.s32 $0xFFFF9C00  }
0x4a: {  	[tilespmem:s7], [sflag:$0x3] =	stream.linear.gather [hbm4b:s17+s3], $0xC8, $0x38;
	[tilespmem:$0xCA00] =	vst v63  }
0x4b: {  	_ =	swait.ge [sflag:s4], $0xC8  }
0x4c: {  	[sflag:s4] =	ssyncset.done $0x0  }
0x4d: {  	[sflag:s4] =	ssyncadd.s32 $0xFFFFFF38  }
0x4e: {  	[tilespmem:s8], [sflag:$0x2] =	stream.indirect.gather [hbm4b:s2+s5], $0x80, s7, s5, $0xb8;
	[tilespmem:$0xCA00] =	vst v63  }
0x4f: {  	_ =	swait.ge [sflag:s9], $0x6400  }
0x50: {  	[sflag:s9] =	ssyncset.done $0x0  }
0x51: {  	s18 =	rddreg [dreg:$0xa];
	[sflag:s9] =	ssyncadd.s32 $0xFFFF9C00  }
0x52: {  	[hbm4b:s18+s3] =	stream.linear.scatter [tilespmem:s6], [sflag:$0x3], $0x6400, $0x38;
	[tilespmem:$0xCA00] =	vst v63  }
0x53: {  	_ =	swait.ge [sflag:s4], $0x6400  }
0x54: {  	[sflag:s4] =	ssyncset.done $0x0  }
0x55: {  	s19 =	rddreg [dreg:$0xb];
	[sflag:s4] =	ssyncadd.s32 $0xFFFF9C00  }
0x56: {  	[tilespmem:s3], [sflag:$0x3] =	stream.linear.gather [hbm4b:s19+s3], $0xC8, $0x38;
	[tilespmem:$0xCA00] =	vst v63  }
0x57: {  	_ =	swait.ge [sflag:s4], $0xC8  }
0x58: {  	[sflag:s4] =	ssyncset.done $0x0  }
0x59: {  	[sflag:s4] =	ssyncadd.s32 $0xFFFFFF38  }
0x5a: {  	[tilespmem:s6], [sflag:$0x1] =	stream.indirect.gather [hbm4b:s2+s5], $0x80, s3, s5, $0xb8;
	[tilespmem:$0xCA00] =	vst v63  }
0x5b: {  	_ =	swait.ge [sflag:s10], $0x6400  }
0x5c: {  	[sflag:s10] =	ssyncset.done $0x0  }
0x5d: {  	s20 =	rddreg [dreg:$0xc];
	[sflag:s10] =	ssyncadd.s32 $0xFFFF9C00  }
0x5e: {  	[hbm4b:s20+s3] =	stream.linear.scatter [tilespmem:s8], [sflag:$0x3], $0x6400, $0x38;
	[tilespmem:$0xCA00] =	vst v63  }
0x5f: {  	_ =	swait.ge [sflag:s4], $0x6400  }
0x60: {  	[sflag:s4] =	ssyncset.done $0x0  }
0x61: {  	s21 =	rddreg [dreg:$0xd];
	[sflag:s4] =	ssyncadd.s32 $0xFFFF9C00  }
0x62: {  	[tilespmem:s7], [sflag:$0x3] =	stream.linear.gather [hbm4b:s21+s3], $0xC8, $0x38;
	[tilespmem:$0xCA00] =	vst v63  }
0x63: {  	_ =	swait.ge [sflag:s4], $0xC8  }
0x64: {  	[sflag:s4] =	ssyncset.done $0x0  }
0x65: {  	[sflag:s4] =	ssyncadd.s32 $0xFFFFFF38  }
0x66: {  	[tilespmem:s8], [sflag:$0x2] =	stream.indirect.gather [hbm4b:s2+s5], $0x80, s7, s5, $0xb8;
	[tilespmem:$0xCA00] =	vst v63  }
0x67: {  	_ =	swait.ge [sflag:s9], $0x6400  }
0x68: {  	[sflag:s9] =	ssyncset.done $0x0  }
0x69: {  	s22 =	rddreg [dreg:$0xe];
	[sflag:s9] =	ssyncadd.s32 $0xFFFF9C00  }
0x6a: {  	[hbm4b:s22+s3] =	stream.linear.scatter [tilespmem:s6], [sflag:$0x3], $0x6400, $0x38;
	[tilespmem:$0xCA00] =	vst v63  }
0x6b: {  	_ =	swait.ge [sflag:s4], $0x6400  }
0x6c: {  	[sflag:s4] =	ssyncset.done $0x0  }
0x6d: {  	s23 =	rddreg [dreg:$0xf];
	[sflag:s4] =	ssyncadd.s32 $0xFFFF9C00  }
0x6e: {  	[tilespmem:s3], [sflag:$0x3] =	stream.linear.gather [hbm4b:s23+s3], $0xC8, $0x38;
	[tilespmem:$0xCA00] =	vst v63  }
0x6f: {  	_ =	swait.ge [sflag:s4], $0xC8  }
0x70: {  	[sflag:s4] =	ssyncset.done $0x0  }
0x71: {  	[sflag:s4] =	ssyncadd.s32 $0xFFFFFF38  }
0x72: {  	[tilespmem:s6], [sflag:$0x1] =	stream.indirect.gather [hbm4b:s2+s5], $0x80, s3, s5, $0xb8;
	[tilespmem:$0xCA00] =	vst v63  }
0x73: {  	_ =	swait.ge [sflag:s10], $0x6400  }
0x74: {  	[sflag:s10] =	ssyncset.done $0x0  }
0x75: {  	s24 =	rddreg [dreg:$0x10];
	[sflag:s10] =	ssyncadd.s32 $0xFFFF9C00  }
0x76: {  	[hbm4b:s24+s3] =	stream.linear.scatter [tilespmem:s8], [sflag:$0x3], $0x6400, $0x38;
	[tilespmem:$0xCA00] =	vst v63  }
0x77: {  	_ =	swait.ge [sflag:s4], $0x6400  }
0x78: {  	[sflag:s4] =	ssyncset.done $0x0  }
0x79: {  	s25 =	rddreg [dreg:$0x11];
	[sflag:s4] =	ssyncadd.s32 $0xFFFF9C00  }
0x7a: {  	[tilespmem:s7], [sflag:$0x3] =	stream.linear.gather [hbm4b:s25+s3], $0xC8, $0x38;
	[tilespmem:$0xCA00] =	vst v63  }
0x7b: {  	_ =	swait.ge [sflag:s4], $0xC8  }
0x7c: {  	[sflag:s4] =	ssyncset.done $0x0  }
0x7d: {  	[sflag:s4] =	ssyncadd.s32 $0xFFFFFF38  }
0x7e: {  	[tilespmem:s8], [sflag:$0x2] =	stream.indirect.gather [hbm4b:s2+s5], $0x80, s7, s5, $0xb8;
	[tilespmem:$0xCA00] =	vst v63  }
0x7f: {  	_ =	swait.ge [sflag:s9], $0x6400  }
0x80: {  	[sflag:s9] =	ssyncset.done $0x0  }
0x81: {  	s26 =	rddreg [dreg:$0x12];
	[sflag:s9] =	ssyncadd.s32 $0xFFFF9C00  }
0x82: {  	[hbm4b:s26+s3] =	stream.linear.scatter [tilespmem:s6], [sflag:$0x3], $0x6400, $0x38;
	[tilespmem:$0xCA00] =	vst v63  }
0x83: {  	_ =	swait.ge [sflag:s4], $0x6400  }
0x84: {  	[sflag:s4] =	ssyncset.done $0x0  }
0x85: {  	s0 =	rddreg [dreg:$0x13];
	[sflag:s4] =	ssyncadd.s32 $0xFFFF9C00  }
0x86: {  	[tilespmem:s3], [sflag:$0x3] =	stream.linear.gather [hbm4b:s0+s3], $0xC8, $0x38;
	[tilespmem:$0xCA00] =	vst v63  }
0x87: {  	_ =	swait.ge [sflag:s4], $0xC8  }
0x88: {  	[sflag:s4] =	ssyncset.done $0x0  }
0x89: {  	[sflag:s4] =	ssyncadd.s32 $0xFFFFFF38  }
0x8a: {  	[tilespmem:s6], [sflag:$0x1] =	stream.indirect.gather [hbm4b:s2+s5], $0x80, s3, s5, $0xb8;
	[tilespmem:$0xCA00] =	vst v63  }
0x8b: {  	_ =	swait.ge [sflag:s10], $0x6400  }
0x8c: {  	[sflag:s10] =	ssyncset.done $0x0  }
0x8d: {  	s1 =	rddreg [dreg:$0x14];
	[sflag:s10] =	ssyncadd.s32 $0xFFFF9C00  }
0x8e: {  	[hbm4b:s1+s3] =	stream.linear.scatter [tilespmem:s8], [sflag:$0x3], $0x6400, $0x38;
	[tilespmem:$0xCA00] =	vst v63  }
0x8f: {  	_ =	swait.ge [sflag:s4], $0x6400  }
0x90: {  	[sflag:s4] =	ssyncset.done $0x0  }
0x91: {  	s14 =	rddreg [dreg:$0x15];
	[sflag:s4] =	ssyncadd.s32 $0xFFFF9C00  }
0x92: {  	[tilespmem:s7], [sflag:$0x3] =	stream.linear.gather [hbm4b:s14+s3], $0xC8, $0x38;
	[tilespmem:$0xCA00] =	vst v63  }
0x93: {  	_ =	swait.ge [sflag:s4], $0xC8  }
0x94: {  	[sflag:s4] =	ssyncset.done $0x0  }
0x95: {  	[sflag:s4] =	ssyncadd.s32 $0xFFFFFF38  }
0x96: {  	[tilespmem:s8], [sflag:$0x2] =	stream.indirect.gather [hbm4b:s2+s5], $0x80, s7, s5, $0xb8;
	[tilespmem:$0xCA00] =	vst v63  }
0x97: {  	_ =	swait.ge [sflag:s9], $0x6400  }
0x98: {  	[sflag:s9] =	ssyncset.done $0x0  }
0x99: {  	s15 =	rddreg [dreg:$0x16];
	[sflag:s9] =	ssyncadd.s32 $0xFFFF9C00  }
0x9a: {  	[hbm4b:s15+s3] =	stream.linear.scatter [tilespmem:s6], [sflag:$0x3], $0x6400, $0x38;
	[tilespmem:$0xCA00] =	vst v63  }
0x9b: {  	_ =	swait.ge [sflag:s4], $0x6400  }
0x9c: {  	[sflag:s4] =	ssyncset.done $0x0  }
0x9d: {  	s16 =	rddreg [dreg:$0x17];
	[sflag:s4] =	ssyncadd.s32 $0xFFFF9C00  }
0x9e: {  	[tilespmem:s3], [sflag:$0x3] =	stream.linear.gather [hbm4b:s16+s3], $0xC8, $0x38;
	[tilespmem:$0xCA00] =	vst v63  }
0x9f: {  	_ =	swait.ge [sflag:s4], $0xC8  }
0xa0: {  	[sflag:s4] =	ssyncset.done $0x0  }
0xa1: {  	[sflag:s4] =	ssyncadd.s32 $0xFFFFFF38  }
0xa2: {  	[tilespmem:s6], [sflag:$0x1] =	stream.indirect.gather [hbm4b:s2+s5], $0x80, s3, s5, $0xb8;
	[tilespmem:$0xCA00] =	vst v63  }
0xa3: {  	_ =	swait.ge [sflag:s10], $0x6400  }
0xa4: {  	[sflag:s10] =	ssyncset.done $0x0  }
0xa5: {  	s17 =	rddreg [dreg:$0x18];
	[sflag:s10] =	ssyncadd.s32 $0xFFFF9C00  }
0xa6: {  	[hbm4b:s17+s3] =	stream.linear.scatter [tilespmem:s8], [sflag:$0x3], $0x6400, $0x38;
	[tilespmem:$0xCA00] =	vst v63  }
0xa7: {  	_ =	swait.ge [sflag:s4], $0x6400  }
0xa8: {  	[sflag:s4] =	ssyncset.done $0x0  }
0xa9: {  	s18 =	rddreg [dreg:$0x19];
	[sflag:s4] =	ssyncadd.s32 $0xFFFF9C00  }
0xaa: {  	[tilespmem:s7], [sflag:$0x3] =	stream.linear.gather [hbm4b:s18+s3], $0xC8, $0x38;
	[tilespmem:$0xCA00] =	vst v63  }
0xab: {  	_ =	swait.ge [sflag:s4], $0xC8  }
0xac: {  	[sflag:s4] =	ssyncset.done $0x0  }
0xad: {  	[sflag:s4] =	ssyncadd.s32 $0xFFFFFF38  }
0xae: {  	[tilespmem:s8], [sflag:$0x2] =	stream.indirect.gather [hbm4b:s2+s5], $0x80, s7, s5, $0xb8;
	[tilespmem:$0xCA00] =	vst v63  }
0xaf: {  	_ =	swait.ge [sflag:s9], $0x6400  }
0xb0: {  	[sflag:s9] =	ssyncset.done $0x0  }
0xb1: {  	s19 =	rddreg [dreg:$0x1a];
	[sflag:s9] =	ssyncadd.s32 $0xFFFF9C00  }
0xb2: {  	[hbm4b:s19+s3] =	stream.linear.scatter [tilespmem:s6], [sflag:$0x3], $0x6400, $0x38;
	[tilespmem:$0xCA00] =	vst v63  }
0xb3: {  	_ =	swait.ge [sflag:s4], $0x6400  }
0xb4: {  	[sflag:s4] =	ssyncset.done $0x0  }
0xb5: {  	s20 =	rddreg [dreg:$0x1b];
	[sflag:s4] =	ssyncadd.s32 $0xFFFF9C00  }
0xb6: {  	[tilespmem:s3], [sflag:$0x3] =	stream.linear.gather [hbm4b:s20+s3], $0xC8, $0x38;
	[tilespmem:$0xCA00] =	vst v63  }
0xb7: {  	_ =	swait.ge [sflag:s4], $0xC8  }
0xb8: {  	[sflag:s4] =	ssyncset.done $0x0  }
0xb9: {  	[sflag:s4] =	ssyncadd.s32 $0xFFFFFF38  }
0xba: {  	[tilespmem:s6], [sflag:$0x1] =	stream.indirect.gather [hbm4b:s2+s5], $0x80, s3, s5, $0xb8;
	[tilespmem:$0xCA00] =	vst v63  }
0xbb: {  	_ =	swait.ge [sflag:s10], $0x6400  }
0xbc: {  	[sflag:s10] =	ssyncset.done $0x0  }
0xbd: {  	s21 =	rddreg [dreg:$0x1c];
	[sflag:s10] =	ssyncadd.s32 $0xFFFF9C00  }
0xbe: {  	[hbm4b:s21+s3] =	stream.linear.scatter [tilespmem:s8], [sflag:$0x3], $0x6400, $0x38;
	[tilespmem:$0xCA00] =	vst v63  }
0xbf: {  	_ =	swait.ge [sflag:s4], $0x6400  }
0xc0: {  	[sflag:s4] =	ssyncset.done $0x0  }
0xc1: {  	s22 =	rddreg [dreg:$0x1d];
	[sflag:s4] =	ssyncadd.s32 $0xFFFF9C00  }
0xc2: {  	[tilespmem:s7], [sflag:$0x3] =	stream.linear.gather [hbm4b:s22+s3], $0xC8, $0x38;
	[tilespmem:$0xCA00] =	vst v63  }
0xc3: {  	_ =	swait.ge [sflag:s4], $0xC8  }
0xc4: {  	[sflag:s4] =	ssyncset.done $0x0  }
0xc5: {  	[sflag:s4] =	ssyncadd.s32 $0xFFFFFF38  }
0xc6: {  	[tilespmem:s8], [sflag:$0x2] =	stream.indirect.gather [hbm4b:s2+s5], $0x80, s7, s5, $0xb8;
	[tilespmem:$0xCA00] =	vst v63  }
0xc7: {  	_ =	swait.ge [sflag:s9], $0x6400  }
0xc8: {  	[sflag:s9] =	ssyncset.done $0x0  }
0xc9: {  	s23 =	rddreg [dreg:$0x1e];
	[sflag:s9] =	ssyncadd.s32 $0xFFFF9C00  }
0xca: {  	[hbm4b:s23+s3] =	stream.linear.scatter [tilespmem:s6], [sflag:$0x3], $0x6400, $0x38;
	[tilespmem:$0xCA00] =	vst v63  }
0xcb: {  	_ =	swait.ge [sflag:s4], $0x6400  }
0xcc: {  	[sflag:s4] =	ssyncset.done $0x0  }
0xcd: {  	s24 =	rddreg [dreg:$0x1f];
	[sflag:s4] =	ssyncadd.s32 $0xFFFF9C00  }
0xce: {  	[tilespmem:s3], [sflag:$0x3] =	stream.linear.gather [hbm4b:s24+s3], $0xC8, $0x38;
	[tilespmem:$0xCA00] =	vst v63  }
0xcf: {  	_ =	swait.ge [sflag:s4], $0xC8  }
0xd0: {  	[sflag:s4] =	ssyncset.done $0x0  }
0xd1: {  	[sflag:s4] =	ssyncadd.s32 $0xFFFFFF38  }
0xd2: {  	[tilespmem:s6], [sflag:$0x1] =	stream.indirect.gather [hbm4b:s2+s5], $0x80, s3, s5, $0xb8;
	[tilespmem:$0xCA00] =	vst v63  }
0xd3: {  	_ =	swait.ge [sflag:s10], $0x6400  }
0xd4: {  	s25 =	sld [smem:$0x7FA]  }
0xd5: {  	[sflag:s10] =	ssyncset.done $0x0  }
0xd6: {  	[sflag:s10] =	ssyncadd.s32 $0xFFFF9C00  }
0xd7: {  	[hbm4b:s25+s3] =	stream.linear.scatter [tilespmem:s8], [sflag:$0x3], $0x6400, $0x38;
	[tilespmem:$0xCA00] =	vst v63  }
0xd8: {  	_ =	swait.ge [sflag:s4], $0x6400  }
0xd9: {  	s26 =	sld [smem:$0x7FB]  }
0xda: {  	[sflag:s4] =	ssyncset.done $0x0  }
0xdb: {  	[sflag:s4] =	ssyncadd.s32 $0xFFFF9C00  }
0xdc: {  	[tilespmem:s7], [sflag:$0x3] =	stream.linear.gather [hbm4b:s26+s3], $0xC8, $0x38;
	[tilespmem:$0xCA00] =	vst v63  }
0xdd: {  	_ =	swait.ge [sflag:s4], $0xC8  }
0xde: {  	[sflag:s4] =	ssyncset.done $0x0  }
0xdf: {  	[sflag:s4] =	ssyncadd.s32 $0xFFFFFF38  }
0xe0: {  	[tilespmem:s8], [sflag:$0x2] =	stream.indirect.gather [hbm4b:s2+s5], $0x80, s7, s5, $0xb8;
	[tilespmem:$0xCA00] =	vst v63  }
0xe1: {  	_ =	swait.ge [sflag:s9], $0x6400  }
0xe2: {  	s11 =	sshll.u32 s11, $0x4;
	[sflag:s9] =	ssyncset.done $0x0  }
0xe3: {  	s11 =	sadd.s32 s31, s11;
	[sflag:s9] =	ssyncadd.s32 $0xFFFF9C00  }
0xe4: {  	[hbm4b:s11+s3] =	stream.linear.scatter [tilespmem:s6], [sflag:$0x3], $0x6400, $0x38;
	[tilespmem:$0xCA00] =	vst v63  }
0xe5: {  	s15 =	sadd.s32 $0xC80, s30;
	_ =	swait.ge [sflag:s4], $0x6400  }
0xe6: {  	s0 =	sshrl.u32 s15, $0x3;
	[sflag:s4] =	ssyncset.done $0x0  }
0xe7: {  	s12 =	sadd.s32 s29, s0;
	[sflag:s4] =	ssyncadd.s32 $0xFFFF9C00  }
0xe8: {  	[tilespmem:s3], [sflag:$0x3] =	stream.linear.gather [hbm4b:s12+s3], $0xC8, $0x38;
	[tilespmem:$0xCA00] =	vst v63  }
0xe9: {  	_ =	swait.ge [sflag:s4], $0xC8  }
0xea: {  	[sflag:s4] =	ssyncset.done $0x0  }
0xeb: {  	[sflag:s4] =	ssyncadd.s32 $0xFFFFFF38  }
0xec: {  	[tilespmem:s6], [sflag:$0x1] =	stream.indirect.gather [hbm4b:s2+s5], $0x80, s3, s5, $0xb8;
	[tilespmem:$0xCA00] =	vst v63  }
0xed: {  	_ =	swait.ge [sflag:s10], $0x6400  }
0xee: {  	s13 =	sshll.u32 s13, $0x4;
	[sflag:s10] =	ssyncset.done $0x0  }
0xef: {  	s13 =	sadd.s32 s31, s13;
	[sflag:s10] =	ssyncadd.s32 $0xFFFF9C00  }
0xf0: {  	[hbm4b:s13+s3] =	stream.linear.scatter [tilespmem:s8], [sflag:$0x3], $0x6400, $0x38;
	[tilespmem:$0xCA00] =	vst v63  }
0xf1: {  	s17 =	sadd.s32 $0xD48, s30;
	_ =	swait.ge [sflag:s4], $0x6400  }
0xf2: {  	s14 =	sshrl.u32 s17, $0x3;
	[sflag:s4] =	ssyncset.done $0x0  }
0xf3: {  	s14 =	sadd.s32 s29, s14;
	[sflag:s4] =	ssyncadd.s32 $0xFFFF9C00  }
0xf4: {  	[tilespmem:s7], [sflag:$0x3] =	stream.linear.gather [hbm4b:s14+s3], $0xC8, $0x38;
	[tilespmem:$0xCA00] =	vst v63  }
0xf5: {  	_ =	swait.ge [sflag:s4], $0xC8  }
0xf6: {  	[sflag:s4] =	ssyncset.done $0x0  }
0xf7: {  	[sflag:s4] =	ssyncadd.s32 $0xFFFFFF38  }
0xf8: {  	[tilespmem:s8], [sflag:$0x2] =	stream.indirect.gather [hbm4b:s2+s5], $0x80, s7, s5, $0xb8;
	[tilespmem:$0xCA00] =	vst v63  }
0xf9: {  	_ =	swait.ge [sflag:s9], $0x6400  }
0xfa: {  	s15 =	sshll.u32 s15, $0x4;
	[sflag:s9] =	ssyncset.done $0x0  }
0xfb: {  	s15 =	sadd.s32 s31, s15;
	[sflag:s9] =	ssyncadd.s32 $0xFFFF9C00  }
0xfc: {  	[hbm4b:s15+s3] =	stream.linear.scatter [tilespmem:s6], [sflag:$0x3], $0x6400, $0x38;
	[tilespmem:$0xCA00] =	vst v63  }
0xfd: {  	s19 =	sadd.s32 $0xE10, s30;
	_ =	swait.ge [sflag:s4], $0x6400  }
0xfe: {  	s16 =	sshrl.u32 s19, $0x3;
	[sflag:s4] =	ssyncset.done $0x0  }
0xff: {  	s16 =	sadd.s32 s29, s16;
	[sflag:s4] =	ssyncadd.s32 $0xFFFF9C00  }
0x100: {  	[tilespmem:s3], [sflag:$0x3] =	stream.linear.gather [hbm4b:s16+s3], $0xC8, $0x38;
	[tilespmem:$0xCA00] =	vst v63  }
0x101: {  	_ =	swait.ge [sflag:s4], $0xC8  }
0x102: {  	[sflag:s4] =	ssyncset.done $0x0  }
0x103: {  	[sflag:s4] =	ssyncadd.s32 $0xFFFFFF38  }
0x104: {  	[tilespmem:s6], [sflag:$0x1] =	stream.indirect.gather [hbm4b:s2+s5], $0x80, s3, s5, $0xb8;
	[tilespmem:$0xCA00] =	vst v63  }
0x105: {  	_ =	swait.ge [sflag:s10], $0x6400  }
0x106: {  	s17 =	sshll.u32 s17, $0x4;
	[sflag:s10] =	ssyncset.done $0x0  }
0x107: {  	s17 =	sadd.s32 s31, s17;
	[sflag:s10] =	ssyncadd.s32 $0xFFFF9C00  }
0x108: {  	[hbm4b:s17+s3] =	stream.linear.scatter [tilespmem:s8], [sflag:$0x3], $0x6400, $0x38;
	[tilespmem:$0xCA00] =	vst v63  }
0x109: {  	s21 =	sadd.s32 $0xED8, s30;
	_ =	swait.ge [sflag:s4], $0x6400  }
0x10a: {  	s18 =	sshrl.u32 s21, $0x3;
	[sflag:s4] =	ssyncset.done $0x0  }
0x10b: {  	s18 =	sadd.s32 s29, s18;
	[sflag:s4] =	ssyncadd.s32 $0xFFFF9C00  }
0x10c: {  	[tilespmem:s7], [sflag:$0x3] =	stream.linear.gather [hbm4b:s18+s3], $0xC8, $0x38;
	[tilespmem:$0xCA00] =	vst v63  }
0x10d: {  	_ =	swait.ge [sflag:s4], $0xC8  }
0x10e: {  	[sflag:s4] =	ssyncset.done $0x0  }
0x10f: {  	[sflag:s4] =	ssyncadd.s32 $0xFFFFFF38  }
0x110: {  	[tilespmem:s8], [sflag:$0x2] =	stream.indirect.gather [hbm4b:s2+s5], $0x80, s7, s5, $0xb8;
	[tilespmem:$0xCA00] =	vst v63  }
0x111: {  	_ =	swait.ge [sflag:s9], $0x6400  }
0x112: {  	s19 =	sshll.u32 s19, $0x4;
	[sflag:s9] =	ssyncset.done $0x0  }
0x113: {  	s19 =	sadd.s32 s31, s19;
	[sflag:s9] =	ssyncadd.s32 $0xFFFF9C00  }
0x114: {  	[hbm4b:s19+s3] =	stream.linear.scatter [tilespmem:s6], [sflag:$0x3], $0x6400, $0x38;
	[tilespmem:$0xCA00] =	vst v63  }
0x115: {  	s23 =	sadd.s32 $0xFA0, s30;
	_ =	swait.ge [sflag:s4], $0x6400  }
0x116: {  	s20 =	sshrl.u32 s23, $0x3;
	[sflag:s4] =	ssyncset.done $0x0  }
0x117: {  	s20 =	sadd.s32 s29, s20;
	[sflag:s4] =	ssyncadd.s32 $0xFFFF9C00  }
0x118: {  	[tilespmem:s3], [sflag:$0x3] =	stream.linear.gather [hbm4b:s20+s3], $0xC8, $0x38;
	[tilespmem:$0xCA00] =	vst v63  }
0x119: {  	_ =	swait.ge [sflag:s4], $0xC8  }
0x11a: {  	[sflag:s4] =	ssyncset.done $0x0  }
0x11b: {  	[sflag:s4] =	ssyncadd.s32 $0xFFFFFF38  }
0x11c: {  	[tilespmem:s6], [sflag:$0x1] =	stream.indirect.gather [hbm4b:s2+s5], $0x80, s3, s5, $0xb8;
	[tilespmem:$0xCA00] =	vst v63  }
0x11d: {  	_ =	swait.ge [sflag:s10], $0x6400  }
0x11e: {  	s21 =	sshll.u32 s21, $0x4;
	[sflag:s10] =	ssyncset.done $0x0  }
0x11f: {  	s21 =	sadd.s32 s31, s21;
	[sflag:s10] =	ssyncadd.s32 $0xFFFF9C00  }
0x120: {  	[hbm4b:s21+s3] =	stream.linear.scatter [tilespmem:s8], [sflag:$0x3], $0x6400, $0x38;
	[tilespmem:$0xCA00] =	vst v63  }
0x121: {  	s25 =	sadd.s32 $0x1068, s30;
	_ =	swait.ge [sflag:s4], $0x6400  }
0x122: {  	s22 =	sshrl.u32 s25, $0x3;
	[sflag:s4] =	ssyncset.done $0x0  }
0x123: {  	s22 =	sadd.s32 s29, s22;
	[sflag:s4] =	ssyncadd.s32 $0xFFFF9C00  }
0x124: {  	[tilespmem:s7], [sflag:$0x3] =	stream.linear.gather [hbm4b:s22+s3], $0xC8, $0x38;
	[tilespmem:$0xCA00] =	vst v63  }
0x125: {  	_ =	swait.ge [sflag:s4], $0xC8  }
0x126: {  	[sflag:s4] =	ssyncset.done $0x0  }
0x127: {  	[sflag:s4] =	ssyncadd.s32 $0xFFFFFF38  }
0x128: {  	[tilespmem:s8], [sflag:$0x2] =	stream.indirect.gather [hbm4b:s2+s5], $0x80, s7, s5, $0xb8;
	[tilespmem:$0xCA00] =	vst v63  }
0x129: {  	_ =	swait.ge [sflag:s9], $0x6400  }
0x12a: {  	s23 =	sshll.u32 s23, $0x4;
	[sflag:s9] =	ssyncset.done $0x0  }
0x12b: {  	s23 =	sadd.s32 s31, s23;
	[sflag:s9] =	ssyncadd.s32 $0xFFFF9C00  }
0x12c: {  	[hbm4b:s23+s3] =	stream.linear.scatter [tilespmem:s6], [sflag:$0x3], $0x6400, $0x38;
	[tilespmem:$0xCA00] =	vst v63  }
0x12d: {  	s28 =	sadd.s32 $0x1130, s30;
	_ =	swait.ge [sflag:s4], $0x6400  }
0x12e: {  	s24 =	sshrl.u32 s28, $0x3;
	[sflag:s4] =	ssyncset.done $0x0  }
0x12f: {  	s24 =	sadd.s32 s29, s24;
	[sflag:s4] =	ssyncadd.s32 $0xFFFF9C00  }
0x130: {  	[tilespmem:s3], [sflag:$0x3] =	stream.linear.gather [hbm4b:s24+s3], $0xC8, $0x38;
	[tilespmem:$0xCA00] =	vst v63  }
0x131: {  	_ =	swait.ge [sflag:s4], $0xC8  }
0x132: {  	[sflag:s4] =	ssyncset.done $0x0  }
0x133: {  	[sflag:s4] =	ssyncadd.s32 $0xFFFFFF38  }
0x134: {  	[tilespmem:s6], [sflag:$0x1] =	stream.indirect.gather [hbm4b:s2+s5], $0x80, s3, s5, $0xb8;
	[tilespmem:$0xCA00] =	vst v63  }
0x135: {  	_ =	swait.ge [sflag:s10], $0x6400  }
0x136: {  	s25 =	sshll.u32 s25, $0x4;
	[sflag:s10] =	ssyncset.done $0x0  }
0x137: {  	s25 =	sadd.s32 s31, s25;
	[sflag:s10] =	ssyncadd.s32 $0xFFFF9C00  }
0x138: {  	[hbm4b:s25+s3] =	stream.linear.scatter [tilespmem:s8], [sflag:$0x3], $0x6400, $0x38;
	[tilespmem:$0xCA00] =	vst v63  }
0x139: {  	s1 =	sadd.s32 $0x11F8, s30;
	_ =	swait.ge [sflag:s4], $0x6400  }
0x13a: {  	s26 =	sshrl.u32 s1, $0x3;
	[sflag:s4] =	ssyncset.done $0x0  }
0x13b: {  	s26 =	sadd.s32 s29, s26;
	[sflag:s4] =	ssyncadd.s32 $0xFFFF9C00  }
0x13c: {  	[tilespmem:s7], [sflag:$0x3] =	stream.linear.gather [hbm4b:s26+s3], $0xC8, $0x38;
	[tilespmem:$0xCA00] =	vst v63  }
0x13d: {  	_ =	swait.ge [sflag:s4], $0xC8  }
0x13e: {  	[sflag:s4] =	ssyncset.done $0x0  }
0x13f: {  	[sflag:s4] =	ssyncadd.s32 $0xFFFFFF38  }
0x140: {  	[tilespmem:s8], [sflag:$0x2] =	stream.indirect.gather [hbm4b:s2+s5], $0x80, s7, s5, $0xb8;
	[tilespmem:$0xCA00] =	vst v63  }
0x141: {  	_ =	swait.ge [sflag:s9], $0x6400  }
0x142: {  	s28 =	sshll.u32 s28, $0x4;
	[sflag:s9] =	ssyncset.done $0x0  }
0x143: {  	s28 =	sadd.s32 s31, s28;
	[smem:$0x7FD] =	sst s31;
	[sflag:s9] =	ssyncadd.s32 $0xFFFF9C00  }
0x144: {  	[hbm4b:s28+s3] =	stream.linear.scatter [tilespmem:s6], [sflag:$0x3], $0x6400, $0x38;
	[tilespmem:$0xCA00] =	vst v63  }
0x145: {  	s0 =	sadd.s32 $0x12C0, s30;
	_ =	swait.ge [sflag:s4], $0x6400  }
0x146: {  	s30 =	sshrl.u32 s0, $0x3;
	[sflag:s4] =	ssyncset.done $0x0  }
0x147: {  	s29 =	sadd.s32 s29, s30;
	[sflag:s4] =	ssyncadd.s32 $0xFFFF9C00  }
0x148: {  	[tilespmem:s3], [sflag:$0x3] =	stream.linear.gather [hbm4b:s29+s3], $0xC8, $0x38;
	[tilespmem:$0xCA00] =	vst v63  }
0x149: {  	_ =	swait.ge [sflag:s4], $0xC8  }
0x14a: {  	[sflag:s4] =	ssyncset.done $0x0  }
0x14b: {  	[sflag:s4] =	ssyncadd.s32 $0xFFFFFF38  }
0x14c: {  	[tilespmem:s6], [sflag:$0x1] =	stream.indirect.gather [hbm4b:s2+s5], $0x80, s3, s5, $0xb8;
	[tilespmem:$0xCA00] =	vst v63  }
0x14d: {  	_ =	swait.ge [sflag:s10], $0x6400  }
0x14e: {  	s1 =	sshll.u32 s1, $0x4;
	[sflag:s10] =	ssyncset.done $0x0  }
0x14f: {  	s30 =	sadd.s32 s31, s1;
	[sflag:s10] =	ssyncadd.s32 $0xFFFF9C00  }
0x150: {  	[hbm4b:s30+s3] =	stream.linear.scatter [tilespmem:s8], [sflag:$0x3], $0x6400, $0x38;
	[tilespmem:$0xCA00] =	vst v63  }
0x151: {  	_ =	swait.ge [sflag:s4], $0x6400  }
0x152: {  	s1 =	sld [smem:$0x7FC];
	_ =	sdelay $0x2  }
0x153: {  	s1 =	ssub.s32 $0x2, s1  }
0x154: {  	[sflag:s4] =	ssyncset.done $0x0;
	s31 =	sshrl.u32 s1, $0x1  }
0x155: {  	[sflag:s4] =	ssyncadd.s32 $0xFFFF9C00;
	s1 =	ssub.s32 s1, s31  }
0x156: {  	_ =	swait.ge [sflag:s9], $0x6400;
	s1 =	smax.u32 s1, $0x1  }
0x157: {  	s31 =	sld [smem:$0x7FD];
	p0 =	sne.s32 s1, $0x1  }
.Ltmp0:
0x158: {  	_ = 	snop;
	(pc) =	sbr.rel @!p0 .LBB2_2-.Ltmp0, $4  }
0x159: {  	s0 =	sshll.u32 s0, $0x4;
	[sflag:s9] =	ssyncset.done $0x0  }
0x15a: {  	[sflag:s9] =	ssyncadd.s32 $0xFFFF9C00;
	s31 =	sadd.s32 s31, s0  }
0x15b: {  	[hbm4b:s31+s3] =	stream.linear.scatter [tilespmem:s6], [sflag:$0x3], $0x6400, $0x38;
	[tilespmem:$0xCA00] =	vst v63  }
0x15c: {  	s1 =	sadd.s32 $0xFFFFFFFF, s1;
	_ =	swait.ge [sflag:s4], $0x6400  }
.LBB2_1:
0x15d: {  	[sflag:s4] =	ssyncset.done $0x0  }
0x15e: {  	s0 =	rddreg [dreg:$0x4];
	[sflag:s4] =	ssyncadd.s32 $0xFFFF9C00  }
0x15f: {  	[tilespmem:s3], [sflag:$0x3] =	stream.linear.gather [hbm4b:s0+s3], $0xC8, $0x38;
	[tilespmem:$0xCA00] =	vst v63  }
0x160: {  	_ =	swait.ge [sflag:s4], $0xC8  }
0x161: {  	[sflag:s4] =	ssyncset.done $0x0  }
0x162: {  	[sflag:s4] =	ssyncadd.s32 $0xFFFFFF38  }
0x163: {  	[tilespmem:s6], [sflag:$0x1] =	stream.indirect.gather [hbm4b:s2+s5], $0x80, s3, s5, $0xb8;
	[tilespmem:$0xCA00] =	vst v63  }
0x164: {  	s0 =	rddreg [dreg:$0x5]  }
0x165: {  	[tilespmem:s7], [sflag:$0x3] =	stream.linear.gather [hbm4b:s0+s3], $0xC8, $0x38;
	[tilespmem:$0xCA00] =	vst v63  }
0x166: {  	_ =	swait.ge [sflag:s4], $0xC8  }
0x167: {  	[sflag:s4] =	ssyncset.done $0x0  }
0x168: {  	[sflag:s4] =	ssyncadd.s32 $0xFFFFFF38  }
0x169: {  	[tilespmem:s8], [sflag:$0x2] =	stream.indirect.gather [hbm4b:s2+s5], $0x80, s7, s5, $0xb8;
	[tilespmem:$0xCA00] =	vst v63  }
0x16a: {  	_ =	swait.ge [sflag:s9], $0x6400  }
0x16b: {  	[sflag:s9] =	ssyncset.done $0x0  }
0x16c: {  	s0 =	rddreg [dreg:$0x6];
	[sflag:s9] =	ssyncadd.s32 $0xFFFF9C00  }
0x16d: {  	[hbm4b:s0+s3] =	stream.linear.scatter [tilespmem:s6], [sflag:$0x3], $0x6400, $0x38;
	[tilespmem:$0xCA00] =	vst v63  }
0x16e: {  	_ =	swait.ge [sflag:s4], $0x6400  }
0x16f: {  	[sflag:s4] =	ssyncset.done $0x0  }
0x170: {  	s0 =	rddreg [dreg:$0x7];
	[sflag:s4] =	ssyncadd.s32 $0xFFFF9C00  }
0x171: {  	[tilespmem:s3], [sflag:$0x3] =	stream.linear.gather [hbm4b:s0+s3], $0xC8, $0x38;
	[tilespmem:$0xCA00] =	vst v63  }
0x172: {  	_ =	swait.ge [sflag:s4], $0xC8  }
0x173: {  	[sflag:s4] =	ssyncset.done $0x0  }
0x174: {  	[sflag:s4] =	ssyncadd.s32 $0xFFFFFF38  }
0x175: {  	[tilespmem:s6], [sflag:$0x1] =	stream.indirect.gather [hbm4b:s2+s5], $0x80, s3, s5, $0xb8;
	[tilespmem:$0xCA00] =	vst v63  }
0x176: {  	_ =	swait.ge [sflag:s10], $0x6400  }
0x177: {  	[sflag:s10] =	ssyncset.done $0x0  }
0x178: {  	s0 =	rddreg [dreg:$0x8];
	[sflag:s10] =	ssyncadd.s32 $0xFFFF9C00  }
0x179: {  	[hbm4b:s0+s3] =	stream.linear.scatter [tilespmem:s8], [sflag:$0x3], $0x6400, $0x38;
	[tilespmem:$0xCA00] =	vst v63  }
0x17a: {  	_ =	swait.ge [sflag:s4], $0x6400  }
0x17b: {  	[sflag:s4] =	ssyncset.done $0x0  }
0x17c: {  	s0 =	rddreg [dreg:$0x9];
	[sflag:s4] =	ssyncadd.s32 $0xFFFF9C00  }
0x17d: {  	[tilespmem:s7], [sflag:$0x3] =	stream.linear.gather [hbm4b:s0+s3], $0xC8, $0x38;
	[tilespmem:$0xCA00] =	vst v63  }
0x17e: {  	_ =	swait.ge [sflag:s4], $0xC8  }
0x17f: {  	[sflag:s4] =	ssyncset.done $0x0  }
0x180: {  	[sflag:s4] =	ssyncadd.s32 $0xFFFFFF38  }
0x181: {  	[tilespmem:s8], [sflag:$0x2] =	stream.indirect.gather [hbm4b:s2+s5], $0x80, s7, s5, $0xb8;
	[tilespmem:$0xCA00] =	vst v63  }
0x182: {  	_ =	swait.ge [sflag:s9], $0x6400  }
0x183: {  	[sflag:s9] =	ssyncset.done $0x0  }
0x184: {  	s0 =	rddreg [dreg:$0xa];
	[sflag:s9] =	ssyncadd.s32 $0xFFFF9C00  }
0x185: {  	[hbm4b:s0+s3] =	stream.linear.scatter [tilespmem:s6], [sflag:$0x3], $0x6400, $0x38;
	[tilespmem:$0xCA00] =	vst v63  }
0x186: {  	_ =	swait.ge [sflag:s4], $0x6400  }
0x187: {  	[sflag:s4] =	ssyncset.done $0x0  }
0x188: {  	s0 =	rddreg [dreg:$0xb];
	[sflag:s4] =	ssyncadd.s32 $0xFFFF9C00  }
0x189: {  	[tilespmem:s3], [sflag:$0x3] =	stream.linear.gather [hbm4b:s0+s3], $0xC8, $0x38;
	[tilespmem:$0xCA00] =	vst v63  }
0x18a: {  	_ =	swait.ge [sflag:s4], $0xC8  }
0x18b: {  	[sflag:s4] =	ssyncset.done $0x0  }
0x18c: {  	[sflag:s4] =	ssyncadd.s32 $0xFFFFFF38  }
0x18d: {  	[tilespmem:s6], [sflag:$0x1] =	stream.indirect.gather [hbm4b:s2+s5], $0x80, s3, s5, $0xb8;
	[tilespmem:$0xCA00] =	vst v63  }
0x18e: {  	_ =	swait.ge [sflag:s10], $0x6400  }
0x18f: {  	[sflag:s10] =	ssyncset.done $0x0  }
0x190: {  	s0 =	rddreg [dreg:$0xc];
	[sflag:s10] =	ssyncadd.s32 $0xFFFF9C00  }
0x191: {  	[hbm4b:s0+s3] =	stream.linear.scatter [tilespmem:s8], [sflag:$0x3], $0x6400, $0x38;
	[tilespmem:$0xCA00] =	vst v63  }
0x192: {  	_ =	swait.ge [sflag:s4], $0x6400  }
0x193: {  	[sflag:s4] =	ssyncset.done $0x0  }
0x194: {  	s0 =	rddreg [dreg:$0xd];
	[sflag:s4] =	ssyncadd.s32 $0xFFFF9C00  }
0x195: {  	[tilespmem:s7], [sflag:$0x3] =	stream.linear.gather [hbm4b:s0+s3], $0xC8, $0x38;
	[tilespmem:$0xCA00] =	vst v63  }
0x196: {  	_ =	swait.ge [sflag:s4], $0xC8  }
0x197: {  	[sflag:s4] =	ssyncset.done $0x0  }
0x198: {  	[sflag:s4] =	ssyncadd.s32 $0xFFFFFF38  }
0x199: {  	[tilespmem:s8], [sflag:$0x2] =	stream.indirect.gather [hbm4b:s2+s5], $0x80, s7, s5, $0xb8;
	[tilespmem:$0xCA00] =	vst v63  }
0x19a: {  	_ =	swait.ge [sflag:s9], $0x6400  }
0x19b: {  	[sflag:s9] =	ssyncset.done $0x0  }
0x19c: {  	s0 =	rddreg [dreg:$0xe];
	[sflag:s9] =	ssyncadd.s32 $0xFFFF9C00  }
0x19d: {  	[hbm4b:s0+s3] =	stream.linear.scatter [tilespmem:s6], [sflag:$0x3], $0x6400, $0x38;
	[tilespmem:$0xCA00] =	vst v63  }
0x19e: {  	_ =	swait.ge [sflag:s4], $0x6400  }
0x19f: {  	[sflag:s4] =	ssyncset.done $0x0  }
0x1a0: {  	s0 =	rddreg [dreg:$0xf];
	[sflag:s4] =	ssyncadd.s32 $0xFFFF9C00  }
0x1a1: {  	[tilespmem:s3], [sflag:$0x3] =	stream.linear.gather [hbm4b:s0+s3], $0xC8, $0x38;
	[tilespmem:$0xCA00] =	vst v63  }
0x1a2: {  	_ =	swait.ge [sflag:s4], $0xC8  }
0x1a3: {  	[sflag:s4] =	ssyncset.done $0x0  }
0x1a4: {  	[sflag:s4] =	ssyncadd.s32 $0xFFFFFF38  }
0x1a5: {  	[tilespmem:s6], [sflag:$0x1] =	stream.indirect.gather [hbm4b:s2+s5], $0x80, s3, s5, $0xb8;
	[tilespmem:$0xCA00] =	vst v63  }
0x1a6: {  	_ =	swait.ge [sflag:s10], $0x6400  }
0x1a7: {  	[sflag:s10] =	ssyncset.done $0x0  }
0x1a8: {  	s0 =	rddreg [dreg:$0x10];
	[sflag:s10] =	ssyncadd.s32 $0xFFFF9C00  }
0x1a9: {  	[hbm4b:s0+s3] =	stream.linear.scatter [tilespmem:s8], [sflag:$0x3], $0x6400, $0x38;
	[tilespmem:$0xCA00] =	vst v63  }
0x1aa: {  	_ =	swait.ge [sflag:s4], $0x6400  }
0x1ab: {  	[sflag:s4] =	ssyncset.done $0x0  }
0x1ac: {  	s0 =	rddreg [dreg:$0x11];
	[sflag:s4] =	ssyncadd.s32 $0xFFFF9C00  }
0x1ad: {  	[tilespmem:s7], [sflag:$0x3] =	stream.linear.gather [hbm4b:s0+s3], $0xC8, $0x38;
	[tilespmem:$0xCA00] =	vst v63  }
0x1ae: {  	_ =	swait.ge [sflag:s4], $0xC8  }
0x1af: {  	[sflag:s4] =	ssyncset.done $0x0  }
0x1b0: {  	[sflag:s4] =	ssyncadd.s32 $0xFFFFFF38  }
0x1b1: {  	[tilespmem:s8], [sflag:$0x2] =	stream.indirect.gather [hbm4b:s2+s5], $0x80, s7, s5, $0xb8;
	[tilespmem:$0xCA00] =	vst v63  }
0x1b2: {  	_ =	swait.ge [sflag:s9], $0x6400  }
0x1b3: {  	[sflag:s9] =	ssyncset.done $0x0  }
0x1b4: {  	s0 =	rddreg [dreg:$0x12];
	[sflag:s9] =	ssyncadd.s32 $0xFFFF9C00  }
0x1b5: {  	[hbm4b:s0+s3] =	stream.linear.scatter [tilespmem:s6], [sflag:$0x3], $0x6400, $0x38;
	[tilespmem:$0xCA00] =	vst v63  }
0x1b6: {  	_ =	swait.ge [sflag:s4], $0x6400  }
0x1b7: {  	[sflag:s4] =	ssyncset.done $0x0  }
0x1b8: {  	s0 =	rddreg [dreg:$0x13];
	[sflag:s4] =	ssyncadd.s32 $0xFFFF9C00  }
0x1b9: {  	[tilespmem:s3], [sflag:$0x3] =	stream.linear.gather [hbm4b:s0+s3], $0xC8, $0x38;
	[tilespmem:$0xCA00] =	vst v63  }
0x1ba: {  	_ =	swait.ge [sflag:s4], $0xC8  }
0x1bb: {  	[sflag:s4] =	ssyncset.done $0x0  }
0x1bc: {  	[sflag:s4] =	ssyncadd.s32 $0xFFFFFF38  }
0x1bd: {  	[tilespmem:s6], [sflag:$0x1] =	stream.indirect.gather [hbm4b:s2+s5], $0x80, s3, s5, $0xb8;
	[tilespmem:$0xCA00] =	vst v63  }
0x1be: {  	_ =	swait.ge [sflag:s10], $0x6400  }
0x1bf: {  	[sflag:s10] =	ssyncset.done $0x0  }
0x1c0: {  	s0 =	rddreg [dreg:$0x14];
	[sflag:s10] =	ssyncadd.s32 $0xFFFF9C00  }
0x1c1: {  	[hbm4b:s0+s3] =	stream.linear.scatter [tilespmem:s8], [sflag:$0x3], $0x6400, $0x38;
	[tilespmem:$0xCA00] =	vst v63  }
0x1c2: {  	_ =	swait.ge [sflag:s4], $0x6400  }
0x1c3: {  	[sflag:s4] =	ssyncset.done $0x0  }
0x1c4: {  	s0 =	rddreg [dreg:$0x15];
	[sflag:s4] =	ssyncadd.s32 $0xFFFF9C00  }
0x1c5: {  	[tilespmem:s7], [sflag:$0x3] =	stream.linear.gather [hbm4b:s0+s3], $0xC8, $0x38;
	[tilespmem:$0xCA00] =	vst v63  }
0x1c6: {  	_ =	swait.ge [sflag:s4], $0xC8  }
0x1c7: {  	[sflag:s4] =	ssyncset.done $0x0  }
0x1c8: {  	[sflag:s4] =	ssyncadd.s32 $0xFFFFFF38  }
0x1c9: {  	[tilespmem:s8], [sflag:$0x2] =	stream.indirect.gather [hbm4b:s2+s5], $0x80, s7, s5, $0xb8;
	[tilespmem:$0xCA00] =	vst v63  }
0x1ca: {  	_ =	swait.ge [sflag:s9], $0x6400  }
0x1cb: {  	[sflag:s9] =	ssyncset.done $0x0  }
0x1cc: {  	s0 =	rddreg [dreg:$0x16];
	[sflag:s9] =	ssyncadd.s32 $0xFFFF9C00  }
0x1cd: {  	[hbm4b:s0+s3] =	stream.linear.scatter [tilespmem:s6], [sflag:$0x3], $0x6400, $0x38;
	[tilespmem:$0xCA00] =	vst v63  }
0x1ce: {  	_ =	swait.ge [sflag:s4], $0x6400  }
0x1cf: {  	[sflag:s4] =	ssyncset.done $0x0  }
0x1d0: {  	s0 =	rddreg [dreg:$0x17];
	[sflag:s4] =	ssyncadd.s32 $0xFFFF9C00  }
0x1d1: {  	[tilespmem:s3], [sflag:$0x3] =	stream.linear.gather [hbm4b:s0+s3], $0xC8, $0x38;
	[tilespmem:$0xCA00] =	vst v63  }
0x1d2: {  	_ =	swait.ge [sflag:s4], $0xC8  }
0x1d3: {  	[sflag:s4] =	ssyncset.done $0x0  }
0x1d4: {  	[sflag:s4] =	ssyncadd.s32 $0xFFFFFF38  }
0x1d5: {  	[tilespmem:s6], [sflag:$0x1] =	stream.indirect.gather [hbm4b:s2+s5], $0x80, s3, s5, $0xb8;
	[tilespmem:$0xCA00] =	vst v63  }
0x1d6: {  	_ =	swait.ge [sflag:s10], $0x6400  }
0x1d7: {  	[sflag:s10] =	ssyncset.done $0x0  }
0x1d8: {  	s0 =	rddreg [dreg:$0x18];
	[sflag:s10] =	ssyncadd.s32 $0xFFFF9C00  }
0x1d9: {  	[hbm4b:s0+s3] =	stream.linear.scatter [tilespmem:s8], [sflag:$0x3], $0x6400, $0x38;
	[tilespmem:$0xCA00] =	vst v63  }
0x1da: {  	_ =	swait.ge [sflag:s4], $0x6400  }
0x1db: {  	[sflag:s4] =	ssyncset.done $0x0  }
0x1dc: {  	s0 =	rddreg [dreg:$0x19];
	[sflag:s4] =	ssyncadd.s32 $0xFFFF9C00  }
0x1dd: {  	[tilespmem:s7], [sflag:$0x3] =	stream.linear.gather [hbm4b:s0+s3], $0xC8, $0x38;
	[tilespmem:$0xCA00] =	vst v63  }
0x1de: {  	_ =	swait.ge [sflag:s4], $0xC8  }
0x1df: {  	[sflag:s4] =	ssyncset.done $0x0  }
0x1e0: {  	[sflag:s4] =	ssyncadd.s32 $0xFFFFFF38  }
0x1e1: {  	[tilespmem:s8], [sflag:$0x2] =	stream.indirect.gather [hbm4b:s2+s5], $0x80, s7, s5, $0xb8;
	[tilespmem:$0xCA00] =	vst v63  }
0x1e2: {  	_ =	swait.ge [sflag:s9], $0x6400  }
0x1e3: {  	[sflag:s9] =	ssyncset.done $0x0  }
0x1e4: {  	s0 =	rddreg [dreg:$0x1a];
	[sflag:s9] =	ssyncadd.s32 $0xFFFF9C00  }
0x1e5: {  	[hbm4b:s0+s3] =	stream.linear.scatter [tilespmem:s6], [sflag:$0x3], $0x6400, $0x38;
	[tilespmem:$0xCA00] =	vst v63  }
0x1e6: {  	_ =	swait.ge [sflag:s4], $0x6400  }
0x1e7: {  	[sflag:s4] =	ssyncset.done $0x0  }
0x1e8: {  	s0 =	rddreg [dreg:$0x1b];
	[sflag:s4] =	ssyncadd.s32 $0xFFFF9C00  }
0x1e9: {  	[tilespmem:s3], [sflag:$0x3] =	stream.linear.gather [hbm4b:s0+s3], $0xC8, $0x38;
	[tilespmem:$0xCA00] =	vst v63  }
0x1ea: {  	_ =	swait.ge [sflag:s4], $0xC8  }
0x1eb: {  	[sflag:s4] =	ssyncset.done $0x0  }
0x1ec: {  	[sflag:s4] =	ssyncadd.s32 $0xFFFFFF38  }
0x1ed: {  	[tilespmem:s6], [sflag:$0x1] =	stream.indirect.gather [hbm4b:s2+s5], $0x80, s3, s5, $0xb8;
	[tilespmem:$0xCA00] =	vst v63  }
0x1ee: {  	_ =	swait.ge [sflag:s10], $0x6400  }
0x1ef: {  	[sflag:s10] =	ssyncset.done $0x0  }
0x1f0: {  	s0 =	rddreg [dreg:$0x1c];
	[sflag:s10] =	ssyncadd.s32 $0xFFFF9C00  }
0x1f1: {  	[hbm4b:s0+s3] =	stream.linear.scatter [tilespmem:s8], [sflag:$0x3], $0x6400, $0x38;
	[tilespmem:$0xCA00] =	vst v63  }
0x1f2: {  	_ =	swait.ge [sflag:s4], $0x6400  }
0x1f3: {  	[sflag:s4] =	ssyncset.done $0x0  }
0x1f4: {  	s0 =	rddreg [dreg:$0x1d];
	[sflag:s4] =	ssyncadd.s32 $0xFFFF9C00  }
0x1f5: {  	[tilespmem:s7], [sflag:$0x3] =	stream.linear.gather [hbm4b:s0+s3], $0xC8, $0x38;
	[tilespmem:$0xCA00] =	vst v63  }
0x1f6: {  	_ =	swait.ge [sflag:s4], $0xC8  }
0x1f7: {  	[sflag:s4] =	ssyncset.done $0x0  }
0x1f8: {  	[sflag:s4] =	ssyncadd.s32 $0xFFFFFF38  }
0x1f9: {  	[tilespmem:s8], [sflag:$0x2] =	stream.indirect.gather [hbm4b:s2+s5], $0x80, s7, s5, $0xb8;
	[tilespmem:$0xCA00] =	vst v63  }
0x1fa: {  	_ =	swait.ge [sflag:s9], $0x6400  }
0x1fb: {  	[sflag:s9] =	ssyncset.done $0x0  }
0x1fc: {  	s0 =	rddreg [dreg:$0x1e];
	[sflag:s9] =	ssyncadd.s32 $0xFFFF9C00  }
0x1fd: {  	[hbm4b:s0+s3] =	stream.linear.scatter [tilespmem:s6], [sflag:$0x3], $0x6400, $0x38;
	[tilespmem:$0xCA00] =	vst v63  }
0x1fe: {  	_ =	swait.ge [sflag:s4], $0x6400  }
0x1ff: {  	[sflag:s4] =	ssyncset.done $0x0  }
0x200: {  	s0 =	rddreg [dreg:$0x1f];
	[sflag:s4] =	ssyncadd.s32 $0xFFFF9C00  }
0x201: {  	[tilespmem:s3], [sflag:$0x3] =	stream.linear.gather [hbm4b:s0+s3], $0xC8, $0x38;
	[tilespmem:$0xCA00] =	vst v63  }
0x202: {  	_ =	swait.ge [sflag:s4], $0xC8  }
0x203: {  	[sflag:s4] =	ssyncset.done $0x0  }
0x204: {  	[sflag:s4] =	ssyncadd.s32 $0xFFFFFF38  }
0x205: {  	[tilespmem:s6], [sflag:$0x1] =	stream.indirect.gather [hbm4b:s2+s5], $0x80, s3, s5, $0xb8;
	[tilespmem:$0xCA00] =	vst v63  }
0x206: {  	_ =	swait.ge [sflag:s10], $0x6400  }
0x207: {  	s0 =	sld [smem:$0x7FA]  }
0x208: {  	[sflag:s10] =	ssyncset.done $0x0  }
0x209: {  	[sflag:s10] =	ssyncadd.s32 $0xFFFF9C00  }
0x20a: {  	[hbm4b:s0+s3] =	stream.linear.scatter [tilespmem:s8], [sflag:$0x3], $0x6400, $0x38;
	[tilespmem:$0xCA00] =	vst v63  }
0x20b: {  	_ =	swait.ge [sflag:s4], $0x6400  }
0x20c: {  	s0 =	sld [smem:$0x7FB]  }
0x20d: {  	[sflag:s4] =	ssyncset.done $0x0  }
0x20e: {  	[sflag:s4] =	ssyncadd.s32 $0xFFFF9C00  }
0x20f: {  	[tilespmem:s7], [sflag:$0x3] =	stream.linear.gather [hbm4b:s0+s3], $0xC8, $0x38;
	[tilespmem:$0xCA00] =	vst v63  }
0x210: {  	_ =	swait.ge [sflag:s4], $0xC8  }
0x211: {  	[sflag:s4] =	ssyncset.done $0x0  }
0x212: {  	[sflag:s4] =	ssyncadd.s32 $0xFFFFFF38  }
0x213: {  	[tilespmem:s8], [sflag:$0x2] =	stream.indirect.gather [hbm4b:s2+s5], $0x80, s7, s5, $0xb8;
	[tilespmem:$0xCA00] =	vst v63  }
0x214: {  	_ =	swait.ge [sflag:s9], $0x6400  }
0x215: {  	[sflag:s9] =	ssyncset.done $0x0  }
0x216: {  	[sflag:s9] =	ssyncadd.s32 $0xFFFF9C00  }
0x217: {  	[hbm4b:s11+s3] =	stream.linear.scatter [tilespmem:s6], [sflag:$0x3], $0x6400, $0x38;
	[tilespmem:$0xCA00] =	vst v63  }
0x218: {  	_ =	swait.ge [sflag:s4], $0x6400  }
0x219: {  	[sflag:s4] =	ssyncset.done $0x0  }
0x21a: {  	[sflag:s4] =	ssyncadd.s32 $0xFFFF9C00  }
0x21b: {  	[tilespmem:s3], [sflag:$0x3] =	stream.linear.gather [hbm4b:s12+s3], $0xC8, $0x38;
	[tilespmem:$0xCA00] =	vst v63  }
0x21c: {  	_ =	swait.ge [sflag:s4], $0xC8  }
0x21d: {  	[sflag:s4] =	ssyncset.done $0x0  }
0x21e: {  	[sflag:s4] =	ssyncadd.s32 $0xFFFFFF38  }
0x21f: {  	[tilespmem:s6], [sflag:$0x1] =	stream.indirect.gather [hbm4b:s2+s5], $0x80, s3, s5, $0xb8;
	[tilespmem:$0xCA00] =	vst v63  }
0x220: {  	_ =	swait.ge [sflag:s10], $0x6400  }
0x221: {  	[sflag:s10] =	ssyncset.done $0x0  }
0x222: {  	[sflag:s10] =	ssyncadd.s32 $0xFFFF9C00  }
0x223: {  	[hbm4b:s13+s3] =	stream.linear.scatter [tilespmem:s8], [sflag:$0x3], $0x6400, $0x38;
	[tilespmem:$0xCA00] =	vst v63  }
0x224: {  	_ =	swait.ge [sflag:s4], $0x6400  }
0x225: {  	[sflag:s4] =	ssyncset.done $0x0  }
0x226: {  	[sflag:s4] =	ssyncadd.s32 $0xFFFF9C00  }
0x227: {  	[tilespmem:s7], [sflag:$0x3] =	stream.linear.gather [hbm4b:s14+s3], $0xC8, $0x38;
	[tilespmem:$0xCA00] =	vst v63  }
0x228: {  	_ =	swait.ge [sflag:s4], $0xC8  }
0x229: {  	[sflag:s4] =	ssyncset.done $0x0  }
0x22a: {  	[sflag:s4] =	ssyncadd.s32 $0xFFFFFF38  }
0x22b: {  	[tilespmem:s8], [sflag:$0x2] =	stream.indirect.gather [hbm4b:s2+s5], $0x80, s7, s5, $0xb8;
	[tilespmem:$0xCA00] =	vst v63  }
0x22c: {  	_ =	swait.ge [sflag:s9], $0x6400  }
0x22d: {  	[sflag:s9] =	ssyncset.done $0x0  }
0x22e: {  	[sflag:s9] =	ssyncadd.s32 $0xFFFF9C00  }
0x22f: {  	[hbm4b:s15+s3] =	stream.linear.scatter [tilespmem:s6], [sflag:$0x3], $0x6400, $0x38;
	[tilespmem:$0xCA00] =	vst v63  }
0x230: {  	_ =	swait.ge [sflag:s4], $0x6400  }
0x231: {  	[sflag:s4] =	ssyncset.done $0x0  }
0x232: {  	[sflag:s4] =	ssyncadd.s32 $0xFFFF9C00  }
0x233: {  	[tilespmem:s3], [sflag:$0x3] =	stream.linear.gather [hbm4b:s16+s3], $0xC8, $0x38;
	[tilespmem:$0xCA00] =	vst v63  }
0x234: {  	_ =	swait.ge [sflag:s4], $0xC8  }
0x235: {  	[sflag:s4] =	ssyncset.done $0x0  }
0x236: {  	[sflag:s4] =	ssyncadd.s32 $0xFFFFFF38  }
0x237: {  	[tilespmem:s6], [sflag:$0x1] =	stream.indirect.gather [hbm4b:s2+s5], $0x80, s3, s5, $0xb8;
	[tilespmem:$0xCA00] =	vst v63  }
0x238: {  	_ =	swait.ge [sflag:s10], $0x6400  }
0x239: {  	[sflag:s10] =	ssyncset.done $0x0  }
0x23a: {  	[sflag:s10] =	ssyncadd.s32 $0xFFFF9C00  }
0x23b: {  	[hbm4b:s17+s3] =	stream.linear.scatter [tilespmem:s8], [sflag:$0x3], $0x6400, $0x38;
	[tilespmem:$0xCA00] =	vst v63  }
0x23c: {  	_ =	swait.ge [sflag:s4], $0x6400  }
0x23d: {  	[sflag:s4] =	ssyncset.done $0x0  }
0x23e: {  	[sflag:s4] =	ssyncadd.s32 $0xFFFF9C00  }
0x23f: {  	[tilespmem:s7], [sflag:$0x3] =	stream.linear.gather [hbm4b:s18+s3], $0xC8, $0x38;
	[tilespmem:$0xCA00] =	vst v63  }
0x240: {  	_ =	swait.ge [sflag:s4], $0xC8  }
0x241: {  	[sflag:s4] =	ssyncset.done $0x0  }
0x242: {  	[sflag:s4] =	ssyncadd.s32 $0xFFFFFF38  }
0x243: {  	[tilespmem:s8], [sflag:$0x2] =	stream.indirect.gather [hbm4b:s2+s5], $0x80, s7, s5, $0xb8;
	[tilespmem:$0xCA00] =	vst v63  }
0x244: {  	_ =	swait.ge [sflag:s9], $0x6400  }
0x245: {  	[sflag:s9] =	ssyncset.done $0x0  }
0x246: {  	[sflag:s9] =	ssyncadd.s32 $0xFFFF9C00  }
0x247: {  	[hbm4b:s19+s3] =	stream.linear.scatter [tilespmem:s6], [sflag:$0x3], $0x6400, $0x38;
	[tilespmem:$0xCA00] =	vst v63  }
0x248: {  	_ =	swait.ge [sflag:s4], $0x6400  }
0x249: {  	[sflag:s4] =	ssyncset.done $0x0  }
0x24a: {  	[sflag:s4] =	ssyncadd.s32 $0xFFFF9C00  }
0x24b: {  	[tilespmem:s3], [sflag:$0x3] =	stream.linear.gather [hbm4b:s20+s3], $0xC8, $0x38;
	[tilespmem:$0xCA00] =	vst v63  }
0x24c: {  	_ =	swait.ge [sflag:s4], $0xC8  }
0x24d: {  	[sflag:s4] =	ssyncset.done $0x0  }
0x24e: {  	[sflag:s4] =	ssyncadd.s32 $0xFFFFFF38  }
0x24f: {  	[tilespmem:s6], [sflag:$0x1] =	stream.indirect.gather [hbm4b:s2+s5], $0x80, s3, s5, $0xb8;
	[tilespmem:$0xCA00] =	vst v63  }
0x250: {  	_ =	swait.ge [sflag:s10], $0x6400  }
0x251: {  	[sflag:s10] =	ssyncset.done $0x0  }
0x252: {  	[sflag:s10] =	ssyncadd.s32 $0xFFFF9C00  }
0x253: {  	[hbm4b:s21+s3] =	stream.linear.scatter [tilespmem:s8], [sflag:$0x3], $0x6400, $0x38;
	[tilespmem:$0xCA00] =	vst v63  }
0x254: {  	_ =	swait.ge [sflag:s4], $0x6400  }
0x255: {  	[sflag:s4] =	ssyncset.done $0x0  }
0x256: {  	[sflag:s4] =	ssyncadd.s32 $0xFFFF9C00  }
0x257: {  	[tilespmem:s7], [sflag:$0x3] =	stream.linear.gather [hbm4b:s22+s3], $0xC8, $0x38;
	[tilespmem:$0xCA00] =	vst v63  }
0x258: {  	_ =	swait.ge [sflag:s4], $0xC8  }
0x259: {  	[sflag:s4] =	ssyncset.done $0x0  }
0x25a: {  	[sflag:s4] =	ssyncadd.s32 $0xFFFFFF38  }
0x25b: {  	[tilespmem:s8], [sflag:$0x2] =	stream.indirect.gather [hbm4b:s2+s5], $0x80, s7, s5, $0xb8;
	[tilespmem:$0xCA00] =	vst v63  }
0x25c: {  	_ =	swait.ge [sflag:s9], $0x6400  }
0x25d: {  	[sflag:s9] =	ssyncset.done $0x0  }
0x25e: {  	[sflag:s9] =	ssyncadd.s32 $0xFFFF9C00  }
0x25f: {  	[hbm4b:s23+s3] =	stream.linear.scatter [tilespmem:s6], [sflag:$0x3], $0x6400, $0x38;
	[tilespmem:$0xCA00] =	vst v63  }
0x260: {  	_ =	swait.ge [sflag:s4], $0x6400  }
0x261: {  	[sflag:s4] =	ssyncset.done $0x0  }
0x262: {  	[sflag:s4] =	ssyncadd.s32 $0xFFFF9C00  }
0x263: {  	[tilespmem:s3], [sflag:$0x3] =	stream.linear.gather [hbm4b:s24+s3], $0xC8, $0x38;
	[tilespmem:$0xCA00] =	vst v63  }
0x264: {  	_ =	swait.ge [sflag:s4], $0xC8  }
0x265: {  	[sflag:s4] =	ssyncset.done $0x0  }
0x266: {  	[sflag:s4] =	ssyncadd.s32 $0xFFFFFF38  }
0x267: {  	[tilespmem:s6], [sflag:$0x1] =	stream.indirect.gather [hbm4b:s2+s5], $0x80, s3, s5, $0xb8;
	[tilespmem:$0xCA00] =	vst v63  }
0x268: {  	_ =	swait.ge [sflag:s10], $0x6400  }
0x269: {  	[sflag:s10] =	ssyncset.done $0x0  }
0x26a: {  	[sflag:s10] =	ssyncadd.s32 $0xFFFF9C00  }
0x26b: {  	[hbm4b:s25+s3] =	stream.linear.scatter [tilespmem:s8], [sflag:$0x3], $0x6400, $0x38;
	[tilespmem:$0xCA00] =	vst v63  }
0x26c: {  	_ =	swait.ge [sflag:s4], $0x6400  }
0x26d: {  	[sflag:s4] =	ssyncset.done $0x0  }
0x26e: {  	[sflag:s4] =	ssyncadd.s32 $0xFFFF9C00  }
0x26f: {  	[tilespmem:s7], [sflag:$0x3] =	stream.linear.gather [hbm4b:s26+s3], $0xC8, $0x38;
	[tilespmem:$0xCA00] =	vst v63  }
0x270: {  	_ =	swait.ge [sflag:s4], $0xC8  }
0x271: {  	[sflag:s4] =	ssyncset.done $0x0  }
0x272: {  	[sflag:s4] =	ssyncadd.s32 $0xFFFFFF38  }
0x273: {  	[tilespmem:s8], [sflag:$0x2] =	stream.indirect.gather [hbm4b:s2+s5], $0x80, s7, s5, $0xb8;
	[tilespmem:$0xCA00] =	vst v63  }
0x274: {  	_ =	swait.ge [sflag:s9], $0x6400  }
0x275: {  	[sflag:s9] =	ssyncset.done $0x0  }
0x276: {  	[sflag:s9] =	ssyncadd.s32 $0xFFFF9C00  }
0x277: {  	[hbm4b:s28+s3] =	stream.linear.scatter [tilespmem:s6], [sflag:$0x3], $0x6400, $0x38;
	[tilespmem:$0xCA00] =	vst v63  }
0x278: {  	_ =	swait.ge [sflag:s4], $0x6400  }
0x279: {  	[sflag:s4] =	ssyncset.done $0x0  }
0x27a: {  	[sflag:s4] =	ssyncadd.s32 $0xFFFF9C00  }
0x27b: {  	[tilespmem:s3], [sflag:$0x3] =	stream.linear.gather [hbm4b:s29+s3], $0xC8, $0x38;
	[tilespmem:$0xCA00] =	vst v63  }
0x27c: {  	_ =	swait.ge [sflag:s4], $0xC8  }
0x27d: {  	[sflag:s4] =	ssyncset.done $0x0  }
0x27e: {  	[sflag:s4] =	ssyncadd.s32 $0xFFFFFF38  }
0x27f: {  	[tilespmem:s6], [sflag:$0x1] =	stream.indirect.gather [hbm4b:s2+s5], $0x80, s3, s5, $0xb8;
	[tilespmem:$0xCA00] =	vst v63  }
0x280: {  	_ =	swait.ge [sflag:s10], $0x6400  }
0x281: {  	[sflag:s10] =	ssyncset.done $0x0  }
0x282: {  	[sflag:s10] =	ssyncadd.s32 $0xFFFF9C00  }
0x283: {  	[hbm4b:s30+s3] =	stream.linear.scatter [tilespmem:s8], [sflag:$0x3], $0x6400, $0x38;
	[tilespmem:$0xCA00] =	vst v63  }
0x284: {  	_ =	swait.ge [sflag:s4], $0x6400  }
0x285: {  	[sflag:s4] =	ssyncset.done $0x0  }
0x286: {  	p0 =	sne.s32 s1, $0x1;
	[sflag:s4] =	ssyncadd.s32 $0xFFFF9C00  }
.Ltmp1:
0x287: {  	_ =	swait.ge [sflag:s9], $0x6400;
	(pc) =	sbr.rel @p0 .LBB2_1-.Ltmp1, $4  }
0x288: {  	[sflag:s9] =	ssyncset.done $0x0  }
0x289: {  	[sflag:s9] =	ssyncadd.s32 $0xFFFF9C00  }
0x28a: {  	[hbm4b:s31+s3] =	stream.linear.scatter [tilespmem:s6], [sflag:$0x3], $0x6400, $0x38;
	[tilespmem:$0xCA00] =	vst v63  }
0x28b: {  	s1 =	sadd.s32 $0xFFFFFFFF, s1;
	_ =	swait.ge [sflag:s4], $0x6400  }
.LBB2_2:
0x28c: {  	[sflag:s4] =	ssyncset.done $0x0  }
0x28d: {  	[sflag:s4] =	ssyncadd.s32 $0xFFFF9C00  }
0x28e: {  	_ =	sfence.sel $0x180000  }
0x28f: {  	[bflag:$0x0] =	sbarrier.arrive $0xFFFF  }
0x290: {  	_ =	strace $0x90000047  }
0x291: {  	s0 =	stileid.u32;
	[bflag:$0x2] =	sbarrier.arrive $0xFFFF  }
0x292: {  	p0 =	sne.s32 s0, $0x0;
	s0 =	rddreg [dreg:$0x3]  }
0x293: {  	s0 =	sadd.s32 @!p0 $0x100000, s0  }
0x294: {  	[sflag:s0] =	ssyncadd.tile.s32 @!p0 $0x1;
	_ =	shalt  }
.Lfunc_end2:
_tile_overlayer_lowered:
.L_overlay_start_2:
0x295: {  	(tag) =	ssettag $0x2  }
0x296: {  	s0 =	rddreg [dreg:$0x0];
	s2 =	stileid.u32  }
0x297: {  	s1 =	rddreg [dreg:$0x1];
	p0 =	sne.s32 s2, $0x0  }
0x298: {  	s3 =	rddreg [dreg:$0x2];
	[bflag:$0x3] =	sbarrier.arrive $0xFFFF;
	s2 =	simm.s32 @!p0 $0x1C03  }
0x299: {  	[timem:s3], [sflag:s2] =	dma.local @!p0 [hbm:s0], s1  }
0x29a: {  	s0 =	simm.s32 @!p0 $0x3  }
0x29b: {  	_ =	swait.ge @!p0 [sflag:s0], s1  }
0x29c: {  	s1 =	ssub.s32 @!p0 $0x0, s1;
	[sflag:s0] =	ssyncset.done @!p0 $0x0  }
0x29d: {  	[sflag:s0] =	ssyncadd.s32 @!p0 s1  }
0x29e: {  	[bflag:$0x3] =	sbarrier.arrive $0xFFFF  }
0x29f: {  	_ =	shalt  }

// kernel: kernel.15.cloned.1.call-start
scs
__scs_entry_jumppad:
0x0: {  	(pc) =	sbr.rel $0x88, $3  }
0x1: {  	(tag) =	ssettag $0x0;
	lr =	simm.s32 $0x1  }
0x2: {  	[smem:$0x3F8F] =	sst lr;
	_ =	strace $0xD0000000  }
0x3: {  	_ = 	snop  }
0x4: {  	_ = 	snop  }
0x5: {  	_ = 	snop  }
0x6: {  	_ = 	snop  }
0x7: {  	_ = 	snop  }
__scs_overlays_trampoline_lowered:
0x8: {  	[smem:$0x3F9E] =	sst s0  }
0x9: {  	[smem:$0x3F9F] =	sst s1  }
0xa: {  	[smem:$0x3FA0] =	sst s2  }
0xb: {  	[smem:$0x3FA1] =	sst s3  }
0xc: {  	[smem:$0x3FA2] =	sst s4  }
0xd: {  	[smem:$0x3FA3] =	sst s5  }
0xe: {  	[smem:$0x3FA4] =	sst s6  }
0xf: {  	[smem:$0x3FA5] =	sst s7  }
0x10: {  	[smem:$0x3FA6] =	sst s8  }
0x11: {  	[smem:$0x3FA7] =	sst s9;
	s0 =	simm.s32 @!p0 $0x0  }
0x12: {  	s1 =	sld [smem:$0x3F8D];
	s0 =	simm.s32 @p0 $0x1  }
0x13: {  	[smem:$0x3FA8] =	sst s0;
	s0 =	simm.s32 @!p1 $0x0  }
0x14: {  	s2 =	sld [smem:$0x3F8C];
	s0 =	simm.s32 @p1 $0x1  }
0x15: {  	[smem:$0x3FA9] =	sst s0;
	s0 =	simm.s32 @!p2 $0x0  }
0x16: {  	s3 =	sld [smem:$0x3FDB];
	s0 =	simm.s32 @p2 $0x1  }
0x17: {  	s4 =	simm.s32 $0x1BF5;
	[smem:$0x3FAB] =	sst s0  }
0x18: {  	s0 =	sld [smem:$0x3F8E];
	_ =	swait.ge [sflag:s4], $0x0  }
0x19: {  	s7 =	sld [smem:$0x3F8F]  }
0x1a: {  	s8 =	sadd.s32 $0xFFFFE003, lr  }
0x1b: {  	s9 =	sadd.s32 $0xFFFFFEF7, lr;
	s5 =	simm.s32 $0xFFFFFFFF;
	p2 =	slt.u32 s8, $0xFFFFF086  }
0x1c: {  	p1 =	slt.u32 s9, $0xF7A;
	s5 =	simm.s32 @!p2 $0x0  }
0x1d: {  	s5 =	simm.s32 @p1 $0x1;
	p0 =	seq.s32 s7, s2  }
0x1e: {  	s7 =	smul.u32 @!p0 $0xF7A, s2;
	p2 =	seq.s32 @!p0 s5, $0x0  }
0x1f: {  	s9 =	smul.u32 $0xF7A, s1;
	s8 =	simm.s32 @!p0 $0x1BF5;
	p2 =	por !p2, p0  }
0x20: {  	[sflag:s8] =	ssyncset.s32 @!p0 $0xFFFFF086;
	s6 =	sadd.s32 @!p0 s3, s7;
	s7 =	simm.s32 @!p0 $0x108  }
0x21: {  	s3 =	sadd.s32 s3, s9;
	s6 =	sadd.s32 @!p0 $0x88, s6;
	s7 =	simm.s32 @p2 $0x1082  }
0x22: {  	[simem:s7], [sflag:s8] =	dma.local @!p0 [hbm:s6], $0xF7A  }
0x23: {  	s9 =	sor.u32 $0xD0000000, s2;
	s6 =	simm.s32 $0x108;
	_ =	swait.ge @!p0 [sflag:s8], $0x0  }
0x24: {  	s3 =	sadd.s32 $0x88, s3;
	s6 =	simm.s32 @!p1 $0x1082;
	[sflag:s4] =	ssyncset.s32 $0xFFFFF086  }
0x25: {  	[simem:s6], [sflag:s4] =	dma.local [hbm:s3], $0xF7A  }
0x26: {  	[smem:$0x3F8F] =	sst s1;
	(tag) =	ssettag s2;
	_ =	strace s9  }
0x27: {  	s1 =	sld [smem:$0x3F9F]  }
0x28: {  	s2 =	sld [smem:$0x3FA0]  }
0x29: {  	s4 =	sld [smem:$0x3FA2]  }
0x2a: {  	p0 =	seq.s32 s5, $0x0;
	s5 =	sld [smem:$0x3FA3]  }
0x2b: {  	s6 =	sld [smem:$0x3FA4]  }
0x2c: {  	s7 =	sld [smem:$0x3FA5]  }
0x2d: {  	s3 =	simm.s32 $0x108;
	s8 =	sld [smem:$0x3FA6]  }
0x2e: {  	s3 =	simm.s32 @!p0 $0x1082;
	s9 =	sld [smem:$0x3FA7]  }
0x2f: {  	lr =	sadd.s32 s0, s3;
	s0 =	sld [smem:$0x3F9E]  }
0x30: {  	s3 =	sld [smem:$0x3FA1]  }
0x31: {  	[smem:$0x3FAA] =	sst s10  }
0x32: {  	s10 =	sld [smem:$0x3FA8];
	_ =	sdelay $0x3  }
0x33: {  	p0 =	seq.s32 s10, $0x1;
	s10 =	sld [smem:$0x3FAA];
	_ =	sdelay $0x3  }
0x34: {  	[smem:$0x3FAA] =	sst s10  }
0x35: {  	s10 =	sld [smem:$0x3FA9];
	_ =	sdelay $0x3  }
0x36: {  	p1 =	seq.s32 s10, $0x1;
	s10 =	sld [smem:$0x3FAA];
	_ =	sdelay $0x3  }
0x37: {  	[smem:$0x3FAA] =	sst s10  }
0x38: {  	s10 =	sld [smem:$0x3FAB]  }
0x39: {  	_ = 	snop;
	(pc) =	sbr.ind lr, $3  }
0x3a: {  	_ = 	snop  }
0x3b: {  	_ = 	snop  }
0x3c: {  	p2 =	seq.s32 s10, $0x1;
	s10 =	sld [smem:$0x3FAA]  }
0x3d: {  	_ =	shalt  }
0x3e: {  	_ =	shalt  }
0x3f: {  	_ =	shalt  }
0x40: {  	_ =	shalt  }
0x41: {  	_ =	shalt  }
0x42: {  	_ =	shalt  }
0x43: {  	_ =	shalt  }
0x44: {  	_ =	shalt  }
0x45: {  	_ =	shalt  }
0x46: {  	_ =	shalt  }
0x47: {  	_ =	shalt  }
0x48: {  	_ =	shalt  }
0x49: {  	_ =	shalt  }
0x4a: {  	_ =	shalt  }
0x4b: {  	_ =	shalt  }
0x4c: {  	_ =	shalt  }
0x4d: {  	_ =	shalt  }
0x4e: {  	_ =	shalt  }
0x4f: {  	_ =	shalt  }
0x50: {  	_ =	shalt  }
0x51: {  	_ =	shalt  }
0x52: {  	_ =	shalt  }
0x53: {  	_ =	shalt  }
0x54: {  	_ =	shalt  }
0x55: {  	_ =	shalt  }
0x56: {  	_ =	shalt  }
0x57: {  	_ =	shalt  }
0x58: {  	_ =	shalt  }
0x59: {  	_ =	shalt  }
0x5a: {  	_ =	shalt  }
0x5b: {  	_ =	shalt  }
0x5c: {  	_ =	shalt  }
0x5d: {  	_ =	shalt  }
0x5e: {  	_ =	shalt  }
0x5f: {  	_ =	shalt  }
0x60: {  	_ =	shalt  }
0x61: {  	_ =	shalt  }
0x62: {  	_ =	shalt  }
0x63: {  	_ =	shalt  }
0x64: {  	_ =	shalt  }
0x65: {  	_ =	shalt  }
0x66: {  	_ =	shalt  }
0x67: {  	_ =	shalt  }
0x68: {  	_ =	shalt  }
0x69: {  	_ =	shalt  }
0x6a: {  	_ =	shalt  }
0x6b: {  	_ =	shalt  }
0x6c: {  	_ =	shalt  }
0x6d: {  	_ =	shalt  }
0x6e: {  	_ =	shalt  }
0x6f: {  	_ =	shalt  }
0x70: {  	_ =	shalt  }
0x71: {  	_ =	shalt  }
0x72: {  	_ =	shalt  }
0x73: {  	_ =	shalt  }
0x74: {  	_ =	shalt  }
0x75: {  	_ =	shalt  }
0x76: {  	_ =	shalt  }
0x77: {  	_ =	shalt  }
0x78: {  	_ =	shalt  }
0x79: {  	_ =	shalt  }
0x7a: {  	_ =	shalt  }
0x7b: {  	_ =	shalt  }
0x7c: {  	_ =	shalt  }
0x7d: {  	_ =	shalt  }
0x7e: {  	_ =	shalt  }
0x7f: {  	_ =	shalt  }
0x80: {  	_ =	shalt  }
0x81: {  	_ =	shalt  }
0x82: {  	_ =	shalt  }
0x83: {  	_ =	shalt  }
0x84: {  	_ =	shalt  }
0x85: {  	_ =	shalt  }
0x86: {  	_ =	shalt  }
0x87: {  	_ =	shalt  }
.Lfunc_end0:
.L_simem_size_0:
called_computation.1_lowered:
.L_overlay_start_0:
0x88: {  	s2 =	sld [smem:$0x3FD9]  }
0x89: {  	s3 =	sld [smem:$0x3FFE];
	_ =	sdelay $0x1  }
0x8a: {  	s1 =	srdreg.scid  }
0x8b: {  	s0 =	sand.u32 $0x1, s1  }
0x8c: {  	s14 =	sshll.u32 s0, $0xA;
	s2 =	sadd.s32 s3, s2  }
0x8d: {  	s2 =	sadd.s32 s2, s14  }
0x8e: {  	[smem:$0x3FB6] =	sst s2  }
0x8f: {  	_ = 	snop  }
0x90: {  	s2 =	sld [smem:$0x3FD0];
	_ =	sdelay $0x2  }
0x91: {  	s15 =	simm.s32 $0xA;
	s4 =	simm.s32 $0x10  }
0x92: {  	[smem:s4], [sflag:s15] =	dma.local [hbm:s2], $0x1  }
0x93: {  	_ =	swait.eq [sflag:s15], $0x1  }
0x94: {  	[sflag:s15] =	ssyncset.done $0x0  }
0x95: {  	[sflag:s15] =	ssyncadd.s32 $0xFFFFFFFF  }
0x96: {  	s16 =	sld [smem:$0x11];
	(tm) =	ssettm $0x1  }
0x97: {  	s17 =	sld [smem:$0x3FFB];
	_ =	sdelay $0x3  }
0x98: {  	_ =	strace s17  }
0x99: {  	s3 =	sld [smem:$0x3FFC];
	_ =	sdelay $0x3  }
0x9a: {  	_ =	strace s3  }
0x9b: {  	s3 =	sld [smem:$0x3FFD];
	_ =	sdelay $0x3  }
0x9c: {  	_ =	strace s3  }
0x9d: {  	_ =	strace $0x8FFFFFFF  }
0x9e: {  	s18 =	sld [smem:$0x3FDB];
	_ =	sdelay $0x1  }
0x9f: {  	s19 =	simm.s32 $_scs_section_size  }
0xa0: {  	s5 =	simm.s32 $_size__tile_overlayer_lowered;
	s6 =	simm.s32 $_tile_overlayer_lowered  }
0xa1: {  	s22 =	simm.s32 $0x1BFF;
	s21 =	sshll.u32 s6, $0x1;
	s3 =	sadd.s32 s19, s18  }
0xa2: {  	s7 =	simm.s32 $0x0;
	s20 =	sshll.u32 s5, $0x1;
	s5 =	sadd.s32 s21, s3  }
0xa3: {  	[timem:s7], [sflag:s22] =	dma.local [hbm:s5], s20  }
0xa4: {  	_ =	swait.ge [sflag:s22], s20  }
0xa5: {  	s4 =	ssub.s32 $0x0, s20;
	[sflag:s22] =	ssyncset.done $0x0  }
0xa6: {  	[sflag:s22] =	ssyncadd.s32 s4;
	_ =	sdelay $0x1  }
0xa7: {  	s23 =	simm.s32 $0x1B8B  }
0xa8: {  	_ =	swait.ge [sflag:s23], $0x1  }
0xa9: {  	[sflag:s23] =	ssyncset.done $0x0  }
0xaa: {  	s25 =	simm.s32 $0x1B8E;
	s24 =	sld [smem:$0x3FFE];
	[sflag:s23] =	ssyncadd.s32 $0xFFFFFFFF  }
0xab: {  	s26 =	simm.s32 $execute0_lowered;
	[smem:$0x3FD2] =	sst s25  }
0xac: {  	s5 =	sshll.u32 s26, $0x1;
	_ =	strace $0x80000049;
	[dreg:$0x1] =	wrdreg $0xFFFFFFFF  }
0xad: {  	s28 =	simm.s32 $_size_execute0_lowered;
	s3 =	sadd.s32 s3, s5;
	[dreg:$0x0] =	wrdreg $0x0  }
0xae: {  	s5 =	sshll.u32 s28, $0x1;
	[dreg:$0x2] =	wrdreg s3  }
0xaf: {  	[dreg:$0x3] =	wrdreg s5  }
0xb0: {  	[dreg:$0x4] =	wrdreg $0xC0  }
0xb1: {  	_ =	task [dreg:s7], $0x5FFFF  }
0xb2: {  	[dreg:$0x1] =	wrdreg $0xFFFFFFFF  }
0xb3: {  	[dreg:$0x0] =	wrdreg $0x60  }
0xb4: {  	[dreg:$0x2] =	wrdreg s24  }
0xb5: {  	[dreg:$0x3] =	wrdreg s16  }
0xb6: {  	[dreg:$0x4] =	wrdreg $0x9D000  }
0xb7: {  	[dreg:$0x5] =	wrdreg $0x9  }
0xb8: {  	_ =	task.clear_ibuf [dreg:s7], $0x6FFFF;
	_ =	strace $0x90000049  }
0xb9: {  	s29 =	simm.s32 $0x9;
	_ =	strace $0x8000004B  }
0xba: {  	_ =	swait.ge [sflag:s29], $0x1  }
0xbb: {  	[sflag:s29] =	ssyncadd.s32 $0xFFFFFFFF  }
0xbc: {  	_ =	strace $0x9000004B  }
0xbd: {  	_ =	sfence  }
0xbe: {  	s30 =	sld [smem:$0x0];
	_ =	sdelay $0x2  }
0xbf: {  	s31 =	sshll.u32 s1, $0xD;
	s1 =	sshrl.u32 s1, $0x2  }
0xc0: {  	s3 =	sand.u32 $0x4000, s31;
	s1 =	sadd.s32 s1, s30  }
0xc1: {  	s0 =	sor.u32 s3, s0;
	s1 =	sshll.u32 s1, $0x11  }
0xc2: {  	s0 =	sor.u32 s1, s0  }
0xc3: {  	s0 =	sadd.s32 $0x8F2B, s0  }
0xc4: {  	[sflag:s0] =	ssyncadd.remote.s32 $0x1  }
0xc5: {  	_ =	sfence.sel $0xFFFF  }
0xc6: {  	[dreg:$0x0] =	wrdreg $0xFFFFFFFF;
	(pc) =	sbr.abs _section_cstart, $3  }
0xc7: {  	[dreg:$0x1] =	wrdreg $0xFFFFFFFF  }
0xc8: {  	_ =	task.clear_ibuf [dreg:s7], $0x2FFFF;
	_ =	strace $0x9FFFFFFF  }
0xc9: {  	(tm) =	ssettm $0x7FFFFFFF  }
tec
execute0_lowered:
.L_overlay_start_1:
0x0: {  	(tag) =	ssettag $0x1  }
0x1: {  	s7 =	stileid.u32;
	s5 =	rddreg [dreg:$0x0]  }
0x2: {  	s0 =	srdreg.scid;
	s9 =	rddreg [dreg:$0x1]  }
0x3: {  	s2 =	simm.s32 $0x0;
	s1 =	sshll.u32 s7, $0x1;
	s4 =	sand.u32 $0x1, s0  }
0x4: {  	s6 =	sshrl.u32 s7, $0x2;
	[smem:$0x7FF] =	sst s2;
	p0 =	sne.s32 s7, $0x0  }
0x5: {  	s30 =	sand.u32 $0x6, s1;
	s3 =	smul.u32 $0x27100, s6;
	s1 =	rddreg [dreg:$0x2]  }
0x6: {  	s11 =	sshll.u32 s4, $0x4;
	s13 =	smul.u32 $0x2710, s6;
	s0 =	sor.u32 s4, s30  }
0x7: {  	s4 =	ssub.s32 $0x2, s4;
	s11 =	sadd.s32 s11, s5;
	s8 =	smul.u32 $0x4E20, s0  }
0x8: {  	s0 =	rddreg [dreg:$0x3];
	_ =	strace $0x8000004A;
	s31 =	sshrl.u32 s4, $0x1  }
0x9: {  	s6 =	sadd.s32 $0x18200, s11;
	s11 =	simm.s32 $0x4E20;
	s12 =	ssub.s32 s4, s31  }
0xa: {  	s3 =	sadd.s32 s3, s8;
	s8 =	sshrl.u32 s8, $0x3;
	s7 =	smax.u32 s12, $0x1  }
0xb: {  	s12 =	simm.s32 $0x0;
	s3 =	sshrl.u32 s3, $0x3;
	s4 =	sadd.s32 s9, s8  }
0xc: {  	s8 =	sshrl.u32 @!p0 s1, $0x3;
	s9 =	simm.s32 $0x1;
	s10 =	sadd.s32 s3, s5  }
0xd: {  	v0 =	vmov s13;
	s3 =	sadd.s32 $0x16E00, s5;
	s5 =	sadd.s32 $0x3400, s10;
	s10 =	simm.s32 $0x4E80  }
.LBB2_1:
0xe: {  	s13 =	simm.s32 @!p0 $0x1C01  }
0xf: {  	[spmem:s8], [sflag:s13] =	dma.local @!p0 [hbm:s3], $0x1390  }
0x10: {  	s13 =	simm.s32 @!p0 $0x1  }
0x11: {  	_ =	swait.ge @!p0 [sflag:s13], $0x1390  }
0x12: {  	[sflag:s13] =	ssyncset.done @!p0 $0x0  }
0x13: {  	[sflag:s13] =	ssyncadd.s32 @!p0 $0xFFFFEC70  }
0x14: {  	[tilespmem:s2], [sflag:$0x1] =	stream.linear.gather [hbm4b:s4+s2], $0x4E20, $0x38;
	[tilespmem:$0xA6C8] =	vst v63  }
0x15: {  	_ =	swait.ge [sflag:s9], $0x4E20  }
0x16: {  	[sflag:s9] =	ssyncset.done $0x0  }
0x17: {  	s14 =	simm.s32 $0x40;
	s13 =	simm.s32 $0x0;
	[sflag:s9] =	ssyncadd.s32 $0xFFFFB1E0  }
.LBB2_2:
0x18: {  	p1 =	sne.s32 s14, $0x13840;
	v1 =	vld [tilespmem:s13+$0x0];
	_ =	sdelay $0x1  }
.Ltmp0:
0x19: {  	(pc) =	sbr.rel @p1 .LBB2_2-.Ltmp0, $3  }
0x1a: {  	_ =	sdelay $0x1  }
0x1b: {  	v1 =	vadd.s32 v0, v1  }
0x1c: {  	[tilespmem:s13+$0x0] =	vst v1;
	s13 =	sshra.s32 s14, $0x2;
	s14 =	sadd.s32 $0x40, s14  }
0x1d: {  	v1 =	vld [tilespmem:s13+$0x0];
	_ =	sdelay $0x4  }
0x1e: {  	v1 =	vadd.s32 v0, v1  }
0x1f: {  	[tilespmem:s13+$0x0] =	vst v1  }
0x20: {  	[tilespmem:s10], [sflag:$0x1] =	stream.linear.gather [hbm4b:s5+s2], $0x4E20, $0x38;
	[tilespmem:$0xA6C8] =	vst v63  }
0x21: {  	_ =	swait.ge [sflag:s9], $0x4E20  }
0x22: {  	[sflag:s9] =	ssyncset.done $0x0  }
0x23: {  	[sflag:s9] =	ssyncadd.s32 $0xFFFFB1E0  }
0x24: {  	[bflag:$0x0] =	sbarrier.arrive $0xFFFF  }
0x25: {  	[spmem:s1] =	stream.indirect.scatter.add.f32 [tilespmem:s10], [sflag:$0x1], $0x1, s2, s11, $0xb8;
	[tilespmem:$0xA6C8] =	vst v63  }
0x26: {  	s14 =	simm.s32 @!p0 $0x20;
	_ =	swait.ge [sflag:s9], $0x4E20  }
0x27: {  	s15 =	simm.s32 @!p0 $0x10;
	s12 =	sadd.s32 $0x1, s12;
	[sflag:s9] =	ssyncset.done $0x0  }
0x28: {  	s16 =	simm.s32 @!p0 $0x1C01;
	p1 =	sne.s32 s12, s7;
	[sflag:s9] =	ssyncadd.s32 $0xFFFFB1E0  }
.Ltmp1:
0x29: {  	s13 =	simm.s32 @!p0 $0x1;
	[bflag:$0x0] =	sbarrier.arrive $0xFFFF;
	(pc) =	sbr.rel @p1 .LBB2_1-.Ltmp1, $4  }
0x2a: {  	[hbm:s6@s14], [sflag:s16] =	dma.strided @!p0 [spmem:s8@s15], $0x1390, s13, $0x10   }
0x2b: {  	_ =	swait.ge @!p0 [sflag:s13], $0x1390  }
0x2c: {  	[sflag:s13] =	ssyncset.done @!p0 $0x0  }
0x2d: {  	[sflag:s13] =	ssyncadd.s32 @!p0 $0xFFFFEC70  }
0x2e: {  	_ =	sfence.sel $0x180000  }
0x2f: {  	[bflag:$0x0] =	sbarrier.arrive $0xFFFF  }
0x30: {  	_ =	strace $0x9000004A  }
0x31: {  	s0 =	sadd.s32 @!p0 $0x100000, s0;
	[bflag:$0x2] =	sbarrier.arrive $0xFFFF  }
0x32: {  	[sflag:s0] =	ssyncadd.tile.s32 @!p0 $0x1;
	_ =	shalt  }
.Lfunc_end2:
_tile_overlayer_lowered:
.L_overlay_start_2:
0x33: {  	(tag) =	ssettag $0x2  }
0x34: {  	s0 =	rddreg [dreg:$0x0];
	s2 =	stileid.u32  }
0x35: {  	s1 =	rddreg [dreg:$0x1];
	p0 =	sne.s32 s2, $0x0  }
0x36: {  	s3 =	rddreg [dreg:$0x2];
	[bflag:$0x3] =	sbarrier.arrive $0xFFFF;
	s2 =	simm.s32 @!p0 $0x1C01  }
0x37: {  	[timem:s3], [sflag:s2] =	dma.local @!p0 [hbm:s0], s1  }
0x38: {  	s0 =	simm.s32 @!p0 $0x1  }
0x39: {  	_ =	swait.ge @!p0 [sflag:s0], s1  }
0x3a: {  	s1 =	ssub.s32 @!p0 $0x0, s1;
	[sflag:s0] =	ssyncset.done @!p0 $0x0  }
0x3b: {  	[sflag:s0] =	ssyncadd.s32 @!p0 s1  }
0x3c: {  	[bflag:$0x3] =	sbarrier.arrive $0xFFFF  }
0x3d: {  	_ =	shalt  }

// kernel: kernel.18.cloned.1.call-start
scs
__scs_entry_jumppad:
0x0: {  	(pc) =	sbr.rel $0x88, $3  }
0x1: {  	(tag) =	ssettag $0x0;
	lr =	simm.s32 $0x1  }
0x2: {  	[smem:$0x3F8F] =	sst lr;
	_ =	strace $0xD0000000  }
0x3: {  	_ = 	snop  }
0x4: {  	_ = 	snop  }
0x5: {  	_ = 	snop  }
0x6: {  	_ = 	snop  }
0x7: {  	_ = 	snop  }
__scs_overlays_trampoline_lowered:
0x8: {  	[smem:$0x3F9E] =	sst s0  }
0x9: {  	[smem:$0x3F9F] =	sst s1  }
0xa: {  	[smem:$0x3FA0] =	sst s2  }
0xb: {  	[smem:$0x3FA1] =	sst s3  }
0xc: {  	[smem:$0x3FA2] =	sst s4  }
0xd: {  	[smem:$0x3FA3] =	sst s5  }
0xe: {  	[smem:$0x3FA4] =	sst s6  }
0xf: {  	[smem:$0x3FA5] =	sst s7  }
0x10: {  	[smem:$0x3FA6] =	sst s8  }
0x11: {  	[smem:$0x3FA7] =	sst s9;
	s0 =	simm.s32 @!p0 $0x0  }
0x12: {  	s1 =	sld [smem:$0x3F8D];
	s0 =	simm.s32 @p0 $0x1  }
0x13: {  	[smem:$0x3FA8] =	sst s0;
	s0 =	simm.s32 @!p1 $0x0  }
0x14: {  	s2 =	sld [smem:$0x3F8C];
	s0 =	simm.s32 @p1 $0x1  }
0x15: {  	[smem:$0x3FA9] =	sst s0;
	s0 =	simm.s32 @!p2 $0x0  }
0x16: {  	s3 =	sld [smem:$0x3FDB];
	s0 =	simm.s32 @p2 $0x1  }
0x17: {  	s4 =	simm.s32 $0x1BF5;
	[smem:$0x3FAB] =	sst s0  }
0x18: {  	s0 =	sld [smem:$0x3F8E];
	_ =	swait.ge [sflag:s4], $0x0  }
0x19: {  	s7 =	sld [smem:$0x3F8F]  }
0x1a: {  	s8 =	sadd.s32 $0xFFFFE003, lr  }
0x1b: {  	s9 =	sadd.s32 $0xFFFFFEF7, lr;
	s5 =	simm.s32 $0xFFFFFFFF;
	p2 =	slt.u32 s8, $0xFFFFF086  }
0x1c: {  	p1 =	slt.u32 s9, $0xF7A;
	s5 =	simm.s32 @!p2 $0x0  }
0x1d: {  	s5 =	simm.s32 @p1 $0x1;
	p0 =	seq.s32 s7, s2  }
0x1e: {  	s7 =	smul.u32 @!p0 $0xF7A, s2;
	p2 =	seq.s32 @!p0 s5, $0x0  }
0x1f: {  	s9 =	smul.u32 $0xF7A, s1;
	s8 =	simm.s32 @!p0 $0x1BF5;
	p2 =	por !p2, p0  }
0x20: {  	[sflag:s8] =	ssyncset.s32 @!p0 $0xFFFFF086;
	s6 =	sadd.s32 @!p0 s3, s7;
	s7 =	simm.s32 @!p0 $0x108  }
0x21: {  	s3 =	sadd.s32 s3, s9;
	s6 =	sadd.s32 @!p0 $0x88, s6;
	s7 =	simm.s32 @p2 $0x1082  }
0x22: {  	[simem:s7], [sflag:s8] =	dma.local @!p0 [hbm:s6], $0xF7A  }
0x23: {  	s9 =	sor.u32 $0xD0000000, s2;
	s6 =	simm.s32 $0x108;
	_ =	swait.ge @!p0 [sflag:s8], $0x0  }
0x24: {  	s3 =	sadd.s32 $0x88, s3;
	s6 =	simm.s32 @!p1 $0x1082;
	[sflag:s4] =	ssyncset.s32 $0xFFFFF086  }
0x25: {  	[simem:s6], [sflag:s4] =	dma.local [hbm:s3], $0xF7A  }
0x26: {  	[smem:$0x3F8F] =	sst s1;
	(tag) =	ssettag s2;
	_ =	strace s9  }
0x27: {  	s1 =	sld [smem:$0x3F9F]  }
0x28: {  	s2 =	sld [smem:$0x3FA0]  }
0x29: {  	s4 =	sld [smem:$0x3FA2]  }
0x2a: {  	p0 =	seq.s32 s5, $0x0;
	s5 =	sld [smem:$0x3FA3]  }
0x2b: {  	s6 =	sld [smem:$0x3FA4]  }
0x2c: {  	s7 =	sld [smem:$0x3FA5]  }
0x2d: {  	s3 =	simm.s32 $0x108;
	s8 =	sld [smem:$0x3FA6]  }
0x2e: {  	s3 =	simm.s32 @!p0 $0x1082;
	s9 =	sld [smem:$0x3FA7]  }
0x2f: {  	lr =	sadd.s32 s0, s3;
	s0 =	sld [smem:$0x3F9E]  }
0x30: {  	s3 =	sld [smem:$0x3FA1]  }
0x31: {  	[smem:$0x3FAA] =	sst s10  }
0x32: {  	s10 =	sld [smem:$0x3FA8];
	_ =	sdelay $0x3  }
0x33: {  	p0 =	seq.s32 s10, $0x1;
	s10 =	sld [smem:$0x3FAA];
	_ =	sdelay $0x3  }
0x34: {  	[smem:$0x3FAA] =	sst s10  }
0x35: {  	s10 =	sld [smem:$0x3FA9];
	_ =	sdelay $0x3  }
0x36: {  	p1 =	seq.s32 s10, $0x1;
	s10 =	sld [smem:$0x3FAA];
	_ =	sdelay $0x3  }
0x37: {  	[smem:$0x3FAA] =	sst s10  }
0x38: {  	s10 =	sld [smem:$0x3FAB]  }
0x39: {  	_ = 	snop;
	(pc) =	sbr.ind lr, $3  }
0x3a: {  	_ = 	snop  }
0x3b: {  	_ = 	snop  }
0x3c: {  	p2 =	seq.s32 s10, $0x1;
	s10 =	sld [smem:$0x3FAA]  }
0x3d: {  	_ =	shalt  }
0x3e: {  	_ =	shalt  }
0x3f: {  	_ =	shalt  }
0x40: {  	_ =	shalt  }
0x41: {  	_ =	shalt  }
0x42: {  	_ =	shalt  }
0x43: {  	_ =	shalt  }
0x44: {  	_ =	shalt  }
0x45: {  	_ =	shalt  }
0x46: {  	_ =	shalt  }
0x47: {  	_ =	shalt  }
0x48: {  	_ =	shalt  }
0x49: {  	_ =	shalt  }
0x4a: {  	_ =	shalt  }
0x4b: {  	_ =	shalt  }
0x4c: {  	_ =	shalt  }
0x4d: {  	_ =	shalt  }
0x4e: {  	_ =	shalt  }
0x4f: {  	_ =	shalt  }
0x50: {  	_ =	shalt  }
0x51: {  	_ =	shalt  }
0x52: {  	_ =	shalt  }
0x53: {  	_ =	shalt  }
0x54: {  	_ =	shalt  }
0x55: {  	_ =	shalt  }
0x56: {  	_ =	shalt  }
0x57: {  	_ =	shalt  }
0x58: {  	_ =	shalt  }
0x59: {  	_ =	shalt  }
0x5a: {  	_ =	shalt  }
0x5b: {  	_ =	shalt  }
0x5c: {  	_ =	shalt  }
0x5d: {  	_ =	shalt  }
0x5e: {  	_ =	shalt  }
0x5f: {  	_ =	shalt  }
0x60: {  	_ =	shalt  }
0x61: {  	_ =	shalt  }
0x62: {  	_ =	shalt  }
0x63: {  	_ =	shalt  }
0x64: {  	_ =	shalt  }
0x65: {  	_ =	shalt  }
0x66: {  	_ =	shalt  }
0x67: {  	_ =	shalt  }
0x68: {  	_ =	shalt  }
0x69: {  	_ =	shalt  }
0x6a: {  	_ =	shalt  }
0x6b: {  	_ =	shalt  }
0x6c: {  	_ =	shalt  }
0x6d: {  	_ =	shalt  }
0x6e: {  	_ =	shalt  }
0x6f: {  	_ =	shalt  }
0x70: {  	_ =	shalt  }
0x71: {  	_ =	shalt  }
0x72: {  	_ =	shalt  }
0x73: {  	_ =	shalt  }
0x74: {  	_ =	shalt  }
0x75: {  	_ =	shalt  }
0x76: {  	_ =	shalt  }
0x77: {  	_ =	shalt  }
0x78: {  	_ =	shalt  }
0x79: {  	_ =	shalt  }
0x7a: {  	_ =	shalt  }
0x7b: {  	_ =	shalt  }
0x7c: {  	_ =	shalt  }
0x7d: {  	_ =	shalt  }
0x7e: {  	_ =	shalt  }
0x7f: {  	_ =	shalt  }
0x80: {  	_ =	shalt  }
0x81: {  	_ =	shalt  }
0x82: {  	_ =	shalt  }
0x83: {  	_ =	shalt  }
0x84: {  	_ =	shalt  }
0x85: {  	_ =	shalt  }
0x86: {  	_ =	shalt  }
0x87: {  	_ =	shalt  }
.Lfunc_end0:
.L_simem_size_0:
called_computation.2_lowered:
.L_overlay_start_0:
0x88: {  	s2 =	sld [smem:$0x3FD9]  }
0x89: {  	s3 =	sld [smem:$0x3FFE];
	_ =	sdelay $0x1  }
0x8a: {  	s1 =	srdreg.scid  }
0x8b: {  	s0 =	sand.u32 $0x1, s1  }
0x8c: {  	s14 =	sshll.u32 s0, $0xA;
	s2 =	sadd.s32 s3, s2  }
0x8d: {  	s2 =	sadd.s32 s2, s14  }
0x8e: {  	[smem:$0x3FB6] =	sst s2  }
0x8f: {  	_ = 	snop  }
0x90: {  	s2 =	sld [smem:$0x3FD0];
	_ =	sdelay $0x2  }
0x91: {  	s15 =	simm.s32 $0xA;
	s4 =	simm.s32 $0x10  }
0x92: {  	[smem:s4], [sflag:s15] =	dma.local [hbm:s2], $0x1  }
0x93: {  	_ =	swait.eq [sflag:s15], $0x1  }
0x94: {  	[sflag:s15] =	ssyncset.done $0x0  }
0x95: {  	[sflag:s15] =	ssyncadd.s32 $0xFFFFFFFF  }
0x96: {  	s16 =	sld [smem:$0x10];
	(tm) =	ssettm $0x1  }
0x97: {  	s17 =	sld [smem:$0x3FFB];
	_ =	sdelay $0x3  }
0x98: {  	_ =	strace s17  }
0x99: {  	s3 =	sld [smem:$0x3FFC];
	_ =	sdelay $0x3  }
0x9a: {  	_ =	strace s3  }
0x9b: {  	s3 =	sld [smem:$0x3FFD];
	_ =	sdelay $0x3  }
0x9c: {  	_ =	strace s3  }
0x9d: {  	_ =	strace $0x8FFFFFFF  }
0x9e: {  	s18 =	sld [smem:$0x3FDB];
	_ =	sdelay $0x1  }
0x9f: {  	s19 =	simm.s32 $_scs_section_size  }
0xa0: {  	s5 =	simm.s32 $_size__tile_overlayer_lowered;
	s6 =	simm.s32 $_tile_overlayer_lowered  }
0xa1: {  	s22 =	simm.s32 $0x1BFF;
	s21 =	sshll.u32 s6, $0x1;
	s3 =	sadd.s32 s19, s18  }
0xa2: {  	s7 =	simm.s32 $0x0;
	s20 =	sshll.u32 s5, $0x1;
	s5 =	sadd.s32 s21, s3  }
0xa3: {  	[timem:s7], [sflag:s22] =	dma.local [hbm:s5], s20  }
0xa4: {  	_ =	swait.ge [sflag:s22], s20  }
0xa5: {  	s4 =	ssub.s32 $0x0, s20;
	[sflag:s22] =	ssyncset.done $0x0  }
0xa6: {  	[sflag:s22] =	ssyncadd.s32 s4;
	_ =	sdelay $0x1  }
0xa7: {  	s23 =	simm.s32 $0x1B8B  }
0xa8: {  	_ =	swait.ge [sflag:s23], $0x1  }
0xa9: {  	[sflag:s23] =	ssyncset.done $0x0  }
0xaa: {  	s25 =	simm.s32 $0x1B8E;
	s24 =	sld [smem:$0x3FFE];
	[sflag:s23] =	ssyncadd.s32 $0xFFFFFFFF  }
0xab: {  	s26 =	simm.s32 $execute0_lowered;
	[smem:$0x3FD2] =	sst s25  }
0xac: {  	s5 =	sshll.u32 s26, $0x1;
	_ =	strace $0x8000004C;
	[dreg:$0x1] =	wrdreg $0xFFFFFFFF  }
0xad: {  	s28 =	simm.s32 $_size_execute0_lowered;
	s3 =	sadd.s32 s3, s5;
	[dreg:$0x0] =	wrdreg $0x0  }
0xae: {  	s5 =	sshll.u32 s28, $0x1;
	[dreg:$0x2] =	wrdreg s3  }
0xaf: {  	[dreg:$0x3] =	wrdreg s5  }
0xb0: {  	[dreg:$0x4] =	wrdreg $0xC0  }
0xb1: {  	_ =	task [dreg:s7], $0x5FFFF  }
0xb2: {  	[dreg:$0x1] =	wrdreg $0xFFFFFFFF  }
0xb3: {  	[dreg:$0x0] =	wrdreg $0x60  }
0xb4: {  	[dreg:$0x2] =	wrdreg s24  }
0xb5: {  	[dreg:$0x3] =	wrdreg s16  }
0xb6: {  	[dreg:$0x4] =	wrdreg $0x9D000  }
0xb7: {  	[dreg:$0x5] =	wrdreg $0x9  }
0xb8: {  	_ =	task.clear_ibuf [dreg:s7], $0x6FFFF;
	_ =	strace $0x9000004C  }
0xb9: {  	s29 =	simm.s32 $0x9;
	_ =	strace $0x8000004E  }
0xba: {  	_ =	swait.ge [sflag:s29], $0x1  }
0xbb: {  	[sflag:s29] =	ssyncadd.s32 $0xFFFFFFFF  }
0xbc: {  	_ =	strace $0x9000004E  }
0xbd: {  	_ =	sfence  }
0xbe: {  	s30 =	sld [smem:$0x0];
	_ =	sdelay $0x2  }
0xbf: {  	s31 =	sshll.u32 s1, $0xD;
	s1 =	sshrl.u32 s1, $0x2  }
0xc0: {  	s3 =	sand.u32 $0x4000, s31;
	s1 =	sadd.s32 s1, s30  }
0xc1: {  	s0 =	sor.u32 s3, s0;
	s1 =	sshll.u32 s1, $0x11  }
0xc2: {  	s0 =	sor.u32 s1, s0  }
0xc3: {  	s0 =	sadd.s32 $0x8F2B, s0  }
0xc4: {  	[sflag:s0] =	ssyncadd.remote.s32 $0x1  }
0xc5: {  	_ =	sfence.sel $0xFFFF  }
0xc6: {  	[dreg:$0x0] =	wrdreg $0xFFFFFFFF;
	(pc) =	sbr.abs _section_cstart, $3  }
0xc7: {  	[dreg:$0x1] =	wrdreg $0xFFFFFFFF  }
0xc8: {  	_ =	task.clear_ibuf [dreg:s7], $0x2FFFF;
	_ =	strace $0x9FFFFFFF  }
0xc9: {  	(tm) =	ssettm $0x7FFFFFFF  }
tec
execute0_lowered:
.L_overlay_start_1:
0x0: {  	(tag) =	ssettag $0x1  }
0x1: {  	s7 =	stileid.u32;
	s4 =	rddreg [dreg:$0x0]  }
0x2: {  	s0 =	srdreg.scid;
	s6 =	rddreg [dreg:$0x1];
	s2 =	simm.s32 $0x0  }
0x3: {  	s1 =	sshll.u32 s7, $0x1;
	s5 =	sand.u32 $0x1, s0;
	s8 =	sshrl.u32 s7, $0x2  }
0x4: {  	[smem:$0x7FF] =	sst s2;
	s30 =	sand.u32 $0x6, s1;
	s3 =	smul.u32 $0x27100, s8  }
0x5: {  	p0 =	sne.s32 s7, $0x0;
	s12 =	smul.u32 $0x2710, s8;
	s0 =	sor.u32 s5, s30  }
0x6: {  	s1 =	rddreg [dreg:$0x2];
	s8 =	simm.s32 $0x2;
	s9 =	smul.u32 $0x4E20, s0  }
0x7: {  	s5 =	ssub.s32 $0x2, s5;
	s7 =	sshrl.u32 @!p0 s1, $0x3;
	s0 =	rddreg [dreg:$0x3]  }
0x8: {  	_ =	strace $0x8000004D;
	s31 =	sshrl.u32 s5, $0x1;
	s10 =	sadd.s32 s3, s9  }
0x9: {  	v0 =	vmov s12;
	s12 =	simm.s32 $0x0;
	s11 =	ssub.s32 s5, s31;
	s10 =	sshrl.u32 s10, $0x3  }
0xa: {  	s3 =	sadd.s32 $0x3400, s4;
	s9 =	sshrl.u32 s9, $0x3;
	s10 =	sadd.s32 s10, s4  }
0xb: {  	s4 =	sadd.s32 s6, s9;
	s6 =	smax.u32 s11, $0x1;
	s9 =	simm.s32 $0x4E20  }
0xc: {  	s11 =	simm.s32 $0x1;
	s5 =	sadd.s32 $0x18200, s10;
	s10 =	simm.s32 $0x4E80  }
.LBB2_1:
0xd: {  	s13 =	simm.s32 @!p0 $0x1C02  }
0xe: {  	[spmem:s7], [sflag:s13] =	dma.local @!p0 [hbm:s3], $0x1390  }
0xf: {  	s13 =	simm.s32 @!p0 $0x2  }
0x10: {  	_ =	swait.ge @!p0 [sflag:s13], $0x1390  }
0x11: {  	[sflag:s13] =	ssyncset.done @!p0 $0x0  }
0x12: {  	[sflag:s13] =	ssyncadd.s32 @!p0 $0xFFFFEC70  }
0x13: {  	[tilespmem:s2], [sflag:$0x2] =	stream.linear.gather [hbm4b:s4+s2], $0x4E20, $0x38;
	[tilespmem:$0xA6C8] =	vst v63  }
0x14: {  	_ =	swait.ge [sflag:s8], $0x4E20  }
0x15: {  	[sflag:s8] =	ssyncset.done $0x0  }
0x16: {  	s14 =	simm.s32 $0x40;
	s13 =	simm.s32 $0x0;
	[sflag:s8] =	ssyncadd.s32 $0xFFFFB1E0  }
.LBB2_2:
0x17: {  	p1 =	sne.s32 s14, $0x13840;
	v1 =	vld [tilespmem:s13+$0x0];
	_ =	sdelay $0x1  }
.Ltmp0:
0x18: {  	(pc) =	sbr.rel @p1 .LBB2_2-.Ltmp0, $3  }
0x19: {  	_ =	sdelay $0x1  }
0x1a: {  	v1 =	vadd.s32 v0, v1  }
0x1b: {  	[tilespmem:s13+$0x0] =	vst v1;
	s13 =	sshra.s32 s14, $0x2;
	s14 =	sadd.s32 $0x40, s14  }
0x1c: {  	v1 =	vld [tilespmem:s13+$0x0];
	_ =	sdelay $0x4  }
0x1d: {  	v1 =	vadd.s32 v0, v1  }
0x1e: {  	[tilespmem:s13+$0x0] =	vst v1  }
0x1f: {  	[bflag:$0x0] =	sbarrier.arrive $0xFFFF  }
0x20: {  	[tilespmem:s10], [sflag:$0x1] =	stream.indirect.gather [spmem:s1], $0x1, s2, s9, $0xb8;
	[tilespmem:$0xA6C8] =	vst v63  }
0x21: {  	s12 =	sadd.s32 $0x1, s12;
	_ =	swait.ge [sflag:s11], $0x4E20  }
0x22: {  	p1 =	sne.s32 s12, s6;
	[sflag:s11] =	ssyncset.done $0x0  }
.Ltmp1:
0x23: {  	[sflag:s11] =	ssyncadd.s32 $0xFFFFB1E0;
	(pc) =	sbr.rel @p1 .LBB2_1-.Ltmp1, $4  }
0x24: {  	[hbm4b:s5+s2] =	stream.linear.scatter [tilespmem:s10], [sflag:$0x2], $0x4E20, $0x38;
	[tilespmem:$0xA6C8] =	vst v63  }
0x25: {  	_ =	swait.ge [sflag:s8], $0x4E20  }
0x26: {  	[sflag:s8] =	ssyncset.done $0x0  }
0x27: {  	[sflag:s8] =	ssyncadd.s32 $0xFFFFB1E0  }
0x28: {  	_ =	sfence.sel $0x180000  }
0x29: {  	[bflag:$0x0] =	sbarrier.arrive $0xFFFF  }
0x2a: {  	_ =	strace $0x9000004D  }
0x2b: {  	s0 =	sadd.s32 @!p0 $0x100000, s0;
	[bflag:$0x2] =	sbarrier.arrive $0xFFFF  }
0x2c: {  	[sflag:s0] =	ssyncadd.tile.s32 @!p0 $0x1;
	_ =	shalt  }
.Lfunc_end2:
_tile_overlayer_lowered:
.L_overlay_start_2:
0x2d: {  	(tag) =	ssettag $0x2  }
0x2e: {  	s0 =	rddreg [dreg:$0x0];
	s2 =	stileid.u32  }
0x2f: {  	s1 =	rddreg [dreg:$0x1];
	p0 =	sne.s32 s2, $0x0  }
0x30: {  	s3 =	rddreg [dreg:$0x2];
	[bflag:$0x3] =	sbarrier.arrive $0xFFFF;
	s2 =	simm.s32 @!p0 $0x1C02  }
0x31: {  	[timem:s3], [sflag:s2] =	dma.local @!p0 [hbm:s0], s1  }
0x32: {  	s0 =	simm.s32 @!p0 $0x2  }
0x33: {  	_ =	swait.ge @!p0 [sflag:s0], s1  }
0x34: {  	s1 =	ssub.s32 @!p0 $0x0, s1;
	[sflag:s0] =	ssyncset.done @!p0 $0x0  }
0x35: {  	[sflag:s0] =	ssyncadd.s32 @!p0 s1  }
0x36: {  	[bflag:$0x3] =	sbarrier.arrive $0xFFFF  }
0x37: {  	_ =	shalt  }

// kernel: kernel.21.cloned.1.call-start
scs
__scs_entry_jumppad:
0x0: {  	(pc) =	sbr.rel $0x88, $3  }
0x1: {  	(tag) =	ssettag $0x0;
	lr =	simm.s32 $0x1  }
0x2: {  	[smem:$0x3F8F] =	sst lr;
	_ =	strace $0xD0000000  }
0x3: {  	_ = 	snop  }
0x4: {  	_ = 	snop  }
0x5: {  	_ = 	snop  }
0x6: {  	_ = 	snop  }
0x7: {  	_ = 	snop  }
__scs_overlays_trampoline_lowered:
0x8: {  	[smem:$0x3F9E] =	sst s0  }
0x9: {  	[smem:$0x3F9F] =	sst s1  }
0xa: {  	[smem:$0x3FA0] =	sst s2  }
0xb: {  	[smem:$0x3FA1] =	sst s3  }
0xc: {  	[smem:$0x3FA2] =	sst s4  }
0xd: {  	[smem:$0x3FA3] =	sst s5  }
0xe: {  	[smem:$0x3FA4] =	sst s6  }
0xf: {  	[smem:$0x3FA5] =	sst s7  }
0x10: {  	[smem:$0x3FA6] =	sst s8  }
0x11: {  	[smem:$0x3FA7] =	sst s9;
	s0 =	simm.s32 @!p0 $0x0  }
0x12: {  	s1 =	sld [smem:$0x3F8D];
	s0 =	simm.s32 @p0 $0x1  }
0x13: {  	[smem:$0x3FA8] =	sst s0;
	s0 =	simm.s32 @!p1 $0x0  }
0x14: {  	s2 =	sld [smem:$0x3F8C];
	s0 =	simm.s32 @p1 $0x1  }
0x15: {  	[smem:$0x3FA9] =	sst s0;
	s0 =	simm.s32 @!p2 $0x0  }
0x16: {  	s3 =	sld [smem:$0x3FDB];
	s0 =	simm.s32 @p2 $0x1  }
0x17: {  	s4 =	simm.s32 $0x1BF5;
	[smem:$0x3FAB] =	sst s0  }
0x18: {  	s0 =	sld [smem:$0x3F8E];
	_ =	swait.ge [sflag:s4], $0x0  }
0x19: {  	s7 =	sld [smem:$0x3F8F]  }
0x1a: {  	s8 =	sadd.s32 $0xFFFFE003, lr  }
0x1b: {  	s9 =	sadd.s32 $0xFFFFFEF7, lr;
	s5 =	simm.s32 $0xFFFFFFFF;
	p2 =	slt.u32 s8, $0xFFFFF086  }
0x1c: {  	p1 =	slt.u32 s9, $0xF7A;
	s5 =	simm.s32 @!p2 $0x0  }
0x1d: {  	s5 =	simm.s32 @p1 $0x1;
	p0 =	seq.s32 s7, s2  }
0x1e: {  	s7 =	smul.u32 @!p0 $0xF7A, s2;
	p2 =	seq.s32 @!p0 s5, $0x0  }
0x1f: {  	s9 =	smul.u32 $0xF7A, s1;
	s8 =	simm.s32 @!p0 $0x1BF5;
	p2 =	por !p2, p0  }
0x20: {  	[sflag:s8] =	ssyncset.s32 @!p0 $0xFFFFF086;
	s6 =	sadd.s32 @!p0 s3, s7;
	s7 =	simm.s32 @!p0 $0x108  }
0x21: {  	s3 =	sadd.s32 s3, s9;
	s6 =	sadd.s32 @!p0 $0x88, s6;
	s7 =	simm.s32 @p2 $0x1082  }
0x22: {  	[simem:s7], [sflag:s8] =	dma.local @!p0 [hbm:s6], $0xF7A  }
0x23: {  	s9 =	sor.u32 $0xD0000000, s2;
	s6 =	simm.s32 $0x108;
	_ =	swait.ge @!p0 [sflag:s8], $0x0  }
0x24: {  	s3 =	sadd.s32 $0x88, s3;
	s6 =	simm.s32 @!p1 $0x1082;
	[sflag:s4] =	ssyncset.s32 $0xFFFFF086  }
0x25: {  	[simem:s6], [sflag:s4] =	dma.local [hbm:s3], $0xF7A  }
0x26: {  	[smem:$0x3F8F] =	sst s1;
	(tag) =	ssettag s2;
	_ =	strace s9  }
0x27: {  	s1 =	sld [smem:$0x3F9F]  }
0x28: {  	s2 =	sld [smem:$0x3FA0]  }
0x29: {  	s4 =	sld [smem:$0x3FA2]  }
0x2a: {  	p0 =	seq.s32 s5, $0x0;
	s5 =	sld [smem:$0x3FA3]  }
0x2b: {  	s6 =	sld [smem:$0x3FA4]  }
0x2c: {  	s7 =	sld [smem:$0x3FA5]  }
0x2d: {  	s3 =	simm.s32 $0x108;
	s8 =	sld [smem:$0x3FA6]  }
0x2e: {  	s3 =	simm.s32 @!p0 $0x1082;
	s9 =	sld [smem:$0x3FA7]  }
0x2f: {  	lr =	sadd.s32 s0, s3;
	s0 =	sld [smem:$0x3F9E]  }
0x30: {  	s3 =	sld [smem:$0x3FA1]  }
0x31: {  	[smem:$0x3FAA] =	sst s10  }
0x32: {  	s10 =	sld [smem:$0x3FA8];
	_ =	sdelay $0x3  }
0x33: {  	p0 =	seq.s32 s10, $0x1;
	s10 =	sld [smem:$0x3FAA];
	_ =	sdelay $0x3  }
0x34: {  	[smem:$0x3FAA] =	sst s10  }
0x35: {  	s10 =	sld [smem:$0x3FA9];
	_ =	sdelay $0x3  }
0x36: {  	p1 =	seq.s32 s10, $0x1;
	s10 =	sld [smem:$0x3FAA];
	_ =	sdelay $0x3  }
0x37: {  	[smem:$0x3FAA] =	sst s10  }
0x38: {  	s10 =	sld [smem:$0x3FAB]  }
0x39: {  	_ = 	snop;
	(pc) =	sbr.ind lr, $3  }
0x3a: {  	_ = 	snop  }
0x3b: {  	_ = 	snop  }
0x3c: {  	p2 =	seq.s32 s10, $0x1;
	s10 =	sld [smem:$0x3FAA]  }
0x3d: {  	_ =	shalt  }
0x3e: {  	_ =	shalt  }
0x3f: {  	_ =	shalt  }
0x40: {  	_ =	shalt  }
0x41: {  	_ =	shalt  }
0x42: {  	_ =	shalt  }
0x43: {  	_ =	shalt  }
0x44: {  	_ =	shalt  }
0x45: {  	_ =	shalt  }
0x46: {  	_ =	shalt  }
0x47: {  	_ =	shalt  }
0x48: {  	_ =	shalt  }
0x49: {  	_ =	shalt  }
0x4a: {  	_ =	shalt  }
0x4b: {  	_ =	shalt  }
0x4c: {  	_ =	shalt  }
0x4d: {  	_ =	shalt  }
0x4e: {  	_ =	shalt  }
0x4f: {  	_ =	shalt  }
0x50: {  	_ =	shalt  }
0x51: {  	_ =	shalt  }
0x52: {  	_ =	shalt  }
0x53: {  	_ =	shalt  }
0x54: {  	_ =	shalt  }
0x55: {  	_ =	shalt  }
0x56: {  	_ =	shalt  }
0x57: {  	_ =	shalt  }
0x58: {  	_ =	shalt  }
0x59: {  	_ =	shalt  }
0x5a: {  	_ =	shalt  }
0x5b: {  	_ =	shalt  }
0x5c: {  	_ =	shalt  }
0x5d: {  	_ =	shalt  }
0x5e: {  	_ =	shalt  }
0x5f: {  	_ =	shalt  }
0x60: {  	_ =	shalt  }
0x61: {  	_ =	shalt  }
0x62: {  	_ =	shalt  }
0x63: {  	_ =	shalt  }
0x64: {  	_ =	shalt  }
0x65: {  	_ =	shalt  }
0x66: {  	_ =	shalt  }
0x67: {  	_ =	shalt  }
0x68: {  	_ =	shalt  }
0x69: {  	_ =	shalt  }
0x6a: {  	_ =	shalt  }
0x6b: {  	_ =	shalt  }
0x6c: {  	_ =	shalt  }
0x6d: {  	_ =	shalt  }
0x6e: {  	_ =	shalt  }
0x6f: {  	_ =	shalt  }
0x70: {  	_ =	shalt  }
0x71: {  	_ =	shalt  }
0x72: {  	_ =	shalt  }
0x73: {  	_ =	shalt  }
0x74: {  	_ =	shalt  }
0x75: {  	_ =	shalt  }
0x76: {  	_ =	shalt  }
0x77: {  	_ =	shalt  }
0x78: {  	_ =	shalt  }
0x79: {  	_ =	shalt  }
0x7a: {  	_ =	shalt  }
0x7b: {  	_ =	shalt  }
0x7c: {  	_ =	shalt  }
0x7d: {  	_ =	shalt  }
0x7e: {  	_ =	shalt  }
0x7f: {  	_ =	shalt  }
0x80: {  	_ =	shalt  }
0x81: {  	_ =	shalt  }
0x82: {  	_ =	shalt  }
0x83: {  	_ =	shalt  }
0x84: {  	_ =	shalt  }
0x85: {  	_ =	shalt  }
0x86: {  	_ =	shalt  }
0x87: {  	_ =	shalt  }
.Lfunc_end0:
.L_simem_size_0:
called_computation.3_lowered:
.L_overlay_start_0:
0x88: {  	s2 =	sld [smem:$0x3FD9]  }
0x89: {  	s3 =	sld [smem:$0x3FFE];
	_ =	sdelay $0x1  }
0x8a: {  	s1 =	srdreg.scid  }
0x8b: {  	s0 =	sand.u32 $0x1, s1  }
0x8c: {  	s14 =	sshll.u32 s0, $0xA;
	s2 =	sadd.s32 s3, s2  }
0x8d: {  	s2 =	sadd.s32 s2, s14  }
0x8e: {  	[smem:$0x3FB6] =	sst s2  }
0x8f: {  	_ = 	snop  }
0x90: {  	s2 =	sld [smem:$0x3FD0];
	_ =	sdelay $0x2  }
0x91: {  	s15 =	simm.s32 $0xA;
	s4 =	simm.s32 $0x10  }
0x92: {  	[smem:s4], [sflag:s15] =	dma.local [hbm:s2], $0x1  }
0x93: {  	_ =	swait.eq [sflag:s15], $0x1  }
0x94: {  	[sflag:s15] =	ssyncset.done $0x0  }
0x95: {  	[sflag:s15] =	ssyncadd.s32 $0xFFFFFFFF  }
0x96: {  	s16 =	sld [smem:$0x11];
	(tm) =	ssettm $0x1  }
0x97: {  	s17 =	sld [smem:$0x3FFB];
	_ =	sdelay $0x3  }
0x98: {  	_ =	strace s17  }
0x99: {  	s3 =	sld [smem:$0x3FFC];
	_ =	sdelay $0x3  }
0x9a: {  	_ =	strace s3  }
0x9b: {  	s3 =	sld [smem:$0x3FFD];
	_ =	sdelay $0x3  }
0x9c: {  	_ =	strace s3  }
0x9d: {  	_ =	strace $0x8FFFFFFF  }
0x9e: {  	s18 =	sld [smem:$0x3FDB];
	_ =	sdelay $0x1  }
0x9f: {  	s19 =	simm.s32 $_scs_section_size  }
0xa0: {  	s5 =	simm.s32 $_size__tile_overlayer_lowered;
	s6 =	simm.s32 $_tile_overlayer_lowered  }
0xa1: {  	s22 =	simm.s32 $0x1BFF;
	s21 =	sshll.u32 s6, $0x1;
	s3 =	sadd.s32 s19, s18  }
0xa2: {  	s7 =	simm.s32 $0x0;
	s20 =	sshll.u32 s5, $0x1;
	s5 =	sadd.s32 s21, s3  }
0xa3: {  	[timem:s7], [sflag:s22] =	dma.local [hbm:s5], s20  }
0xa4: {  	_ =	swait.ge [sflag:s22], s20  }
0xa5: {  	s4 =	ssub.s32 $0x0, s20;
	[sflag:s22] =	ssyncset.done $0x0  }
0xa6: {  	[sflag:s22] =	ssyncadd.s32 s4;
	_ =	sdelay $0x1  }
0xa7: {  	s23 =	simm.s32 $0x1B8B  }
0xa8: {  	_ =	swait.ge [sflag:s23], $0x1  }
0xa9: {  	[sflag:s23] =	ssyncset.done $0x0  }
0xaa: {  	s25 =	simm.s32 $0x1B8E;
	s24 =	sld [smem:$0x3FFE];
	[sflag:s23] =	ssyncadd.s32 $0xFFFFFFFF  }
0xab: {  	s26 =	simm.s32 $execute0_lowered;
	[smem:$0x3FD2] =	sst s25  }
0xac: {  	s5 =	sshll.u32 s26, $0x1;
	_ =	strace $0x8000004F;
	[dreg:$0x1] =	wrdreg $0xFFFFFFFF  }
0xad: {  	s28 =	simm.s32 $_size_execute0_lowered;
	s3 =	sadd.s32 s3, s5;
	[dreg:$0x0] =	wrdreg $0x0  }
0xae: {  	s5 =	sshll.u32 s28, $0x1;
	[dreg:$0x2] =	wrdreg s3  }
0xaf: {  	[dreg:$0x3] =	wrdreg s5  }
0xb0: {  	[dreg:$0x4] =	wrdreg $0xC0  }
0xb1: {  	_ =	task [dreg:s7], $0x5FFFF  }
0xb2: {  	[dreg:$0x1] =	wrdreg $0xFFFFFFFF  }
0xb3: {  	[dreg:$0x0] =	wrdreg $0x60  }
0xb4: {  	[dreg:$0x2] =	wrdreg s24  }
0xb5: {  	[dreg:$0x3] =	wrdreg s16  }
0xb6: {  	[dreg:$0x4] =	wrdreg $0x9D000  }
0xb7: {  	[dreg:$0x5] =	wrdreg $0x9  }
0xb8: {  	_ =	task.clear_ibuf [dreg:s7], $0x6FFFF;
	_ =	strace $0x9000004F  }
0xb9: {  	s29 =	simm.s32 $0x9;
	_ =	strace $0x80000051  }
0xba: {  	_ =	swait.ge [sflag:s29], $0x1  }
0xbb: {  	[sflag:s29] =	ssyncadd.s32 $0xFFFFFFFF  }
0xbc: {  	_ =	strace $0x90000051  }
0xbd: {  	_ =	sfence  }
0xbe: {  	s30 =	sld [smem:$0x0];
	_ =	sdelay $0x2  }
0xbf: {  	s31 =	sshll.u32 s1, $0xD;
	s1 =	sshrl.u32 s1, $0x2  }
0xc0: {  	s3 =	sand.u32 $0x4000, s31;
	s1 =	sadd.s32 s1, s30  }
0xc1: {  	s0 =	sor.u32 s3, s0;
	s1 =	sshll.u32 s1, $0x11  }
0xc2: {  	s0 =	sor.u32 s1, s0  }
0xc3: {  	s0 =	sadd.s32 $0x8F2B, s0  }
0xc4: {  	[sflag:s0] =	ssyncadd.remote.s32 $0x1  }
0xc5: {  	_ =	sfence.sel $0xFFFF  }
0xc6: {  	[dreg:$0x0] =	wrdreg $0xFFFFFFFF;
	(pc) =	sbr.abs _section_cstart, $3  }
0xc7: {  	[dreg:$0x1] =	wrdreg $0xFFFFFFFF  }
0xc8: {  	_ =	task.clear_ibuf [dreg:s7], $0x2FFFF;
	_ =	strace $0x9FFFFFFF  }
0xc9: {  	(tm) =	ssettm $0x7FFFFFFF  }
tec
execute0_lowered:
.L_overlay_start_1:
0x0: {  	(tag) =	ssettag $0x1  }
0x1: {  	s7 =	stileid.u32;
	s5 =	rddreg [dreg:$0x0]  }
0x2: {  	s0 =	srdreg.scid;
	s9 =	rddreg [dreg:$0x1]  }
0x3: {  	s2 =	simm.s32 $0x0;
	s1 =	sshll.u32 s7, $0x1;
	s4 =	sand.u32 $0x1, s0  }
0x4: {  	s6 =	sshrl.u32 s7, $0x2;
	[smem:$0x7FF] =	sst s2;
	p0 =	sne.s32 s7, $0x0  }
0x5: {  	s30 =	sand.u32 $0x6, s1;
	s3 =	smul.u32 $0x27100, s6;
	s1 =	rddreg [dreg:$0x2]  }
0x6: {  	s11 =	sshll.u32 s4, $0x4;
	s13 =	smul.u32 $0x2710, s6;
	s0 =	sor.u32 s4, s30  }
0x7: {  	s4 =	ssub.s32 $0x2, s4;
	s11 =	sadd.s32 s11, s5;
	s8 =	smul.u32 $0x4E20, s0  }
0x8: {  	s0 =	rddreg [dreg:$0x3];
	_ =	strace $0x80000050;
	s31 =	sshrl.u32 s4, $0x1  }
0x9: {  	s6 =	sadd.s32 $0x18200, s11;
	s11 =	simm.s32 $0x4E20;
	s12 =	ssub.s32 s4, s31  }
0xa: {  	s3 =	sadd.s32 s3, s8;
	s8 =	sshrl.u32 s8, $0x3;
	s7 =	smax.u32 s12, $0x1  }
0xb: {  	s12 =	simm.s32 $0x0;
	s3 =	sshrl.u32 s3, $0x3;
	s4 =	sadd.s32 s9, s8  }
0xc: {  	s8 =	sshrl.u32 @!p0 s1, $0x3;
	s9 =	simm.s32 $0x1;
	s10 =	sadd.s32 s3, s5  }
0xd: {  	v0 =	vmov s13;
	s3 =	sadd.s32 $0x16E00, s5;
	s5 =	sadd.s32 $0x3400, s10;
	s10 =	simm.s32 $0x4E80  }
.LBB2_1:
0xe: {  	s13 =	simm.s32 @!p0 $0x1C01  }
0xf: {  	[spmem:s8], [sflag:s13] =	dma.local @!p0 [hbm:s3], $0x1390  }
0x10: {  	s13 =	simm.s32 @!p0 $0x1  }
0x11: {  	_ =	swait.ge @!p0 [sflag:s13], $0x1390  }
0x12: {  	[sflag:s13] =	ssyncset.done @!p0 $0x0  }
0x13: {  	[sflag:s13] =	ssyncadd.s32 @!p0 $0xFFFFEC70  }
0x14: {  	[tilespmem:s2], [sflag:$0x1] =	stream.linear.gather [hbm4b:s4+s2], $0x4E20, $0x38;
	[tilespmem:$0xA6C8] =	vst v63  }
0x15: {  	_ =	swait.ge [sflag:s9], $0x4E20  }
0x16: {  	[sflag:s9] =	ssyncset.done $0x0  }
0x17: {  	s14 =	simm.s32 $0x40;
	s13 =	simm.s32 $0x0;
	[sflag:s9] =	ssyncadd.s32 $0xFFFFB1E0  }
.LBB2_2:
0x18: {  	p1 =	sne.s32 s14, $0x13840;
	v1 =	vld [tilespmem:s13+$0x0];
	_ =	sdelay $0x1  }
.Ltmp0:
0x19: {  	(pc) =	sbr.rel @p1 .LBB2_2-.Ltmp0, $3  }
0x1a: {  	_ =	sdelay $0x1  }
0x1b: {  	v1 =	vadd.s32 v0, v1  }
0x1c: {  	[tilespmem:s13+$0x0] =	vst v1;
	s13 =	sshra.s32 s14, $0x2;
	s14 =	sadd.s32 $0x40, s14  }
0x1d: {  	v1 =	vld [tilespmem:s13+$0x0];
	_ =	sdelay $0x4  }
0x1e: {  	v1 =	vadd.s32 v0, v1  }
0x1f: {  	[tilespmem:s13+$0x0] =	vst v1  }
0x20: {  	[tilespmem:s10], [sflag:$0x1] =	stream.linear.gather [hbm4b:s5+s2], $0x4E20, $0x38;
	[tilespmem:$0xA6C8] =	vst v63  }
0x21: {  	_ =	swait.ge [sflag:s9], $0x4E20  }
0x22: {  	[sflag:s9] =	ssyncset.done $0x0  }
0x23: {  	[sflag:s9] =	ssyncadd.s32 $0xFFFFB1E0  }
0x24: {  	[bflag:$0x0] =	sbarrier.arrive $0xFFFF  }
0x25: {  	[spmem:s1] =	stream.indirect.scatter.add.f32 [tilespmem:s10], [sflag:$0x1], $0x1, s2, s11, $0xb8;
	[tilespmem:$0xA6C8] =	vst v63  }
0x26: {  	s14 =	simm.s32 @!p0 $0x20;
	_ =	swait.ge [sflag:s9], $0x4E20  }
0x27: {  	s15 =	simm.s32 @!p0 $0x10;
	s12 =	sadd.s32 $0x1, s12;
	[sflag:s9] =	ssyncset.done $0x0  }
0x28: {  	s16 =	simm.s32 @!p0 $0x1C01;
	p1 =	sne.s32 s12, s7;
	[sflag:s9] =	ssyncadd.s32 $0xFFFFB1E0  }
.Ltmp1:
0x29: {  	s13 =	simm.s32 @!p0 $0x1;
	[bflag:$0x0] =	sbarrier.arrive $0xFFFF;
	(pc) =	sbr.rel @p1 .LBB2_1-.Ltmp1, $4  }
0x2a: {  	[hbm:s6@s14], [sflag:s16] =	dma.strided @!p0 [spmem:s8@s15], $0x1390, s13, $0x10   }
0x2b: {  	_ =	swait.ge @!p0 [sflag:s13], $0x1390  }
0x2c: {  	[sflag:s13] =	ssyncset.done @!p0 $0x0  }
0x2d: {  	[sflag:s13] =	ssyncadd.s32 @!p0 $0xFFFFEC70  }
0x2e: {  	_ =	sfence.sel $0x180000  }
0x2f: {  	[bflag:$0x0] =	sbarrier.arrive $0xFFFF  }
0x30: {  	_ =	strace $0x90000050  }
0x31: {  	s0 =	sadd.s32 @!p0 $0x100000, s0;
	[bflag:$0x2] =	sbarrier.arrive $0xFFFF  }
0x32: {  	[sflag:s0] =	ssyncadd.tile.s32 @!p0 $0x1;
	_ =	shalt  }
.Lfunc_end2:
_tile_overlayer_lowered:
.L_overlay_start_2:
0x33: {  	(tag) =	ssettag $0x2  }
0x34: {  	s0 =	rddreg [dreg:$0x0];
	s2 =	stileid.u32  }
0x35: {  	s1 =	rddreg [dreg:$0x1];
	p0 =	sne.s32 s2, $0x0  }
0x36: {  	s3 =	rddreg [dreg:$0x2];
	[bflag:$0x3] =	sbarrier.arrive $0xFFFF;
	s2 =	simm.s32 @!p0 $0x1C01  }
0x37: {  	[timem:s3], [sflag:s2] =	dma.local @!p0 [hbm:s0], s1  }
0x38: {  	s0 =	simm.s32 @!p0 $0x1  }
0x39: {  	_ =	swait.ge @!p0 [sflag:s0], s1  }
0x3a: {  	s1 =	ssub.s32 @!p0 $0x0, s1;
	[sflag:s0] =	ssyncset.done @!p0 $0x0  }
0x3b: {  	[sflag:s0] =	ssyncadd.s32 @!p0 s1  }
0x3c: {  	[bflag:$0x3] =	sbarrier.arrive $0xFFFF  }
0x3d: {  	_ =	shalt  }

// kernel: kernel.24.cloned.1.call-start
scs
__scs_entry_jumppad:
0x0: {  	(pc) =	sbr.rel $0x88, $3  }
0x1: {  	(tag) =	ssettag $0x0;
	lr =	simm.s32 $0x1  }
0x2: {  	[smem:$0x3F8F] =	sst lr;
	_ =	strace $0xD0000000  }
0x3: {  	_ = 	snop  }
0x4: {  	_ = 	snop  }
0x5: {  	_ = 	snop  }
0x6: {  	_ = 	snop  }
0x7: {  	_ = 	snop  }
__scs_overlays_trampoline_lowered:
0x8: {  	[smem:$0x3F9E] =	sst s0  }
0x9: {  	[smem:$0x3F9F] =	sst s1  }
0xa: {  	[smem:$0x3FA0] =	sst s2  }
0xb: {  	[smem:$0x3FA1] =	sst s3  }
0xc: {  	[smem:$0x3FA2] =	sst s4  }
0xd: {  	[smem:$0x3FA3] =	sst s5  }
0xe: {  	[smem:$0x3FA4] =	sst s6  }
0xf: {  	[smem:$0x3FA5] =	sst s7  }
0x10: {  	[smem:$0x3FA6] =	sst s8  }
0x11: {  	[smem:$0x3FA7] =	sst s9;
	s0 =	simm.s32 @!p0 $0x0  }
0x12: {  	s1 =	sld [smem:$0x3F8D];
	s0 =	simm.s32 @p0 $0x1  }
0x13: {  	[smem:$0x3FA8] =	sst s0;
	s0 =	simm.s32 @!p1 $0x0  }
0x14: {  	s2 =	sld [smem:$0x3F8C];
	s0 =	simm.s32 @p1 $0x1  }
0x15: {  	[smem:$0x3FA9] =	sst s0;
	s0 =	simm.s32 @!p2 $0x0  }
0x16: {  	s3 =	sld [smem:$0x3FDB];
	s0 =	simm.s32 @p2 $0x1  }
0x17: {  	s4 =	simm.s32 $0x1BF5;
	[smem:$0x3FAB] =	sst s0  }
0x18: {  	s0 =	sld [smem:$0x3F8E];
	_ =	swait.ge [sflag:s4], $0x0  }
0x19: {  	s7 =	sld [smem:$0x3F8F]  }
0x1a: {  	s8 =	sadd.s32 $0xFFFFE003, lr  }
0x1b: {  	s9 =	sadd.s32 $0xFFFFFEF7, lr;
	s5 =	simm.s32 $0xFFFFFFFF;
	p2 =	slt.u32 s8, $0xFFFFF086  }
0x1c: {  	p1 =	slt.u32 s9, $0xF7A;
	s5 =	simm.s32 @!p2 $0x0  }
0x1d: {  	s5 =	simm.s32 @p1 $0x1;
	p0 =	seq.s32 s7, s2  }
0x1e: {  	s7 =	smul.u32 @!p0 $0xF7A, s2;
	p2 =	seq.s32 @!p0 s5, $0x0  }
0x1f: {  	s9 =	smul.u32 $0xF7A, s1;
	s8 =	simm.s32 @!p0 $0x1BF5;
	p2 =	por !p2, p0  }
0x20: {  	[sflag:s8] =	ssyncset.s32 @!p0 $0xFFFFF086;
	s6 =	sadd.s32 @!p0 s3, s7;
	s7 =	simm.s32 @!p0 $0x108  }
0x21: {  	s3 =	sadd.s32 s3, s9;
	s6 =	sadd.s32 @!p0 $0x88, s6;
	s7 =	simm.s32 @p2 $0x1082  }
0x22: {  	[simem:s7], [sflag:s8] =	dma.local @!p0 [hbm:s6], $0xF7A  }
0x23: {  	s9 =	sor.u32 $0xD0000000, s2;
	s6 =	simm.s32 $0x108;
	_ =	swait.ge @!p0 [sflag:s8], $0x0  }
0x24: {  	s3 =	sadd.s32 $0x88, s3;
	s6 =	simm.s32 @!p1 $0x1082;
	[sflag:s4] =	ssyncset.s32 $0xFFFFF086  }
0x25: {  	[simem:s6], [sflag:s4] =	dma.local [hbm:s3], $0xF7A  }
0x26: {  	[smem:$0x3F8F] =	sst s1;
	(tag) =	ssettag s2;
	_ =	strace s9  }
0x27: {  	s1 =	sld [smem:$0x3F9F]  }
0x28: {  	s2 =	sld [smem:$0x3FA0]  }
0x29: {  	s4 =	sld [smem:$0x3FA2]  }
0x2a: {  	p0 =	seq.s32 s5, $0x0;
	s5 =	sld [smem:$0x3FA3]  }
0x2b: {  	s6 =	sld [smem:$0x3FA4]  }
0x2c: {  	s7 =	sld [smem:$0x3FA5]  }
0x2d: {  	s3 =	simm.s32 $0x108;
	s8 =	sld [smem:$0x3FA6]  }
0x2e: {  	s3 =	simm.s32 @!p0 $0x1082;
	s9 =	sld [smem:$0x3FA7]  }
0x2f: {  	lr =	sadd.s32 s0, s3;
	s0 =	sld [smem:$0x3F9E]  }
0x30: {  	s3 =	sld [smem:$0x3FA1]  }
0x31: {  	[smem:$0x3FAA] =	sst s10  }
0x32: {  	s10 =	sld [smem:$0x3FA8];
	_ =	sdelay $0x3  }
0x33: {  	p0 =	seq.s32 s10, $0x1;
	s10 =	sld [smem:$0x3FAA];
	_ =	sdelay $0x3  }
0x34: {  	[smem:$0x3FAA] =	sst s10  }
0x35: {  	s10 =	sld [smem:$0x3FA9];
	_ =	sdelay $0x3  }
0x36: {  	p1 =	seq.s32 s10, $0x1;
	s10 =	sld [smem:$0x3FAA];
	_ =	sdelay $0x3  }
0x37: {  	[smem:$0x3FAA] =	sst s10  }
0x38: {  	s10 =	sld [smem:$0x3FAB]  }
0x39: {  	_ = 	snop;
	(pc) =	sbr.ind lr, $3  }
0x3a: {  	_ = 	snop  }
0x3b: {  	_ = 	snop  }
0x3c: {  	p2 =	seq.s32 s10, $0x1;
	s10 =	sld [smem:$0x3FAA]  }
0x3d: {  	_ =	shalt  }
0x3e: {  	_ =	shalt  }
0x3f: {  	_ =	shalt  }
0x40: {  	_ =	shalt  }
0x41: {  	_ =	shalt  }
0x42: {  	_ =	shalt  }
0x43: {  	_ =	shalt  }
0x44: {  	_ =	shalt  }
0x45: {  	_ =	shalt  }
0x46: {  	_ =	shalt  }
0x47: {  	_ =	shalt  }
0x48: {  	_ =	shalt  }
0x49: {  	_ =	shalt  }
0x4a: {  	_ =	shalt  }
0x4b: {  	_ =	shalt  }
0x4c: {  	_ =	shalt  }
0x4d: {  	_ =	shalt  }
0x4e: {  	_ =	shalt  }
0x4f: {  	_ =	shalt  }
0x50: {  	_ =	shalt  }
0x51: {  	_ =	shalt  }
0x52: {  	_ =	shalt  }
0x53: {  	_ =	shalt  }
0x54: {  	_ =	shalt  }
0x55: {  	_ =	shalt  }
0x56: {  	_ =	shalt  }
0x57: {  	_ =	shalt  }
0x58: {  	_ =	shalt  }
0x59: {  	_ =	shalt  }
0x5a: {  	_ =	shalt  }
0x5b: {  	_ =	shalt  }
0x5c: {  	_ =	shalt  }
0x5d: {  	_ =	shalt  }
0x5e: {  	_ =	shalt  }
0x5f: {  	_ =	shalt  }
0x60: {  	_ =	shalt  }
0x61: {  	_ =	shalt  }
0x62: {  	_ =	shalt  }
0x63: {  	_ =	shalt  }
0x64: {  	_ =	shalt  }
0x65: {  	_ =	shalt  }
0x66: {  	_ =	shalt  }
0x67: {  	_ =	shalt  }
0x68: {  	_ =	shalt  }
0x69: {  	_ =	shalt  }
0x6a: {  	_ =	shalt  }
0x6b: {  	_ =	shalt  }
0x6c: {  	_ =	shalt  }
0x6d: {  	_ =	shalt  }
0x6e: {  	_ =	shalt  }
0x6f: {  	_ =	shalt  }
0x70: {  	_ =	shalt  }
0x71: {  	_ =	shalt  }
0x72: {  	_ =	shalt  }
0x73: {  	_ =	shalt  }
0x74: {  	_ =	shalt  }
0x75: {  	_ =	shalt  }
0x76: {  	_ =	shalt  }
0x77: {  	_ =	shalt  }
0x78: {  	_ =	shalt  }
0x79: {  	_ =	shalt  }
0x7a: {  	_ =	shalt  }
0x7b: {  	_ =	shalt  }
0x7c: {  	_ =	shalt  }
0x7d: {  	_ =	shalt  }
0x7e: {  	_ =	shalt  }
0x7f: {  	_ =	shalt  }
0x80: {  	_ =	shalt  }
0x81: {  	_ =	shalt  }
0x82: {  	_ =	shalt  }
0x83: {  	_ =	shalt  }
0x84: {  	_ =	shalt  }
0x85: {  	_ =	shalt  }
0x86: {  	_ =	shalt  }
0x87: {  	_ =	shalt  }
.Lfunc_end0:
.L_simem_size_0:
called_computation.4_lowered:
.L_overlay_start_0:
0x88: {  	s2 =	sld [smem:$0x3FD9]  }
0x89: {  	s3 =	sld [smem:$0x3FFE];
	_ =	sdelay $0x1  }
0x8a: {  	s1 =	srdreg.scid  }
0x8b: {  	s0 =	sand.u32 $0x1, s1  }
0x8c: {  	s14 =	sshll.u32 s0, $0xA;
	s2 =	sadd.s32 s3, s2  }
0x8d: {  	s2 =	sadd.s32 s2, s14  }
0x8e: {  	[smem:$0x3FB6] =	sst s2  }
0x8f: {  	_ = 	snop  }
0x90: {  	s2 =	sld [smem:$0x3FD0];
	_ =	sdelay $0x2  }
0x91: {  	s15 =	simm.s32 $0xA;
	s4 =	simm.s32 $0x10  }
0x92: {  	[smem:s4], [sflag:s15] =	dma.local [hbm:s2], $0x1  }
0x93: {  	_ =	swait.eq [sflag:s15], $0x1  }
0x94: {  	[sflag:s15] =	ssyncset.done $0x0  }
0x95: {  	s16 =	sld [smem:$0x10];
	[sflag:s15] =	ssyncadd.s32 $0xFFFFFFFF  }
0x96: {  	s17 =	sld [smem:$0x11];
	(tm) =	ssettm $0x1  }
0x97: {  	s18 =	sld [smem:$0x3FFB];
	_ =	sdelay $0x3  }
0x98: {  	_ =	strace s18  }
0x99: {  	s4 =	sld [smem:$0x3FFC];
	_ =	sdelay $0x3  }
0x9a: {  	_ =	strace s4  }
0x9b: {  	s4 =	sld [smem:$0x3FFD];
	_ =	sdelay $0x3  }
0x9c: {  	_ =	strace s4  }
0x9d: {  	_ =	strace $0x8FFFFFFF  }
0x9e: {  	s19 =	sld [smem:$0x3FDB];
	_ =	sdelay $0x1  }
0x9f: {  	s5 =	simm.s32 $_scs_section_size  }
0xa0: {  	s6 =	simm.s32 $_size__tile_overlayer_lowered;
	s7 =	simm.s32 $_tile_overlayer_lowered  }
0xa1: {  	s22 =	simm.s32 $0x1BFF;
	s21 =	sshll.u32 s7, $0x1;
	s4 =	sadd.s32 s5, s19  }
0xa2: {  	s8 =	simm.s32 $0x0;
	s20 =	sshll.u32 s6, $0x1;
	s6 =	sadd.s32 s21, s4  }
0xa3: {  	[timem:s8], [sflag:s22] =	dma.local [hbm:s6], s20  }
0xa4: {  	_ =	swait.ge [sflag:s22], s20  }
0xa5: {  	s5 =	ssub.s32 $0x0, s20;
	[sflag:s22] =	ssyncset.done $0x0  }
0xa6: {  	[sflag:s22] =	ssyncadd.s32 s5;
	_ =	sdelay $0x1  }
0xa7: {  	s23 =	simm.s32 $0x1B8B  }
0xa8: {  	_ =	swait.ge [sflag:s23], $0x1  }
0xa9: {  	[sflag:s23] =	ssyncset.done $0x0  }
0xaa: {  	s25 =	simm.s32 $0x1B8E;
	s24 =	sld [smem:$0x3FFE];
	[sflag:s23] =	ssyncadd.s32 $0xFFFFFFFF  }
0xab: {  	s26 =	simm.s32 $execute0_lowered;
	[smem:$0x3FD2] =	sst s25  }
0xac: {  	s6 =	sshll.u32 s26, $0x1;
	_ =	strace $0x80000052;
	[dreg:$0x1] =	wrdreg $0xFFFFFFFF  }
0xad: {  	s28 =	simm.s32 $_size_execute0_lowered;
	s4 =	sadd.s32 s4, s6;
	[dreg:$0x0] =	wrdreg $0x0  }
0xae: {  	s6 =	sshll.u32 s28, $0x1;
	[dreg:$0x2] =	wrdreg s4  }
0xaf: {  	[dreg:$0x3] =	wrdreg s6  }
0xb0: {  	[dreg:$0x4] =	wrdreg $0xC0  }
0xb1: {  	_ =	task [dreg:s8], $0x5FFFF  }
0xb2: {  	[dreg:$0x1] =	wrdreg $0xFFFFFFFF  }
0xb3: {  	[dreg:$0x0] =	wrdreg $0x60  }
0xb4: {  	[dreg:$0x2] =	wrdreg s17  }
0xb5: {  	[dreg:$0x3] =	wrdreg s16  }
0xb6: {  	[dreg:$0x4] =	wrdreg s24  }
0xb7: {  	[dreg:$0x5] =	wrdreg $0xC4000  }
0xb8: {  	[dreg:$0x6] =	wrdreg $0x9  }
0xb9: {  	_ =	task.clear_ibuf [dreg:s8], $0x7FFFF;
	_ =	strace $0x90000052  }
0xba: {  	s29 =	simm.s32 $0x9;
	_ =	strace $0x80000054  }
0xbb: {  	_ =	swait.ge [sflag:s29], $0x1  }
0xbc: {  	[sflag:s29] =	ssyncadd.s32 $0xFFFFFFFF  }
0xbd: {  	_ =	strace $0x90000054  }
0xbe: {  	_ =	sfence  }
0xbf: {  	s30 =	sld [smem:$0x0];
	_ =	sdelay $0x2  }
0xc0: {  	s31 =	sshll.u32 s1, $0xD;
	s1 =	sshrl.u32 s1, $0x2  }
0xc1: {  	s3 =	sand.u32 $0x4000, s31;
	s1 =	sadd.s32 s1, s30  }
0xc2: {  	s0 =	sor.u32 s3, s0;
	s1 =	sshll.u32 s1, $0x11  }
0xc3: {  	s0 =	sor.u32 s1, s0  }
0xc4: {  	s0 =	sadd.s32 $0x8F2B, s0  }
0xc5: {  	[sflag:s0] =	ssyncadd.remote.s32 $0x1  }
0xc6: {  	_ =	sfence.sel $0xFFFF  }
0xc7: {  	[dreg:$0x0] =	wrdreg $0xFFFFFFFF;
	(pc) =	sbr.abs _section_cstart, $3  }
0xc8: {  	[dreg:$0x1] =	wrdreg $0xFFFFFFFF  }
0xc9: {  	_ =	task.clear_ibuf [dreg:s8], $0x2FFFF;
	_ =	strace $0x9FFFFFFF  }
0xca: {  	(tm) =	ssettm $0x7FFFFFFF  }
0xcb: {  	_ =	shalt  }
tec
execute0_lowered:
.L_overlay_start_1:
0x0: {  	(tag) =	ssettag $0x1  }
0x1: {  	s0 =	rddreg [dreg:$0x0]  }
0x2: {  	s7 =	stileid.u32;
	s5 =	rddreg [dreg:$0x1]  }
0x3: {  	s1 =	srdreg.scid;
	s6 =	rddreg [dreg:$0x2];
	s3 =	simm.s32 $0x0  }
0x4: {  	s12 =	simm.s32 $0x0;
	s2 =	sshll.u32 s7, $0x1;
	s4 =	sand.u32 $0x1, s1  }
0x5: {  	s8 =	sshrl.u32 s7, $0x1;
	s11 =	sshrl.u32 s7, $0x3;
	[smem:$0x7FF] =	sst s3  }
0x6: {  	p0 =	sne.s32 s7, $0x0;
	s29 =	sand.u32 $0x2, s2;
	s10 =	smul.u32 $0x186A0, s8  }
0x7: {  	s2 =	rddreg [dreg:$0x3];
	s11 =	smul.u32 $0x186A0, s11;
	s1 =	sor.u32 s4, s29  }
0x8: {  	s8 =	sand.u32 $0x3, s8;
	s4 =	ssub.s32 $0x2, s4;
	s9 =	smul.u32 $0x61A8, s1  }
0x9: {  	s31 =	smul.u32 $0x2710, s8;
	s7 =	sshrl.u32 @!p0 s2, $0x3;
	s8 =	simm.s32 $0x2  }
0xa: {  	s1 =	rddreg [dreg:$0x4];
	_ =	strace $0x80000053;
	s10 =	sadd.s32 s10, s9  }
0xb: {  	s30 =	sshrl.u32 s4, $0x1;
	s9 =	sadd.s32 s11, s9;
	s10 =	sshrl.u32 s10, $0x3  }
0xc: {  	s11 =	simm.s32 $0x1;
	s9 =	sshrl.u32 s9, $0x3;
	s6 =	sadd.s32 s10, s6  }
0xd: {  	s10 =	ssub.s32 s4, s30;
	s4 =	sadd.s32 s5, s9;
	s9 =	simm.s32 $0x61A8  }
0xe: {  	vm0 =	vmmov $0xff;
	v0 =	vmov s31;
	s5 =	sadd.s32 $0x3400, s6;
	s6 =	smax.u32 s10, $0x1;
	s10 =	simm.s32 $0x6200  }
.LBB2_1:
0xf: {  	s13 =	simm.s32 @!p0 $0x1C02  }
0x10: {  	[spmem:s7], [sflag:s13] =	dma.local @!p0 [hbm:s0], $0x1390  }
0x11: {  	s13 =	simm.s32 @!p0 $0x2  }
0x12: {  	_ =	swait.ge @!p0 [sflag:s13], $0x1390  }
0x13: {  	[sflag:s13] =	ssyncset.done @!p0 $0x0  }
0x14: {  	[sflag:s13] =	ssyncadd.s32 @!p0 $0xFFFFEC70  }
0x15: {  	[tilespmem:s3], [sflag:$0x2] =	stream.linear.gather [hbm4b:s4+s3], $0x61A8, $0x38;
	[tilespmem:$0xCDC8] =	vst v63  }
0x16: {  	_ =	swait.ge [sflag:s8], $0x61A8  }
0x17: {  	[sflag:s8] =	ssyncset.done $0x0  }
0x18: {  	s14 =	simm.s32 $0x40;
	s13 =	simm.s32 $0x0;
	[sflag:s8] =	ssyncadd.s32 $0xFFFF9E58  }
.LBB2_2:
0x19: {  	p1 =	sne.s32 s14, $0x18640;
	v1 =	vld [tilespmem:s13+$0x0];
	_ =	sdelay $0x1  }
.Ltmp0:
0x1a: {  	(pc) =	sbr.rel @p1 .LBB2_2-.Ltmp0, $3  }
0x1b: {  	_ =	sdelay $0x1  }
0x1c: {  	v1 =	vadd.s32 v0, v1  }
0x1d: {  	[tilespmem:s13+$0x0] =	vst v1;
	s13 =	sshra.s32 s14, $0x2;
	s14 =	sadd.s32 $0x40, s14  }
0x1e: {  	v1 =	vld [tilespmem:s13+$0x0];
	_ =	sdelay $0x4  }
0x1f: {  	v1 =	vadd.s32 v0, v1  }
0x20: {  	[tilespmem:s13+$0x0] =	vst v1  }
0x21: {  	v1 =	vld [tilespmem:$0x6198];
	_ =	sdelay $0x4  }
0x22: {  	v2 =	vadd.s32 v0, v1  }
0x23: {  	v1 =	vsel vm0, v1, v2  }
0x24: {  	[tilespmem:$0x6198] =	vst v1  }
0x25: {  	[bflag:$0x0] =	sbarrier.arrive $0xFFFF  }
0x26: {  	[tilespmem:s10], [sflag:$0x1] =	stream.indirect.gather [spmem:s2], $0x1, s3, s9, $0xb8;
	[tilespmem:$0xCDC8] =	vst v63  }
0x27: {  	s12 =	sadd.s32 $0x1, s12;
	_ =	swait.ge [sflag:s11], $0x61A8  }
0x28: {  	p1 =	sne.s32 s12, s6;
	[sflag:s11] =	ssyncset.done $0x0  }
.Ltmp1:
0x29: {  	[sflag:s11] =	ssyncadd.s32 $0xFFFF9E58;
	(pc) =	sbr.rel @p1 .LBB2_1-.Ltmp1, $4  }
0x2a: {  	[hbm4b:s5+s3] =	stream.linear.scatter [tilespmem:s10], [sflag:$0x2], $0x61A8, $0x38;
	[tilespmem:$0xCDC8] =	vst v63  }
0x2b: {  	_ =	swait.ge [sflag:s8], $0x61A8  }
0x2c: {  	[sflag:s8] =	ssyncset.done $0x0  }
0x2d: {  	[sflag:s8] =	ssyncadd.s32 $0xFFFF9E58  }
0x2e: {  	_ =	sfence.sel $0x180000  }
0x2f: {  	[bflag:$0x0] =	sbarrier.arrive $0xFFFF  }
0x30: {  	_ =	strace $0x90000053  }
0x31: {  	s0 =	sadd.s32 @!p0 $0x100000, s1;
	[bflag:$0x2] =	sbarrier.arrive $0xFFFF  }
0x32: {  	[sflag:s0] =	ssyncadd.tile.s32 @!p0 $0x1;
	_ =	shalt  }
.Lfunc_end2:
_tile_overlayer_lowered:
.L_overlay_start_2:
0x33: {  	(tag) =	ssettag $0x2  }
0x34: {  	s0 =	rddreg [dreg:$0x0];
	s2 =	stileid.u32  }
0x35: {  	s1 =	rddreg [dreg:$0x1];
	p0 =	sne.s32 s2, $0x0  }
0x36: {  	s3 =	rddreg [dreg:$0x2];
	[bflag:$0x3] =	sbarrier.arrive $0xFFFF;
	s2 =	simm.s32 @!p0 $0x1C02  }
0x37: {  	[timem:s3], [sflag:s2] =	dma.local @!p0 [hbm:s0], s1  }
0x38: {  	s0 =	simm.s32 @!p0 $0x2  }
0x39: {  	_ =	swait.ge @!p0 [sflag:s0], s1  }
0x3a: {  	s1 =	ssub.s32 @!p0 $0x0, s1;
	[sflag:s0] =	ssyncset.done @!p0 $0x0  }
0x3b: {  	[sflag:s0] =	ssyncadd.s32 @!p0 s1  }
0x3c: {  	[bflag:$0x3] =	sbarrier.arrive $0xFFFF  }
0x3d: {  	_ =	shalt  }

</sc_bundles>
